<compile_context>
chip_gen: v7x
topology: tpu7x:2x2x1
jax: 0.10.2.dev20260603
libtpu: 0.0.44.dev20260713+nightly
codegen_flags: <defaults>
</compile_context>

<pallas_src>
import functools

import jax
import jax.numpy as jnp
from jax import lax
from jax.experimental import pallas as pl
from jax.experimental.pallas import tpu as pltpu
from jax.experimental.pallas import tpu_sc as plsc

N = 10000
E = 320000
D = 128
H = 64
G = 64
EPS = 1e-5

NPAD = 10240
CH = 128
NCHUNKS = E // CH
BASE_CHUNKS = NCHUNKS // 32
EXTRA_TILES = NCHUNKS - 32 * BASE_CHUNKS
ROWS_PER_TILE = NPAD // 16
NB = 3
NGRP = BASE_CHUNKS // NB

BN2 = 1024
GRID2 = NPAD // BN2
RB = BN2 // 2
R0 = NPAD // 2

_mesh = plsc.VectorSubcoreMesh(core_axis_name="c", subcore_axis_name="s")


def _tile_range(gid):
    start = gid * BASE_CHUNKS + jnp.minimum(gid, EXTRA_TILES)
    has_extra = gid < EXTRA_TILES
    return start, has_extra


@functools.partial(
    pl.kernel,
    out_type=jax.ShapeDtypeStruct((2, NPAD), jnp.float32),
    mesh=_mesh,
    compiler_params=pltpu.CompilerParams(use_tc_tiling_on_sc=False),
    scratch_types=[
        pltpu.VMEM((BASE_CHUNKS + 1, CH), jnp.int32),
        pltpu.VMEM((CH,), jnp.float32),
        pltpu.VMEM((ROWS_PER_TILE,), jnp.float32),
        pltpu.VMEM_SHARED((NPAD,), jnp.float32),
    ],
)
def _deg_kernel(dst_hbm, out_hbm, didx, ones_v, zbuf_v, cnt_sp):
    c = lax.axis_index("c")
    s = lax.axis_index("s")
    gid = c * 16 + s
    start, has_extra = _tile_range(gid)

    def fill(i, _):
        zbuf_v[pl.ds(i * 16, 16)] = jnp.zeros((16,), jnp.float32)
        return 0

    lax.fori_loop(0, ROWS_PER_TILE // 16, fill, 0)

    def fill1(i, _):
        ones_v[pl.ds(i * 16, 16)] = jnp.ones((16,), jnp.float32)
        return 0

    lax.fori_loop(0, CH // 16, fill1, 0)

    pltpu.sync_copy(dst_hbm.at[pl.ds(start, BASE_CHUNKS)],
                    didx.at[pl.ds(0, BASE_CHUNKS)])

    @pl.when(has_extra)
    def _():
        pltpu.sync_copy(dst_hbm.at[pl.ds(start + BASE_CHUNKS, 1)],
                        didx.at[pl.ds(BASE_CHUNKS, 1)])

    pltpu.sync_copy(zbuf_v, cnt_sp.at[pl.ds(s * ROWS_PER_TILE, ROWS_PER_TILE)])
    plsc.subcore_barrier()

    nch = BASE_CHUNKS + has_extra.astype(jnp.int32)

    def body(k, _):
        pltpu.sync_copy(ones_v, cnt_sp.at[didx.at[k]], add=True)
        return 0

    lax.fori_loop(0, nch, body, 0)
    plsc.subcore_barrier()
    pltpu.sync_copy(
        cnt_sp.at[pl.ds(s * ROWS_PER_TILE, ROWS_PER_TILE)],
        out_hbm.at[c, pl.ds(s * ROWS_PER_TILE, ROWS_PER_TILE)],
    )


@functools.partial(
    pl.kernel,
    out_type=jax.ShapeDtypeStruct((2, NPAD, H), jnp.float32),
    mesh=_mesh,
    compiler_params=pltpu.CompilerParams(use_tc_tiling_on_sc=False),
    scratch_types=[
        pltpu.VMEM((BASE_CHUNKS + 1, CH), jnp.int32),
        pltpu.VMEM((BASE_CHUNKS + 1, CH), jnp.int32),
        pltpu.VMEM((NB, CH, H), jnp.float32),
        pltpu.VMEM((NB, CH, H), jnp.float32),
        pltpu.VMEM_SHARED((NPAD, H), jnp.float32),
        pltpu.SemaphoreType.DMA,
        pltpu.SemaphoreType.DMA,
        pltpu.SemaphoreType.DMA,
    ],
)
def _agg_kernel(hp_hbm, src_hbm, dst_hbm, out_hbm, sidx, didx, rows_a, rows_b,
                acc_sp, gsem, ssem_a, ssem_b):
    c = lax.axis_index("c")
    s = lax.axis_index("s")
    gid = c * 16 + s
    start, has_extra = _tile_range(gid)

    def fill(t, _):
        rows_a[0, t // 4, pl.ds((t % 4) * 16, 16)] = jnp.zeros((16,), jnp.float32)
        return 0

    lax.fori_loop(0, CH * (H // 16), fill, 0)

    def zc(k, _):
        pltpu.sync_copy(rows_a.at[0],
                        acc_sp.at[pl.ds(s * ROWS_PER_TILE + k * CH, CH), :])
        return 0

    lax.fori_loop(0, ROWS_PER_TILE // CH, zc, 0)

    pltpu.sync_copy(src_hbm.at[pl.ds(start, BASE_CHUNKS)],
                    sidx.at[pl.ds(0, BASE_CHUNKS)])
    pltpu.sync_copy(dst_hbm.at[pl.ds(start, BASE_CHUNKS)],
                    didx.at[pl.ds(0, BASE_CHUNKS)])

    @pl.when(has_extra)
    def _():
        pltpu.sync_copy(src_hbm.at[pl.ds(start + BASE_CHUNKS, 1)],
                        sidx.at[pl.ds(BASE_CHUNKS, 1)])
        pltpu.sync_copy(dst_hbm.at[pl.ds(start + BASE_CHUNKS, 1)],
                        didx.at[pl.ds(BASE_CHUNKS, 1)])

    plsc.subcore_barrier()

    def fire_g(k, rset):
        for b in range(NB):
            pltpu.async_copy(hp_hbm.at[sidx.at[k + b]], rset.at[b], gsem)

    def wait_g(k, rset):
        for b in range(NB):
            pltpu.make_async_copy(hp_hbm.at[sidx.at[k + b]], rset.at[b],
                                  gsem).wait()

    def fire_s(k, rset, ssem):
        for b in range(NB):
            pltpu.async_copy(rset.at[b], acc_sp.at[didx.at[k + b]], ssem,
                             add=True)

    def wait_s(k, rset, ssem):
        for b in range(NB):
            pltpu.make_async_copy(rset.at[b], acc_sp.at[didx.at[k + b]],
                                  ssem).wait()

    fire_g(0, rows_a)

    def pair(i, _):
        ka = (2 * i) * NB
        kb = ka + NB
        wait_g(ka, rows_a)
        fire_s(ka, rows_a, ssem_a)

        @pl.when(i > 0)
        def _():
            wait_s(ka - NB, rows_b, ssem_b)

        fire_g(kb, rows_b)
        wait_g(kb, rows_b)
        fire_s(kb, rows_b, ssem_b)
        wait_s(ka, rows_a, ssem_a)
        fire_g(kb + NB, rows_a)
        return 0

    lax.fori_loop(0, NGRP // 2 - 1, pair, 0)

    ka = (NGRP - 2) * NB
    kb = (NGRP - 1) * NB
    wait_g(ka, rows_a)
    fire_s(ka, rows_a, ssem_a)
    wait_s(ka - NB, rows_b, ssem_b)
    fire_g(kb, rows_b)
    wait_g(kb, rows_b)
    fire_s(kb, rows_b, ssem_b)
    wait_s(ka, rows_a, ssem_a)

    @pl.when(has_extra)
    def _():
        pltpu.async_copy(hp_hbm.at[sidx.at[BASE_CHUNKS]], rows_a.at[0], gsem).wait()
        pltpu.sync_copy(rows_a.at[0], acc_sp.at[didx.at[BASE_CHUNKS]], add=True)

    wait_s(kb, rows_b, ssem_b)
    plsc.subcore_barrier()
    pltpu.sync_copy(
        acc_sp.at[pl.ds(s * ROWS_PER_TILE, ROWS_PER_TILE), :],
        out_hbm.at[c, pl.ds(s * ROWS_PER_TILE, ROWS_PER_TILE), :],
    )


def _dinv_pack(cnt2):
    deg = cnt2[0] + cnt2[1] + 1.0
    dpair = jnp.transpose(lax.rsqrt(deg).reshape(1, -1)).reshape(-1, 2)
    lane = lax.broadcasted_iota(jnp.int32, (2, 2 * H), 1)
    sub = lax.broadcasted_iota(jnp.int32, (2, 2 * H), 0)
    sel = ((lane >= H).astype(jnp.int32) == sub).astype(jnp.float32)
    return jnp.dot(dpair, sel, preferred_element_type=jnp.float32)


def _mm1_body(cnt_ref, x_ref, w1_ref, hp_ref):
    dinv = _dinv_pack(cnt_ref[...])
    hp_ref[...] = jnp.dot(x_ref[...], w1_ref[...],
                          preferred_element_type=jnp.float32) * dinv


def _dense2_body(parts_ref, h1p_ref, cnt_ref, b1_ref, g1_ref, be1_ref, w2_ref,
                 h2p_ref):
    p = parts_ref[...]
    agg = p[0] + p[1]
    dinv = _dinv_pack(cnt_ref[...])
    z = dinv * (agg + h1p_ref[...]) + b1_ref[...]
    z = z * (g1_ref[...] / jnp.sqrt(1.0 + EPS)) + be1_ref[...]
    z = jnp.maximum(z, 0.0)
    h2p_ref[...] = jnp.dot(z, w2_ref[...],
                           preferred_element_type=jnp.float32) * dinv


def _pool_body(parts_ref, h2p_ref, cnt_ref, b2_ref, g2_ref, be2_ref, batch_ref,
               out_ref, sums, cnts):
    i = pl.program_id(0)

    @pl.when(i == 0)
    def _():
        sums[...] = jnp.zeros_like(sums)
        cnts[...] = jnp.zeros_like(cnts)

    p = parts_ref[...]
    agg = p[0] + p[1]
    dinv = _dinv_pack(cnt_ref[...])
    z = dinv * (agg + h2p_ref[...]) + b2_ref[...]
    z = z * (g2_ref[...] / jnp.sqrt(1.0 + EPS)) + be2_ref[...]
    z = jnp.maximum(z, 0.0)

    b = batch_ref[...].astype(jnp.float32)
    bpair = jnp.transpose(b.reshape(1, -1)).reshape(-1, 2)
    lane = lax.broadcasted_iota(jnp.int32, (2, 2 * H), 1)
    sub = lax.broadcasted_iota(jnp.int32, (2, 2 * H), 0)
    sel = ((lane >= H).astype(jnp.int32) == sub).astype(jnp.float32)
    b128 = jnp.dot(bpair, sel, preferred_element_type=jnp.float32)
    z = jnp.where(b128 < G, z, 0.0)

    bt = jnp.transpose(bpair)
    gids = lax.broadcasted_iota(jnp.int32, (G, 1), 0).astype(jnp.float32)
    oh_e = (bt[0:1, :] == gids).astype(jnp.float32)
    oh_o = (bt[1:2, :] == gids).astype(jnp.float32)
    mask_l = (lax.broadcasted_iota(jnp.int32, (1, 2 * H), 1) < H
              ).astype(jnp.float32)
    se = jnp.dot(oh_e, z, preferred_element_type=jnp.float32)
    so = jnp.dot(oh_o, z, preferred_element_type=jnp.float32)
    sums[...] += se * mask_l + so * (1.0 - mask_l)
    ones_col = jnp.ones((RB, 1), jnp.float32)
    cnts[...] += (jnp.dot(oh_e, ones_col, preferred_element_type=jnp.float32)
                  + jnp.dot(oh_o, ones_col, preferred_element_type=jnp.float32))
    s = sums[...]
    out_ref[...] = ((s[:, :H] + s[:, H:])
                    / jnp.maximum(cnts[...], 1.0))


def kernel(x, edge_index, batch, W1, b1, g1, beta1, W2, b2, g2, beta2):
    src2 = edge_index[0].astype(jnp.int32).reshape(NCHUNKS, CH)
    dst2 = edge_index[1].astype(jnp.int32).reshape(NCHUNKS, CH)
    batch_p = jnp.pad(batch.astype(jnp.int32), (0, NPAD - N),
                      constant_values=G)

    cnt = _deg_kernel(dst2)

    x_pair = x.reshape(N // 2, 2 * D)
    W1d = jnp.zeros((2 * D, 2 * H), jnp.float32)
    W1d = W1d.at[:D, :H].set(W1).at[D:, H:].set(W1)
    W2d = jnp.zeros((2 * H, 2 * H), jnp.float32)
    W2d = W2d.at[:H, :H].set(W2).at[H:, H:].set(W2)
    v2 = lambda v: jnp.tile(v, 2).reshape(1, 2 * H)

    h1p = pl.pallas_call(
        _mm1_body,
        grid=(GRID2,),
        in_specs=[pl.BlockSpec((2, BN2), lambda i: (0, i)),
                  pl.BlockSpec((RB, 2 * D), lambda i: (i, 0)),
                  pl.BlockSpec((2 * D, 2 * H), lambda i: (0, 0))],
        out_specs=pl.BlockSpec((RB, 2 * H), lambda i: (i, 0)),
        out_shape=jax.ShapeDtypeStruct((R0, 2 * H), jnp.float32),
    )(cnt, x_pair, W1d)

    cnt_spec = pl.BlockSpec((2, BN2), lambda i: (0, i))
    row_spec = pl.BlockSpec((RB, 2 * H), lambda i: (i, 0))
    vec_spec = pl.BlockSpec((1, 2 * H), lambda i: (0, 0))
    parts_spec = pl.BlockSpec((2, RB, 2 * H), lambda i: (0, i, 0))

    agg1 = _agg_kernel(h1p.reshape(NPAD, H), src2, dst2).reshape(2, R0, 2 * H)

    h2p = pl.pallas_call(
        _dense2_body,
        grid=(GRID2,),
        in_specs=[parts_spec, row_spec, cnt_spec, vec_spec, vec_spec, vec_spec,
                  pl.BlockSpec((2 * H, 2 * H), lambda i: (0, 0))],
        out_specs=row_spec,
        out_shape=jax.ShapeDtypeStruct((R0, 2 * H), jnp.float32),
    )(agg1, h1p, cnt, v2(b1), v2(g1), v2(beta1), W2d)

    agg2 = _agg_kernel(h2p.reshape(NPAD, H), src2, dst2).reshape(2, R0, 2 * H)

    emb = pl.pallas_call(
        _pool_body,
        grid=(GRID2,),
        in_specs=[parts_spec, row_spec, cnt_spec, vec_spec, vec_spec, vec_spec,
                  pl.BlockSpec((BN2,), lambda i: (i,))],
        out_specs=pl.BlockSpec((G, H), lambda i: (0, 0)),
        out_shape=jax.ShapeDtypeStruct((G, H), jnp.float32),
        scratch_shapes=[pltpu.VMEM((G, 2 * H), jnp.float32),
                        pltpu.VMEM((G, 1), jnp.float32)],
    )(agg2, h2p, cnt, v2(b2), v2(g2), v2(beta2), batch_p)
    return emb

# --- scband reference (transcript-rebuilt; emitter-appended) ---
"""Pipeline reference for scband-gcnencoder-6923487282673 (READ-ONLY COPY).

The authoritative reference and input builder live on the scoring server;
editing this copy changes nothing except your own understanding.
"""

import jax, jax.numpy as jnp
import numpy as np

N_NODES = 10000
N_EDGES = 320000
D_FEAT = 128
HIDDEN = 64
N_GRAPHS = 64
EPS = 1e-5


def setup_inputs(seed: int = 0) -> dict:
    key = jax.random.key(seed)
    ks = jax.random.split(key, 12)
    x = jax.random.normal(ks[0], (N_NODES, D_FEAT), dtype=jnp.float32)
    edge_index = jax.random.randint(ks[1], (2, N_EDGES), 0, N_NODES, dtype=jnp.int64)
    batch = jnp.sort(jax.random.randint(ks[2], (N_NODES,), 0, N_GRAPHS, dtype=jnp.int64))
    W1 = jax.random.normal(ks[3], (D_FEAT, HIDDEN), dtype=jnp.float32) * 0.05
    b1 = jnp.zeros((HIDDEN,), dtype=jnp.float32)
    g1 = jnp.ones((HIDDEN,), dtype=jnp.float32)
    beta1 = jnp.zeros((HIDDEN,), dtype=jnp.float32)
    W2 = jax.random.normal(ks[4], (HIDDEN, HIDDEN), dtype=jnp.float32) * 0.05
    b2 = jnp.zeros((HIDDEN,), dtype=jnp.float32)
    g2 = jnp.ones((HIDDEN,), dtype=jnp.float32)
    beta2 = jnp.zeros((HIDDEN,), dtype=jnp.float32)
    return {"x": x, "edge_index": edge_index, "batch": batch,
            "W1": W1, "b1": b1, "g1": g1, "beta1": beta1,
            "W2": W2, "b2": b2, "g2": g2, "beta2": beta2}


def _gcn_norm(edge_index, num_nodes):
    # add self loops (PyG default add_self_loops=True) + symmetric normalization
    loop = jnp.arange(num_nodes, dtype=edge_index.dtype)
    src = jnp.concatenate([edge_index[0], loop])
    dst = jnp.concatenate([edge_index[1], loop])
    deg = jnp.zeros((num_nodes,), dtype=jnp.float32).at[dst].add(1.0)
    dinv = jnp.where(deg > 0, deg ** -0.5, 0.0)
    norm = dinv[src] * dinv[dst]
    return src, dst, norm


def _gcn_conv(x, W, b, src, dst, norm, num_nodes):
    h = x @ W
    msg = h[src] * norm[:, None]
    out = jnp.zeros((num_nodes, h.shape[1]), dtype=h.dtype).at[dst].add(msg)
    return out + b


def _bn_eval(x, gamma, beta):
    # BatchNorm1d in eval mode with running_mean=0, running_var=1
    return x * (gamma / jnp.sqrt(1.0 + EPS)) + beta


def reference(x, edge_index, batch, W1, b1, g1, beta1, W2, b2, g2, beta2):
    num_nodes = x.shape[0]
    src, dst, norm = _gcn_norm(edge_index, num_nodes)
    h = _gcn_conv(x, W1, b1, src, dst, norm, num_nodes)
    h = jax.nn.relu(_bn_eval(h, g1, beta1))
    # dropout inactive (training=False)
    h = _gcn_conv(h, W2, b2, src, dst, norm, num_nodes)
    h = jax.nn.relu(_bn_eval(h, g2, beta2))
    sums = jax.ops.segment_sum(h, batch, num_segments=N_GRAPHS)
    counts = jax.ops.segment_sum(jnp.ones((num_nodes,), dtype=jnp.float32), batch, num_segments=N_GRAPHS)
    graph_emb = sums / jnp.maximum(counts, 1.0)[:, None]
    return graph_emb

if __name__ == "__main__":
    import jax
    _d = setup_inputs()
    print(jax.jit(kernel)(*tuple(_d.values())))

</pallas_src>

<mosaic_0001>
#map = affine_map<(d0, d1) -> (0, 0)>
#map1 = affine_map<(d0, d1) -> (0, 0, 0)>
module attributes {stable_mosaic.version = 14 : i64} {
  func.func @_agg_kernel(%arg0: i32, %arg1: i32, %arg2: memref<10240x64xf32, #tpu.memory_space<hbm>>, %arg3: memref<2500x128xi32, #tpu.memory_space<hbm>>, %arg4: memref<2500x128xi32, #tpu.memory_space<hbm>>, %arg5: memref<2x10240x64xf32, #tpu.memory_space<hbm>>, %arg6: memref<79x128xi32, #tpu.memory_space<vmem>>, %arg7: memref<79x128xi32, #tpu.memory_space<vmem>>, %arg8: memref<3x128x64xf32, #tpu.memory_space<vmem>>, %arg9: memref<3x128x64xf32, #tpu.memory_space<vmem>>, %arg10: memref<10240x64xf32, #tpu.memory_space<vmem_shared>>, %arg11: memref<!tpu.dma_semaphore, #tpu.memory_space<semaphore_mem>>, %arg12: memref<!tpu.dma_semaphore, #tpu.memory_space<semaphore_mem>>, %arg13: memref<!tpu.dma_semaphore, #tpu.memory_space<semaphore_mem>>) attributes {dimension_semantics = [#tpu.dimension_semantics<core_parallel>, #tpu.dimension_semantics<subcore_parallel>], iteration_bounds = array<i64: 2, 16>, scalar_prefetch = 0 : i64, scratch_operands = 8 : i64, tpu.core_type = #tpu.core_type<sc_vector_subcore>, window_params = [{transform_indices = #map}, {transform_indices = #map}, {transform_indices = #map}, {transform_indices = #map1}]} {
    %mul3A = arith.constant 16 : i32
    %mul3A_0 = arith.muli %arg0, %mul3A : i32
    %add3A = arith.addi %mul3A_0, %arg1 : i32
    %mul3A_1 = arith.constant 78 : i32
    %mul3A_2 = arith.muli %add3A, %mul3A_1 : i32
    %min3A = arith.constant 4 : i32
    %min3A_3 = arith.minsi %add3A, %min3A : i32
    %add3A_4 = arith.addi %mul3A_2, %min3A_3 : i32
    %lt3A = arith.constant 4 : i32
    %lt3A_5 = arith.cmpi slt, %add3A, %lt3A : i32
    %scan3A = arith.constant 0 : i32
    %scan3A_6 = arith.constant 0 : i32
    %scan3A_7 = arith.constant 512 : i32
    %scan3A_8 = arith.addi %scan3A_6, %scan3A_7 : i32
    %scan3A_9 = arith.constant 1 : i32
    %scan3A_10 = scf.for %scan3A_357 = %scan3A_6 to %scan3A_8 step %scan3A_9 iter_args(%scan3A_358 = %scan3A) -> (i32)  : i32 {
      %broadcast_in_dim3A = arith.constant 0.000000e+00 : f32
      %broadcast_in_dim3A_359 = vector.broadcast %broadcast_in_dim3A : f32 to vector<16xf32>
      %jit3A = arith.constant 4 : i32
      %div3A = arith.divsi %scan3A_357, %jit3A : i32
      %sign3A = arith.constant 0 : i32
      %sign3A_360 = arith.cmpi sgt, %scan3A_357, %sign3A : i32
      %sign3A_361 = arith.extui %sign3A_360 : i1 to i32
      %sign3A_362 = arith.constant 0 : i32
      %sign3A_363 = arith.cmpi slt, %scan3A_357, %sign3A_362 : i32
      %sign3A_364 = arith.extui %sign3A_363 : i1 to i32
      %sign3A_365 = arith.subi %sign3A_361, %sign3A_364 : i32
      %sign3A_366 = arith.constant 0 : i32
      %sign3A_367 = arith.cmpi sgt, %jit3A, %sign3A_366 : i32
      %sign3A_368 = arith.extui %sign3A_367 : i1 to i32
      %sign3A_369 = arith.constant 0 : i32
      %sign3A_370 = arith.cmpi slt, %jit3A, %sign3A_369 : i32
      %sign3A_371 = arith.extui %sign3A_370 : i1 to i32
      %sign3A_372 = arith.subi %sign3A_368, %sign3A_371 : i32
      %ne3A = arith.cmpi ne, %sign3A_365, %sign3A_372 : i32
      %rem3A = arith.remsi %scan3A_357, %jit3A : i32
      %ne3A_373 = arith.constant 0 : i32
      %ne3A_374 = arith.cmpi ne, %rem3A, %ne3A_373 : i32
      %and3A = arith.andi %ne3A, %ne3A_374 : i1
      %sub3A = arith.constant 1 : i32
      %sub3A_375 = arith.subi %div3A, %sub3A : i32
      %select_n3A = arith.select %and3A, %sub3A_375, %div3A : i32
      %jit3A_376 = arith.constant 4 : i32
      %eq3A = arith.constant 0 : i32
      %eq3A_377 = arith.cmpi eq, %jit3A_376, %eq3A : i32
      %jit3A_378 = arith.constant 1 : i32
      %select_n3A_379 = arith.select %eq3A_377, %jit3A_378, %jit3A_376 : i32
      %rem3A_380 = arith.remsi %scan3A_357, %select_n3A_379 : i32
      %ne3A_381 = arith.constant 0 : i32
      %ne3A_382 = arith.cmpi ne, %rem3A_380, %ne3A_381 : i32
      %lt3A_383 = arith.constant 0 : i32
      %lt3A_384 = arith.cmpi slt, %rem3A_380, %lt3A_383 : i32
      %lt3A_385 = arith.constant 0 : i32
      %lt3A_386 = arith.cmpi slt, %select_n3A_379, %lt3A_385 : i32
      %ne3A_387 = arith.xori %lt3A_384, %lt3A_386 : i1
      %and3A_388 = arith.andi %ne3A_387, %ne3A_382 : i1
      %add3A_389 = arith.addi %rem3A_380, %select_n3A_379 : i32
      %select_n3A_390 = arith.select %and3A_388, %add3A_389, %rem3A_380 : i32
      %mul3A_391 = arith.constant 16 : i32
      %mul3A_392 = arith.muli %select_n3A_390, %mul3A_391 : i32
      %swap3A = arith.constant 0 : i32
      %swap3A_393 = arith.index_cast %swap3A : i32 to index
      %swap3A_394 = arith.index_cast %select_n3A : i32 to index
      %swap3A_395 = arith.index_cast %mul3A_392 : i32 to index
      %swap3A_396 = tpu.vector_load %arg8[%swap3A_393, %swap3A_394, %swap3A_395] {strides = array<i32>} : memref<3x128x64xf32, #tpu.memory_space<vmem>>, vector<1x1x16xf32>,
      %swap3A_397 = vector.shape_cast %swap3A_396 : vector<1x1x16xf32> to vector<16xf32>
      %swap3A_398 = vector.shape_cast %broadcast_in_dim3A_359 : vector<16xf32> to vector<1x1x16xf32>
      tpu.vector_store %arg8[%swap3A_393, %swap3A_394, %swap3A_395], %swap3A_398 {strides = array<i32>} : memref<3x128x64xf32, #tpu.memory_space<vmem>>, vector<1x1x16xf32>,
      %scan3A_399 = arith.constant 0 : i32
      scf.yield %scan3A_399 : i32
    }
    %scan3A_11 = arith.constant 512 : i32
    %scan3A_12 = arith.constant 0 : i32
    %scan3A_13 = arith.constant 0 : i32
    %scan3A_14 = arith.constant 5 : i32
    %scan3A_15 = arith.addi %scan3A_13, %scan3A_14 : i32
    %scan3A_16 = arith.constant 1 : i32
    %scan3A_17 = scf.for %scan3A_357 = %scan3A_13 to %scan3A_15 step %scan3A_16 iter_args(%scan3A_358 = %scan3A_12) -> (i32)  : i32 {
      %mul3A_359 = arith.constant 640 : i32
      %mul3A_360 = arith.muli %arg1, %mul3A_359 : i32
      %mul3A_361 = arith.constant 128 : i32
      %mul3A_362 = arith.muli %scan3A_357, %mul3A_361 : i32
      %add3A_363 = arith.addi %mul3A_360, %mul3A_362 : i32
      %run_scoped3A = arith.constant 0 : i32
      "tpu.region"() ({
        %run_scoped3A_365 = tpu.sem_alloc : memref<!tpu.dma_semaphore, #tpu.memory_space<semaphore_mem>>
        %dma_start3A_366 = arith.constant 0 : i32
        %dma_start3A_367 = arith.constant 0 : i32
        %dma_start3A_368 = tpu.memref_slice %arg8[%run_scoped3A, %dma_start3A_366, %dma_start3A_367] : memref<3x128x64xf32, #tpu.memory_space<vmem>> -> memref<1x128x64xf32, #tpu.memory_space<vmem>>
        %dma_start3A_369 = tpu.memref_squeeze %dma_start3A_368 : memref<1x128x64xf32, #tpu.memory_space<vmem>> -> memref<128x64xf32, #tpu.memory_space<vmem>>
        %dma_start3A_370 = arith.constant 0 : i32
        %dma_start3A_371 = tpu.memref_slice %arg10[%add3A_363, %dma_start3A_370] : memref<10240x64xf32, #tpu.memory_space<vmem_shared>> -> memref<128x64xf32, #tpu.memory_space<vmem_shared>>
        %dma_start3A_372 = arith.constant 0 : i32
        %dma_start3A_373 = tpu.memref_slice %arg10[%add3A_363, %dma_start3A_372] : memref<10240x64xf32, #tpu.memory_space<vmem_shared>> -> memref<128x64xf32, #tpu.memory_space<vmem_shared>>
        %dma_start3A_374 = arith.constant 0 : i32
        %dma_start3A_375 = arith.constant 0 : i32
        %dma_start3A_376 = tpu.memref_slice %arg8[%run_scoped3A, %dma_start3A_374, %dma_start3A_375] : memref<3x128x64xf32, #tpu.memory_space<vmem>> -> memref<1x128x64xf32, #tpu.memory_space<vmem>>
        %dma_start3A_377 = tpu.memref_squeeze %dma_start3A_376 : memref<1x128x64xf32, #tpu.memory_space<vmem>> -> memref<128x64xf32, #tpu.memory_space<vmem>>
        tpu.enqueue_dma source(%dma_start3A_377 : memref<128x64xf32, #tpu.memory_space<vmem>>) target(%dma_start3A_373 : memref<128x64xf32, #tpu.memory_space<vmem_shared>>) target_semaphore(%run_scoped3A_365 : memref<!tpu.dma_semaphore, #tpu.memory_space<semaphore_mem>>)
        %dma_wait3A_378 = arith.constant 0 : i32
        %dma_wait3A_379 = arith.constant 0 : i32
        %dma_wait3A_380 = tpu.memref_slice %arg8[%run_scoped3A, %dma_wait3A_378, %dma_wait3A_379] : memref<3x128x64xf32, #tpu.memory_space<vmem>> -> memref<1x128x64xf32, #tpu.memory_space<vmem>>
        %dma_wait3A_381 = tpu.memref_squeeze %dma_wait3A_380 : memref<1x128x64xf32, #tpu.memory_space<vmem>> -> memref<128x64xf32, #tpu.memory_space<vmem>>
        %dma_wait3A_382 = arith.constant 0 : i32
        %dma_wait3A_383 = tpu.memref_slice %arg10[%add3A_363, %dma_wait3A_382] : memref<10240x64xf32, #tpu.memory_space<vmem_shared>> -> memref<128x64xf32, #tpu.memory_space<vmem_shared>>
        %dma_wait3A_384 = arith.constant 0 : i32
        %dma_wait3A_385 = tpu.memref_slice %arg10[%add3A_363, %dma_wait3A_384] : memref<10240x64xf32, #tpu.memory_space<vmem_shared>> -> memref<128x64xf32, #tpu.memory_space<vmem_shared>>
        %dma_wait3A_386 = arith.constant 0 : i32
        %dma_wait3A_387 = arith.constant 0 : i32
        %dma_wait3A_388 = tpu.memref_slice %arg8[%run_scoped3A, %dma_wait3A_386, %dma_wait3A_387] : memref<3x128x64xf32, #tpu.memory_space<vmem>> -> memref<1x128x64xf32, #tpu.memory_space<vmem>>
        %dma_wait3A_389 = tpu.memref_squeeze %dma_wait3A_388 : memref<1x128x64xf32, #tpu.memory_space<vmem>> -> memref<128x64xf32, #tpu.memory_space<vmem>>
        tpu.wait_dma2 semaphore(%run_scoped3A_365 : memref<!tpu.dma_semaphore, #tpu.memory_space<semaphore_mem>>) src(%dma_wait3A_389 : memref<128x64xf32, #tpu.memory_space<vmem>>) dst(%dma_wait3A_385 : memref<128x64xf32, #tpu.memory_space<vmem_shared>>)
        tpu.yield
      }) : () -> ()
      %scan3A_364 = arith.constant 0 : i32
      scf.yield %scan3A_364 : i32
    }
    %scan3A_18 = arith.constant 5 : i32
    "tpu.region"() ({
      %run_scoped3A = tpu.sem_alloc : memref<!tpu.dma_semaphore, #tpu.memory_space<semaphore_mem>>
      %dma_start3A_357 = arith.constant 0 : i32
      %dma_start3A_358 = arith.constant 0 : i32
      %dma_start3A_359 = tpu.memref_slice %arg6[%dma_start3A_357, %dma_start3A_358] : memref<79x128xi32, #tpu.memory_space<vmem>> -> memref<78x128xi32, #tpu.memory_space<vmem>>
      %dma_start3A_360 = arith.constant 0 : i32
      %dma_start3A_361 = tpu.memref_slice %arg3[%add3A_4, %dma_start3A_360] : memref<2500x128xi32, #tpu.memory_space<hbm>> -> memref<78x128xi32, #tpu.memory_space<hbm>>
      %dma_start3A_362 = arith.constant 0 : i32
      %dma_start3A_363 = arith.constant 0 : i32
      %dma_start3A_364 = tpu.memref_slice %arg6[%dma_start3A_362, %dma_start3A_363] : memref<79x128xi32, #tpu.memory_space<vmem>> -> memref<78x128xi32, #tpu.memory_space<vmem>>
      %dma_start3A_365 = arith.constant 0 : i32
      %dma_start3A_366 = tpu.memref_slice %arg3[%add3A_4, %dma_start3A_365] : memref<2500x128xi32, #tpu.memory_space<hbm>> -> memref<78x128xi32, #tpu.memory_space<hbm>>
      tpu.enqueue_dma source(%dma_start3A_366 : memref<78x128xi32, #tpu.memory_space<hbm>>) target(%dma_start3A_364 : memref<78x128xi32, #tpu.memory_space<vmem>>) target_semaphore(%run_scoped3A : memref<!tpu.dma_semaphore, #tpu.memory_space<semaphore_mem>>)
      %dma_wait3A_367 = arith.constant 0 : i32
      %dma_wait3A_368 = arith.constant 0 : i32
      %dma_wait3A_369 = tpu.memref_slice %arg6[%dma_wait3A_367, %dma_wait3A_368] : memref<79x128xi32, #tpu.memory_space<vmem>> -> memref<78x128xi32, #tpu.memory_space<vmem>>
      %dma_wait3A_370 = arith.constant 0 : i32
      %dma_wait3A_371 = tpu.memref_slice %arg3[%add3A_4, %dma_wait3A_370] : memref<2500x128xi32, #tpu.memory_space<hbm>> -> memref<78x128xi32, #tpu.memory_space<hbm>>
      %dma_wait3A_372 = arith.constant 0 : i32
      %dma_wait3A_373 = arith.constant 0 : i32
      %dma_wait3A_374 = tpu.memref_slice %arg6[%dma_wait3A_372, %dma_wait3A_373] : memref<79x128xi32, #tpu.memory_space<vmem>> -> memref<78x128xi32, #tpu.memory_space<vmem>>
      %dma_wait3A_375 = arith.constant 0 : i32
      %dma_wait3A_376 = tpu.memref_slice %arg3[%add3A_4, %dma_wait3A_375] : memref<2500x128xi32, #tpu.memory_space<hbm>> -> memref<78x128xi32, #tpu.memory_space<hbm>>
      tpu.wait_dma2 semaphore(%run_scoped3A : memref<!tpu.dma_semaphore, #tpu.memory_space<semaphore_mem>>) src(%dma_wait3A_376 : memref<78x128xi32, #tpu.memory_space<hbm>>) dst(%dma_wait3A_374 : memref<78x128xi32, #tpu.memory_space<vmem>>)
      tpu.yield
    }) : () -> ()
    "tpu.region"() ({
      %run_scoped3A = tpu.sem_alloc : memref<!tpu.dma_semaphore, #tpu.memory_space<semaphore_mem>>
      %dma_start3A_357 = arith.constant 0 : i32
      %dma_start3A_358 = arith.constant 0 : i32
      %dma_start3A_359 = tpu.memref_slice %arg7[%dma_start3A_357, %dma_start3A_358] : memref<79x128xi32, #tpu.memory_space<vmem>> -> memref<78x128xi32, #tpu.memory_space<vmem>>
      %dma_start3A_360 = arith.constant 0 : i32
      %dma_start3A_361 = tpu.memref_slice %arg4[%add3A_4, %dma_start3A_360] : memref<2500x128xi32, #tpu.memory_space<hbm>> -> memref<78x128xi32, #tpu.memory_space<hbm>>
      %dma_start3A_362 = arith.constant 0 : i32
      %dma_start3A_363 = arith.constant 0 : i32
      %dma_start3A_364 = tpu.memref_slice %arg7[%dma_start3A_362, %dma_start3A_363] : memref<79x128xi32, #tpu.memory_space<vmem>> -> memref<78x128xi32, #tpu.memory_space<vmem>>
      %dma_start3A_365 = arith.constant 0 : i32
      %dma_start3A_366 = tpu.memref_slice %arg4[%add3A_4, %dma_start3A_365] : memref<2500x128xi32, #tpu.memory_space<hbm>> -> memref<78x128xi32, #tpu.memory_space<hbm>>
      tpu.enqueue_dma source(%dma_start3A_366 : memref<78x128xi32, #tpu.memory_space<hbm>>) target(%dma_start3A_364 : memref<78x128xi32, #tpu.memory_space<vmem>>) target_semaphore(%run_scoped3A : memref<!tpu.dma_semaphore, #tpu.memory_space<semaphore_mem>>)
      %dma_wait3A_367 = arith.constant 0 : i32
      %dma_wait3A_368 = arith.constant 0 : i32
      %dma_wait3A_369 = tpu.memref_slice %arg7[%dma_wait3A_367, %dma_wait3A_368] : memref<79x128xi32, #tpu.memory_space<vmem>> -> memref<78x128xi32, #tpu.memory_space<vmem>>
      %dma_wait3A_370 = arith.constant 0 : i32
      %dma_wait3A_371 = tpu.memref_slice %arg4[%add3A_4, %dma_wait3A_370] : memref<2500x128xi32, #tpu.memory_space<hbm>> -> memref<78x128xi32, #tpu.memory_space<hbm>>
      %dma_wait3A_372 = arith.constant 0 : i32
      %dma_wait3A_373 = arith.constant 0 : i32
      %dma_wait3A_374 = tpu.memref_slice %arg7[%dma_wait3A_372, %dma_wait3A_373] : memref<79x128xi32, #tpu.memory_space<vmem>> -> memref<78x128xi32, #tpu.memory_space<vmem>>
      %dma_wait3A_375 = arith.constant 0 : i32
      %dma_wait3A_376 = tpu.memref_slice %arg4[%add3A_4, %dma_wait3A_375] : memref<2500x128xi32, #tpu.memory_space<hbm>> -> memref<78x128xi32, #tpu.memory_space<hbm>>
      tpu.wait_dma2 semaphore(%run_scoped3A : memref<!tpu.dma_semaphore, #tpu.memory_space<semaphore_mem>>) src(%dma_wait3A_376 : memref<78x128xi32, #tpu.memory_space<hbm>>) dst(%dma_wait3A_374 : memref<78x128xi32, #tpu.memory_space<vmem>>)
      tpu.yield
    }) : () -> ()
    %convert_element_type3A = arith.extui %lt3A_5 : i1 to i32
    %cond3A = arith.constant 0 : i32
    %cond3A_19 = arith.cmpi ne, %convert_element_type3A, %cond3A : i32
    scf.if %cond3A_19 {
      %add3A_357 = arith.constant 78 : i32
      %add3A_358 = arith.addi %add3A_4, %add3A_357 : i32
      "tpu.region"() ({
        %run_scoped3A = tpu.sem_alloc : memref<!tpu.dma_semaphore, #tpu.memory_space<semaphore_mem>>
        %dma_start3A_361 = arith.constant 78 : i32
        %dma_start3A_362 = arith.constant 0 : i32
        %dma_start3A_363 = tpu.memref_slice %arg6[%dma_start3A_361, %dma_start3A_362] : memref<79x128xi32, #tpu.memory_space<vmem>> -> memref<1x128xi32, #tpu.memory_space<vmem>>
        %dma_start3A_364 = arith.constant 0 : i32
        %dma_start3A_365 = tpu.memref_slice %arg3[%add3A_358, %dma_start3A_364] : memref<2500x128xi32, #tpu.memory_space<hbm>> -> memref<1x128xi32, #tpu.memory_space<hbm>>
        %dma_start3A_366 = arith.constant 78 : i32
        %dma_start3A_367 = arith.constant 0 : i32
        %dma_start3A_368 = tpu.memref_slice %arg6[%dma_start3A_366, %dma_start3A_367] : memref<79x128xi32, #tpu.memory_space<vmem>> -> memref<1x128xi32, #tpu.memory_space<vmem>>
        %dma_start3A_369 = arith.constant 0 : i32
        %dma_start3A_370 = tpu.memref_slice %arg3[%add3A_358, %dma_start3A_369] : memref<2500x128xi32, #tpu.memory_space<hbm>> -> memref<1x128xi32, #tpu.memory_space<hbm>>
        tpu.enqueue_dma source(%dma_start3A_370 : memref<1x128xi32, #tpu.memory_space<hbm>>) target(%dma_start3A_368 : memref<1x128xi32, #tpu.memory_space<vmem>>) target_semaphore(%run_scoped3A : memref<!tpu.dma_semaphore, #tpu.memory_space<semaphore_mem>>)
        %dma_wait3A_371 = arith.constant 78 : i32
        %dma_wait3A_372 = arith.constant 0 : i32
        %dma_wait3A_373 = tpu.memref_slice %arg6[%dma_wait3A_371, %dma_wait3A_372] : memref<79x128xi32, #tpu.memory_space<vmem>> -> memref<1x128xi32, #tpu.memory_space<vmem>>
        %dma_wait3A_374 = arith.constant 0 : i32
        %dma_wait3A_375 = tpu.memref_slice %arg3[%add3A_358, %dma_wait3A_374] : memref<2500x128xi32, #tpu.memory_space<hbm>> -> memref<1x128xi32, #tpu.memory_space<hbm>>
        %dma_wait3A_376 = arith.constant 78 : i32
        %dma_wait3A_377 = arith.constant 0 : i32
        %dma_wait3A_378 = tpu.memref_slice %arg6[%dma_wait3A_376, %dma_wait3A_377] : memref<79x128xi32, #tpu.memory_space<vmem>> -> memref<1x128xi32, #tpu.memory_space<vmem>>
        %dma_wait3A_379 = arith.constant 0 : i32
        %dma_wait3A_380 = tpu.memref_slice %arg3[%add3A_358, %dma_wait3A_379] : memref<2500x128xi32, #tpu.memory_space<hbm>> -> memref<1x128xi32, #tpu.memory_space<hbm>>
        tpu.wait_dma2 semaphore(%run_scoped3A : memref<!tpu.dma_semaphore, #tpu.memory_space<semaphore_mem>>) src(%dma_wait3A_380 : memref<1x128xi32, #tpu.memory_space<hbm>>) dst(%dma_wait3A_378 : memref<1x128xi32, #tpu.memory_space<vmem>>)
        tpu.yield
      }) : () -> ()
      %add3A_359 = arith.constant 78 : i32
      %add3A_360 = arith.addi %add3A_4, %add3A_359 : i32
      "tpu.region"() ({
        %run_scoped3A = tpu.sem_alloc : memref<!tpu.dma_semaphore, #tpu.memory_space<semaphore_mem>>
        %dma_start3A_361 = arith.constant 78 : i32
        %dma_start3A_362 = arith.constant 0 : i32
        %dma_start3A_363 = tpu.memref_slice %arg7[%dma_start3A_361, %dma_start3A_362] : memref<79x128xi32, #tpu.memory_space<vmem>> -> memref<1x128xi32, #tpu.memory_space<vmem>>
        %dma_start3A_364 = arith.constant 0 : i32
        %dma_start3A_365 = tpu.memref_slice %arg4[%add3A_360, %dma_start3A_364] : memref<2500x128xi32, #tpu.memory_space<hbm>> -> memref<1x128xi32, #tpu.memory_space<hbm>>
        %dma_start3A_366 = arith.constant 78 : i32
        %dma_start3A_367 = arith.constant 0 : i32
        %dma_start3A_368 = tpu.memref_slice %arg7[%dma_start3A_366, %dma_start3A_367] : memref<79x128xi32, #tpu.memory_space<vmem>> -> memref<1x128xi32, #tpu.memory_space<vmem>>
        %dma_start3A_369 = arith.constant 0 : i32
        %dma_start3A_370 = tpu.memref_slice %arg4[%add3A_360, %dma_start3A_369] : memref<2500x128xi32, #tpu.memory_space<hbm>> -> memref<1x128xi32, #tpu.memory_space<hbm>>
        tpu.enqueue_dma source(%dma_start3A_370 : memref<1x128xi32, #tpu.memory_space<hbm>>) target(%dma_start3A_368 : memref<1x128xi32, #tpu.memory_space<vmem>>) target_semaphore(%run_scoped3A : memref<!tpu.dma_semaphore, #tpu.memory_space<semaphore_mem>>)
        %dma_wait3A_371 = arith.constant 78 : i32
        %dma_wait3A_372 = arith.constant 0 : i32
        %dma_wait3A_373 = tpu.memref_slice %arg7[%dma_wait3A_371, %dma_wait3A_372] : memref<79x128xi32, #tpu.memory_space<vmem>> -> memref<1x128xi32, #tpu.memory_space<vmem>>
        %dma_wait3A_374 = arith.constant 0 : i32
        %dma_wait3A_375 = tpu.memref_slice %arg4[%add3A_360, %dma_wait3A_374] : memref<2500x128xi32, #tpu.memory_space<hbm>> -> memref<1x128xi32, #tpu.memory_space<hbm>>
        %dma_wait3A_376 = arith.constant 78 : i32
        %dma_wait3A_377 = arith.constant 0 : i32
        %dma_wait3A_378 = tpu.memref_slice %arg7[%dma_wait3A_376, %dma_wait3A_377] : memref<79x128xi32, #tpu.memory_space<vmem>> -> memref<1x128xi32, #tpu.memory_space<vmem>>
        %dma_wait3A_379 = arith.constant 0 : i32
        %dma_wait3A_380 = tpu.memref_slice %arg4[%add3A_360, %dma_wait3A_379] : memref<2500x128xi32, #tpu.memory_space<hbm>> -> memref<1x128xi32, #tpu.memory_space<hbm>>
        tpu.wait_dma2 semaphore(%run_scoped3A : memref<!tpu.dma_semaphore, #tpu.memory_space<semaphore_mem>>) src(%dma_wait3A_380 : memref<1x128xi32, #tpu.memory_space<hbm>>) dst(%dma_wait3A_378 : memref<1x128xi32, #tpu.memory_space<vmem>>)
        tpu.yield
      }) : () -> ()
    } else {
    }
    %barrier3A = arith.constant 0 : index
    tpu.barrier barrier_id(%barrier3A)
    %dma_start3A = arith.constant 0 : i32
    %dma_start3A_20 = arith.constant 0 : i32
    %dma_start3A_21 = arith.constant 0 : i32
    %dma_start3A_22 = arith.constant 0 : i32
    %dma_start3A_23 = tpu.memref_slice %arg8[%dma_start3A_20, %dma_start3A_21, %dma_start3A_22] : memref<3x128x64xf32, #tpu.memory_space<vmem>> -> memref<1x128x64xf32, #tpu.memory_space<vmem>>
    %dma_start3A_24 = tpu.memref_squeeze %dma_start3A_23 : memref<1x128x64xf32, #tpu.memory_space<vmem>> -> memref<128x64xf32, #tpu.memory_space<vmem>>
    %dma_start3A_25 = arith.constant 0 : i32
    %dma_start3A_26 = tpu.memref_slice %arg6[%dma_start3A, %dma_start3A_25] : memref<79x128xi32, #tpu.memory_space<vmem>> -> memref<1x128xi32, #tpu.memory_space<vmem>>
    %dma_start3A_27 = tpu.memref_squeeze %dma_start3A_26 : memref<1x128xi32, #tpu.memory_space<vmem>> -> memref<128xi32, #tpu.memory_space<vmem>>
    %dma_start3A_28 = arith.constant 0 : i32
    %dma_start3A_29 = arith.constant 0 : i32
    %dma_start3A_30 = tpu.memref_slice %arg2[%dma_start3A_28, %dma_start3A_29] : memref<10240x64xf32, #tpu.memory_space<hbm>> -> memref<10240x64xf32, #tpu.memory_space<hbm>>
    tpu.enqueue_indirect_dma source(%dma_start3A_30 : memref<10240x64xf32, #tpu.memory_space<hbm>>) target(%dma_start3A_24 : memref<128x64xf32, #tpu.memory_space<vmem>>) offsets(%dma_start3A_27 : memref<128xi32, #tpu.memory_space<vmem>>) semaphore(%arg11 : memref<!tpu.dma_semaphore, #tpu.memory_space<semaphore_mem>>)
    %dma_start3A_31 = arith.constant 1 : i32
    %dma_start3A_32 = arith.constant 1 : i32
    %dma_start3A_33 = arith.constant 0 : i32
    %dma_start3A_34 = arith.constant 0 : i32
    %dma_start3A_35 = tpu.memref_slice %arg8[%dma_start3A_32, %dma_start3A_33, %dma_start3A_34] : memref<3x128x64xf32, #tpu.memory_space<vmem>> -> memref<1x128x64xf32, #tpu.memory_space<vmem>>
    %dma_start3A_36 = tpu.memref_squeeze %dma_start3A_35 : memref<1x128x64xf32, #tpu.memory_space<vmem>> -> memref<128x64xf32, #tpu.memory_space<vmem>>
    %dma_start3A_37 = arith.constant 0 : i32
    %dma_start3A_38 = tpu.memref_slice %arg6[%dma_start3A_31, %dma_start3A_37] : memref<79x128xi32, #tpu.memory_space<vmem>> -> memref<1x128xi32, #tpu.memory_space<vmem>>
    %dma_start3A_39 = tpu.memref_squeeze %dma_start3A_38 : memref<1x128xi32, #tpu.memory_space<vmem>> -> memref<128xi32, #tpu.memory_space<vmem>>
    %dma_start3A_40 = arith.constant 0 : i32
    %dma_start3A_41 = arith.constant 0 : i32
    %dma_start3A_42 = tpu.memref_slice %arg2[%dma_start3A_40, %dma_start3A_41] : memref<10240x64xf32, #tpu.memory_space<hbm>> -> memref<10240x64xf32, #tpu.memory_space<hbm>>
    tpu.enqueue_indirect_dma source(%dma_start3A_42 : memref<10240x64xf32, #tpu.memory_space<hbm>>) target(%dma_start3A_36 : memref<128x64xf32, #tpu.memory_space<vmem>>) offsets(%dma_start3A_39 : memref<128xi32, #tpu.memory_space<vmem>>) semaphore(%arg11 : memref<!tpu.dma_semaphore, #tpu.memory_space<semaphore_mem>>)
    %dma_start3A_43 = arith.constant 2 : i32
    %dma_start3A_44 = arith.constant 2 : i32
    %dma_start3A_45 = arith.constant 0 : i32
    %dma_start3A_46 = arith.constant 0 : i32
    %dma_start3A_47 = tpu.memref_slice %arg8[%dma_start3A_44, %dma_start3A_45, %dma_start3A_46] : memref<3x128x64xf32, #tpu.memory_space<vmem>> -> memref<1x128x64xf32, #tpu.memory_space<vmem>>
    %dma_start3A_48 = tpu.memref_squeeze %dma_start3A_47 : memref<1x128x64xf32, #tpu.memory_space<vmem>> -> memref<128x64xf32, #tpu.memory_space<vmem>>
    %dma_start3A_49 = arith.constant 0 : i32
    %dma_start3A_50 = tpu.memref_slice %arg6[%dma_start3A_43, %dma_start3A_49] : memref<79x128xi32, #tpu.memory_space<vmem>> -> memref<1x128xi32, #tpu.memory_space<vmem>>
    %dma_start3A_51 = tpu.memref_squeeze %dma_start3A_50 : memref<1x128xi32, #tpu.memory_space<vmem>> -> memref<128xi32, #tpu.memory_space<vmem>>
    %dma_start3A_52 = arith.constant 0 : i32
    %dma_start3A_53 = arith.constant 0 : i32
    %dma_start3A_54 = tpu.memref_slice %arg2[%dma_start3A_52, %dma_start3A_53] : memref<10240x64xf32, #tpu.memory_space<hbm>> -> memref<10240x64xf32, #tpu.memory_space<hbm>>
    tpu.enqueue_indirect_dma source(%dma_start3A_54 : memref<10240x64xf32, #tpu.memory_space<hbm>>) target(%dma_start3A_48 : memref<128x64xf32, #tpu.memory_space<vmem>>) offsets(%dma_start3A_51 : memref<128xi32, #tpu.memory_space<vmem>>) semaphore(%arg11 : memref<!tpu.dma_semaphore, #tpu.memory_space<semaphore_mem>>)
    %scan3A_55 = arith.constant 0 : i32
    %scan3A_56 = arith.constant 0 : i32
    %scan3A_57 = arith.constant 12 : i32
    %scan3A_58 = arith.addi %scan3A_56, %scan3A_57 : i32
    %scan3A_59 = arith.constant 1 : i32
    %scan3A_60 = scf.for %scan3A_357 = %scan3A_56 to %scan3A_58 step %scan3A_59 iter_args(%scan3A_358 = %scan3A_55) -> (i32)  : i32 {
      %mul3A_359 = arith.constant 2 : i32
      %mul3A_360 = arith.muli %mul3A_359, %scan3A_357 : i32
      %mul3A_361 = arith.constant 3 : i32
      %mul3A_362 = arith.muli %mul3A_360, %mul3A_361 : i32
      %add3A_363 = arith.constant 3 : i32
      %add3A_364 = arith.addi %mul3A_362, %add3A_363 : i32
      %add3A_365 = arith.constant 0 : i32
      %add3A_366 = arith.addi %mul3A_362, %add3A_365 : i32
      %dma_wait3A_367 = arith.constant 0 : i32
      %dma_wait3A_368 = arith.constant 0 : i32
      %dma_wait3A_369 = arith.constant 0 : i32
      %dma_wait3A_370 = tpu.memref_slice %arg8[%dma_wait3A_367, %dma_wait3A_368, %dma_wait3A_369] : memref<3x128x64xf32, #tpu.memory_space<vmem>> -> memref<1x128x64xf32, #tpu.memory_space<vmem>>
      %dma_wait3A_371 = tpu.memref_squeeze %dma_wait3A_370 : memref<1x128x64xf32, #tpu.memory_space<vmem>> -> memref<128x64xf32, #tpu.memory_space<vmem>>
      %dma_wait3A_372 = arith.constant 0 : i32
      %dma_wait3A_373 = tpu.memref_slice %arg6[%add3A_366, %dma_wait3A_372] : memref<79x128xi32, #tpu.memory_space<vmem>> -> memref<1x128xi32, #tpu.memory_space<vmem>>
      %dma_wait3A_374 = tpu.memref_squeeze %dma_wait3A_373 : memref<1x128xi32, #tpu.memory_space<vmem>> -> memref<128xi32, #tpu.memory_space<vmem>>
      %dma_wait3A_375 = arith.constant 0 : i32
      %dma_wait3A_376 = arith.constant 0 : i32
      %dma_wait3A_377 = tpu.memref_slice %arg2[%dma_wait3A_375, %dma_wait3A_376] : memref<10240x64xf32, #tpu.memory_space<hbm>> -> memref<10240x64xf32, #tpu.memory_space<hbm>>
      tpu.wait_indirect_dma semaphore(%arg11 : memref<!tpu.dma_semaphore, #tpu.memory_space<semaphore_mem>>) src(%dma_wait3A_377 : memref<10240x64xf32, #tpu.memory_space<hbm>>) dst(%dma_wait3A_371 : memref<128x64xf32, #tpu.memory_space<vmem>>)
      %add3A_378 = arith.constant 1 : i32
      %add3A_379 = arith.addi %mul3A_362, %add3A_378 : i32
      %dma_wait3A_380 = arith.constant 1 : i32
      %dma_wait3A_381 = arith.constant 0 : i32
      %dma_wait3A_382 = arith.constant 0 : i32
      %dma_wait3A_383 = tpu.memref_slice %arg8[%dma_wait3A_380, %dma_wait3A_381, %dma_wait3A_382] : memref<3x128x64xf32, #tpu.memory_space<vmem>> -> memref<1x128x64xf32, #tpu.memory_space<vmem>>
      %dma_wait3A_384 = tpu.memref_squeeze %dma_wait3A_383 : memref<1x128x64xf32, #tpu.memory_space<vmem>> -> memref<128x64xf32, #tpu.memory_space<vmem>>
      %dma_wait3A_385 = arith.constant 0 : i32
      %dma_wait3A_386 = tpu.memref_slice %arg6[%add3A_379, %dma_wait3A_385] : memref<79x128xi32, #tpu.memory_space<vmem>> -> memref<1x128xi32, #tpu.memory_space<vmem>>
      %dma_wait3A_387 = tpu.memref_squeeze %dma_wait3A_386 : memref<1x128xi32, #tpu.memory_space<vmem>> -> memref<128xi32, #tpu.memory_space<vmem>>
      %dma_wait3A_388 = arith.constant 0 : i32
      %dma_wait3A_389 = arith.constant 0 : i32
      %dma_wait3A_390 = tpu.memref_slice %arg2[%dma_wait3A_388, %dma_wait3A_389] : memref<10240x64xf32, #tpu.memory_space<hbm>> -> memref<10240x64xf32, #tpu.memory_space<hbm>>
      tpu.wait_indirect_dma semaphore(%arg11 : memref<!tpu.dma_semaphore, #tpu.memory_space<semaphore_mem>>) src(%dma_wait3A_390 : memref<10240x64xf32, #tpu.memory_space<hbm>>) dst(%dma_wait3A_384 : memref<128x64xf32, #tpu.memory_space<vmem>>)
      %add3A_391 = arith.constant 2 : i32
      %add3A_392 = arith.addi %mul3A_362, %add3A_391 : i32
      %dma_wait3A_393 = arith.constant 2 : i32
      %dma_wait3A_394 = arith.constant 0 : i32
      %dma_wait3A_395 = arith.constant 0 : i32
      %dma_wait3A_396 = tpu.memref_slice %arg8[%dma_wait3A_393, %dma_wait3A_394, %dma_wait3A_395] : memref<3x128x64xf32, #tpu.memory_space<vmem>> -> memref<1x128x64xf32, #tpu.memory_space<vmem>>
      %dma_wait3A_397 = tpu.memref_squeeze %dma_wait3A_396 : memref<1x128x64xf32, #tpu.memory_space<vmem>> -> memref<128x64xf32, #tpu.memory_space<vmem>>
      %dma_wait3A_398 = arith.constant 0 : i32
      %dma_wait3A_399 = tpu.memref_slice %arg6[%add3A_392, %dma_wait3A_398] : memref<79x128xi32, #tpu.memory_space<vmem>> -> memref<1x128xi32, #tpu.memory_space<vmem>>
      %dma_wait3A_400 = tpu.memref_squeeze %dma_wait3A_399 : memref<1x128xi32, #tpu.memory_space<vmem>> -> memref<128xi32, #tpu.memory_space<vmem>>
      %dma_wait3A_401 = arith.constant 0 : i32
      %dma_wait3A_402 = arith.constant 0 : i32
      %dma_wait3A_403 = tpu.memref_slice %arg2[%dma_wait3A_401, %dma_wait3A_402] : memref<10240x64xf32, #tpu.memory_space<hbm>> -> memref<10240x64xf32, #tpu.memory_space<hbm>>
      tpu.wait_indirect_dma semaphore(%arg11 : memref<!tpu.dma_semaphore, #tpu.memory_space<semaphore_mem>>) src(%dma_wait3A_403 : memref<10240x64xf32, #tpu.memory_space<hbm>>) dst(%dma_wait3A_397 : memref<128x64xf32, #tpu.memory_space<vmem>>)
      %add3A_404 = arith.constant 0 : i32
      %add3A_405 = arith.addi %mul3A_362, %add3A_404 : i32
      %dma_start3A_406 = arith.constant 0 : i32
      %dma_start3A_407 = arith.constant 0 : i32
      %dma_start3A_408 = arith.constant 0 : i32
      %dma_start3A_409 = tpu.memref_slice %arg8[%dma_start3A_406, %dma_start3A_407, %dma_start3A_408] : memref<3x128x64xf32, #tpu.memory_space<vmem>> -> memref<1x128x64xf32, #tpu.memory_space<vmem>>
      %dma_start3A_410 = tpu.memref_squeeze %dma_start3A_409 : memref<1x128x64xf32, #tpu.memory_space<vmem>> -> memref<128x64xf32, #tpu.memory_space<vmem>>
      %dma_start3A_411 = arith.constant 0 : i32
      %dma_start3A_412 = tpu.memref_slice %arg7[%add3A_405, %dma_start3A_411] : memref<79x128xi32, #tpu.memory_space<vmem>> -> memref<1x128xi32, #tpu.memory_space<vmem>>
      %dma_start3A_413 = tpu.memref_squeeze %dma_start3A_412 : memref<1x128xi32, #tpu.memory_space<vmem>> -> memref<128xi32, #tpu.memory_space<vmem>>
      %dma_start3A_414 = arith.constant 0 : i32
      %dma_start3A_415 = arith.constant 0 : i32
      %dma_start3A_416 = tpu.memref_slice %arg10[%dma_start3A_414, %dma_start3A_415] : memref<10240x64xf32, #tpu.memory_space<vmem_shared>> -> memref<10240x64xf32, #tpu.memory_space<vmem_shared>>
      tpu.enqueue_indirect_dma source(%dma_start3A_410 : memref<128x64xf32, #tpu.memory_space<vmem>>) target(%dma_start3A_416 : memref<10240x64xf32, #tpu.memory_space<vmem_shared>>) offsets(%dma_start3A_413 : memref<128xi32, #tpu.memory_space<vmem>>) semaphore(%arg12 : memref<!tpu.dma_semaphore, #tpu.memory_space<semaphore_mem>>) {add = true}
      %add3A_417 = arith.constant 1 : i32
      %add3A_418 = arith.addi %mul3A_362, %add3A_417 : i32
      %dma_start3A_419 = arith.constant 1 : i32
      %dma_start3A_420 = arith.constant 0 : i32
      %dma_start3A_421 = arith.constant 0 : i32
      %dma_start3A_422 = tpu.memref_slice %arg8[%dma_start3A_419, %dma_start3A_420, %dma_start3A_421] : memref<3x128x64xf32, #tpu.memory_space<vmem>> -> memref<1x128x64xf32, #tpu.memory_space<vmem>>
      %dma_start3A_423 = tpu.memref_squeeze %dma_start3A_422 : memref<1x128x64xf32, #tpu.memory_space<vmem>> -> memref<128x64xf32, #tpu.memory_space<vmem>>
      %dma_start3A_424 = arith.constant 0 : i32
      %dma_start3A_425 = tpu.memref_slice %arg7[%add3A_418, %dma_start3A_424] : memref<79x128xi32, #tpu.memory_space<vmem>> -> memref<1x128xi32, #tpu.memory_space<vmem>>
      %dma_start3A_426 = tpu.memref_squeeze %dma_start3A_425 : memref<1x128xi32, #tpu.memory_space<vmem>> -> memref<128xi32, #tpu.memory_space<vmem>>
      %dma_start3A_427 = arith.constant 0 : i32
      %dma_start3A_428 = arith.constant 0 : i32
      %dma_start3A_429 = tpu.memref_slice %arg10[%dma_start3A_427, %dma_start3A_428] : memref<10240x64xf32, #tpu.memory_space<vmem_shared>> -> memref<10240x64xf32, #tpu.memory_space<vmem_shared>>
      tpu.enqueue_indirect_dma source(%dma_start3A_423 : memref<128x64xf32, #tpu.memory_space<vmem>>) target(%dma_start3A_429 : memref<10240x64xf32, #tpu.memory_space<vmem_shared>>) offsets(%dma_start3A_426 : memref<128xi32, #tpu.memory_space<vmem>>) semaphore(%arg12 : memref<!tpu.dma_semaphore, #tpu.memory_space<semaphore_mem>>) {add = true}
      %add3A_430 = arith.constant 2 : i32
      %add3A_431 = arith.addi %mul3A_362, %add3A_430 : i32
      %dma_start3A_432 = arith.constant 2 : i32
      %dma_start3A_433 = arith.constant 0 : i32
      %dma_start3A_434 = arith.constant 0 : i32
      %dma_start3A_435 = tpu.memref_slice %arg8[%dma_start3A_432, %dma_start3A_433, %dma_start3A_434] : memref<3x128x64xf32, #tpu.memory_space<vmem>> -> memref<1x128x64xf32, #tpu.memory_space<vmem>>
      %dma_start3A_436 = tpu.memref_squeeze %dma_start3A_435 : memref<1x128x64xf32, #tpu.memory_space<vmem>> -> memref<128x64xf32, #tpu.memory_space<vmem>>
      %dma_start3A_437 = arith.constant 0 : i32
      %dma_start3A_438 = tpu.memref_slice %arg7[%add3A_431, %dma_start3A_437] : memref<79x128xi32, #tpu.memory_space<vmem>> -> memref<1x128xi32, #tpu.memory_space<vmem>>
      %dma_start3A_439 = tpu.memref_squeeze %dma_start3A_438 : memref<1x128xi32, #tpu.memory_space<vmem>> -> memref<128xi32, #tpu.memory_space<vmem>>
      %dma_start3A_440 = arith.constant 0 : i32
      %dma_start3A_441 = arith.constant 0 : i32
      %dma_start3A_442 = tpu.memref_slice %arg10[%dma_start3A_440, %dma_start3A_441] : memref<10240x64xf32, #tpu.memory_space<vmem_shared>> -> memref<10240x64xf32, #tpu.memory_space<vmem_shared>>
      tpu.enqueue_indirect_dma source(%dma_start3A_436 : memref<128x64xf32, #tpu.memory_space<vmem>>) target(%dma_start3A_442 : memref<10240x64xf32, #tpu.memory_space<vmem_shared>>) offsets(%dma_start3A_439 : memref<128xi32, #tpu.memory_space<vmem>>) semaphore(%arg12 : memref<!tpu.dma_semaphore, #tpu.memory_space<semaphore_mem>>) {add = true}
      %gt3A = arith.constant 0 : i32
      %gt3A_443 = arith.cmpi sgt, %scan3A_357, %gt3A : i32
      %convert_element_type3A_444 = arith.extui %gt3A_443 : i1 to i32
      %cond3A_445 = arith.constant 0 : i32
      %cond3A_446 = arith.cmpi ne, %convert_element_type3A_444, %cond3A_445 : i32
      scf.if %cond3A_446 {
        %sub3A = arith.constant 3 : i32
        %sub3A_645 = arith.subi %mul3A_362, %sub3A : i32
        %add3A_646 = arith.constant 0 : i32
        %add3A_647 = arith.addi %sub3A_645, %add3A_646 : i32
        %dma_wait3A_648 = arith.constant 0 : i32
        %dma_wait3A_649 = arith.constant 0 : i32
        %dma_wait3A_650 = arith.constant 0 : i32
        %dma_wait3A_651 = tpu.memref_slice %arg9[%dma_wait3A_648, %dma_wait3A_649, %dma_wait3A_650] : memref<3x128x64xf32, #tpu.memory_space<vmem>> -> memref<1x128x64xf32, #tpu.memory_space<vmem>>
        %dma_wait3A_652 = tpu.memref_squeeze %dma_wait3A_651 : memref<1x128x64xf32, #tpu.memory_space<vmem>> -> memref<128x64xf32, #tpu.memory_space<vmem>>
        %dma_wait3A_653 = arith.constant 0 : i32
        %dma_wait3A_654 = tpu.memref_slice %arg7[%add3A_647, %dma_wait3A_653] : memref<79x128xi32, #tpu.memory_space<vmem>> -> memref<1x128xi32, #tpu.memory_space<vmem>>
        %dma_wait3A_655 = tpu.memref_squeeze %dma_wait3A_654 : memref<1x128xi32, #tpu.memory_space<vmem>> -> memref<128xi32, #tpu.memory_space<vmem>>
        %dma_wait3A_656 = arith.constant 0 : i32
        %dma_wait3A_657 = arith.constant 0 : i32
        %dma_wait3A_658 = tpu.memref_slice %arg10[%dma_wait3A_656, %dma_wait3A_657] : memref<10240x64xf32, #tpu.memory_space<vmem_shared>> -> memref<10240x64xf32, #tpu.memory_space<vmem_shared>>
        tpu.wait_indirect_dma semaphore(%arg13 : memref<!tpu.dma_semaphore, #tpu.memory_space<semaphore_mem>>) src(%dma_wait3A_652 : memref<128x64xf32, #tpu.memory_space<vmem>>) dst(%dma_wait3A_658 : memref<10240x64xf32, #tpu.memory_space<vmem_shared>>)
        %add3A_659 = arith.constant 1 : i32
        %add3A_660 = arith.addi %sub3A_645, %add3A_659 : i32
        %dma_wait3A_661 = arith.constant 1 : i32
        %dma_wait3A_662 = arith.constant 0 : i32
        %dma_wait3A_663 = arith.constant 0 : i32
        %dma_wait3A_664 = tpu.memref_slice %arg9[%dma_wait3A_661, %dma_wait3A_662, %dma_wait3A_663] : memref<3x128x64xf32, #tpu.memory_space<vmem>> -> memref<1x128x64xf32, #tpu.memory_space<vmem>>
        %dma_wait3A_665 = tpu.memref_squeeze %dma_wait3A_664 : memref<1x128x64xf32, #tpu.memory_space<vmem>> -> memref<128x64xf32, #tpu.memory_space<vmem>>
        %dma_wait3A_666 = arith.constant 0 : i32
        %dma_wait3A_667 = tpu.memref_slice %arg7[%add3A_660, %dma_wait3A_666] : memref<79x128xi32, #tpu.memory_space<vmem>> -> memref<1x128xi32, #tpu.memory_space<vmem>>
        %dma_wait3A_668 = tpu.memref_squeeze %dma_wait3A_667 : memref<1x128xi32, #tpu.memory_space<vmem>> -> memref<128xi32, #tpu.memory_space<vmem>>
        %dma_wait3A_669 = arith.constant 0 : i32
        %dma_wait3A_670 = arith.constant 0 : i32
        %dma_wait3A_671 = tpu.memref_slice %arg10[%dma_wait3A_669, %dma_wait3A_670] : memref<10240x64xf32, #tpu.memory_space<vmem_shared>> -> memref<10240x64xf32, #tpu.memory_space<vmem_shared>>
        tpu.wait_indirect_dma semaphore(%arg13 : memref<!tpu.dma_semaphore, #tpu.memory_space<semaphore_mem>>) src(%dma_wait3A_665 : memref<128x64xf32, #tpu.memory_space<vmem>>) dst(%dma_wait3A_671 : memref<10240x64xf32, #tpu.memory_space<vmem_shared>>)
        %add3A_672 = arith.constant 2 : i32
        %add3A_673 = arith.addi %sub3A_645, %add3A_672 : i32
        %dma_wait3A_674 = arith.constant 2 : i32
        %dma_wait3A_675 = arith.constant 0 : i32
        %dma_wait3A_676 = arith.constant 0 : i32
        %dma_wait3A_677 = tpu.memref_slice %arg9[%dma_wait3A_674, %dma_wait3A_675, %dma_wait3A_676] : memref<3x128x64xf32, #tpu.memory_space<vmem>> -> memref<1x128x64xf32, #tpu.memory_space<vmem>>
        %dma_wait3A_678 = tpu.memref_squeeze %dma_wait3A_677 : memref<1x128x64xf32, #tpu.memory_space<vmem>> -> memref<128x64xf32, #tpu.memory_space<vmem>>
        %dma_wait3A_679 = arith.constant 0 : i32
        %dma_wait3A_680 = tpu.memref_slice %arg7[%add3A_673, %dma_wait3A_679] : memref<79x128xi32, #tpu.memory_space<vmem>> -> memref<1x128xi32, #tpu.memory_space<vmem>>
        %dma_wait3A_681 = tpu.memref_squeeze %dma_wait3A_680 : memref<1x128xi32, #tpu.memory_space<vmem>> -> memref<128xi32, #tpu.memory_space<vmem>>
        %dma_wait3A_682 = arith.constant 0 : i32
        %dma_wait3A_683 = arith.constant 0 : i32
        %dma_wait3A_684 = tpu.memref_slice %arg10[%dma_wait3A_682, %dma_wait3A_683] : memref<10240x64xf32, #tpu.memory_space<vmem_shared>> -> memref<10240x64xf32, #tpu.memory_space<vmem_shared>>
        tpu.wait_indirect_dma semaphore(%arg13 : memref<!tpu.dma_semaphore, #tpu.memory_space<semaphore_mem>>) src(%dma_wait3A_678 : memref<128x64xf32, #tpu.memory_space<vmem>>) dst(%dma_wait3A_684 : memref<10240x64xf32, #tpu.memory_space<vmem_shared>>)
      } else {
      }
      %add3A_447 = arith.constant 0 : i32
      %add3A_448 = arith.addi %add3A_364, %add3A_447 : i32
      %dma_start3A_449 = arith.constant 0 : i32
      %dma_start3A_450 = arith.constant 0 : i32
      %dma_start3A_451 = arith.constant 0 : i32
      %dma_start3A_452 = tpu.memref_slice %arg9[%dma_start3A_449, %dma_start3A_450, %dma_start3A_451] : memref<3x128x64xf32, #tpu.memory_space<vmem>> -> memref<1x128x64xf32, #tpu.memory_space<vmem>>
      %dma_start3A_453 = tpu.memref_squeeze %dma_start3A_452 : memref<1x128x64xf32, #tpu.memory_space<vmem>> -> memref<128x64xf32, #tpu.memory_space<vmem>>
      %dma_start3A_454 = arith.constant 0 : i32
      %dma_start3A_455 = tpu.memref_slice %arg6[%add3A_448, %dma_start3A_454] : memref<79x128xi32, #tpu.memory_space<vmem>> -> memref<1x128xi32, #tpu.memory_space<vmem>>
      %dma_start3A_456 = tpu.memref_squeeze %dma_start3A_455 : memref<1x128xi32, #tpu.memory_space<vmem>> -> memref<128xi32, #tpu.memory_space<vmem>>
      %dma_start3A_457 = arith.constant 0 : i32
      %dma_start3A_458 = arith.constant 0 : i32
      %dma_start3A_459 = tpu.memref_slice %arg2[%dma_start3A_457, %dma_start3A_458] : memref<10240x64xf32, #tpu.memory_space<hbm>> -> memref<10240x64xf32, #tpu.memory_space<hbm>>
      tpu.enqueue_indirect_dma source(%dma_start3A_459 : memref<10240x64xf32, #tpu.memory_space<hbm>>) target(%dma_start3A_453 : memref<128x64xf32, #tpu.memory_space<vmem>>) offsets(%dma_start3A_456 : memref<128xi32, #tpu.memory_space<vmem>>) semaphore(%arg11 : memref<!tpu.dma_semaphore, #tpu.memory_space<semaphore_mem>>)
      %add3A_460 = arith.constant 1 : i32
      %add3A_461 = arith.addi %add3A_364, %add3A_460 : i32
      %dma_start3A_462 = arith.constant 1 : i32
      %dma_start3A_463 = arith.constant 0 : i32
      %dma_start3A_464 = arith.constant 0 : i32
      %dma_start3A_465 = tpu.memref_slice %arg9[%dma_start3A_462, %dma_start3A_463, %dma_start3A_464] : memref<3x128x64xf32, #tpu.memory_space<vmem>> -> memref<1x128x64xf32, #tpu.memory_space<vmem>>
      %dma_start3A_466 = tpu.memref_squeeze %dma_start3A_465 : memref<1x128x64xf32, #tpu.memory_space<vmem>> -> memref<128x64xf32, #tpu.memory_space<vmem>>
      %dma_start3A_467 = arith.constant 0 : i32
      %dma_start3A_468 = tpu.memref_slice %arg6[%add3A_461, %dma_start3A_467] : memref<79x128xi32, #tpu.memory_space<vmem>> -> memref<1x128xi32, #tpu.memory_space<vmem>>
      %dma_start3A_469 = tpu.memref_squeeze %dma_start3A_468 : memref<1x128xi32, #tpu.memory_space<vmem>> -> memref<128xi32, #tpu.memory_space<vmem>>
      %dma_start3A_470 = arith.constant 0 : i32
      %dma_start3A_471 = arith.constant 0 : i32
      %dma_start3A_472 = tpu.memref_slice %arg2[%dma_start3A_470, %dma_start3A_471] : memref<10240x64xf32, #tpu.memory_space<hbm>> -> memref<10240x64xf32, #tpu.memory_space<hbm>>
      tpu.enqueue_indirect_dma source(%dma_start3A_472 : memref<10240x64xf32, #tpu.memory_space<hbm>>) target(%dma_start3A_466 : memref<128x64xf32, #tpu.memory_space<vmem>>) offsets(%dma_start3A_469 : memref<128xi32, #tpu.memory_space<vmem>>) semaphore(%arg11 : memref<!tpu.dma_semaphore, #tpu.memory_space<semaphore_mem>>)
      %add3A_473 = arith.constant 2 : i32
      %add3A_474 = arith.addi %add3A_364, %add3A_473 : i32
      %dma_start3A_475 = arith.constant 2 : i32
      %dma_start3A_476 = arith.constant 0 : i32
      %dma_start3A_477 = arith.constant 0 : i32
      %dma_start3A_478 = tpu.memref_slice %arg9[%dma_start3A_475, %dma_start3A_476, %dma_start3A_477] : memref<3x128x64xf32, #tpu.memory_space<vmem>> -> memref<1x128x64xf32, #tpu.memory_space<vmem>>
      %dma_start3A_479 = tpu.memref_squeeze %dma_start3A_478 : memref<1x128x64xf32, #tpu.memory_space<vmem>> -> memref<128x64xf32, #tpu.memory_space<vmem>>
      %dma_start3A_480 = arith.constant 0 : i32
      %dma_start3A_481 = tpu.memref_slice %arg6[%add3A_474, %dma_start3A_480] : memref<79x128xi32, #tpu.memory_space<vmem>> -> memref<1x128xi32, #tpu.memory_space<vmem>>
      %dma_start3A_482 = tpu.memref_squeeze %dma_start3A_481 : memref<1x128xi32, #tpu.memory_space<vmem>> -> memref<128xi32, #tpu.memory_space<vmem>>
      %dma_start3A_483 = arith.constant 0 : i32
      %dma_start3A_484 = arith.constant 0 : i32
      %dma_start3A_485 = tpu.memref_slice %arg2[%dma_start3A_483, %dma_start3A_484] : memref<10240x64xf32, #tpu.memory_space<hbm>> -> memref<10240x64xf32, #tpu.memory_space<hbm>>
      tpu.enqueue_indirect_dma source(%dma_start3A_485 : memref<10240x64xf32, #tpu.memory_space<hbm>>) target(%dma_start3A_479 : memref<128x64xf32, #tpu.memory_space<vmem>>) offsets(%dma_start3A_482 : memref<128xi32, #tpu.memory_space<vmem>>) semaphore(%arg11 : memref<!tpu.dma_semaphore, #tpu.memory_space<semaphore_mem>>)
      %add3A_486 = arith.constant 0 : i32
      %add3A_487 = arith.addi %add3A_364, %add3A_486 : i32
      %dma_wait3A_488 = arith.constant 0 : i32
      %dma_wait3A_489 = arith.constant 0 : i32
      %dma_wait3A_490 = arith.constant 0 : i32
      %dma_wait3A_491 = tpu.memref_slice %arg9[%dma_wait3A_488, %dma_wait3A_489, %dma_wait3A_490] : memref<3x128x64xf32, #tpu.memory_space<vmem>> -> memref<1x128x64xf32, #tpu.memory_space<vmem>>
      %dma_wait3A_492 = tpu.memref_squeeze %dma_wait3A_491 : memref<1x128x64xf32, #tpu.memory_space<vmem>> -> memref<128x64xf32, #tpu.memory_space<vmem>>
      %dma_wait3A_493 = arith.constant 0 : i32
      %dma_wait3A_494 = tpu.memref_slice %arg6[%add3A_487, %dma_wait3A_493] : memref<79x128xi32, #tpu.memory_space<vmem>> -> memref<1x128xi32, #tpu.memory_space<vmem>>
      %dma_wait3A_495 = tpu.memref_squeeze %dma_wait3A_494 : memref<1x128xi32, #tpu.memory_space<vmem>> -> memref<128xi32, #tpu.memory_space<vmem>>
      %dma_wait3A_496 = arith.constant 0 : i32
      %dma_wait3A_497 = arith.constant 0 : i32
      %dma_wait3A_498 = tpu.memref_slice %arg2[%dma_wait3A_496, %dma_wait3A_497] : memref<10240x64xf32, #tpu.memory_space<hbm>> -> memref<10240x64xf32, #tpu.memory_space<hbm>>
      tpu.wait_indirect_dma semaphore(%arg11 : memref<!tpu.dma_semaphore, #tpu.memory_space<semaphore_mem>>) src(%dma_wait3A_498 : memref<10240x64xf32, #tpu.memory_space<hbm>>) dst(%dma_wait3A_492 : memref<128x64xf32, #tpu.memory_space<vmem>>)
      %add3A_499 = arith.constant 1 : i32
      %add3A_500 = arith.addi %add3A_364, %add3A_499 : i32
      %dma_wait3A_501 = arith.constant 1 : i32
      %dma_wait3A_502 = arith.constant 0 : i32
      %dma_wait3A_503 = arith.constant 0 : i32
      %dma_wait3A_504 = tpu.memref_slice %arg9[%dma_wait3A_501, %dma_wait3A_502, %dma_wait3A_503] : memref<3x128x64xf32, #tpu.memory_space<vmem>> -> memref<1x128x64xf32, #tpu.memory_space<vmem>>
      %dma_wait3A_505 = tpu.memref_squeeze %dma_wait3A_504 : memref<1x128x64xf32, #tpu.memory_space<vmem>> -> memref<128x64xf32, #tpu.memory_space<vmem>>
      %dma_wait3A_506 = arith.constant 0 : i32
      %dma_wait3A_507 = tpu.memref_slice %arg6[%add3A_500, %dma_wait3A_506] : memref<79x128xi32, #tpu.memory_space<vmem>> -> memref<1x128xi32, #tpu.memory_space<vmem>>
      %dma_wait3A_508 = tpu.memref_squeeze %dma_wait3A_507 : memref<1x128xi32, #tpu.memory_space<vmem>> -> memref<128xi32, #tpu.memory_space<vmem>>
      %dma_wait3A_509 = arith.constant 0 : i32
      %dma_wait3A_510 = arith.constant 0 : i32
      %dma_wait3A_511 = tpu.memref_slice %arg2[%dma_wait3A_509, %dma_wait3A_510] : memref<10240x64xf32, #tpu.memory_space<hbm>> -> memref<10240x64xf32, #tpu.memory_space<hbm>>
      tpu.wait_indirect_dma semaphore(%arg11 : memref<!tpu.dma_semaphore, #tpu.memory_space<semaphore_mem>>) src(%dma_wait3A_511 : memref<10240x64xf32, #tpu.memory_space<hbm>>) dst(%dma_wait3A_505 : memref<128x64xf32, #tpu.memory_space<vmem>>)
      %add3A_512 = arith.constant 2 : i32
      %add3A_513 = arith.addi %add3A_364, %add3A_512 : i32
      %dma_wait3A_514 = arith.constant 2 : i32
      %dma_wait3A_515 = arith.constant 0 : i32
      %dma_wait3A_516 = arith.constant 0 : i32
      %dma_wait3A_517 = tpu.memref_slice %arg9[%dma_wait3A_514, %dma_wait3A_515, %dma_wait3A_516] : memref<3x128x64xf32, #tpu.memory_space<vmem>> -> memref<1x128x64xf32, #tpu.memory_space<vmem>>
      %dma_wait3A_518 = tpu.memref_squeeze %dma_wait3A_517 : memref<1x128x64xf32, #tpu.memory_space<vmem>> -> memref<128x64xf32, #tpu.memory_space<vmem>>
      %dma_wait3A_519 = arith.constant 0 : i32
      %dma_wait3A_520 = tpu.memref_slice %arg6[%add3A_513, %dma_wait3A_519] : memref<79x128xi32, #tpu.memory_space<vmem>> -> memref<1x128xi32, #tpu.memory_space<vmem>>
      %dma_wait3A_521 = tpu.memref_squeeze %dma_wait3A_520 : memref<1x128xi32, #tpu.memory_space<vmem>> -> memref<128xi32, #tpu.memory_space<vmem>>
      %dma_wait3A_522 = arith.constant 0 : i32
      %dma_wait3A_523 = arith.constant 0 : i32
      %dma_wait3A_524 = tpu.memref_slice %arg2[%dma_wait3A_522, %dma_wait3A_523] : memref<10240x64xf32, #tpu.memory_space<hbm>> -> memref<10240x64xf32, #tpu.memory_space<hbm>>
      tpu.wait_indirect_dma semaphore(%arg11 : memref<!tpu.dma_semaphore, #tpu.memory_space<semaphore_mem>>) src(%dma_wait3A_524 : memref<10240x64xf32, #tpu.memory_space<hbm>>) dst(%dma_wait3A_518 : memref<128x64xf32, #tpu.memory_space<vmem>>)
      %add3A_525 = arith.constant 0 : i32
      %add3A_526 = arith.addi %add3A_364, %add3A_525 : i32
      %dma_start3A_527 = arith.constant 0 : i32
      %dma_start3A_528 = arith.constant 0 : i32
      %dma_start3A_529 = arith.constant 0 : i32
      %dma_start3A_530 = tpu.memref_slice %arg9[%dma_start3A_527, %dma_start3A_528, %dma_start3A_529] : memref<3x128x64xf32, #tpu.memory_space<vmem>> -> memref<1x128x64xf32, #tpu.memory_space<vmem>>
      %dma_start3A_531 = tpu.memref_squeeze %dma_start3A_530 : memref<1x128x64xf32, #tpu.memory_space<vmem>> -> memref<128x64xf32, #tpu.memory_space<vmem>>
      %dma_start3A_532 = arith.constant 0 : i32
      %dma_start3A_533 = tpu.memref_slice %arg7[%add3A_526, %dma_start3A_532] : memref<79x128xi32, #tpu.memory_space<vmem>> -> memref<1x128xi32, #tpu.memory_space<vmem>>
      %dma_start3A_534 = tpu.memref_squeeze %dma_start3A_533 : memref<1x128xi32, #tpu.memory_space<vmem>> -> memref<128xi32, #tpu.memory_space<vmem>>
      %dma_start3A_535 = arith.constant 0 : i32
      %dma_start3A_536 = arith.constant 0 : i32
      %dma_start3A_537 = tpu.memref_slice %arg10[%dma_start3A_535, %dma_start3A_536] : memref<10240x64xf32, #tpu.memory_space<vmem_shared>> -> memref<10240x64xf32, #tpu.memory_space<vmem_shared>>
      tpu.enqueue_indirect_dma source(%dma_start3A_531 : memref<128x64xf32, #tpu.memory_space<vmem>>) target(%dma_start3A_537 : memref<10240x64xf32, #tpu.memory_space<vmem_shared>>) offsets(%dma_start3A_534 : memref<128xi32, #tpu.memory_space<vmem>>) semaphore(%arg13 : memref<!tpu.dma_semaphore, #tpu.memory_space<semaphore_mem>>) {add = true}
      %add3A_538 = arith.constant 1 : i32
      %add3A_539 = arith.addi %add3A_364, %add3A_538 : i32
      %dma_start3A_540 = arith.constant 1 : i32
      %dma_start3A_541 = arith.constant 0 : i32
      %dma_start3A_542 = arith.constant 0 : i32
      %dma_start3A_543 = tpu.memref_slice %arg9[%dma_start3A_540, %dma_start3A_541, %dma_start3A_542] : memref<3x128x64xf32, #tpu.memory_space<vmem>> -> memref<1x128x64xf32, #tpu.memory_space<vmem>>
      %dma_start3A_544 = tpu.memref_squeeze %dma_start3A_543 : memref<1x128x64xf32, #tpu.memory_space<vmem>> -> memref<128x64xf32, #tpu.memory_space<vmem>>
      %dma_start3A_545 = arith.constant 0 : i32
      %dma_start3A_546 = tpu.memref_slice %arg7[%add3A_539, %dma_start3A_545] : memref<79x128xi32, #tpu.memory_space<vmem>> -> memref<1x128xi32, #tpu.memory_space<vmem>>
      %dma_start3A_547 = tpu.memref_squeeze %dma_start3A_546 : memref<1x128xi32, #tpu.memory_space<vmem>> -> memref<128xi32, #tpu.memory_space<vmem>>
      %dma_start3A_548 = arith.constant 0 : i32
      %dma_start3A_549 = arith.constant 0 : i32
      %dma_start3A_550 = tpu.memref_slice %arg10[%dma_start3A_548, %dma_start3A_549] : memref<10240x64xf32, #tpu.memory_space<vmem_shared>> -> memref<10240x64xf32, #tpu.memory_space<vmem_shared>>
      tpu.enqueue_indirect_dma source(%dma_start3A_544 : memref<128x64xf32, #tpu.memory_space<vmem>>) target(%dma_start3A_550 : memref<10240x64xf32, #tpu.memory_space<vmem_shared>>) offsets(%dma_start3A_547 : memref<128xi32, #tpu.memory_space<vmem>>) semaphore(%arg13 : memref<!tpu.dma_semaphore, #tpu.memory_space<semaphore_mem>>) {add = true}
      %add3A_551 = arith.constant 2 : i32
      %add3A_552 = arith.addi %add3A_364, %add3A_551 : i32
      %dma_start3A_553 = arith.constant 2 : i32
      %dma_start3A_554 = arith.constant 0 : i32
      %dma_start3A_555 = arith.constant 0 : i32
      %dma_start3A_556 = tpu.memref_slice %arg9[%dma_start3A_553, %dma_start3A_554, %dma_start3A_555] : memref<3x128x64xf32, #tpu.memory_space<vmem>> -> memref<1x128x64xf32, #tpu.memory_space<vmem>>
      %dma_start3A_557 = tpu.memref_squeeze %dma_start3A_556 : memref<1x128x64xf32, #tpu.memory_space<vmem>> -> memref<128x64xf32, #tpu.memory_space<vmem>>
      %dma_start3A_558 = arith.constant 0 : i32
      %dma_start3A_559 = tpu.memref_slice %arg7[%add3A_552, %dma_start3A_558] : memref<79x128xi32, #tpu.memory_space<vmem>> -> memref<1x128xi32, #tpu.memory_space<vmem>>
      %dma_start3A_560 = tpu.memref_squeeze %dma_start3A_559 : memref<1x128xi32, #tpu.memory_space<vmem>> -> memref<128xi32, #tpu.memory_space<vmem>>
      %dma_start3A_561 = arith.constant 0 : i32
      %dma_start3A_562 = arith.constant 0 : i32
      %dma_start3A_563 = tpu.memref_slice %arg10[%dma_start3A_561, %dma_start3A_562] : memref<10240x64xf32, #tpu.memory_space<vmem_shared>> -> memref<10240x64xf32, #tpu.memory_space<vmem_shared>>
      tpu.enqueue_indirect_dma source(%dma_start3A_557 : memref<128x64xf32, #tpu.memory_space<vmem>>) target(%dma_start3A_563 : memref<10240x64xf32, #tpu.memory_space<vmem_shared>>) offsets(%dma_start3A_560 : memref<128xi32, #tpu.memory_space<vmem>>) semaphore(%arg13 : memref<!tpu.dma_semaphore, #tpu.memory_space<semaphore_mem>>) {add = true}
      %add3A_564 = arith.constant 0 : i32
      %add3A_565 = arith.addi %mul3A_362, %add3A_564 : i32
      %dma_wait3A_566 = arith.constant 0 : i32
      %dma_wait3A_567 = arith.constant 0 : i32
      %dma_wait3A_568 = arith.constant 0 : i32
      %dma_wait3A_569 = tpu.memref_slice %arg8[%dma_wait3A_566, %dma_wait3A_567, %dma_wait3A_568] : memref<3x128x64xf32, #tpu.memory_space<vmem>> -> memref<1x128x64xf32, #tpu.memory_space<vmem>>
      %dma_wait3A_570 = tpu.memref_squeeze %dma_wait3A_569 : memref<1x128x64xf32, #tpu.memory_space<vmem>> -> memref<128x64xf32, #tpu.memory_space<vmem>>
      %dma_wait3A_571 = arith.constant 0 : i32
      %dma_wait3A_572 = tpu.memref_slice %arg7[%add3A_565, %dma_wait3A_571] : memref<79x128xi32, #tpu.memory_space<vmem>> -> memref<1x128xi32, #tpu.memory_space<vmem>>
      %dma_wait3A_573 = tpu.memref_squeeze %dma_wait3A_572 : memref<1x128xi32, #tpu.memory_space<vmem>> -> memref<128xi32, #tpu.memory_space<vmem>>
      %dma_wait3A_574 = arith.constant 0 : i32
      %dma_wait3A_575 = arith.constant 0 : i32
      %dma_wait3A_576 = tpu.memref_slice %arg10[%dma_wait3A_574, %dma_wait3A_575] : memref<10240x64xf32, #tpu.memory_space<vmem_shared>> -> memref<10240x64xf32, #tpu.memory_space<vmem_shared>>
      tpu.wait_indirect_dma semaphore(%arg12 : memref<!tpu.dma_semaphore, #tpu.memory_space<semaphore_mem>>) src(%dma_wait3A_570 : memref<128x64xf32, #tpu.memory_space<vmem>>) dst(%dma_wait3A_576 : memref<10240x64xf32, #tpu.memory_space<vmem_shared>>)
      %add3A_577 = arith.constant 1 : i32
      %add3A_578 = arith.addi %mul3A_362, %add3A_577 : i32
      %dma_wait3A_579 = arith.constant 1 : i32
      %dma_wait3A_580 = arith.constant 0 : i32
      %dma_wait3A_581 = arith.constant 0 : i32
      %dma_wait3A_582 = tpu.memref_slice %arg8[%dma_wait3A_579, %dma_wait3A_580, %dma_wait3A_581] : memref<3x128x64xf32, #tpu.memory_space<vmem>> -> memref<1x128x64xf32, #tpu.memory_space<vmem>>
      %dma_wait3A_583 = tpu.memref_squeeze %dma_wait3A_582 : memref<1x128x64xf32, #tpu.memory_space<vmem>> -> memref<128x64xf32, #tpu.memory_space<vmem>>
      %dma_wait3A_584 = arith.constant 0 : i32
      %dma_wait3A_585 = tpu.memref_slice %arg7[%add3A_578, %dma_wait3A_584] : memref<79x128xi32, #tpu.memory_space<vmem>> -> memref<1x128xi32, #tpu.memory_space<vmem>>
      %dma_wait3A_586 = tpu.memref_squeeze %dma_wait3A_585 : memref<1x128xi32, #tpu.memory_space<vmem>> -> memref<128xi32, #tpu.memory_space<vmem>>
      %dma_wait3A_587 = arith.constant 0 : i32
      %dma_wait3A_588 = arith.constant 0 : i32
      %dma_wait3A_589 = tpu.memref_slice %arg10[%dma_wait3A_587, %dma_wait3A_588] : memref<10240x64xf32, #tpu.memory_space<vmem_shared>> -> memref<10240x64xf32, #tpu.memory_space<vmem_shared>>
      tpu.wait_indirect_dma semaphore(%arg12 : memref<!tpu.dma_semaphore, #tpu.memory_space<semaphore_mem>>) src(%dma_wait3A_583 : memref<128x64xf32, #tpu.memory_space<vmem>>) dst(%dma_wait3A_589 : memref<10240x64xf32, #tpu.memory_space<vmem_shared>>)
      %add3A_590 = arith.constant 2 : i32
      %add3A_591 = arith.addi %mul3A_362, %add3A_590 : i32
      %dma_wait3A_592 = arith.constant 2 : i32
      %dma_wait3A_593 = arith.constant 0 : i32
      %dma_wait3A_594 = arith.constant 0 : i32
      %dma_wait3A_595 = tpu.memref_slice %arg8[%dma_wait3A_592, %dma_wait3A_593, %dma_wait3A_594] : memref<3x128x64xf32, #tpu.memory_space<vmem>> -> memref<1x128x64xf32, #tpu.memory_space<vmem>>
      %dma_wait3A_596 = tpu.memref_squeeze %dma_wait3A_595 : memref<1x128x64xf32, #tpu.memory_space<vmem>> -> memref<128x64xf32, #tpu.memory_space<vmem>>
      %dma_wait3A_597 = arith.constant 0 : i32
      %dma_wait3A_598 = tpu.memref_slice %arg7[%add3A_591, %dma_wait3A_597] : memref<79x128xi32, #tpu.memory_space<vmem>> -> memref<1x128xi32, #tpu.memory_space<vmem>>
      %dma_wait3A_599 = tpu.memref_squeeze %dma_wait3A_598 : memref<1x128xi32, #tpu.memory_space<vmem>> -> memref<128xi32, #tpu.memory_space<vmem>>
      %dma_wait3A_600 = arith.constant 0 : i32
      %dma_wait3A_601 = arith.constant 0 : i32
      %dma_wait3A_602 = tpu.memref_slice %arg10[%dma_wait3A_600, %dma_wait3A_601] : memref<10240x64xf32, #tpu.memory_space<vmem_shared>> -> memref<10240x64xf32, #tpu.memory_space<vmem_shared>>
      tpu.wait_indirect_dma semaphore(%arg12 : memref<!tpu.dma_semaphore, #tpu.memory_space<semaphore_mem>>) src(%dma_wait3A_596 : memref<128x64xf32, #tpu.memory_space<vmem>>) dst(%dma_wait3A_602 : memref<10240x64xf32, #tpu.memory_space<vmem_shared>>)
      %add3A_603 = arith.constant 3 : i32
      %add3A_604 = arith.addi %add3A_364, %add3A_603 : i32
      %add3A_605 = arith.constant 0 : i32
      %add3A_606 = arith.addi %add3A_604, %add3A_605 : i32
      %dma_start3A_607 = arith.constant 0 : i32
      %dma_start3A_608 = arith.constant 0 : i32
      %dma_start3A_609 = arith.constant 0 : i32
      %dma_start3A_610 = tpu.memref_slice %arg8[%dma_start3A_607, %dma_start3A_608, %dma_start3A_609] : memref<3x128x64xf32, #tpu.memory_space<vmem>> -> memref<1x128x64xf32, #tpu.memory_space<vmem>>
      %dma_start3A_611 = tpu.memref_squeeze %dma_start3A_610 : memref<1x128x64xf32, #tpu.memory_space<vmem>> -> memref<128x64xf32, #tpu.memory_space<vmem>>
      %dma_start3A_612 = arith.constant 0 : i32
      %dma_start3A_613 = tpu.memref_slice %arg6[%add3A_606, %dma_start3A_612] : memref<79x128xi32, #tpu.memory_space<vmem>> -> memref<1x128xi32, #tpu.memory_space<vmem>>
      %dma_start3A_614 = tpu.memref_squeeze %dma_start3A_613 : memref<1x128xi32, #tpu.memory_space<vmem>> -> memref<128xi32, #tpu.memory_space<vmem>>
      %dma_start3A_615 = arith.constant 0 : i32
      %dma_start3A_616 = arith.constant 0 : i32
      %dma_start3A_617 = tpu.memref_slice %arg2[%dma_start3A_615, %dma_start3A_616] : memref<10240x64xf32, #tpu.memory_space<hbm>> -> memref<10240x64xf32, #tpu.memory_space<hbm>>
      tpu.enqueue_indirect_dma source(%dma_start3A_617 : memref<10240x64xf32, #tpu.memory_space<hbm>>) target(%dma_start3A_611 : memref<128x64xf32, #tpu.memory_space<vmem>>) offsets(%dma_start3A_614 : memref<128xi32, #tpu.memory_space<vmem>>) semaphore(%arg11 : memref<!tpu.dma_semaphore, #tpu.memory_space<semaphore_mem>>)
      %add3A_618 = arith.constant 1 : i32
      %add3A_619 = arith.addi %add3A_604, %add3A_618 : i32
      %dma_start3A_620 = arith.constant 1 : i32
      %dma_start3A_621 = arith.constant 0 : i32
      %dma_start3A_622 = arith.constant 0 : i32
      %dma_start3A_623 = tpu.memref_slice %arg8[%dma_start3A_620, %dma_start3A_621, %dma_start3A_622] : memref<3x128x64xf32, #tpu.memory_space<vmem>> -> memref<1x128x64xf32, #tpu.memory_space<vmem>>
      %dma_start3A_624 = tpu.memref_squeeze %dma_start3A_623 : memref<1x128x64xf32, #tpu.memory_space<vmem>> -> memref<128x64xf32, #tpu.memory_space<vmem>>
      %dma_start3A_625 = arith.constant 0 : i32
      %dma_start3A_626 = tpu.memref_slice %arg6[%add3A_619, %dma_start3A_625] : memref<79x128xi32, #tpu.memory_space<vmem>> -> memref<1x128xi32, #tpu.memory_space<vmem>>
      %dma_start3A_627 = tpu.memref_squeeze %dma_start3A_626 : memref<1x128xi32, #tpu.memory_space<vmem>> -> memref<128xi32, #tpu.memory_space<vmem>>
      %dma_start3A_628 = arith.constant 0 : i32
      %dma_start3A_629 = arith.constant 0 : i32
      %dma_start3A_630 = tpu.memref_slice %arg2[%dma_start3A_628, %dma_start3A_629] : memref<10240x64xf32, #tpu.memory_space<hbm>> -> memref<10240x64xf32, #tpu.memory_space<hbm>>
      tpu.enqueue_indirect_dma source(%dma_start3A_630 : memref<10240x64xf32, #tpu.memory_space<hbm>>) target(%dma_start3A_624 : memref<128x64xf32, #tpu.memory_space<vmem>>) offsets(%dma_start3A_627 : memref<128xi32, #tpu.memory_space<vmem>>) semaphore(%arg11 : memref<!tpu.dma_semaphore, #tpu.memory_space<semaphore_mem>>)
      %add3A_631 = arith.constant 2 : i32
      %add3A_632 = arith.addi %add3A_604, %add3A_631 : i32
      %dma_start3A_633 = arith.constant 2 : i32
      %dma_start3A_634 = arith.constant 0 : i32
      %dma_start3A_635 = arith.constant 0 : i32
      %dma_start3A_636 = tpu.memref_slice %arg8[%dma_start3A_633, %dma_start3A_634, %dma_start3A_635] : memref<3x128x64xf32, #tpu.memory_space<vmem>> -> memref<1x128x64xf32, #tpu.memory_space<vmem>>
      %dma_start3A_637 = tpu.memref_squeeze %dma_start3A_636 : memref<1x128x64xf32, #tpu.memory_space<vmem>> -> memref<128x64xf32, #tpu.memory_space<vmem>>
      %dma_start3A_638 = arith.constant 0 : i32
      %dma_start3A_639 = tpu.memref_slice %arg6[%add3A_632, %dma_start3A_638] : memref<79x128xi32, #tpu.memory_space<vmem>> -> memref<1x128xi32, #tpu.memory_space<vmem>>
      %dma_start3A_640 = tpu.memref_squeeze %dma_start3A_639 : memref<1x128xi32, #tpu.memory_space<vmem>> -> memref<128xi32, #tpu.memory_space<vmem>>
      %dma_start3A_641 = arith.constant 0 : i32
      %dma_start3A_642 = arith.constant 0 : i32
      %dma_start3A_643 = tpu.memref_slice %arg2[%dma_start3A_641, %dma_start3A_642] : memref<10240x64xf32, #tpu.memory_space<hbm>> -> memref<10240x64xf32, #tpu.memory_space<hbm>>
      tpu.enqueue_indirect_dma source(%dma_start3A_643 : memref<10240x64xf32, #tpu.memory_space<hbm>>) target(%dma_start3A_637 : memref<128x64xf32, #tpu.memory_space<vmem>>) offsets(%dma_start3A_640 : memref<128xi32, #tpu.memory_space<vmem>>) semaphore(%arg11 : memref<!tpu.dma_semaphore, #tpu.memory_space<semaphore_mem>>)
      %scan3A_644 = arith.constant 0 : i32
      scf.yield %scan3A_644 : i32
    }
    %scan3A_61 = arith.constant 12 : i32
    %dma_wait3A = arith.constant 72 : i32
    %dma_wait3A_62 = arith.constant 0 : i32
    %dma_wait3A_63 = arith.constant 0 : i32
    %dma_wait3A_64 = arith.constant 0 : i32
    %dma_wait3A_65 = tpu.memref_slice %arg8[%dma_wait3A_62, %dma_wait3A_63, %dma_wait3A_64] : memref<3x128x64xf32, #tpu.memory_space<vmem>> -> memref<1x128x64xf32, #tpu.memory_space<vmem>>
    %dma_wait3A_66 = tpu.memref_squeeze %dma_wait3A_65 : memref<1x128x64xf32, #tpu.memory_space<vmem>> -> memref<128x64xf32, #tpu.memory_space<vmem>>
    %dma_wait3A_67 = arith.constant 0 : i32
    %dma_wait3A_68 = tpu.memref_slice %arg6[%dma_wait3A, %dma_wait3A_67] : memref<79x128xi32, #tpu.memory_space<vmem>> -> memref<1x128xi32, #tpu.memory_space<vmem>>
    %dma_wait3A_69 = tpu.memref_squeeze %dma_wait3A_68 : memref<1x128xi32, #tpu.memory_space<vmem>> -> memref<128xi32, #tpu.memory_space<vmem>>
    %dma_wait3A_70 = arith.constant 0 : i32
    %dma_wait3A_71 = arith.constant 0 : i32
    %dma_wait3A_72 = tpu.memref_slice %arg2[%dma_wait3A_70, %dma_wait3A_71] : memref<10240x64xf32, #tpu.memory_space<hbm>> -> memref<10240x64xf32, #tpu.memory_space<hbm>>
    tpu.wait_indirect_dma semaphore(%arg11 : memref<!tpu.dma_semaphore, #tpu.memory_space<semaphore_mem>>) src(%dma_wait3A_72 : memref<10240x64xf32, #tpu.memory_space<hbm>>) dst(%dma_wait3A_66 : memref<128x64xf32, #tpu.memory_space<vmem>>)
    %dma_wait3A_73 = arith.constant 73 : i32
    %dma_wait3A_74 = arith.constant 1 : i32
    %dma_wait3A_75 = arith.constant 0 : i32
    %dma_wait3A_76 = arith.constant 0 : i32
    %dma_wait3A_77 = tpu.memref_slice %arg8[%dma_wait3A_74, %dma_wait3A_75, %dma_wait3A_76] : memref<3x128x64xf32, #tpu.memory_space<vmem>> -> memref<1x128x64xf32, #tpu.memory_space<vmem>>
    %dma_wait3A_78 = tpu.memref_squeeze %dma_wait3A_77 : memref<1x128x64xf32, #tpu.memory_space<vmem>> -> memref<128x64xf32, #tpu.memory_space<vmem>>
    %dma_wait3A_79 = arith.constant 0 : i32
    %dma_wait3A_80 = tpu.memref_slice %arg6[%dma_wait3A_73, %dma_wait3A_79] : memref<79x128xi32, #tpu.memory_space<vmem>> -> memref<1x128xi32, #tpu.memory_space<vmem>>
    %dma_wait3A_81 = tpu.memref_squeeze %dma_wait3A_80 : memref<1x128xi32, #tpu.memory_space<vmem>> -> memref<128xi32, #tpu.memory_space<vmem>>
    %dma_wait3A_82 = arith.constant 0 : i32
    %dma_wait3A_83 = arith.constant 0 : i32
    %dma_wait3A_84 = tpu.memref_slice %arg2[%dma_wait3A_82, %dma_wait3A_83] : memref<10240x64xf32, #tpu.memory_space<hbm>> -> memref<10240x64xf32, #tpu.memory_space<hbm>>
    tpu.wait_indirect_dma semaphore(%arg11 : memref<!tpu.dma_semaphore, #tpu.memory_space<semaphore_mem>>) src(%dma_wait3A_84 : memref<10240x64xf32, #tpu.memory_space<hbm>>) dst(%dma_wait3A_78 : memref<128x64xf32, #tpu.memory_space<vmem>>)
    %dma_wait3A_85 = arith.constant 74 : i32
    %dma_wait3A_86 = arith.constant 2 : i32
    %dma_wait3A_87 = arith.constant 0 : i32
    %dma_wait3A_88 = arith.constant 0 : i32
    %dma_wait3A_89 = tpu.memref_slice %arg8[%dma_wait3A_86, %dma_wait3A_87, %dma_wait3A_88] : memref<3x128x64xf32, #tpu.memory_space<vmem>> -> memref<1x128x64xf32, #tpu.memory_space<vmem>>
    %dma_wait3A_90 = tpu.memref_squeeze %dma_wait3A_89 : memref<1x128x64xf32, #tpu.memory_space<vmem>> -> memref<128x64xf32, #tpu.memory_space<vmem>>
    %dma_wait3A_91 = arith.constant 0 : i32
    %dma_wait3A_92 = tpu.memref_slice %arg6[%dma_wait3A_85, %dma_wait3A_91] : memref<79x128xi32, #tpu.memory_space<vmem>> -> memref<1x128xi32, #tpu.memory_space<vmem>>
    %dma_wait3A_93 = tpu.memref_squeeze %dma_wait3A_92 : memref<1x128xi32, #tpu.memory_space<vmem>> -> memref<128xi32, #tpu.memory_space<vmem>>
    %dma_wait3A_94 = arith.constant 0 : i32
    %dma_wait3A_95 = arith.constant 0 : i32
    %dma_wait3A_96 = tpu.memref_slice %arg2[%dma_wait3A_94, %dma_wait3A_95] : memref<10240x64xf32, #tpu.memory_space<hbm>> -> memref<10240x64xf32, #tpu.memory_space<hbm>>
    tpu.wait_indirect_dma semaphore(%arg11 : memref<!tpu.dma_semaphore, #tpu.memory_space<semaphore_mem>>) src(%dma_wait3A_96 : memref<10240x64xf32, #tpu.memory_space<hbm>>) dst(%dma_wait3A_90 : memref<128x64xf32, #tpu.memory_space<vmem>>)
    %dma_start3A_97 = arith.constant 0 : i32
    %dma_start3A_98 = arith.constant 72 : i32
    %dma_start3A_99 = arith.constant 0 : i32
    %dma_start3A_100 = arith.constant 0 : i32
    %dma_start3A_101 = tpu.memref_slice %arg8[%dma_start3A_97, %dma_start3A_99, %dma_start3A_100] : memref<3x128x64xf32, #tpu.memory_space<vmem>> -> memref<1x128x64xf32, #tpu.memory_space<vmem>>
    %dma_start3A_102 = tpu.memref_squeeze %dma_start3A_101 : memref<1x128x64xf32, #tpu.memory_space<vmem>> -> memref<128x64xf32, #tpu.memory_space<vmem>>
    %dma_start3A_103 = arith.constant 0 : i32
    %dma_start3A_104 = tpu.memref_slice %arg7[%dma_start3A_98, %dma_start3A_103] : memref<79x128xi32, #tpu.memory_space<vmem>> -> memref<1x128xi32, #tpu.memory_space<vmem>>
    %dma_start3A_105 = tpu.memref_squeeze %dma_start3A_104 : memref<1x128xi32, #tpu.memory_space<vmem>> -> memref<128xi32, #tpu.memory_space<vmem>>
    %dma_start3A_106 = arith.constant 0 : i32
    %dma_start3A_107 = arith.constant 0 : i32
    %dma_start3A_108 = tpu.memref_slice %arg10[%dma_start3A_106, %dma_start3A_107] : memref<10240x64xf32, #tpu.memory_space<vmem_shared>> -> memref<10240x64xf32, #tpu.memory_space<vmem_shared>>
    tpu.enqueue_indirect_dma source(%dma_start3A_102 : memref<128x64xf32, #tpu.memory_space<vmem>>) target(%dma_start3A_108 : memref<10240x64xf32, #tpu.memory_space<vmem_shared>>) offsets(%dma_start3A_105 : memref<128xi32, #tpu.memory_space<vmem>>) semaphore(%arg12 : memref<!tpu.dma_semaphore, #tpu.memory_space<semaphore_mem>>) {add = true}
    %dma_start3A_109 = arith.constant 1 : i32
    %dma_start3A_110 = arith.constant 73 : i32
    %dma_start3A_111 = arith.constant 0 : i32
    %dma_start3A_112 = arith.constant 0 : i32
    %dma_start3A_113 = tpu.memref_slice %arg8[%dma_start3A_109, %dma_start3A_111, %dma_start3A_112] : memref<3x128x64xf32, #tpu.memory_space<vmem>> -> memref<1x128x64xf32, #tpu.memory_space<vmem>>
    %dma_start3A_114 = tpu.memref_squeeze %dma_start3A_113 : memref<1x128x64xf32, #tpu.memory_space<vmem>> -> memref<128x64xf32, #tpu.memory_space<vmem>>
    %dma_start3A_115 = arith.constant 0 : i32
    %dma_start3A_116 = tpu.memref_slice %arg7[%dma_start3A_110, %dma_start3A_115] : memref<79x128xi32, #tpu.memory_space<vmem>> -> memref<1x128xi32, #tpu.memory_space<vmem>>
    %dma_start3A_117 = tpu.memref_squeeze %dma_start3A_116 : memref<1x128xi32, #tpu.memory_space<vmem>> -> memref<128xi32, #tpu.memory_space<vmem>>
    %dma_start3A_118 = arith.constant 0 : i32
    %dma_start3A_119 = arith.constant 0 : i32
    %dma_start3A_120 = tpu.memref_slice %arg10[%dma_start3A_118, %dma_start3A_119] : memref<10240x64xf32, #tpu.memory_space<vmem_shared>> -> memref<10240x64xf32, #tpu.memory_space<vmem_shared>>
    tpu.enqueue_indirect_dma source(%dma_start3A_114 : memref<128x64xf32, #tpu.memory_space<vmem>>) target(%dma_start3A_120 : memref<10240x64xf32, #tpu.memory_space<vmem_shared>>) offsets(%dma_start3A_117 : memref<128xi32, #tpu.memory_space<vmem>>) semaphore(%arg12 : memref<!tpu.dma_semaphore, #tpu.memory_space<semaphore_mem>>) {add = true}
    %dma_start3A_121 = arith.constant 2 : i32
    %dma_start3A_122 = arith.constant 74 : i32
    %dma_start3A_123 = arith.constant 0 : i32
    %dma_start3A_124 = arith.constant 0 : i32
    %dma_start3A_125 = tpu.memref_slice %arg8[%dma_start3A_121, %dma_start3A_123, %dma_start3A_124] : memref<3x128x64xf32, #tpu.memory_space<vmem>> -> memref<1x128x64xf32, #tpu.memory_space<vmem>>
    %dma_start3A_126 = tpu.memref_squeeze %dma_start3A_125 : memref<1x128x64xf32, #tpu.memory_space<vmem>> -> memref<128x64xf32, #tpu.memory_space<vmem>>
    %dma_start3A_127 = arith.constant 0 : i32
    %dma_start3A_128 = tpu.memref_slice %arg7[%dma_start3A_122, %dma_start3A_127] : memref<79x128xi32, #tpu.memory_space<vmem>> -> memref<1x128xi32, #tpu.memory_space<vmem>>
    %dma_start3A_129 = tpu.memref_squeeze %dma_start3A_128 : memref<1x128xi32, #tpu.memory_space<vmem>> -> memref<128xi32, #tpu.memory_space<vmem>>
    %dma_start3A_130 = arith.constant 0 : i32
    %dma_start3A_131 = arith.constant 0 : i32
    %dma_start3A_132 = tpu.memref_slice %arg10[%dma_start3A_130, %dma_start3A_131] : memref<10240x64xf32, #tpu.memory_space<vmem_shared>> -> memref<10240x64xf32, #tpu.memory_space<vmem_shared>>
    tpu.enqueue_indirect_dma source(%dma_start3A_126 : memref<128x64xf32, #tpu.memory_space<vmem>>) target(%dma_start3A_132 : memref<10240x64xf32, #tpu.memory_space<vmem_shared>>) offsets(%dma_start3A_129 : memref<128xi32, #tpu.memory_space<vmem>>) semaphore(%arg12 : memref<!tpu.dma_semaphore, #tpu.memory_space<semaphore_mem>>) {add = true}
    %dma_wait3A_133 = arith.constant 0 : i32
    %dma_wait3A_134 = arith.constant 69 : i32
    %dma_wait3A_135 = arith.constant 0 : i32
    %dma_wait3A_136 = arith.constant 0 : i32
    %dma_wait3A_137 = tpu.memref_slice %arg9[%dma_wait3A_133, %dma_wait3A_135, %dma_wait3A_136] : memref<3x128x64xf32, #tpu.memory_space<vmem>> -> memref<1x128x64xf32, #tpu.memory_space<vmem>>
    %dma_wait3A_138 = tpu.memref_squeeze %dma_wait3A_137 : memref<1x128x64xf32, #tpu.memory_space<vmem>> -> memref<128x64xf32, #tpu.memory_space<vmem>>
    %dma_wait3A_139 = arith.constant 0 : i32
    %dma_wait3A_140 = tpu.memref_slice %arg7[%dma_wait3A_134, %dma_wait3A_139] : memref<79x128xi32, #tpu.memory_space<vmem>> -> memref<1x128xi32, #tpu.memory_space<vmem>>
    %dma_wait3A_141 = tpu.memref_squeeze %dma_wait3A_140 : memref<1x128xi32, #tpu.memory_space<vmem>> -> memref<128xi32, #tpu.memory_space<vmem>>
    %dma_wait3A_142 = arith.constant 0 : i32
    %dma_wait3A_143 = arith.constant 0 : i32
    %dma_wait3A_144 = tpu.memref_slice %arg10[%dma_wait3A_142, %dma_wait3A_143] : memref<10240x64xf32, #tpu.memory_space<vmem_shared>> -> memref<10240x64xf32, #tpu.memory_space<vmem_shared>>
    tpu.wait_indirect_dma semaphore(%arg13 : memref<!tpu.dma_semaphore, #tpu.memory_space<semaphore_mem>>) src(%dma_wait3A_138 : memref<128x64xf32, #tpu.memory_space<vmem>>) dst(%dma_wait3A_144 : memref<10240x64xf32, #tpu.memory_space<vmem_shared>>)
    %dma_wait3A_145 = arith.constant 1 : i32
    %dma_wait3A_146 = arith.constant 70 : i32
    %dma_wait3A_147 = arith.constant 0 : i32
    %dma_wait3A_148 = arith.constant 0 : i32
    %dma_wait3A_149 = tpu.memref_slice %arg9[%dma_wait3A_145, %dma_wait3A_147, %dma_wait3A_148] : memref<3x128x64xf32, #tpu.memory_space<vmem>> -> memref<1x128x64xf32, #tpu.memory_space<vmem>>
    %dma_wait3A_150 = tpu.memref_squeeze %dma_wait3A_149 : memref<1x128x64xf32, #tpu.memory_space<vmem>> -> memref<128x64xf32, #tpu.memory_space<vmem>>
    %dma_wait3A_151 = arith.constant 0 : i32
    %dma_wait3A_152 = tpu.memref_slice %arg7[%dma_wait3A_146, %dma_wait3A_151] : memref<79x128xi32, #tpu.memory_space<vmem>> -> memref<1x128xi32, #tpu.memory_space<vmem>>
    %dma_wait3A_153 = tpu.memref_squeeze %dma_wait3A_152 : memref<1x128xi32, #tpu.memory_space<vmem>> -> memref<128xi32, #tpu.memory_space<vmem>>
    %dma_wait3A_154 = arith.constant 0 : i32
    %dma_wait3A_155 = arith.constant 0 : i32
    %dma_wait3A_156 = tpu.memref_slice %arg10[%dma_wait3A_154, %dma_wait3A_155] : memref<10240x64xf32, #tpu.memory_space<vmem_shared>> -> memref<10240x64xf32, #tpu.memory_space<vmem_shared>>
    tpu.wait_indirect_dma semaphore(%arg13 : memref<!tpu.dma_semaphore, #tpu.memory_space<semaphore_mem>>) src(%dma_wait3A_150 : memref<128x64xf32, #tpu.memory_space<vmem>>) dst(%dma_wait3A_156 : memref<10240x64xf32, #tpu.memory_space<vmem_shared>>)
    %dma_wait3A_157 = arith.constant 2 : i32
    %dma_wait3A_158 = arith.constant 71 : i32
    %dma_wait3A_159 = arith.constant 0 : i32
    %dma_wait3A_160 = arith.constant 0 : i32
    %dma_wait3A_161 = tpu.memref_slice %arg9[%dma_wait3A_157, %dma_wait3A_159, %dma_wait3A_160] : memref<3x128x64xf32, #tpu.memory_space<vmem>> -> memref<1x128x64xf32, #tpu.memory_space<vmem>>
    %dma_wait3A_162 = tpu.memref_squeeze %dma_wait3A_161 : memref<1x128x64xf32, #tpu.memory_space<vmem>> -> memref<128x64xf32, #tpu.memory_space<vmem>>
    %dma_wait3A_163 = arith.constant 0 : i32
    %dma_wait3A_164 = tpu.memref_slice %arg7[%dma_wait3A_158, %dma_wait3A_163] : memref<79x128xi32, #tpu.memory_space<vmem>> -> memref<1x128xi32, #tpu.memory_space<vmem>>
    %dma_wait3A_165 = tpu.memref_squeeze %dma_wait3A_164 : memref<1x128xi32, #tpu.memory_space<vmem>> -> memref<128xi32, #tpu.memory_space<vmem>>
    %dma_wait3A_166 = arith.constant 0 : i32
    %dma_wait3A_167 = arith.constant 0 : i32
    %dma_wait3A_168 = tpu.memref_slice %arg10[%dma_wait3A_166, %dma_wait3A_167] : memref<10240x64xf32, #tpu.memory_space<vmem_shared>> -> memref<10240x64xf32, #tpu.memory_space<vmem_shared>>
    tpu.wait_indirect_dma semaphore(%arg13 : memref<!tpu.dma_semaphore, #tpu.memory_space<semaphore_mem>>) src(%dma_wait3A_162 : memref<128x64xf32, #tpu.memory_space<vmem>>) dst(%dma_wait3A_168 : memref<10240x64xf32, #tpu.memory_space<vmem_shared>>)
    %dma_start3A_169 = arith.constant 75 : i32
    %dma_start3A_170 = arith.constant 0 : i32
    %dma_start3A_171 = arith.constant 0 : i32
    %dma_start3A_172 = arith.constant 0 : i32
    %dma_start3A_173 = tpu.memref_slice %arg9[%dma_start3A_170, %dma_start3A_171, %dma_start3A_172] : memref<3x128x64xf32, #tpu.memory_space<vmem>> -> memref<1x128x64xf32, #tpu.memory_space<vmem>>
    %dma_start3A_174 = tpu.memref_squeeze %dma_start3A_173 : memref<1x128x64xf32, #tpu.memory_space<vmem>> -> memref<128x64xf32, #tpu.memory_space<vmem>>
    %dma_start3A_175 = arith.constant 0 : i32
    %dma_start3A_176 = tpu.memref_slice %arg6[%dma_start3A_169, %dma_start3A_175] : memref<79x128xi32, #tpu.memory_space<vmem>> -> memref<1x128xi32, #tpu.memory_space<vmem>>
    %dma_start3A_177 = tpu.memref_squeeze %dma_start3A_176 : memref<1x128xi32, #tpu.memory_space<vmem>> -> memref<128xi32, #tpu.memory_space<vmem>>
    %dma_start3A_178 = arith.constant 0 : i32
    %dma_start3A_179 = arith.constant 0 : i32
    %dma_start3A_180 = tpu.memref_slice %arg2[%dma_start3A_178, %dma_start3A_179] : memref<10240x64xf32, #tpu.memory_space<hbm>> -> memref<10240x64xf32, #tpu.memory_space<hbm>>
    tpu.enqueue_indirect_dma source(%dma_start3A_180 : memref<10240x64xf32, #tpu.memory_space<hbm>>) target(%dma_start3A_174 : memref<128x64xf32, #tpu.memory_space<vmem>>) offsets(%dma_start3A_177 : memref<128xi32, #tpu.memory_space<vmem>>) semaphore(%arg11 : memref<!tpu.dma_semaphore, #tpu.memory_space<semaphore_mem>>)
    %dma_start3A_181 = arith.constant 76 : i32
    %dma_start3A_182 = arith.constant 1 : i32
    %dma_start3A_183 = arith.constant 0 : i32
    %dma_start3A_184 = arith.constant 0 : i32
    %dma_start3A_185 = tpu.memref_slice %arg9[%dma_start3A_182, %dma_start3A_183, %dma_start3A_184] : memref<3x128x64xf32, #tpu.memory_space<vmem>> -> memref<1x128x64xf32, #tpu.memory_space<vmem>>
    %dma_start3A_186 = tpu.memref_squeeze %dma_start3A_185 : memref<1x128x64xf32, #tpu.memory_space<vmem>> -> memref<128x64xf32, #tpu.memory_space<vmem>>
    %dma_start3A_187 = arith.constant 0 : i32
    %dma_start3A_188 = tpu.memref_slice %arg6[%dma_start3A_181, %dma_start3A_187] : memref<79x128xi32, #tpu.memory_space<vmem>> -> memref<1x128xi32, #tpu.memory_space<vmem>>
    %dma_start3A_189 = tpu.memref_squeeze %dma_start3A_188 : memref<1x128xi32, #tpu.memory_space<vmem>> -> memref<128xi32, #tpu.memory_space<vmem>>
    %dma_start3A_190 = arith.constant 0 : i32
    %dma_start3A_191 = arith.constant 0 : i32
    %dma_start3A_192 = tpu.memref_slice %arg2[%dma_start3A_190, %dma_start3A_191] : memref<10240x64xf32, #tpu.memory_space<hbm>> -> memref<10240x64xf32, #tpu.memory_space<hbm>>
    tpu.enqueue_indirect_dma source(%dma_start3A_192 : memref<10240x64xf32, #tpu.memory_space<hbm>>) target(%dma_start3A_186 : memref<128x64xf32, #tpu.memory_space<vmem>>) offsets(%dma_start3A_189 : memref<128xi32, #tpu.memory_space<vmem>>) semaphore(%arg11 : memref<!tpu.dma_semaphore, #tpu.memory_space<semaphore_mem>>)
    %dma_start3A_193 = arith.constant 77 : i32
    %dma_start3A_194 = arith.constant 2 : i32
    %dma_start3A_195 = arith.constant 0 : i32
    %dma_start3A_196 = arith.constant 0 : i32
    %dma_start3A_197 = tpu.memref_slice %arg9[%dma_start3A_194, %dma_start3A_195, %dma_start3A_196] : memref<3x128x64xf32, #tpu.memory_space<vmem>> -> memref<1x128x64xf32, #tpu.memory_space<vmem>>
    %dma_start3A_198 = tpu.memref_squeeze %dma_start3A_197 : memref<1x128x64xf32, #tpu.memory_space<vmem>> -> memref<128x64xf32, #tpu.memory_space<vmem>>
    %dma_start3A_199 = arith.constant 0 : i32
    %dma_start3A_200 = tpu.memref_slice %arg6[%dma_start3A_193, %dma_start3A_199] : memref<79x128xi32, #tpu.memory_space<vmem>> -> memref<1x128xi32, #tpu.memory_space<vmem>>
    %dma_start3A_201 = tpu.memref_squeeze %dma_start3A_200 : memref<1x128xi32, #tpu.memory_space<vmem>> -> memref<128xi32, #tpu.memory_space<vmem>>
    %dma_start3A_202 = arith.constant 0 : i32
    %dma_start3A_203 = arith.constant 0 : i32
    %dma_start3A_204 = tpu.memref_slice %arg2[%dma_start3A_202, %dma_start3A_203] : memref<10240x64xf32, #tpu.memory_space<hbm>> -> memref<10240x64xf32, #tpu.memory_space<hbm>>
    tpu.enqueue_indirect_dma source(%dma_start3A_204 : memref<10240x64xf32, #tpu.memory_space<hbm>>) target(%dma_start3A_198 : memref<128x64xf32, #tpu.memory_space<vmem>>) offsets(%dma_start3A_201 : memref<128xi32, #tpu.memory_space<vmem>>) semaphore(%arg11 : memref<!tpu.dma_semaphore, #tpu.memory_space<semaphore_mem>>)
    %dma_wait3A_205 = arith.constant 75 : i32
    %dma_wait3A_206 = arith.constant 0 : i32
    %dma_wait3A_207 = arith.constant 0 : i32
    %dma_wait3A_208 = arith.constant 0 : i32
    %dma_wait3A_209 = tpu.memref_slice %arg9[%dma_wait3A_206, %dma_wait3A_207, %dma_wait3A_208] : memref<3x128x64xf32, #tpu.memory_space<vmem>> -> memref<1x128x64xf32, #tpu.memory_space<vmem>>
    %dma_wait3A_210 = tpu.memref_squeeze %dma_wait3A_209 : memref<1x128x64xf32, #tpu.memory_space<vmem>> -> memref<128x64xf32, #tpu.memory_space<vmem>>
    %dma_wait3A_211 = arith.constant 0 : i32
    %dma_wait3A_212 = tpu.memref_slice %arg6[%dma_wait3A_205, %dma_wait3A_211] : memref<79x128xi32, #tpu.memory_space<vmem>> -> memref<1x128xi32, #tpu.memory_space<vmem>>
    %dma_wait3A_213 = tpu.memref_squeeze %dma_wait3A_212 : memref<1x128xi32, #tpu.memory_space<vmem>> -> memref<128xi32, #tpu.memory_space<vmem>>
    %dma_wait3A_214 = arith.constant 0 : i32
    %dma_wait3A_215 = arith.constant 0 : i32
    %dma_wait3A_216 = tpu.memref_slice %arg2[%dma_wait3A_214, %dma_wait3A_215] : memref<10240x64xf32, #tpu.memory_space<hbm>> -> memref<10240x64xf32, #tpu.memory_space<hbm>>
    tpu.wait_indirect_dma semaphore(%arg11 : memref<!tpu.dma_semaphore, #tpu.memory_space<semaphore_mem>>) src(%dma_wait3A_216 : memref<10240x64xf32, #tpu.memory_space<hbm>>) dst(%dma_wait3A_210 : memref<128x64xf32, #tpu.memory_space<vmem>>)
    %dma_wait3A_217 = arith.constant 76 : i32
    %dma_wait3A_218 = arith.constant 1 : i32
    %dma_wait3A_219 = arith.constant 0 : i32
    %dma_wait3A_220 = arith.constant 0 : i32
    %dma_wait3A_221 = tpu.memref_slice %arg9[%dma_wait3A_218, %dma_wait3A_219, %dma_wait3A_220] : memref<3x128x64xf32, #tpu.memory_space<vmem>> -> memref<1x128x64xf32, #tpu.memory_space<vmem>>
    %dma_wait3A_222 = tpu.memref_squeeze %dma_wait3A_221 : memref<1x128x64xf32, #tpu.memory_space<vmem>> -> memref<128x64xf32, #tpu.memory_space<vmem>>
    %dma_wait3A_223 = arith.constant 0 : i32
    %dma_wait3A_224 = tpu.memref_slice %arg6[%dma_wait3A_217, %dma_wait3A_223] : memref<79x128xi32, #tpu.memory_space<vmem>> -> memref<1x128xi32, #tpu.memory_space<vmem>>
    %dma_wait3A_225 = tpu.memref_squeeze %dma_wait3A_224 : memref<1x128xi32, #tpu.memory_space<vmem>> -> memref<128xi32, #tpu.memory_space<vmem>>
    %dma_wait3A_226 = arith.constant 0 : i32
    %dma_wait3A_227 = arith.constant 0 : i32
    %dma_wait3A_228 = tpu.memref_slice %arg2[%dma_wait3A_226, %dma_wait3A_227] : memref<10240x64xf32, #tpu.memory_space<hbm>> -> memref<10240x64xf32, #tpu.memory_space<hbm>>
    tpu.wait_indirect_dma semaphore(%arg11 : memref<!tpu.dma_semaphore, #tpu.memory_space<semaphore_mem>>) src(%dma_wait3A_228 : memref<10240x64xf32, #tpu.memory_space<hbm>>) dst(%dma_wait3A_222 : memref<128x64xf32, #tpu.memory_space<vmem>>)
    %dma_wait3A_229 = arith.constant 77 : i32
    %dma_wait3A_230 = arith.constant 2 : i32
    %dma_wait3A_231 = arith.constant 0 : i32
    %dma_wait3A_232 = arith.constant 0 : i32
    %dma_wait3A_233 = tpu.memref_slice %arg9[%dma_wait3A_230, %dma_wait3A_231, %dma_wait3A_232] : memref<3x128x64xf32, #tpu.memory_space<vmem>> -> memref<1x128x64xf32, #tpu.memory_space<vmem>>
    %dma_wait3A_234 = tpu.memref_squeeze %dma_wait3A_233 : memref<1x128x64xf32, #tpu.memory_space<vmem>> -> memref<128x64xf32, #tpu.memory_space<vmem>>
    %dma_wait3A_235 = arith.constant 0 : i32
    %dma_wait3A_236 = tpu.memref_slice %arg6[%dma_wait3A_229, %dma_wait3A_235] : memref<79x128xi32, #tpu.memory_space<vmem>> -> memref<1x128xi32, #tpu.memory_space<vmem>>
    %dma_wait3A_237 = tpu.memref_squeeze %dma_wait3A_236 : memref<1x128xi32, #tpu.memory_space<vmem>> -> memref<128xi32, #tpu.memory_space<vmem>>
    %dma_wait3A_238 = arith.constant 0 : i32
    %dma_wait3A_239 = arith.constant 0 : i32
    %dma_wait3A_240 = tpu.memref_slice %arg2[%dma_wait3A_238, %dma_wait3A_239] : memref<10240x64xf32, #tpu.memory_space<hbm>> -> memref<10240x64xf32, #tpu.memory_space<hbm>>
    tpu.wait_indirect_dma semaphore(%arg11 : memref<!tpu.dma_semaphore, #tpu.memory_space<semaphore_mem>>) src(%dma_wait3A_240 : memref<10240x64xf32, #tpu.memory_space<hbm>>) dst(%dma_wait3A_234 : memref<128x64xf32, #tpu.memory_space<vmem>>)
    %dma_start3A_241 = arith.constant 0 : i32
    %dma_start3A_242 = arith.constant 75 : i32
    %dma_start3A_243 = arith.constant 0 : i32
    %dma_start3A_244 = arith.constant 0 : i32
    %dma_start3A_245 = tpu.memref_slice %arg9[%dma_start3A_241, %dma_start3A_243, %dma_start3A_244] : memref<3x128x64xf32, #tpu.memory_space<vmem>> -> memref<1x128x64xf32, #tpu.memory_space<vmem>>
    %dma_start3A_246 = tpu.memref_squeeze %dma_start3A_245 : memref<1x128x64xf32, #tpu.memory_space<vmem>> -> memref<128x64xf32, #tpu.memory_space<vmem>>
    %dma_start3A_247 = arith.constant 0 : i32
    %dma_start3A_248 = tpu.memref_slice %arg7[%dma_start3A_242, %dma_start3A_247] : memref<79x128xi32, #tpu.memory_space<vmem>> -> memref<1x128xi32, #tpu.memory_space<vmem>>
    %dma_start3A_249 = tpu.memref_squeeze %dma_start3A_248 : memref<1x128xi32, #tpu.memory_space<vmem>> -> memref<128xi32, #tpu.memory_space<vmem>>
    %dma_start3A_250 = arith.constant 0 : i32
    %dma_start3A_251 = arith.constant 0 : i32
    %dma_start3A_252 = tpu.memref_slice %arg10[%dma_start3A_250, %dma_start3A_251] : memref<10240x64xf32, #tpu.memory_space<vmem_shared>> -> memref<10240x64xf32, #tpu.memory_space<vmem_shared>>
    tpu.enqueue_indirect_dma source(%dma_start3A_246 : memref<128x64xf32, #tpu.memory_space<vmem>>) target(%dma_start3A_252 : memref<10240x64xf32, #tpu.memory_space<vmem_shared>>) offsets(%dma_start3A_249 : memref<128xi32, #tpu.memory_space<vmem>>) semaphore(%arg13 : memref<!tpu.dma_semaphore, #tpu.memory_space<semaphore_mem>>) {add = true}
    %dma_start3A_253 = arith.constant 1 : i32
    %dma_start3A_254 = arith.constant 76 : i32
    %dma_start3A_255 = arith.constant 0 : i32
    %dma_start3A_256 = arith.constant 0 : i32
    %dma_start3A_257 = tpu.memref_slice %arg9[%dma_start3A_253, %dma_start3A_255, %dma_start3A_256] : memref<3x128x64xf32, #tpu.memory_space<vmem>> -> memref<1x128x64xf32, #tpu.memory_space<vmem>>
    %dma_start3A_258 = tpu.memref_squeeze %dma_start3A_257 : memref<1x128x64xf32, #tpu.memory_space<vmem>> -> memref<128x64xf32, #tpu.memory_space<vmem>>
    %dma_start3A_259 = arith.constant 0 : i32
    %dma_start3A_260 = tpu.memref_slice %arg7[%dma_start3A_254, %dma_start3A_259] : memref<79x128xi32, #tpu.memory_space<vmem>> -> memref<1x128xi32, #tpu.memory_space<vmem>>
    %dma_start3A_261 = tpu.memref_squeeze %dma_start3A_260 : memref<1x128xi32, #tpu.memory_space<vmem>> -> memref<128xi32, #tpu.memory_space<vmem>>
    %dma_start3A_262 = arith.constant 0 : i32
    %dma_start3A_263 = arith.constant 0 : i32
    %dma_start3A_264 = tpu.memref_slice %arg10[%dma_start3A_262, %dma_start3A_263] : memref<10240x64xf32, #tpu.memory_space<vmem_shared>> -> memref<10240x64xf32, #tpu.memory_space<vmem_shared>>
    tpu.enqueue_indirect_dma source(%dma_start3A_258 : memref<128x64xf32, #tpu.memory_space<vmem>>) target(%dma_start3A_264 : memref<10240x64xf32, #tpu.memory_space<vmem_shared>>) offsets(%dma_start3A_261 : memref<128xi32, #tpu.memory_space<vmem>>) semaphore(%arg13 : memref<!tpu.dma_semaphore, #tpu.memory_space<semaphore_mem>>) {add = true}
    %dma_start3A_265 = arith.constant 2 : i32
    %dma_start3A_266 = arith.constant 77 : i32
    %dma_start3A_267 = arith.constant 0 : i32
    %dma_start3A_268 = arith.constant 0 : i32
    %dma_start3A_269 = tpu.memref_slice %arg9[%dma_start3A_265, %dma_start3A_267, %dma_start3A_268] : memref<3x128x64xf32, #tpu.memory_space<vmem>> -> memref<1x128x64xf32, #tpu.memory_space<vmem>>
    %dma_start3A_270 = tpu.memref_squeeze %dma_start3A_269 : memref<1x128x64xf32, #tpu.memory_space<vmem>> -> memref<128x64xf32, #tpu.memory_space<vmem>>
    %dma_start3A_271 = arith.constant 0 : i32
    %dma_start3A_272 = tpu.memref_slice %arg7[%dma_start3A_266, %dma_start3A_271] : memref<79x128xi32, #tpu.memory_space<vmem>> -> memref<1x128xi32, #tpu.memory_space<vmem>>
    %dma_start3A_273 = tpu.memref_squeeze %dma_start3A_272 : memref<1x128xi32, #tpu.memory_space<vmem>> -> memref<128xi32, #tpu.memory_space<vmem>>
    %dma_start3A_274 = arith.constant 0 : i32
    %dma_start3A_275 = arith.constant 0 : i32
    %dma_start3A_276 = tpu.memref_slice %arg10[%dma_start3A_274, %dma_start3A_275] : memref<10240x64xf32, #tpu.memory_space<vmem_shared>> -> memref<10240x64xf32, #tpu.memory_space<vmem_shared>>
    tpu.enqueue_indirect_dma source(%dma_start3A_270 : memref<128x64xf32, #tpu.memory_space<vmem>>) target(%dma_start3A_276 : memref<10240x64xf32, #tpu.memory_space<vmem_shared>>) offsets(%dma_start3A_273 : memref<128xi32, #tpu.memory_space<vmem>>) semaphore(%arg13 : memref<!tpu.dma_semaphore, #tpu.memory_space<semaphore_mem>>) {add = true}
    %dma_wait3A_277 = arith.constant 0 : i32
    %dma_wait3A_278 = arith.constant 72 : i32
    %dma_wait3A_279 = arith.constant 0 : i32
    %dma_wait3A_280 = arith.constant 0 : i32
    %dma_wait3A_281 = tpu.memref_slice %arg8[%dma_wait3A_277, %dma_wait3A_279, %dma_wait3A_280] : memref<3x128x64xf32, #tpu.memory_space<vmem>> -> memref<1x128x64xf32, #tpu.memory_space<vmem>>
    %dma_wait3A_282 = tpu.memref_squeeze %dma_wait3A_281 : memref<1x128x64xf32, #tpu.memory_space<vmem>> -> memref<128x64xf32, #tpu.memory_space<vmem>>
    %dma_wait3A_283 = arith.constant 0 : i32
    %dma_wait3A_284 = tpu.memref_slice %arg7[%dma_wait3A_278, %dma_wait3A_283] : memref<79x128xi32, #tpu.memory_space<vmem>> -> memref<1x128xi32, #tpu.memory_space<vmem>>
    %dma_wait3A_285 = tpu.memref_squeeze %dma_wait3A_284 : memref<1x128xi32, #tpu.memory_space<vmem>> -> memref<128xi32, #tpu.memory_space<vmem>>
    %dma_wait3A_286 = arith.constant 0 : i32
    %dma_wait3A_287 = arith.constant 0 : i32
    %dma_wait3A_288 = tpu.memref_slice %arg10[%dma_wait3A_286, %dma_wait3A_287] : memref<10240x64xf32, #tpu.memory_space<vmem_shared>> -> memref<10240x64xf32, #tpu.memory_space<vmem_shared>>
    tpu.wait_indirect_dma semaphore(%arg12 : memref<!tpu.dma_semaphore, #tpu.memory_space<semaphore_mem>>) src(%dma_wait3A_282 : memref<128x64xf32, #tpu.memory_space<vmem>>) dst(%dma_wait3A_288 : memref<10240x64xf32, #tpu.memory_space<vmem_shared>>)
    %dma_wait3A_289 = arith.constant 1 : i32
    %dma_wait3A_290 = arith.constant 73 : i32
    %dma_wait3A_291 = arith.constant 0 : i32
    %dma_wait3A_292 = arith.constant 0 : i32
    %dma_wait3A_293 = tpu.memref_slice %arg8[%dma_wait3A_289, %dma_wait3A_291, %dma_wait3A_292] : memref<3x128x64xf32, #tpu.memory_space<vmem>> -> memref<1x128x64xf32, #tpu.memory_space<vmem>>
    %dma_wait3A_294 = tpu.memref_squeeze %dma_wait3A_293 : memref<1x128x64xf32, #tpu.memory_space<vmem>> -> memref<128x64xf32, #tpu.memory_space<vmem>>
    %dma_wait3A_295 = arith.constant 0 : i32
    %dma_wait3A_296 = tpu.memref_slice %arg7[%dma_wait3A_290, %dma_wait3A_295] : memref<79x128xi32, #tpu.memory_space<vmem>> -> memref<1x128xi32, #tpu.memory_space<vmem>>
    %dma_wait3A_297 = tpu.memref_squeeze %dma_wait3A_296 : memref<1x128xi32, #tpu.memory_space<vmem>> -> memref<128xi32, #tpu.memory_space<vmem>>
    %dma_wait3A_298 = arith.constant 0 : i32
    %dma_wait3A_299 = arith.constant 0 : i32
    %dma_wait3A_300 = tpu.memref_slice %arg10[%dma_wait3A_298, %dma_wait3A_299] : memref<10240x64xf32, #tpu.memory_space<vmem_shared>> -> memref<10240x64xf32, #tpu.memory_space<vmem_shared>>
    tpu.wait_indirect_dma semaphore(%arg12 : memref<!tpu.dma_semaphore, #tpu.memory_space<semaphore_mem>>) src(%dma_wait3A_294 : memref<128x64xf32, #tpu.memory_space<vmem>>) dst(%dma_wait3A_300 : memref<10240x64xf32, #tpu.memory_space<vmem_shared>>)
    %dma_wait3A_301 = arith.constant 2 : i32
    %dma_wait3A_302 = arith.constant 74 : i32
    %dma_wait3A_303 = arith.constant 0 : i32
    %dma_wait3A_304 = arith.constant 0 : i32
    %dma_wait3A_305 = tpu.memref_slice %arg8[%dma_wait3A_301, %dma_wait3A_303, %dma_wait3A_304] : memref<3x128x64xf32, #tpu.memory_space<vmem>> -> memref<1x128x64xf32, #tpu.memory_space<vmem>>
    %dma_wait3A_306 = tpu.memref_squeeze %dma_wait3A_305 : memref<1x128x64xf32, #tpu.memory_space<vmem>> -> memref<128x64xf32, #tpu.memory_space<vmem>>
    %dma_wait3A_307 = arith.constant 0 : i32
    %dma_wait3A_308 = tpu.memref_slice %arg7[%dma_wait3A_302, %dma_wait3A_307] : memref<79x128xi32, #tpu.memory_space<vmem>> -> memref<1x128xi32, #tpu.memory_space<vmem>>
    %dma_wait3A_309 = tpu.memref_squeeze %dma_wait3A_308 : memref<1x128xi32, #tpu.memory_space<vmem>> -> memref<128xi32, #tpu.memory_space<vmem>>
    %dma_wait3A_310 = arith.constant 0 : i32
    %dma_wait3A_311 = arith.constant 0 : i32
    %dma_wait3A_312 = tpu.memref_slice %arg10[%dma_wait3A_310, %dma_wait3A_311] : memref<10240x64xf32, #tpu.memory_space<vmem_shared>> -> memref<10240x64xf32, #tpu.memory_space<vmem_shared>>
    tpu.wait_indirect_dma semaphore(%arg12 : memref<!tpu.dma_semaphore, #tpu.memory_space<semaphore_mem>>) src(%dma_wait3A_306 : memref<128x64xf32, #tpu.memory_space<vmem>>) dst(%dma_wait3A_312 : memref<10240x64xf32, #tpu.memory_space<vmem_shared>>)
    %convert_element_type3A_313 = arith.extui %lt3A_5 : i1 to i32
    %cond3A_314 = arith.constant 0 : i32
    %cond3A_315 = arith.cmpi ne, %convert_element_type3A_313, %cond3A_314 : i32
    scf.if %cond3A_315 {
      %dma_start3A_357 = arith.constant 78 : i32
      %dma_start3A_358 = arith.constant 0 : i32
      %dma_start3A_359 = arith.constant 0 : i32
      %dma_start3A_360 = arith.constant 0 : i32
      %dma_start3A_361 = tpu.memref_slice %arg8[%dma_start3A_358, %dma_start3A_359, %dma_start3A_360] : memref<3x128x64xf32, #tpu.memory_space<vmem>> -> memref<1x128x64xf32, #tpu.memory_space<vmem>>
      %dma_start3A_362 = tpu.memref_squeeze %dma_start3A_361 : memref<1x128x64xf32, #tpu.memory_space<vmem>> -> memref<128x64xf32, #tpu.memory_space<vmem>>
      %dma_start3A_363 = arith.constant 0 : i32
      %dma_start3A_364 = tpu.memref_slice %arg6[%dma_start3A_357, %dma_start3A_363] : memref<79x128xi32, #tpu.memory_space<vmem>> -> memref<1x128xi32, #tpu.memory_space<vmem>>
      %dma_start3A_365 = tpu.memref_squeeze %dma_start3A_364 : memref<1x128xi32, #tpu.memory_space<vmem>> -> memref<128xi32, #tpu.memory_space<vmem>>
      %dma_start3A_366 = arith.constant 0 : i32
      %dma_start3A_367 = arith.constant 0 : i32
      %dma_start3A_368 = tpu.memref_slice %arg2[%dma_start3A_366, %dma_start3A_367] : memref<10240x64xf32, #tpu.memory_space<hbm>> -> memref<10240x64xf32, #tpu.memory_space<hbm>>
      tpu.enqueue_indirect_dma source(%dma_start3A_368 : memref<10240x64xf32, #tpu.memory_space<hbm>>) target(%dma_start3A_362 : memref<128x64xf32, #tpu.memory_space<vmem>>) offsets(%dma_start3A_365 : memref<128xi32, #tpu.memory_space<vmem>>) semaphore(%arg11 : memref<!tpu.dma_semaphore, #tpu.memory_space<semaphore_mem>>)
      %dma_wait3A_369 = arith.constant 78 : i32
      %dma_wait3A_370 = arith.constant 0 : i32
      %dma_wait3A_371 = arith.constant 0 : i32
      %dma_wait3A_372 = arith.constant 0 : i32
      %dma_wait3A_373 = tpu.memref_slice %arg8[%dma_wait3A_370, %dma_wait3A_371, %dma_wait3A_372] : memref<3x128x64xf32, #tpu.memory_space<vmem>> -> memref<1x128x64xf32, #tpu.memory_space<vmem>>
      %dma_wait3A_374 = tpu.memref_squeeze %dma_wait3A_373 : memref<1x128x64xf32, #tpu.memory_space<vmem>> -> memref<128x64xf32, #tpu.memory_space<vmem>>
      %dma_wait3A_375 = arith.constant 0 : i32
      %dma_wait3A_376 = tpu.memref_slice %arg6[%dma_wait3A_369, %dma_wait3A_375] : memref<79x128xi32, #tpu.memory_space<vmem>> -> memref<1x128xi32, #tpu.memory_space<vmem>>
      %dma_wait3A_377 = tpu.memref_squeeze %dma_wait3A_376 : memref<1x128xi32, #tpu.memory_space<vmem>> -> memref<128xi32, #tpu.memory_space<vmem>>
      %dma_wait3A_378 = arith.constant 0 : i32
      %dma_wait3A_379 = arith.constant 0 : i32
      %dma_wait3A_380 = tpu.memref_slice %arg2[%dma_wait3A_378, %dma_wait3A_379] : memref<10240x64xf32, #tpu.memory_space<hbm>> -> memref<10240x64xf32, #tpu.memory_space<hbm>>
      tpu.wait_indirect_dma semaphore(%arg11 : memref<!tpu.dma_semaphore, #tpu.memory_space<semaphore_mem>>) src(%dma_wait3A_380 : memref<10240x64xf32, #tpu.memory_space<hbm>>) dst(%dma_wait3A_374 : memref<128x64xf32, #tpu.memory_space<vmem>>)
      %run_scoped3A = arith.constant 0 : i32
      %run_scoped3A_381 = arith.constant 78 : i32
      "tpu.region"() ({
        %run_scoped3A_382 = tpu.sem_alloc : memref<!tpu.dma_semaphore, #tpu.memory_space<semaphore_mem>>
        %dma_start3A_383 = arith.constant 0 : i32
        %dma_start3A_384 = arith.constant 0 : i32
        %dma_start3A_385 = tpu.memref_slice %arg8[%run_scoped3A, %dma_start3A_383, %dma_start3A_384] : memref<3x128x64xf32, #tpu.memory_space<vmem>> -> memref<1x128x64xf32, #tpu.memory_space<vmem>>
        %dma_start3A_386 = tpu.memref_squeeze %dma_start3A_385 : memref<1x128x64xf32, #tpu.memory_space<vmem>> -> memref<128x64xf32, #tpu.memory_space<vmem>>
        %dma_start3A_387 = arith.constant 0 : i32
        %dma_start3A_388 = tpu.memref_slice %arg7[%run_scoped3A_381, %dma_start3A_387] : memref<79x128xi32, #tpu.memory_space<vmem>> -> memref<1x128xi32, #tpu.memory_space<vmem>>
        %dma_start3A_389 = tpu.memref_squeeze %dma_start3A_388 : memref<1x128xi32, #tpu.memory_space<vmem>> -> memref<128xi32, #tpu.memory_space<vmem>>
        %dma_start3A_390 = arith.constant 0 : i32
        %dma_start3A_391 = arith.constant 0 : i32
        %dma_start3A_392 = tpu.memref_slice %arg10[%dma_start3A_390, %dma_start3A_391] : memref<10240x64xf32, #tpu.memory_space<vmem_shared>> -> memref<10240x64xf32, #tpu.memory_space<vmem_shared>>
        tpu.enqueue_indirect_dma source(%dma_start3A_386 : memref<128x64xf32, #tpu.memory_space<vmem>>) target(%dma_start3A_392 : memref<10240x64xf32, #tpu.memory_space<vmem_shared>>) offsets(%dma_start3A_389 : memref<128xi32, #tpu.memory_space<vmem>>) semaphore(%run_scoped3A_382 : memref<!tpu.dma_semaphore, #tpu.memory_space<semaphore_mem>>) {add = true}
        %dma_wait3A_393 = arith.constant 0 : i32
        %dma_wait3A_394 = arith.constant 0 : i32
        %dma_wait3A_395 = tpu.memref_slice %arg8[%run_scoped3A, %dma_wait3A_393, %dma_wait3A_394] : memref<3x128x64xf32, #tpu.memory_space<vmem>> -> memref<1x128x64xf32, #tpu.memory_space<vmem>>
        %dma_wait3A_396 = tpu.memref_squeeze %dma_wait3A_395 : memref<1x128x64xf32, #tpu.memory_space<vmem>> -> memref<128x64xf32, #tpu.memory_space<vmem>>
        %dma_wait3A_397 = arith.constant 0 : i32
        %dma_wait3A_398 = tpu.memref_slice %arg7[%run_scoped3A_381, %dma_wait3A_397] : memref<79x128xi32, #tpu.memory_space<vmem>> -> memref<1x128xi32, #tpu.memory_space<vmem>>
        %dma_wait3A_399 = tpu.memref_squeeze %dma_wait3A_398 : memref<1x128xi32, #tpu.memory_space<vmem>> -> memref<128xi32, #tpu.memory_space<vmem>>
        %dma_wait3A_400 = arith.constant 0 : i32
        %dma_wait3A_401 = arith.constant 0 : i32
        %dma_wait3A_402 = tpu.memref_slice %arg10[%dma_wait3A_400, %dma_wait3A_401] : memref<10240x64xf32, #tpu.memory_space<vmem_shared>> -> memref<10240x64xf32, #tpu.memory_space<vmem_shared>>
        tpu.wait_indirect_dma semaphore(%run_scoped3A_382 : memref<!tpu.dma_semaphore, #tpu.memory_space<semaphore_mem>>) src(%dma_wait3A_396 : memref<128x64xf32, #tpu.memory_space<vmem>>) dst(%dma_wait3A_402 : memref<10240x64xf32, #tpu.memory_space<vmem_shared>>)
        tpu.yield
      }) : () -> ()
    } else {
    }
    %dma_wait3A_316 = arith.constant 0 : i32
    %dma_wait3A_317 = arith.constant 75 : i32
    %dma_wait3A_318 = arith.constant 0 : i32
    %dma_wait3A_319 = arith.constant 0 : i32
    %dma_wait3A_320 = tpu.memref_slice %arg9[%dma_wait3A_316, %dma_wait3A_318, %dma_wait3A_319] : memref<3x128x64xf32, #tpu.memory_space<vmem>> -> memref<1x128x64xf32, #tpu.memory_space<vmem>>
    %dma_wait3A_321 = tpu.memref_squeeze %dma_wait3A_320 : memref<1x128x64xf32, #tpu.memory_space<vmem>> -> memref<128x64xf32, #tpu.memory_space<vmem>>
    %dma_wait3A_322 = arith.constant 0 : i32
    %dma_wait3A_323 = tpu.memref_slice %arg7[%dma_wait3A_317, %dma_wait3A_322] : memref<79x128xi32, #tpu.memory_space<vmem>> -> memref<1x128xi32, #tpu.memory_space<vmem>>
    %dma_wait3A_324 = tpu.memref_squeeze %dma_wait3A_323 : memref<1x128xi32, #tpu.memory_space<vmem>> -> memref<128xi32, #tpu.memory_space<vmem>>
    %dma_wait3A_325 = arith.constant 0 : i32
    %dma_wait3A_326 = arith.constant 0 : i32
    %dma_wait3A_327 = tpu.memref_slice %arg10[%dma_wait3A_325, %dma_wait3A_326] : memref<10240x64xf32, #tpu.memory_space<vmem_shared>> -> memref<10240x64xf32, #tpu.memory_space<vmem_shared>>
    tpu.wait_indirect_dma semaphore(%arg13 : memref<!tpu.dma_semaphore, #tpu.memory_space<semaphore_mem>>) src(%dma_wait3A_321 : memref<128x64xf32, #tpu.memory_space<vmem>>) dst(%dma_wait3A_327 : memref<10240x64xf32, #tpu.memory_space<vmem_shared>>)
    %dma_wait3A_328 = arith.constant 1 : i32
    %dma_wait3A_329 = arith.constant 76 : i32
    %dma_wait3A_330 = arith.constant 0 : i32
    %dma_wait3A_331 = arith.constant 0 : i32
    %dma_wait3A_332 = tpu.memref_slice %arg9[%dma_wait3A_328, %dma_wait3A_330, %dma_wait3A_331] : memref<3x128x64xf32, #tpu.memory_space<vmem>> -> memref<1x128x64xf32, #tpu.memory_space<vmem>>
    %dma_wait3A_333 = tpu.memref_squeeze %dma_wait3A_332 : memref<1x128x64xf32, #tpu.memory_space<vmem>> -> memref<128x64xf32, #tpu.memory_space<vmem>>
    %dma_wait3A_334 = arith.constant 0 : i32
    %dma_wait3A_335 = tpu.memref_slice %arg7[%dma_wait3A_329, %dma_wait3A_334] : memref<79x128xi32, #tpu.memory_space<vmem>> -> memref<1x128xi32, #tpu.memory_space<vmem>>
    %dma_wait3A_336 = tpu.memref_squeeze %dma_wait3A_335 : memref<1x128xi32, #tpu.memory_space<vmem>> -> memref<128xi32, #tpu.memory_space<vmem>>
    %dma_wait3A_337 = arith.constant 0 : i32
    %dma_wait3A_338 = arith.constant 0 : i32
    %dma_wait3A_339 = tpu.memref_slice %arg10[%dma_wait3A_337, %dma_wait3A_338] : memref<10240x64xf32, #tpu.memory_space<vmem_shared>> -> memref<10240x64xf32, #tpu.memory_space<vmem_shared>>
    tpu.wait_indirect_dma semaphore(%arg13 : memref<!tpu.dma_semaphore, #tpu.memory_space<semaphore_mem>>) src(%dma_wait3A_333 : memref<128x64xf32, #tpu.memory_space<vmem>>) dst(%dma_wait3A_339 : memref<10240x64xf32, #tpu.memory_space<vmem_shared>>)
    %dma_wait3A_340 = arith.constant 2 : i32
    %dma_wait3A_341 = arith.constant 77 : i32
    %dma_wait3A_342 = arith.constant 0 : i32
    %dma_wait3A_343 = arith.constant 0 : i32
    %dma_wait3A_344 = tpu.memref_slice %arg9[%dma_wait3A_340, %dma_wait3A_342, %dma_wait3A_343] : memref<3x128x64xf32, #tpu.memory_space<vmem>> -> memref<1x128x64xf32, #tpu.memory_space<vmem>>
    %dma_wait3A_345 = tpu.memref_squeeze %dma_wait3A_344 : memref<1x128x64xf32, #tpu.memory_space<vmem>> -> memref<128x64xf32, #tpu.memory_space<vmem>>
    %dma_wait3A_346 = arith.constant 0 : i32
    %dma_wait3A_347 = tpu.memref_slice %arg7[%dma_wait3A_341, %dma_wait3A_346] : memref<79x128xi32, #tpu.memory_space<vmem>> -> memref<1x128xi32, #tpu.memory_space<vmem>>
    %dma_wait3A_348 = tpu.memref_squeeze %dma_wait3A_347 : memref<1x128xi32, #tpu.memory_space<vmem>> -> memref<128xi32, #tpu.memory_space<vmem>>
    %dma_wait3A_349 = arith.constant 0 : i32
    %dma_wait3A_350 = arith.constant 0 : i32
    %dma_wait3A_351 = tpu.memref_slice %arg10[%dma_wait3A_349, %dma_wait3A_350] : memref<10240x64xf32, #tpu.memory_space<vmem_shared>> -> memref<10240x64xf32, #tpu.memory_space<vmem_shared>>
    tpu.wait_indirect_dma semaphore(%arg13 : memref<!tpu.dma_semaphore, #tpu.memory_space<semaphore_mem>>) src(%dma_wait3A_345 : memref<128x64xf32, #tpu.memory_space<vmem>>) dst(%dma_wait3A_351 : memref<10240x64xf32, #tpu.memory_space<vmem_shared>>)
    %barrier3A_352 = arith.constant 0 : index
    tpu.barrier barrier_id(%barrier3A_352)
    %mul3A_353 = arith.constant 640 : i32
    %mul3A_354 = arith.muli %arg1, %mul3A_353 : i32
    %mul3A_355 = arith.constant 640 : i32
    %mul3A_356 = arith.muli %arg1, %mul3A_355 : i32
    "tpu.region"() ({
      %run_scoped3A = tpu.sem_alloc : memref<!tpu.dma_semaphore, #tpu.memory_space<semaphore_mem>>
      %dma_start3A_357 = arith.constant 0 : i32
      %dma_start3A_358 = tpu.memref_slice %arg5[%arg0, %mul3A_356, %dma_start3A_357] : memref<2x10240x64xf32, #tpu.memory_space<hbm>> -> memref<1x640x64xf32, #tpu.memory_space<hbm>>
      %dma_start3A_359 = tpu.memref_squeeze %dma_start3A_358 : memref<1x640x64xf32, #tpu.memory_space<hbm>> -> memref<640x64xf32, #tpu.memory_space<hbm>>
      %dma_start3A_360 = arith.constant 0 : i32
      %dma_start3A_361 = tpu.memref_slice %arg10[%mul3A_354, %dma_start3A_360] : memref<10240x64xf32, #tpu.memory_space<vmem_shared>> -> memref<640x64xf32, #tpu.memory_space<vmem_shared>>
      tpu.enqueue_dma source(%dma_start3A_361 : memref<640x64xf32, #tpu.memory_space<vmem_shared>>) target(%dma_start3A_359 : memref<640x64xf32, #tpu.memory_space<hbm>>) target_semaphore(%run_scoped3A : memref<!tpu.dma_semaphore, #tpu.memory_space<semaphore_mem>>)
      %dma_wait3A_362 = arith.constant 0 : i32
      %dma_wait3A_363 = tpu.memref_slice %arg5[%arg0, %mul3A_356, %dma_wait3A_362] : memref<2x10240x64xf32, #tpu.memory_space<hbm>> -> memref<1x640x64xf32, #tpu.memory_space<hbm>>
      %dma_wait3A_364 = tpu.memref_squeeze %dma_wait3A_363 : memref<1x640x64xf32, #tpu.memory_space<hbm>> -> memref<640x64xf32, #tpu.memory_space<hbm>>
      %dma_wait3A_365 = arith.constant 0 : i32
      %dma_wait3A_366 = tpu.memref_slice %arg10[%mul3A_354, %dma_wait3A_365] : memref<10240x64xf32, #tpu.memory_space<vmem_shared>> -> memref<640x64xf32, #tpu.memory_space<vmem_shared>>
      tpu.wait_dma2 semaphore(%run_scoped3A : memref<!tpu.dma_semaphore, #tpu.memory_space<semaphore_mem>>) src(%dma_wait3A_366 : memref<640x64xf32, #tpu.memory_space<vmem_shared>>) dst(%dma_wait3A_364 : memref<640x64xf32, #tpu.memory_space<hbm>>)
      tpu.yield
    }) : () -> ()
    return
  }
}

#map = affine_map<(d0, d1) -> (0, 0)>
module attributes {stable_mosaic.version = 14 : i64} {
  func.func @_deg_kernel(%arg0: i32, %arg1: i32, %arg2: memref<2500x128xi32, #tpu.memory_space<hbm>>, %arg3: memref<2x10240xf32, #tpu.memory_space<hbm>>, %arg4: memref<79x128xi32, #tpu.memory_space<vmem>>, %arg5: memref<128xf32, #tpu.memory_space<vmem>>, %arg6: memref<640xf32, #tpu.memory_space<vmem>>, %arg7: memref<10240xf32, #tpu.memory_space<vmem_shared>>) attributes {dimension_semantics = [#tpu.dimension_semantics<core_parallel>, #tpu.dimension_semantics<subcore_parallel>], iteration_bounds = array<i64: 2, 16>, scalar_prefetch = 0 : i64, scratch_operands = 4 : i64, tpu.core_type = #tpu.core_type<sc_vector_subcore>, window_params = [{transform_indices = #map}, {transform_indices = #map}]} {
    %mul3A = arith.constant 16 : i32
    %mul3A_0 = arith.muli %arg0, %mul3A : i32
    %add3A = arith.addi %mul3A_0, %arg1 : i32
    %mul3A_1 = arith.constant 78 : i32
    %mul3A_2 = arith.muli %add3A, %mul3A_1 : i32
    %min3A = arith.constant 4 : i32
    %min3A_3 = arith.minsi %add3A, %min3A : i32
    %add3A_4 = arith.addi %mul3A_2, %min3A_3 : i32
    %lt3A = arith.constant 4 : i32
    %lt3A_5 = arith.cmpi slt, %add3A, %lt3A : i32
    %scan3A = arith.constant 0 : i32
    %scan3A_6 = arith.constant 0 : i32
    %scan3A_7 = arith.constant 40 : i32
    %scan3A_8 = arith.addi %scan3A_6, %scan3A_7 : i32
    %scan3A_9 = arith.constant 1 : i32
    %scan3A_10 = scf.for %scan3A_41 = %scan3A_6 to %scan3A_8 step %scan3A_9 iter_args(%scan3A_42 = %scan3A) -> (i32)  : i32 {
      %broadcast_in_dim3A = arith.constant 0.000000e+00 : f32
      %broadcast_in_dim3A_43 = vector.broadcast %broadcast_in_dim3A : f32 to vector<16xf32>
      %mul3A_44 = arith.constant 16 : i32
      %mul3A_45 = arith.muli %scan3A_41, %mul3A_44 : i32
      %swap3A = arith.index_cast %mul3A_45 : i32 to index
      %swap3A_46 = tpu.vector_load %arg6[%swap3A] {strides = array<i32>} : memref<640xf32, #tpu.memory_space<vmem>>, vector<16xf32>,
      %swap3A_47 = vector.shape_cast %swap3A_46 : vector<16xf32> to vector<16xf32>
      %swap3A_48 = vector.shape_cast %broadcast_in_dim3A_43 : vector<16xf32> to vector<16xf32>
      tpu.vector_store %arg6[%swap3A], %swap3A_48 {strides = array<i32>} : memref<640xf32, #tpu.memory_space<vmem>>, vector<16xf32>,
      %scan3A_49 = arith.constant 0 : i32
      scf.yield %scan3A_49 : i32
    }
    %scan3A_11 = arith.constant 40 : i32
    %scan3A_12 = arith.constant 0 : i32
    %scan3A_13 = arith.constant 0 : i32
    %scan3A_14 = arith.constant 8 : i32
    %scan3A_15 = arith.addi %scan3A_13, %scan3A_14 : i32
    %scan3A_16 = arith.constant 1 : i32
    %scan3A_17 = scf.for %scan3A_41 = %scan3A_13 to %scan3A_15 step %scan3A_16 iter_args(%scan3A_42 = %scan3A_12) -> (i32)  : i32 {
      %broadcast_in_dim3A = arith.constant 1.000000e+00 : f32
      %broadcast_in_dim3A_43 = vector.broadcast %broadcast_in_dim3A : f32 to vector<16xf32>
      %mul3A_44 = arith.constant 16 : i32
      %mul3A_45 = arith.muli %scan3A_41, %mul3A_44 : i32
      %swap3A = arith.index_cast %mul3A_45 : i32 to index
      %swap3A_46 = tpu.vector_load %arg5[%swap3A] {strides = array<i32>} : memref<128xf32, #tpu.memory_space<vmem>>, vector<16xf32>,
      %swap3A_47 = vector.shape_cast %swap3A_46 : vector<16xf32> to vector<16xf32>
      %swap3A_48 = vector.shape_cast %broadcast_in_dim3A_43 : vector<16xf32> to vector<16xf32>
      tpu.vector_store %arg5[%swap3A], %swap3A_48 {strides = array<i32>} : memref<128xf32, #tpu.memory_space<vmem>>, vector<16xf32>,
      %scan3A_49 = arith.constant 0 : i32
      scf.yield %scan3A_49 : i32
    }
    %scan3A_18 = arith.constant 8 : i32
    "tpu.region"() ({
      %run_scoped3A = tpu.sem_alloc : memref<!tpu.dma_semaphore, #tpu.memory_space<semaphore_mem>>
      %dma_start3A = arith.constant 0 : i32
      %dma_start3A_41 = arith.constant 0 : i32
      %dma_start3A_42 = tpu.memref_slice %arg4[%dma_start3A, %dma_start3A_41] : memref<79x128xi32, #tpu.memory_space<vmem>> -> memref<78x128xi32, #tpu.memory_space<vmem>>
      %dma_start3A_43 = arith.constant 0 : i32
      %dma_start3A_44 = tpu.memref_slice %arg2[%add3A_4, %dma_start3A_43] : memref<2500x128xi32, #tpu.memory_space<hbm>> -> memref<78x128xi32, #tpu.memory_space<hbm>>
      %dma_start3A_45 = arith.constant 0 : i32
      %dma_start3A_46 = arith.constant 0 : i32
      %dma_start3A_47 = tpu.memref_slice %arg4[%dma_start3A_45, %dma_start3A_46] : memref<79x128xi32, #tpu.memory_space<vmem>> -> memref<78x128xi32, #tpu.memory_space<vmem>>
      %dma_start3A_48 = arith.constant 0 : i32
      %dma_start3A_49 = tpu.memref_slice %arg2[%add3A_4, %dma_start3A_48] : memref<2500x128xi32, #tpu.memory_space<hbm>> -> memref<78x128xi32, #tpu.memory_space<hbm>>
      tpu.enqueue_dma source(%dma_start3A_49 : memref<78x128xi32, #tpu.memory_space<hbm>>) target(%dma_start3A_47 : memref<78x128xi32, #tpu.memory_space<vmem>>) target_semaphore(%run_scoped3A : memref<!tpu.dma_semaphore, #tpu.memory_space<semaphore_mem>>)
      %dma_wait3A = arith.constant 0 : i32
      %dma_wait3A_50 = arith.constant 0 : i32
      %dma_wait3A_51 = tpu.memref_slice %arg4[%dma_wait3A, %dma_wait3A_50] : memref<79x128xi32, #tpu.memory_space<vmem>> -> memref<78x128xi32, #tpu.memory_space<vmem>>
      %dma_wait3A_52 = arith.constant 0 : i32
      %dma_wait3A_53 = tpu.memref_slice %arg2[%add3A_4, %dma_wait3A_52] : memref<2500x128xi32, #tpu.memory_space<hbm>> -> memref<78x128xi32, #tpu.memory_space<hbm>>
      %dma_wait3A_54 = arith.constant 0 : i32
      %dma_wait3A_55 = arith.constant 0 : i32
      %dma_wait3A_56 = tpu.memref_slice %arg4[%dma_wait3A_54, %dma_wait3A_55] : memref<79x128xi32, #tpu.memory_space<vmem>> -> memref<78x128xi32, #tpu.memory_space<vmem>>
      %dma_wait3A_57 = arith.constant 0 : i32
      %dma_wait3A_58 = tpu.memref_slice %arg2[%add3A_4, %dma_wait3A_57] : memref<2500x128xi32, #tpu.memory_space<hbm>> -> memref<78x128xi32, #tpu.memory_space<hbm>>
      tpu.wait_dma2 semaphore(%run_scoped3A : memref<!tpu.dma_semaphore, #tpu.memory_space<semaphore_mem>>) src(%dma_wait3A_58 : memref<78x128xi32, #tpu.memory_space<hbm>>) dst(%dma_wait3A_56 : memref<78x128xi32, #tpu.memory_space<vmem>>)
      tpu.yield
    }) : () -> ()
    %convert_element_type3A = arith.extui %lt3A_5 : i1 to i32
    %cond3A = arith.constant 0 : i32
    %cond3A_19 = arith.cmpi ne, %convert_element_type3A, %cond3A : i32
    scf.if %cond3A_19 {
      %add3A_41 = arith.constant 78 : i32
      %add3A_42 = arith.addi %add3A_4, %add3A_41 : i32
      "tpu.region"() ({
        %run_scoped3A = tpu.sem_alloc : memref<!tpu.dma_semaphore, #tpu.memory_space<semaphore_mem>>
        %dma_start3A = arith.constant 78 : i32
        %dma_start3A_43 = arith.constant 0 : i32
        %dma_start3A_44 = tpu.memref_slice %arg4[%dma_start3A, %dma_start3A_43] : memref<79x128xi32, #tpu.memory_space<vmem>> -> memref<1x128xi32, #tpu.memory_space<vmem>>
        %dma_start3A_45 = arith.constant 0 : i32
        %dma_start3A_46 = tpu.memref_slice %arg2[%add3A_42, %dma_start3A_45] : memref<2500x128xi32, #tpu.memory_space<hbm>> -> memref<1x128xi32, #tpu.memory_space<hbm>>
        %dma_start3A_47 = arith.constant 78 : i32
        %dma_start3A_48 = arith.constant 0 : i32
        %dma_start3A_49 = tpu.memref_slice %arg4[%dma_start3A_47, %dma_start3A_48] : memref<79x128xi32, #tpu.memory_space<vmem>> -> memref<1x128xi32, #tpu.memory_space<vmem>>
        %dma_start3A_50 = arith.constant 0 : i32
        %dma_start3A_51 = tpu.memref_slice %arg2[%add3A_42, %dma_start3A_50] : memref<2500x128xi32, #tpu.memory_space<hbm>> -> memref<1x128xi32, #tpu.memory_space<hbm>>
        tpu.enqueue_dma source(%dma_start3A_51 : memref<1x128xi32, #tpu.memory_space<hbm>>) target(%dma_start3A_49 : memref<1x128xi32, #tpu.memory_space<vmem>>) target_semaphore(%run_scoped3A : memref<!tpu.dma_semaphore, #tpu.memory_space<semaphore_mem>>)
        %dma_wait3A = arith.constant 78 : i32
        %dma_wait3A_52 = arith.constant 0 : i32
        %dma_wait3A_53 = tpu.memref_slice %arg4[%dma_wait3A, %dma_wait3A_52] : memref<79x128xi32, #tpu.memory_space<vmem>> -> memref<1x128xi32, #tpu.memory_space<vmem>>
        %dma_wait3A_54 = arith.constant 0 : i32
        %dma_wait3A_55 = tpu.memref_slice %arg2[%add3A_42, %dma_wait3A_54] : memref<2500x128xi32, #tpu.memory_space<hbm>> -> memref<1x128xi32, #tpu.memory_space<hbm>>
        %dma_wait3A_56 = arith.constant 78 : i32
        %dma_wait3A_57 = arith.constant 0 : i32
        %dma_wait3A_58 = tpu.memref_slice %arg4[%dma_wait3A_56, %dma_wait3A_57] : memref<79x128xi32, #tpu.memory_space<vmem>> -> memref<1x128xi32, #tpu.memory_space<vmem>>
        %dma_wait3A_59 = arith.constant 0 : i32
        %dma_wait3A_60 = tpu.memref_slice %arg2[%add3A_42, %dma_wait3A_59] : memref<2500x128xi32, #tpu.memory_space<hbm>> -> memref<1x128xi32, #tpu.memory_space<hbm>>
        tpu.wait_dma2 semaphore(%run_scoped3A : memref<!tpu.dma_semaphore, #tpu.memory_space<semaphore_mem>>) src(%dma_wait3A_60 : memref<1x128xi32, #tpu.memory_space<hbm>>) dst(%dma_wait3A_58 : memref<1x128xi32, #tpu.memory_space<vmem>>)
        tpu.yield
      }) : () -> ()
    } else {
    }
    %mul3A_20 = arith.constant 640 : i32
    %mul3A_21 = arith.muli %arg1, %mul3A_20 : i32
    "tpu.region"() ({
      %run_scoped3A = tpu.sem_alloc : memref<!tpu.dma_semaphore, #tpu.memory_space<semaphore_mem>>
      %dma_start3A = tpu.memref_slice %arg7[%mul3A_21] : memref<10240xf32, #tpu.memory_space<vmem_shared>> -> memref<640xf32, #tpu.memory_space<vmem_shared>>
      %dma_start3A_41 = tpu.memref_slice %arg7[%mul3A_21] : memref<10240xf32, #tpu.memory_space<vmem_shared>> -> memref<640xf32, #tpu.memory_space<vmem_shared>>
      tpu.enqueue_dma source(%arg6 : memref<640xf32, #tpu.memory_space<vmem>>) target(%dma_start3A_41 : memref<640xf32, #tpu.memory_space<vmem_shared>>) target_semaphore(%run_scoped3A : memref<!tpu.dma_semaphore, #tpu.memory_space<semaphore_mem>>)
      %dma_wait3A = tpu.memref_slice %arg7[%mul3A_21] : memref<10240xf32, #tpu.memory_space<vmem_shared>> -> memref<640xf32, #tpu.memory_space<vmem_shared>>
      %dma_wait3A_42 = tpu.memref_slice %arg7[%mul3A_21] : memref<10240xf32, #tpu.memory_space<vmem_shared>> -> memref<640xf32, #tpu.memory_space<vmem_shared>>
      tpu.wait_dma2 semaphore(%run_scoped3A : memref<!tpu.dma_semaphore, #tpu.memory_space<semaphore_mem>>) src(%arg6 : memref<640xf32, #tpu.memory_space<vmem>>) dst(%dma_wait3A_42 : memref<640xf32, #tpu.memory_space<vmem_shared>>)
      tpu.yield
    }) : () -> ()
    %barrier3A = arith.constant 0 : index
    tpu.barrier barrier_id(%barrier3A)
    %convert_element_type3A_22 = arith.extui %lt3A_5 : i1 to i32
    %add3A_23 = arith.constant 78 : i32
    %add3A_24 = arith.addi %add3A_23, %convert_element_type3A_22 : i32
    %while3A = arith.constant 0 : i32
    %while3A_25 = arith.constant 0 : i32
    %while3A_26 = arith.subi %add3A_24, %while3A : i32
    %while3A_27 = arith.addi %while3A, %while3A_26 : i32
    %while3A_28 = arith.constant 1 : i32
    %while3A_29 = arith.divsi %while3A_26, %while3A_28 : i32
    %while3A_30 = arith.muli %while3A_29, %while3A_28 : i32
    %while3A_31 = arith.addi %while3A, %while3A_30 : i32
    %while3A_32 = arith.constant 1 : i32
    %while3A_33 = scf.for %while3A_41 = %while3A to %while3A_31 step %while3A_32 iter_args(%while3A_42 = %while3A_25) -> (i32)  : i32 {
      "tpu.region"() ({
        %run_scoped3A = tpu.sem_alloc : memref<!tpu.dma_semaphore, #tpu.memory_space<semaphore_mem>>
        %dma_start3A = arith.constant 0 : i32
        %dma_start3A_44 = tpu.memref_slice %arg4[%while3A_41, %dma_start3A] : memref<79x128xi32, #tpu.memory_space<vmem>> -> memref<1x128xi32, #tpu.memory_space<vmem>>
        %dma_start3A_45 = tpu.memref_squeeze %dma_start3A_44 : memref<1x128xi32, #tpu.memory_space<vmem>> -> memref<128xi32, #tpu.memory_space<vmem>>
        %dma_start3A_46 = arith.constant 0 : i32
        %dma_start3A_47 = tpu.memref_slice %arg7[%dma_start3A_46] : memref<10240xf32, #tpu.memory_space<vmem_shared>> -> memref<10240xf32, #tpu.memory_space<vmem_shared>>
        tpu.enqueue_indirect_dma source(%arg5 : memref<128xf32, #tpu.memory_space<vmem>>) target(%dma_start3A_47 : memref<10240xf32, #tpu.memory_space<vmem_shared>>) offsets(%dma_start3A_45 : memref<128xi32, #tpu.memory_space<vmem>>) semaphore(%run_scoped3A : memref<!tpu.dma_semaphore, #tpu.memory_space<semaphore_mem>>) {add = true}
        %dma_wait3A = arith.constant 0 : i32
        %dma_wait3A_48 = tpu.memref_slice %arg4[%while3A_41, %dma_wait3A] : memref<79x128xi32, #tpu.memory_space<vmem>> -> memref<1x128xi32, #tpu.memory_space<vmem>>
        %dma_wait3A_49 = tpu.memref_squeeze %dma_wait3A_48 : memref<1x128xi32, #tpu.memory_space<vmem>> -> memref<128xi32, #tpu.memory_space<vmem>>
        %dma_wait3A_50 = arith.constant 0 : i32
        %dma_wait3A_51 = tpu.memref_slice %arg7[%dma_wait3A_50] : memref<10240xf32, #tpu.memory_space<vmem_shared>> -> memref<10240xf32, #tpu.memory_space<vmem_shared>>
        tpu.wait_indirect_dma semaphore(%run_scoped3A : memref<!tpu.dma_semaphore, #tpu.memory_space<semaphore_mem>>) src(%arg5 : memref<128xf32, #tpu.memory_space<vmem>>) dst(%dma_wait3A_51 : memref<10240xf32, #tpu.memory_space<vmem_shared>>)
        tpu.yield
      }) : () -> ()
      %while3A_43 = arith.constant 0 : i32
      scf.yield %while3A_43 : i32
    }
    %while3A_34 = arith.constant 1 : i32
    %while3A_35 = scf.for %while3A_41 = %while3A_31 to %while3A_27 step %while3A_34 iter_args(%while3A_42 = %while3A_33) -> (i32)  : i32 {
      "tpu.region"() ({
        %run_scoped3A = tpu.sem_alloc : memref<!tpu.dma_semaphore, #tpu.memory_space<semaphore_mem>>
        %dma_start3A = arith.constant 0 : i32
        %dma_start3A_44 = tpu.memref_slice %arg4[%while3A_41, %dma_start3A] : memref<79x128xi32, #tpu.memory_space<vmem>> -> memref<1x128xi32, #tpu.memory_space<vmem>>
        %dma_start3A_45 = tpu.memref_squeeze %dma_start3A_44 : memref<1x128xi32, #tpu.memory_space<vmem>> -> memref<128xi32, #tpu.memory_space<vmem>>
        %dma_start3A_46 = arith.constant 0 : i32
        %dma_start3A_47 = tpu.memref_slice %arg7[%dma_start3A_46] : memref<10240xf32, #tpu.memory_space<vmem_shared>> -> memref<10240xf32, #tpu.memory_space<vmem_shared>>
        tpu.enqueue_indirect_dma source(%arg5 : memref<128xf32, #tpu.memory_space<vmem>>) target(%dma_start3A_47 : memref<10240xf32, #tpu.memory_space<vmem_shared>>) offsets(%dma_start3A_45 : memref<128xi32, #tpu.memory_space<vmem>>) semaphore(%run_scoped3A : memref<!tpu.dma_semaphore, #tpu.memory_space<semaphore_mem>>) {add = true}
        %dma_wait3A = arith.constant 0 : i32
        %dma_wait3A_48 = tpu.memref_slice %arg4[%while3A_41, %dma_wait3A] : memref<79x128xi32, #tpu.memory_space<vmem>> -> memref<1x128xi32, #tpu.memory_space<vmem>>
        %dma_wait3A_49 = tpu.memref_squeeze %dma_wait3A_48 : memref<1x128xi32, #tpu.memory_space<vmem>> -> memref<128xi32, #tpu.memory_space<vmem>>
        %dma_wait3A_50 = arith.constant 0 : i32
        %dma_wait3A_51 = tpu.memref_slice %arg7[%dma_wait3A_50] : memref<10240xf32, #tpu.memory_space<vmem_shared>> -> memref<10240xf32, #tpu.memory_space<vmem_shared>>
        tpu.wait_indirect_dma semaphore(%run_scoped3A : memref<!tpu.dma_semaphore, #tpu.memory_space<semaphore_mem>>) src(%arg5 : memref<128xf32, #tpu.memory_space<vmem>>) dst(%dma_wait3A_51 : memref<10240xf32, #tpu.memory_space<vmem_shared>>)
        tpu.yield
      }) : () -> ()
      %while3A_43 = arith.constant 0 : i32
      scf.yield %while3A_43 : i32
    }
    %barrier3A_36 = arith.constant 0 : index
    tpu.barrier barrier_id(%barrier3A_36)
    %mul3A_37 = arith.constant 640 : i32
    %mul3A_38 = arith.muli %arg1, %mul3A_37 : i32
    %mul3A_39 = arith.constant 640 : i32
    %mul3A_40 = arith.muli %arg1, %mul3A_39 : i32
    "tpu.region"() ({
      %run_scoped3A = tpu.sem_alloc : memref<!tpu.dma_semaphore, #tpu.memory_space<semaphore_mem>>
      %dma_start3A = tpu.memref_slice %arg3[%arg0, %mul3A_40] : memref<2x10240xf32, #tpu.memory_space<hbm>> -> memref<1x640xf32, #tpu.memory_space<hbm>>
      %dma_start3A_41 = tpu.memref_squeeze %dma_start3A : memref<1x640xf32, #tpu.memory_space<hbm>> -> memref<640xf32, #tpu.memory_space<hbm>>
      %dma_start3A_42 = tpu.memref_slice %arg7[%mul3A_38] : memref<10240xf32, #tpu.memory_space<vmem_shared>> -> memref<640xf32, #tpu.memory_space<vmem_shared>>
      tpu.enqueue_dma source(%dma_start3A_42 : memref<640xf32, #tpu.memory_space<vmem_shared>>) target(%dma_start3A_41 : memref<640xf32, #tpu.memory_space<hbm>>) target_semaphore(%run_scoped3A : memref<!tpu.dma_semaphore, #tpu.memory_space<semaphore_mem>>)
      %dma_wait3A = tpu.memref_slice %arg3[%arg0, %mul3A_40] : memref<2x10240xf32, #tpu.memory_space<hbm>> -> memref<1x640xf32, #tpu.memory_space<hbm>>
      %dma_wait3A_43 = tpu.memref_squeeze %dma_wait3A : memref<1x640xf32, #tpu.memory_space<hbm>> -> memref<640xf32, #tpu.memory_space<hbm>>
      %dma_wait3A_44 = tpu.memref_slice %arg7[%mul3A_38] : memref<10240xf32, #tpu.memory_space<vmem_shared>> -> memref<640xf32, #tpu.memory_space<vmem_shared>>
      tpu.wait_dma2 semaphore(%run_scoped3A : memref<!tpu.dma_semaphore, #tpu.memory_space<semaphore_mem>>) src(%dma_wait3A_44 : memref<640xf32, #tpu.memory_space<vmem_shared>>) dst(%dma_wait3A_43 : memref<640xf32, #tpu.memory_space<hbm>>)
      tpu.yield
    }) : () -> ()
    return
  }
}

#map = affine_map<(d0, d1) -> (0, 0)>
#map1 = affine_map<(d0, d1) -> (0, 0, 0)>
module attributes {stable_mosaic.version = 14 : i64} {
  func.func @_agg_kernel(%arg0: i32, %arg1: i32, %arg2: memref<10240x64xf32, #tpu.memory_space<hbm>>, %arg3: memref<2500x128xi32, #tpu.memory_space<hbm>>, %arg4: memref<2500x128xi32, #tpu.memory_space<hbm>>, %arg5: memref<2x10240x64xf32, #tpu.memory_space<hbm>>, %arg6: memref<79x128xi32, #tpu.memory_space<vmem>>, %arg7: memref<79x128xi32, #tpu.memory_space<vmem>>, %arg8: memref<3x128x64xf32, #tpu.memory_space<vmem>>, %arg9: memref<3x128x64xf32, #tpu.memory_space<vmem>>, %arg10: memref<10240x64xf32, #tpu.memory_space<vmem_shared>>, %arg11: memref<!tpu.dma_semaphore, #tpu.memory_space<semaphore_mem>>, %arg12: memref<!tpu.dma_semaphore, #tpu.memory_space<semaphore_mem>>, %arg13: memref<!tpu.dma_semaphore, #tpu.memory_space<semaphore_mem>>) attributes {dimension_semantics = [#tpu.dimension_semantics<core_parallel>, #tpu.dimension_semantics<subcore_parallel>], iteration_bounds = array<i64: 2, 16>, scalar_prefetch = 0 : i64, scratch_operands = 8 : i64, tpu.core_type = #tpu.core_type<sc_vector_subcore>, window_params = [{transform_indices = #map}, {transform_indices = #map}, {transform_indices = #map}, {transform_indices = #map1}]} {
    %mul3A = arith.constant 16 : i32
    %mul3A_0 = arith.muli %arg0, %mul3A : i32
    %add3A = arith.addi %mul3A_0, %arg1 : i32
    %mul3A_1 = arith.constant 78 : i32
    %mul3A_2 = arith.muli %add3A, %mul3A_1 : i32
    %min3A = arith.constant 4 : i32
    %min3A_3 = arith.minsi %add3A, %min3A : i32
    %add3A_4 = arith.addi %mul3A_2, %min3A_3 : i32
    %lt3A = arith.constant 4 : i32
    %lt3A_5 = arith.cmpi slt, %add3A, %lt3A : i32
    %scan3A = arith.constant 0 : i32
    %scan3A_6 = arith.constant 0 : i32
    %scan3A_7 = arith.constant 512 : i32
    %scan3A_8 = arith.addi %scan3A_6, %scan3A_7 : i32
    %scan3A_9 = arith.constant 1 : i32
    %scan3A_10 = scf.for %scan3A_357 = %scan3A_6 to %scan3A_8 step %scan3A_9 iter_args(%scan3A_358 = %scan3A) -> (i32)  : i32 {
      %broadcast_in_dim3A = arith.constant 0.000000e+00 : f32
      %broadcast_in_dim3A_359 = vector.broadcast %broadcast_in_dim3A : f32 to vector<16xf32>
      %jit3A = arith.constant 4 : i32
      %div3A = arith.divsi %scan3A_357, %jit3A : i32
      %sign3A = arith.constant 0 : i32
      %sign3A_360 = arith.cmpi sgt, %scan3A_357, %sign3A : i32
      %sign3A_361 = arith.extui %sign3A_360 : i1 to i32
      %sign3A_362 = arith.constant 0 : i32
      %sign3A_363 = arith.cmpi slt, %scan3A_357, %sign3A_362 : i32
      %sign3A_364 = arith.extui %sign3A_363 : i1 to i32
      %sign3A_365 = arith.subi %sign3A_361, %sign3A_364 : i32
      %sign3A_366 = arith.constant 0 : i32
      %sign3A_367 = arith.cmpi sgt, %jit3A, %sign3A_366 : i32
      %sign3A_368 = arith.extui %sign3A_367 : i1 to i32
      %sign3A_369 = arith.constant 0 : i32
      %sign3A_370 = arith.cmpi slt, %jit3A, %sign3A_369 : i32
      %sign3A_371 = arith.extui %sign3A_370 : i1 to i32
      %sign3A_372 = arith.subi %sign3A_368, %sign3A_371 : i32
      %ne3A = arith.cmpi ne, %sign3A_365, %sign3A_372 : i32
      %rem3A = arith.remsi %scan3A_357, %jit3A : i32
      %ne3A_373 = arith.constant 0 : i32
      %ne3A_374 = arith.cmpi ne, %rem3A, %ne3A_373 : i32
      %and3A = arith.andi %ne3A, %ne3A_374 : i1
      %sub3A = arith.constant 1 : i32
      %sub3A_375 = arith.subi %div3A, %sub3A : i32
      %select_n3A = arith.select %and3A, %sub3A_375, %div3A : i32
      %jit3A_376 = arith.constant 4 : i32
      %eq3A = arith.constant 0 : i32
      %eq3A_377 = arith.cmpi eq, %jit3A_376, %eq3A : i32
      %jit3A_378 = arith.constant 1 : i32
      %select_n3A_379 = arith.select %eq3A_377, %jit3A_378, %jit3A_376 : i32
      %rem3A_380 = arith.remsi %scan3A_357, %select_n3A_379 : i32
      %ne3A_381 = arith.constant 0 : i32
      %ne3A_382 = arith.cmpi ne, %rem3A_380, %ne3A_381 : i32
      %lt3A_383 = arith.constant 0 : i32
      %lt3A_384 = arith.cmpi slt, %rem3A_380, %lt3A_383 : i32
      %lt3A_385 = arith.constant 0 : i32
      %lt3A_386 = arith.cmpi slt, %select_n3A_379, %lt3A_385 : i32
      %ne3A_387 = arith.xori %lt3A_384, %lt3A_386 : i1
      %and3A_388 = arith.andi %ne3A_387, %ne3A_382 : i1
      %add3A_389 = arith.addi %rem3A_380, %select_n3A_379 : i32
      %select_n3A_390 = arith.select %and3A_388, %add3A_389, %rem3A_380 : i32
      %mul3A_391 = arith.constant 16 : i32
      %mul3A_392 = arith.muli %select_n3A_390, %mul3A_391 : i32
      %swap3A = arith.constant 0 : i32
      %swap3A_393 = arith.index_cast %swap3A : i32 to index
      %swap3A_394 = arith.index_cast %select_n3A : i32 to index
      %swap3A_395 = arith.index_cast %mul3A_392 : i32 to index
      %swap3A_396 = tpu.vector_load %arg8[%swap3A_393, %swap3A_394, %swap3A_395] {strides = array<i32>} : memref<3x128x64xf32, #tpu.memory_space<vmem>>, vector<1x1x16xf32>,
      %swap3A_397 = vector.shape_cast %swap3A_396 : vector<1x1x16xf32> to vector<16xf32>
      %swap3A_398 = vector.shape_cast %broadcast_in_dim3A_359 : vector<16xf32> to vector<1x1x16xf32>
      tpu.vector_store %arg8[%swap3A_393, %swap3A_394, %swap3A_395], %swap3A_398 {strides = array<i32>} : memref<3x128x64xf32, #tpu.memory_space<vmem>>, vector<1x1x16xf32>,
      %scan3A_399 = arith.constant 0 : i32
      scf.yield %scan3A_399 : i32
    }
    %scan3A_11 = arith.constant 512 : i32
    %scan3A_12 = arith.constant 0 : i32
    %scan3A_13 = arith.constant 0 : i32
    %scan3A_14 = arith.constant 5 : i32
    %scan3A_15 = arith.addi %scan3A_13, %scan3A_14 : i32
    %scan3A_16 = arith.constant 1 : i32
    %scan3A_17 = scf.for %scan3A_357 = %scan3A_13 to %scan3A_15 step %scan3A_16 iter_args(%scan3A_358 = %scan3A_12) -> (i32)  : i32 {
      %mul3A_359 = arith.constant 640 : i32
      %mul3A_360 = arith.muli %arg1, %mul3A_359 : i32
      %mul3A_361 = arith.constant 128 : i32
      %mul3A_362 = arith.muli %scan3A_357, %mul3A_361 : i32
      %add3A_363 = arith.addi %mul3A_360, %mul3A_362 : i32
      %run_scoped3A = arith.constant 0 : i32
      "tpu.region"() ({
        %run_scoped3A_365 = tpu.sem_alloc : memref<!tpu.dma_semaphore, #tpu.memory_space<semaphore_mem>>
        %dma_start3A_366 = arith.constant 0 : i32
        %dma_start3A_367 = arith.constant 0 : i32
        %dma_start3A_368 = tpu.memref_slice %arg8[%run_scoped3A, %dma_start3A_366, %dma_start3A_367] : memref<3x128x64xf32, #tpu.memory_space<vmem>> -> memref<1x128x64xf32, #tpu.memory_space<vmem>>
        %dma_start3A_369 = tpu.memref_squeeze %dma_start3A_368 : memref<1x128x64xf32, #tpu.memory_space<vmem>> -> memref<128x64xf32, #tpu.memory_space<vmem>>
        %dma_start3A_370 = arith.constant 0 : i32
        %dma_start3A_371 = tpu.memref_slice %arg10[%add3A_363, %dma_start3A_370] : memref<10240x64xf32, #tpu.memory_space<vmem_shared>> -> memref<128x64xf32, #tpu.memory_space<vmem_shared>>
        %dma_start3A_372 = arith.constant 0 : i32
        %dma_start3A_373 = tpu.memref_slice %arg10[%add3A_363, %dma_start3A_372] : memref<10240x64xf32, #tpu.memory_space<vmem_shared>> -> memref<128x64xf32, #tpu.memory_space<vmem_shared>>
        %dma_start3A_374 = arith.constant 0 : i32
        %dma_start3A_375 = arith.constant 0 : i32
        %dma_start3A_376 = tpu.memref_slice %arg8[%run_scoped3A, %dma_start3A_374, %dma_start3A_375] : memref<3x128x64xf32, #tpu.memory_space<vmem>> -> memref<1x128x64xf32, #tpu.memory_space<vmem>>
        %dma_start3A_377 = tpu.memref_squeeze %dma_start3A_376 : memref<1x128x64xf32, #tpu.memory_space<vmem>> -> memref<128x64xf32, #tpu.memory_space<vmem>>
        tpu.enqueue_dma source(%dma_start3A_377 : memref<128x64xf32, #tpu.memory_space<vmem>>) target(%dma_start3A_373 : memref<128x64xf32, #tpu.memory_space<vmem_shared>>) target_semaphore(%run_scoped3A_365 : memref<!tpu.dma_semaphore, #tpu.memory_space<semaphore_mem>>)
        %dma_wait3A_378 = arith.constant 0 : i32
        %dma_wait3A_379 = arith.constant 0 : i32
        %dma_wait3A_380 = tpu.memref_slice %arg8[%run_scoped3A, %dma_wait3A_378, %dma_wait3A_379] : memref<3x128x64xf32, #tpu.memory_space<vmem>> -> memref<1x128x64xf32, #tpu.memory_space<vmem>>
        %dma_wait3A_381 = tpu.memref_squeeze %dma_wait3A_380 : memref<1x128x64xf32, #tpu.memory_space<vmem>> -> memref<128x64xf32, #tpu.memory_space<vmem>>
        %dma_wait3A_382 = arith.constant 0 : i32
        %dma_wait3A_383 = tpu.memref_slice %arg10[%add3A_363, %dma_wait3A_382] : memref<10240x64xf32, #tpu.memory_space<vmem_shared>> -> memref<128x64xf32, #tpu.memory_space<vmem_shared>>
        %dma_wait3A_384 = arith.constant 0 : i32
        %dma_wait3A_385 = tpu.memref_slice %arg10[%add3A_363, %dma_wait3A_384] : memref<10240x64xf32, #tpu.memory_space<vmem_shared>> -> memref<128x64xf32, #tpu.memory_space<vmem_shared>>
        %dma_wait3A_386 = arith.constant 0 : i32
        %dma_wait3A_387 = arith.constant 0 : i32
        %dma_wait3A_388 = tpu.memref_slice %arg8[%run_scoped3A, %dma_wait3A_386, %dma_wait3A_387] : memref<3x128x64xf32, #tpu.memory_space<vmem>> -> memref<1x128x64xf32, #tpu.memory_space<vmem>>
        %dma_wait3A_389 = tpu.memref_squeeze %dma_wait3A_388 : memref<1x128x64xf32, #tpu.memory_space<vmem>> -> memref<128x64xf32, #tpu.memory_space<vmem>>
        tpu.wait_dma2 semaphore(%run_scoped3A_365 : memref<!tpu.dma_semaphore, #tpu.memory_space<semaphore_mem>>) src(%dma_wait3A_389 : memref<128x64xf32, #tpu.memory_space<vmem>>) dst(%dma_wait3A_385 : memref<128x64xf32, #tpu.memory_space<vmem_shared>>)
        tpu.yield
      }) : () -> ()
      %scan3A_364 = arith.constant 0 : i32
      scf.yield %scan3A_364 : i32
    }
    %scan3A_18 = arith.constant 5 : i32
    "tpu.region"() ({
      %run_scoped3A = tpu.sem_alloc : memref<!tpu.dma_semaphore, #tpu.memory_space<semaphore_mem>>
      %dma_start3A_357 = arith.constant 0 : i32
      %dma_start3A_358 = arith.constant 0 : i32
      %dma_start3A_359 = tpu.memref_slice %arg6[%dma_start3A_357, %dma_start3A_358] : memref<79x128xi32, #tpu.memory_space<vmem>> -> memref<78x128xi32, #tpu.memory_space<vmem>>
      %dma_start3A_360 = arith.constant 0 : i32
      %dma_start3A_361 = tpu.memref_slice %arg3[%add3A_4, %dma_start3A_360] : memref<2500x128xi32, #tpu.memory_space<hbm>> -> memref<78x128xi32, #tpu.memory_space<hbm>>
      %dma_start3A_362 = arith.constant 0 : i32
      %dma_start3A_363 = arith.constant 0 : i32
      %dma_start3A_364 = tpu.memref_slice %arg6[%dma_start3A_362, %dma_start3A_363] : memref<79x128xi32, #tpu.memory_space<vmem>> -> memref<78x128xi32, #tpu.memory_space<vmem>>
      %dma_start3A_365 = arith.constant 0 : i32
      %dma_start3A_366 = tpu.memref_slice %arg3[%add3A_4, %dma_start3A_365] : memref<2500x128xi32, #tpu.memory_space<hbm>> -> memref<78x128xi32, #tpu.memory_space<hbm>>
      tpu.enqueue_dma source(%dma_start3A_366 : memref<78x128xi32, #tpu.memory_space<hbm>>) target(%dma_start3A_364 : memref<78x128xi32, #tpu.memory_space<vmem>>) target_semaphore(%run_scoped3A : memref<!tpu.dma_semaphore, #tpu.memory_space<semaphore_mem>>)
      %dma_wait3A_367 = arith.constant 0 : i32
      %dma_wait3A_368 = arith.constant 0 : i32
      %dma_wait3A_369 = tpu.memref_slice %arg6[%dma_wait3A_367, %dma_wait3A_368] : memref<79x128xi32, #tpu.memory_space<vmem>> -> memref<78x128xi32, #tpu.memory_space<vmem>>
      %dma_wait3A_370 = arith.constant 0 : i32
      %dma_wait3A_371 = tpu.memref_slice %arg3[%add3A_4, %dma_wait3A_370] : memref<2500x128xi32, #tpu.memory_space<hbm>> -> memref<78x128xi32, #tpu.memory_space<hbm>>
      %dma_wait3A_372 = arith.constant 0 : i32
      %dma_wait3A_373 = arith.constant 0 : i32
      %dma_wait3A_374 = tpu.memref_slice %arg6[%dma_wait3A_372, %dma_wait3A_373] : memref<79x128xi32, #tpu.memory_space<vmem>> -> memref<78x128xi32, #tpu.memory_space<vmem>>
      %dma_wait3A_375 = arith.constant 0 : i32
      %dma_wait3A_376 = tpu.memref_slice %arg3[%add3A_4, %dma_wait3A_375] : memref<2500x128xi32, #tpu.memory_space<hbm>> -> memref<78x128xi32, #tpu.memory_space<hbm>>
      tpu.wait_dma2 semaphore(%run_scoped3A : memref<!tpu.dma_semaphore, #tpu.memory_space<semaphore_mem>>) src(%dma_wait3A_376 : memref<78x128xi32, #tpu.memory_space<hbm>>) dst(%dma_wait3A_374 : memref<78x128xi32, #tpu.memory_space<vmem>>)
      tpu.yield
    }) : () -> ()
    "tpu.region"() ({
      %run_scoped3A = tpu.sem_alloc : memref<!tpu.dma_semaphore, #tpu.memory_space<semaphore_mem>>
      %dma_start3A_357 = arith.constant 0 : i32
      %dma_start3A_358 = arith.constant 0 : i32
      %dma_start3A_359 = tpu.memref_slice %arg7[%dma_start3A_357, %dma_start3A_358] : memref<79x128xi32, #tpu.memory_space<vmem>> -> memref<78x128xi32, #tpu.memory_space<vmem>>
      %dma_start3A_360 = arith.constant 0 : i32
      %dma_start3A_361 = tpu.memref_slice %arg4[%add3A_4, %dma_start3A_360] : memref<2500x128xi32, #tpu.memory_space<hbm>> -> memref<78x128xi32, #tpu.memory_space<hbm>>
      %dma_start3A_362 = arith.constant 0 : i32
      %dma_start3A_363 = arith.constant 0 : i32
      %dma_start3A_364 = tpu.memref_slice %arg7[%dma_start3A_362, %dma_start3A_363] : memref<79x128xi32, #tpu.memory_space<vmem>> -> memref<78x128xi32, #tpu.memory_space<vmem>>
      %dma_start3A_365 = arith.constant 0 : i32
      %dma_start3A_366 = tpu.memref_slice %arg4[%add3A_4, %dma_start3A_365] : memref<2500x128xi32, #tpu.memory_space<hbm>> -> memref<78x128xi32, #tpu.memory_space<hbm>>
      tpu.enqueue_dma source(%dma_start3A_366 : memref<78x128xi32, #tpu.memory_space<hbm>>) target(%dma_start3A_364 : memref<78x128xi32, #tpu.memory_space<vmem>>) target_semaphore(%run_scoped3A : memref<!tpu.dma_semaphore, #tpu.memory_space<semaphore_mem>>)
      %dma_wait3A_367 = arith.constant 0 : i32
      %dma_wait3A_368 = arith.constant 0 : i32
      %dma_wait3A_369 = tpu.memref_slice %arg7[%dma_wait3A_367, %dma_wait3A_368] : memref<79x128xi32, #tpu.memory_space<vmem>> -> memref<78x128xi32, #tpu.memory_space<vmem>>
      %dma_wait3A_370 = arith.constant 0 : i32
      %dma_wait3A_371 = tpu.memref_slice %arg4[%add3A_4, %dma_wait3A_370] : memref<2500x128xi32, #tpu.memory_space<hbm>> -> memref<78x128xi32, #tpu.memory_space<hbm>>
      %dma_wait3A_372 = arith.constant 0 : i32
      %dma_wait3A_373 = arith.constant 0 : i32
      %dma_wait3A_374 = tpu.memref_slice %arg7[%dma_wait3A_372, %dma_wait3A_373] : memref<79x128xi32, #tpu.memory_space<vmem>> -> memref<78x128xi32, #tpu.memory_space<vmem>>
      %dma_wait3A_375 = arith.constant 0 : i32
      %dma_wait3A_376 = tpu.memref_slice %arg4[%add3A_4, %dma_wait3A_375] : memref<2500x128xi32, #tpu.memory_space<hbm>> -> memref<78x128xi32, #tpu.memory_space<hbm>>
      tpu.wait_dma2 semaphore(%run_scoped3A : memref<!tpu.dma_semaphore, #tpu.memory_space<semaphore_mem>>) src(%dma_wait3A_376 : memref<78x128xi32, #tpu.memory_space<hbm>>) dst(%dma_wait3A_374 : memref<78x128xi32, #tpu.memory_space<vmem>>)
      tpu.yield
    }) : () -> ()
    %convert_element_type3A = arith.extui %lt3A_5 : i1 to i32
    %cond3A = arith.constant 0 : i32
    %cond3A_19 = arith.cmpi ne, %convert_element_type3A, %cond3A : i32
    scf.if %cond3A_19 {
      %add3A_357 = arith.constant 78 : i32
      %add3A_358 = arith.addi %add3A_4, %add3A_357 : i32
      "tpu.region"() ({
        %run_scoped3A = tpu.sem_alloc : memref<!tpu.dma_semaphore, #tpu.memory_space<semaphore_mem>>
        %dma_start3A_361 = arith.constant 78 : i32
        %dma_start3A_362 = arith.constant 0 : i32
        %dma_start3A_363 = tpu.memref_slice %arg6[%dma_start3A_361, %dma_start3A_362] : memref<79x128xi32, #tpu.memory_space<vmem>> -> memref<1x128xi32, #tpu.memory_space<vmem>>
        %dma_start3A_364 = arith.constant 0 : i32
        %dma_start3A_365 = tpu.memref_slice %arg3[%add3A_358, %dma_start3A_364] : memref<2500x128xi32, #tpu.memory_space<hbm>> -> memref<1x128xi32, #tpu.memory_space<hbm>>
        %dma_start3A_366 = arith.constant 78 : i32
        %dma_start3A_367 = arith.constant 0 : i32
        %dma_start3A_368 = tpu.memref_slice %arg6[%dma_start3A_366, %dma_start3A_367] : memref<79x128xi32, #tpu.memory_space<vmem>> -> memref<1x128xi32, #tpu.memory_space<vmem>>
        %dma_start3A_369 = arith.constant 0 : i32
        %dma_start3A_370 = tpu.memref_slice %arg3[%add3A_358, %dma_start3A_369] : memref<2500x128xi32, #tpu.memory_space<hbm>> -> memref<1x128xi32, #tpu.memory_space<hbm>>
        tpu.enqueue_dma source(%dma_start3A_370 : memref<1x128xi32, #tpu.memory_space<hbm>>) target(%dma_start3A_368 : memref<1x128xi32, #tpu.memory_space<vmem>>) target_semaphore(%run_scoped3A : memref<!tpu.dma_semaphore, #tpu.memory_space<semaphore_mem>>)
        %dma_wait3A_371 = arith.constant 78 : i32
        %dma_wait3A_372 = arith.constant 0 : i32
        %dma_wait3A_373 = tpu.memref_slice %arg6[%dma_wait3A_371, %dma_wait3A_372] : memref<79x128xi32, #tpu.memory_space<vmem>> -> memref<1x128xi32, #tpu.memory_space<vmem>>
        %dma_wait3A_374 = arith.constant 0 : i32
        %dma_wait3A_375 = tpu.memref_slice %arg3[%add3A_358, %dma_wait3A_374] : memref<2500x128xi32, #tpu.memory_space<hbm>> -> memref<1x128xi32, #tpu.memory_space<hbm>>
        %dma_wait3A_376 = arith.constant 78 : i32
        %dma_wait3A_377 = arith.constant 0 : i32
        %dma_wait3A_378 = tpu.memref_slice %arg6[%dma_wait3A_376, %dma_wait3A_377] : memref<79x128xi32, #tpu.memory_space<vmem>> -> memref<1x128xi32, #tpu.memory_space<vmem>>
        %dma_wait3A_379 = arith.constant 0 : i32
        %dma_wait3A_380 = tpu.memref_slice %arg3[%add3A_358, %dma_wait3A_379] : memref<2500x128xi32, #tpu.memory_space<hbm>> -> memref<1x128xi32, #tpu.memory_space<hbm>>
        tpu.wait_dma2 semaphore(%run_scoped3A : memref<!tpu.dma_semaphore, #tpu.memory_space<semaphore_mem>>) src(%dma_wait3A_380 : memref<1x128xi32, #tpu.memory_space<hbm>>) dst(%dma_wait3A_378 : memref<1x128xi32, #tpu.memory_space<vmem>>)
        tpu.yield
      }) : () -> ()
      %add3A_359 = arith.constant 78 : i32
      %add3A_360 = arith.addi %add3A_4, %add3A_359 : i32
      "tpu.region"() ({
        %run_scoped3A = tpu.sem_alloc : memref<!tpu.dma_semaphore, #tpu.memory_space<semaphore_mem>>
        %dma_start3A_361 = arith.constant 78 : i32
        %dma_start3A_362 = arith.constant 0 : i32
        %dma_start3A_363 = tpu.memref_slice %arg7[%dma_start3A_361, %dma_start3A_362] : memref<79x128xi32, #tpu.memory_space<vmem>> -> memref<1x128xi32, #tpu.memory_space<vmem>>
        %dma_start3A_364 = arith.constant 0 : i32
        %dma_start3A_365 = tpu.memref_slice %arg4[%add3A_360, %dma_start3A_364] : memref<2500x128xi32, #tpu.memory_space<hbm>> -> memref<1x128xi32, #tpu.memory_space<hbm>>
        %dma_start3A_366 = arith.constant 78 : i32
        %dma_start3A_367 = arith.constant 0 : i32
        %dma_start3A_368 = tpu.memref_slice %arg7[%dma_start3A_366, %dma_start3A_367] : memref<79x128xi32, #tpu.memory_space<vmem>> -> memref<1x128xi32, #tpu.memory_space<vmem>>
        %dma_start3A_369 = arith.constant 0 : i32
        %dma_start3A_370 = tpu.memref_slice %arg4[%add3A_360, %dma_start3A_369] : memref<2500x128xi32, #tpu.memory_space<hbm>> -> memref<1x128xi32, #tpu.memory_space<hbm>>
        tpu.enqueue_dma source(%dma_start3A_370 : memref<1x128xi32, #tpu.memory_space<hbm>>) target(%dma_start3A_368 : memref<1x128xi32, #tpu.memory_space<vmem>>) target_semaphore(%run_scoped3A : memref<!tpu.dma_semaphore, #tpu.memory_space<semaphore_mem>>)
        %dma_wait3A_371 = arith.constant 78 : i32
        %dma_wait3A_372 = arith.constant 0 : i32
        %dma_wait3A_373 = tpu.memref_slice %arg7[%dma_wait3A_371, %dma_wait3A_372] : memref<79x128xi32, #tpu.memory_space<vmem>> -> memref<1x128xi32, #tpu.memory_space<vmem>>
        %dma_wait3A_374 = arith.constant 0 : i32
        %dma_wait3A_375 = tpu.memref_slice %arg4[%add3A_360, %dma_wait3A_374] : memref<2500x128xi32, #tpu.memory_space<hbm>> -> memref<1x128xi32, #tpu.memory_space<hbm>>
        %dma_wait3A_376 = arith.constant 78 : i32
        %dma_wait3A_377 = arith.constant 0 : i32
        %dma_wait3A_378 = tpu.memref_slice %arg7[%dma_wait3A_376, %dma_wait3A_377] : memref<79x128xi32, #tpu.memory_space<vmem>> -> memref<1x128xi32, #tpu.memory_space<vmem>>
        %dma_wait3A_379 = arith.constant 0 : i32
        %dma_wait3A_380 = tpu.memref_slice %arg4[%add3A_360, %dma_wait3A_379] : memref<2500x128xi32, #tpu.memory_space<hbm>> -> memref<1x128xi32, #tpu.memory_space<hbm>>
        tpu.wait_dma2 semaphore(%run_scoped3A : memref<!tpu.dma_semaphore, #tpu.memory_space<semaphore_mem>>) src(%dma_wait3A_380 : memref<1x128xi32, #tpu.memory_space<hbm>>) dst(%dma_wait3A_378 : memref<1x128xi32, #tpu.memory_space<vmem>>)
        tpu.yield
      }) : () -> ()
    } else {
    }
    %barrier3A = arith.constant 0 : index
    tpu.barrier barrier_id(%barrier3A)
    %dma_start3A = arith.constant 0 : i32
    %dma_start3A_20 = arith.constant 0 : i32
    %dma_start3A_21 = arith.constant 0 : i32
    %dma_start3A_22 = arith.constant 0 : i32
    %dma_start3A_23 = tpu.memref_slice %arg8[%dma_start3A_20, %dma_start3A_21, %dma_start3A_22] : memref<3x128x64xf32, #tpu.memory_space<vmem>> -> memref<1x128x64xf32, #tpu.memory_space<vmem>>
    %dma_start3A_24 = tpu.memref_squeeze %dma_start3A_23 : memref<1x128x64xf32, #tpu.memory_space<vmem>> -> memref<128x64xf32, #tpu.memory_space<vmem>>
    %dma_start3A_25 = arith.constant 0 : i32
    %dma_start3A_26 = tpu.memref_slice %arg6[%dma_start3A, %dma_start3A_25] : memref<79x128xi32, #tpu.memory_space<vmem>> -> memref<1x128xi32, #tpu.memory_space<vmem>>
    %dma_start3A_27 = tpu.memref_squeeze %dma_start3A_26 : memref<1x128xi32, #tpu.memory_space<vmem>> -> memref<128xi32, #tpu.memory_space<vmem>>
    %dma_start3A_28 = arith.constant 0 : i32
    %dma_start3A_29 = arith.constant 0 : i32
    %dma_start3A_30 = tpu.memref_slice %arg2[%dma_start3A_28, %dma_start3A_29] : memref<10240x64xf32, #tpu.memory_space<hbm>> -> memref<10240x64xf32, #tpu.memory_space<hbm>>
    tpu.enqueue_indirect_dma source(%dma_start3A_30 : memref<10240x64xf32, #tpu.memory_space<hbm>>) target(%dma_start3A_24 : memref<128x64xf32, #tpu.memory_space<vmem>>) offsets(%dma_start3A_27 : memref<128xi32, #tpu.memory_space<vmem>>) semaphore(%arg11 : memref<!tpu.dma_semaphore, #tpu.memory_space<semaphore_mem>>)
    %dma_start3A_31 = arith.constant 1 : i32
    %dma_start3A_32 = arith.constant 1 : i32
    %dma_start3A_33 = arith.constant 0 : i32
    %dma_start3A_34 = arith.constant 0 : i32
    %dma_start3A_35 = tpu.memref_slice %arg8[%dma_start3A_32, %dma_start3A_33, %dma_start3A_34] : memref<3x128x64xf32, #tpu.memory_space<vmem>> -> memref<1x128x64xf32, #tpu.memory_space<vmem>>
    %dma_start3A_36 = tpu.memref_squeeze %dma_start3A_35 : memref<1x128x64xf32, #tpu.memory_space<vmem>> -> memref<128x64xf32, #tpu.memory_space<vmem>>
    %dma_start3A_37 = arith.constant 0 : i32
    %dma_start3A_38 = tpu.memref_slice %arg6[%dma_start3A_31, %dma_start3A_37] : memref<79x128xi32, #tpu.memory_space<vmem>> -> memref<1x128xi32, #tpu.memory_space<vmem>>
    %dma_start3A_39 = tpu.memref_squeeze %dma_start3A_38 : memref<1x128xi32, #tpu.memory_space<vmem>> -> memref<128xi32, #tpu.memory_space<vmem>>
    %dma_start3A_40 = arith.constant 0 : i32
    %dma_start3A_41 = arith.constant 0 : i32
    %dma_start3A_42 = tpu.memref_slice %arg2[%dma_start3A_40, %dma_start3A_41] : memref<10240x64xf32, #tpu.memory_space<hbm>> -> memref<10240x64xf32, #tpu.memory_space<hbm>>
    tpu.enqueue_indirect_dma source(%dma_start3A_42 : memref<10240x64xf32, #tpu.memory_space<hbm>>) target(%dma_start3A_36 : memref<128x64xf32, #tpu.memory_space<vmem>>) offsets(%dma_start3A_39 : memref<128xi32, #tpu.memory_space<vmem>>) semaphore(%arg11 : memref<!tpu.dma_semaphore, #tpu.memory_space<semaphore_mem>>)
    %dma_start3A_43 = arith.constant 2 : i32
    %dma_start3A_44 = arith.constant 2 : i32
    %dma_start3A_45 = arith.constant 0 : i32
    %dma_start3A_46 = arith.constant 0 : i32
    %dma_start3A_47 = tpu.memref_slice %arg8[%dma_start3A_44, %dma_start3A_45, %dma_start3A_46] : memref<3x128x64xf32, #tpu.memory_space<vmem>> -> memref<1x128x64xf32, #tpu.memory_space<vmem>>
    %dma_start3A_48 = tpu.memref_squeeze %dma_start3A_47 : memref<1x128x64xf32, #tpu.memory_space<vmem>> -> memref<128x64xf32, #tpu.memory_space<vmem>>
    %dma_start3A_49 = arith.constant 0 : i32
    %dma_start3A_50 = tpu.memref_slice %arg6[%dma_start3A_43, %dma_start3A_49] : memref<79x128xi32, #tpu.memory_space<vmem>> -> memref<1x128xi32, #tpu.memory_space<vmem>>
    %dma_start3A_51 = tpu.memref_squeeze %dma_start3A_50 : memref<1x128xi32, #tpu.memory_space<vmem>> -> memref<128xi32, #tpu.memory_space<vmem>>
    %dma_start3A_52 = arith.constant 0 : i32
    %dma_start3A_53 = arith.constant 0 : i32
    %dma_start3A_54 = tpu.memref_slice %arg2[%dma_start3A_52, %dma_start3A_53] : memref<10240x64xf32, #tpu.memory_space<hbm>> -> memref<10240x64xf32, #tpu.memory_space<hbm>>
    tpu.enqueue_indirect_dma source(%dma_start3A_54 : memref<10240x64xf32, #tpu.memory_space<hbm>>) target(%dma_start3A_48 : memref<128x64xf32, #tpu.memory_space<vmem>>) offsets(%dma_start3A_51 : memref<128xi32, #tpu.memory_space<vmem>>) semaphore(%arg11 : memref<!tpu.dma_semaphore, #tpu.memory_space<semaphore_mem>>)
    %scan3A_55 = arith.constant 0 : i32
    %scan3A_56 = arith.constant 0 : i32
    %scan3A_57 = arith.constant 12 : i32
    %scan3A_58 = arith.addi %scan3A_56, %scan3A_57 : i32
    %scan3A_59 = arith.constant 1 : i32
    %scan3A_60 = scf.for %scan3A_357 = %scan3A_56 to %scan3A_58 step %scan3A_59 iter_args(%scan3A_358 = %scan3A_55) -> (i32)  : i32 {
      %mul3A_359 = arith.constant 2 : i32
      %mul3A_360 = arith.muli %mul3A_359, %scan3A_357 : i32
      %mul3A_361 = arith.constant 3 : i32
      %mul3A_362 = arith.muli %mul3A_360, %mul3A_361 : i32
      %add3A_363 = arith.constant 3 : i32
      %add3A_364 = arith.addi %mul3A_362, %add3A_363 : i32
      %add3A_365 = arith.constant 0 : i32
      %add3A_366 = arith.addi %mul3A_362, %add3A_365 : i32
      %dma_wait3A_367 = arith.constant 0 : i32
      %dma_wait3A_368 = arith.constant 0 : i32
      %dma_wait3A_369 = arith.constant 0 : i32
      %dma_wait3A_370 = tpu.memref_slice %arg8[%dma_wait3A_367, %dma_wait3A_368, %dma_wait3A_369] : memref<3x128x64xf32, #tpu.memory_space<vmem>> -> memref<1x128x64xf32, #tpu.memory_space<vmem>>
      %dma_wait3A_371 = tpu.memref_squeeze %dma_wait3A_370 : memref<1x128x64xf32, #tpu.memory_space<vmem>> -> memref<128x64xf32, #tpu.memory_space<vmem>>
      %dma_wait3A_372 = arith.constant 0 : i32
      %dma_wait3A_373 = tpu.memref_slice %arg6[%add3A_366, %dma_wait3A_372] : memref<79x128xi32, #tpu.memory_space<vmem>> -> memref<1x128xi32, #tpu.memory_space<vmem>>
      %dma_wait3A_374 = tpu.memref_squeeze %dma_wait3A_373 : memref<1x128xi32, #tpu.memory_space<vmem>> -> memref<128xi32, #tpu.memory_space<vmem>>
      %dma_wait3A_375 = arith.constant 0 : i32
      %dma_wait3A_376 = arith.constant 0 : i32
      %dma_wait3A_377 = tpu.memref_slice %arg2[%dma_wait3A_375, %dma_wait3A_376] : memref<10240x64xf32, #tpu.memory_space<hbm>> -> memref<10240x64xf32, #tpu.memory_space<hbm>>
      tpu.wait_indirect_dma semaphore(%arg11 : memref<!tpu.dma_semaphore, #tpu.memory_space<semaphore_mem>>) src(%dma_wait3A_377 : memref<10240x64xf32, #tpu.memory_space<hbm>>) dst(%dma_wait3A_371 : memref<128x64xf32, #tpu.memory_space<vmem>>)
      %add3A_378 = arith.constant 1 : i32
      %add3A_379 = arith.addi %mul3A_362, %add3A_378 : i32
      %dma_wait3A_380 = arith.constant 1 : i32
      %dma_wait3A_381 = arith.constant 0 : i32
      %dma_wait3A_382 = arith.constant 0 : i32
      %dma_wait3A_383 = tpu.memref_slice %arg8[%dma_wait3A_380, %dma_wait3A_381, %dma_wait3A_382] : memref<3x128x64xf32, #tpu.memory_space<vmem>> -> memref<1x128x64xf32, #tpu.memory_space<vmem>>
      %dma_wait3A_384 = tpu.memref_squeeze %dma_wait3A_383 : memref<1x128x64xf32, #tpu.memory_space<vmem>> -> memref<128x64xf32, #tpu.memory_space<vmem>>
      %dma_wait3A_385 = arith.constant 0 : i32
      %dma_wait3A_386 = tpu.memref_slice %arg6[%add3A_379, %dma_wait3A_385] : memref<79x128xi32, #tpu.memory_space<vmem>> -> memref<1x128xi32, #tpu.memory_space<vmem>>
      %dma_wait3A_387 = tpu.memref_squeeze %dma_wait3A_386 : memref<1x128xi32, #tpu.memory_space<vmem>> -> memref<128xi32, #tpu.memory_space<vmem>>
      %dma_wait3A_388 = arith.constant 0 : i32
      %dma_wait3A_389 = arith.constant 0 : i32
      %dma_wait3A_390 = tpu.memref_slice %arg2[%dma_wait3A_388, %dma_wait3A_389] : memref<10240x64xf32, #tpu.memory_space<hbm>> -> memref<10240x64xf32, #tpu.memory_space<hbm>>
      tpu.wait_indirect_dma semaphore(%arg11 : memref<!tpu.dma_semaphore, #tpu.memory_space<semaphore_mem>>) src(%dma_wait3A_390 : memref<10240x64xf32, #tpu.memory_space<hbm>>) dst(%dma_wait3A_384 : memref<128x64xf32, #tpu.memory_space<vmem>>)
      %add3A_391 = arith.constant 2 : i32
      %add3A_392 = arith.addi %mul3A_362, %add3A_391 : i32
      %dma_wait3A_393 = arith.constant 2 : i32
      %dma_wait3A_394 = arith.constant 0 : i32
      %dma_wait3A_395 = arith.constant 0 : i32
      %dma_wait3A_396 = tpu.memref_slice %arg8[%dma_wait3A_393, %dma_wait3A_394, %dma_wait3A_395] : memref<3x128x64xf32, #tpu.memory_space<vmem>> -> memref<1x128x64xf32, #tpu.memory_space<vmem>>
      %dma_wait3A_397 = tpu.memref_squeeze %dma_wait3A_396 : memref<1x128x64xf32, #tpu.memory_space<vmem>> -> memref<128x64xf32, #tpu.memory_space<vmem>>
      %dma_wait3A_398 = arith.constant 0 : i32
      %dma_wait3A_399 = tpu.memref_slice %arg6[%add3A_392, %dma_wait3A_398] : memref<79x128xi32, #tpu.memory_space<vmem>> -> memref<1x128xi32, #tpu.memory_space<vmem>>
      %dma_wait3A_400 = tpu.memref_squeeze %dma_wait3A_399 : memref<1x128xi32, #tpu.memory_space<vmem>> -> memref<128xi32, #tpu.memory_space<vmem>>
      %dma_wait3A_401 = arith.constant 0 : i32
      %dma_wait3A_402 = arith.constant 0 : i32
      %dma_wait3A_403 = tpu.memref_slice %arg2[%dma_wait3A_401, %dma_wait3A_402] : memref<10240x64xf32, #tpu.memory_space<hbm>> -> memref<10240x64xf32, #tpu.memory_space<hbm>>
      tpu.wait_indirect_dma semaphore(%arg11 : memref<!tpu.dma_semaphore, #tpu.memory_space<semaphore_mem>>) src(%dma_wait3A_403 : memref<10240x64xf32, #tpu.memory_space<hbm>>) dst(%dma_wait3A_397 : memref<128x64xf32, #tpu.memory_space<vmem>>)
      %add3A_404 = arith.constant 0 : i32
      %add3A_405 = arith.addi %mul3A_362, %add3A_404 : i32
      %dma_start3A_406 = arith.constant 0 : i32
      %dma_start3A_407 = arith.constant 0 : i32
      %dma_start3A_408 = arith.constant 0 : i32
      %dma_start3A_409 = tpu.memref_slice %arg8[%dma_start3A_406, %dma_start3A_407, %dma_start3A_408] : memref<3x128x64xf32, #tpu.memory_space<vmem>> -> memref<1x128x64xf32, #tpu.memory_space<vmem>>
      %dma_start3A_410 = tpu.memref_squeeze %dma_start3A_409 : memref<1x128x64xf32, #tpu.memory_space<vmem>> -> memref<128x64xf32, #tpu.memory_space<vmem>>
      %dma_start3A_411 = arith.constant 0 : i32
      %dma_start3A_412 = tpu.memref_slice %arg7[%add3A_405, %dma_start3A_411] : memref<79x128xi32, #tpu.memory_space<vmem>> -> memref<1x128xi32, #tpu.memory_space<vmem>>
      %dma_start3A_413 = tpu.memref_squeeze %dma_start3A_412 : memref<1x128xi32, #tpu.memory_space<vmem>> -> memref<128xi32, #tpu.memory_space<vmem>>
      %dma_start3A_414 = arith.constant 0 : i32
      %dma_start3A_415 = arith.constant 0 : i32
      %dma_start3A_416 = tpu.memref_slice %arg10[%dma_start3A_414, %dma_start3A_415] : memref<10240x64xf32, #tpu.memory_space<vmem_shared>> -> memref<10240x64xf32, #tpu.memory_space<vmem_shared>>
      tpu.enqueue_indirect_dma source(%dma_start3A_410 : memref<128x64xf32, #tpu.memory_space<vmem>>) target(%dma_start3A_416 : memref<10240x64xf32, #tpu.memory_space<vmem_shared>>) offsets(%dma_start3A_413 : memref<128xi32, #tpu.memory_space<vmem>>) semaphore(%arg12 : memref<!tpu.dma_semaphore, #tpu.memory_space<semaphore_mem>>) {add = true}
      %add3A_417 = arith.constant 1 : i32
      %add3A_418 = arith.addi %mul3A_362, %add3A_417 : i32
      %dma_start3A_419 = arith.constant 1 : i32
      %dma_start3A_420 = arith.constant 0 : i32
      %dma_start3A_421 = arith.constant 0 : i32
      %dma_start3A_422 = tpu.memref_slice %arg8[%dma_start3A_419, %dma_start3A_420, %dma_start3A_421] : memref<3x128x64xf32, #tpu.memory_space<vmem>> -> memref<1x128x64xf32, #tpu.memory_space<vmem>>
      %dma_start3A_423 = tpu.memref_squeeze %dma_start3A_422 : memref<1x128x64xf32, #tpu.memory_space<vmem>> -> memref<128x64xf32, #tpu.memory_space<vmem>>
      %dma_start3A_424 = arith.constant 0 : i32
      %dma_start3A_425 = tpu.memref_slice %arg7[%add3A_418, %dma_start3A_424] : memref<79x128xi32, #tpu.memory_space<vmem>> -> memref<1x128xi32, #tpu.memory_space<vmem>>
      %dma_start3A_426 = tpu.memref_squeeze %dma_start3A_425 : memref<1x128xi32, #tpu.memory_space<vmem>> -> memref<128xi32, #tpu.memory_space<vmem>>
      %dma_start3A_427 = arith.constant 0 : i32
      %dma_start3A_428 = arith.constant 0 : i32
      %dma_start3A_429 = tpu.memref_slice %arg10[%dma_start3A_427, %dma_start3A_428] : memref<10240x64xf32, #tpu.memory_space<vmem_shared>> -> memref<10240x64xf32, #tpu.memory_space<vmem_shared>>
      tpu.enqueue_indirect_dma source(%dma_start3A_423 : memref<128x64xf32, #tpu.memory_space<vmem>>) target(%dma_start3A_429 : memref<10240x64xf32, #tpu.memory_space<vmem_shared>>) offsets(%dma_start3A_426 : memref<128xi32, #tpu.memory_space<vmem>>) semaphore(%arg12 : memref<!tpu.dma_semaphore, #tpu.memory_space<semaphore_mem>>) {add = true}
      %add3A_430 = arith.constant 2 : i32
      %add3A_431 = arith.addi %mul3A_362, %add3A_430 : i32
      %dma_start3A_432 = arith.constant 2 : i32
      %dma_start3A_433 = arith.constant 0 : i32
      %dma_start3A_434 = arith.constant 0 : i32
      %dma_start3A_435 = tpu.memref_slice %arg8[%dma_start3A_432, %dma_start3A_433, %dma_start3A_434] : memref<3x128x64xf32, #tpu.memory_space<vmem>> -> memref<1x128x64xf32, #tpu.memory_space<vmem>>
      %dma_start3A_436 = tpu.memref_squeeze %dma_start3A_435 : memref<1x128x64xf32, #tpu.memory_space<vmem>> -> memref<128x64xf32, #tpu.memory_space<vmem>>
      %dma_start3A_437 = arith.constant 0 : i32
      %dma_start3A_438 = tpu.memref_slice %arg7[%add3A_431, %dma_start3A_437] : memref<79x128xi32, #tpu.memory_space<vmem>> -> memref<1x128xi32, #tpu.memory_space<vmem>>
      %dma_start3A_439 = tpu.memref_squeeze %dma_start3A_438 : memref<1x128xi32, #tpu.memory_space<vmem>> -> memref<128xi32, #tpu.memory_space<vmem>>
      %dma_start3A_440 = arith.constant 0 : i32
      %dma_start3A_441 = arith.constant 0 : i32
      %dma_start3A_442 = tpu.memref_slice %arg10[%dma_start3A_440, %dma_start3A_441] : memref<10240x64xf32, #tpu.memory_space<vmem_shared>> -> memref<10240x64xf32, #tpu.memory_space<vmem_shared>>
      tpu.enqueue_indirect_dma source(%dma_start3A_436 : memref<128x64xf32, #tpu.memory_space<vmem>>) target(%dma_start3A_442 : memref<10240x64xf32, #tpu.memory_space<vmem_shared>>) offsets(%dma_start3A_439 : memref<128xi32, #tpu.memory_space<vmem>>) semaphore(%arg12 : memref<!tpu.dma_semaphore, #tpu.memory_space<semaphore_mem>>) {add = true}
      %gt3A = arith.constant 0 : i32
      %gt3A_443 = arith.cmpi sgt, %scan3A_357, %gt3A : i32
      %convert_element_type3A_444 = arith.extui %gt3A_443 : i1 to i32
      %cond3A_445 = arith.constant 0 : i32
      %cond3A_446 = arith.cmpi ne, %convert_element_type3A_444, %cond3A_445 : i32
      scf.if %cond3A_446 {
        %sub3A = arith.constant 3 : i32
        %sub3A_645 = arith.subi %mul3A_362, %sub3A : i32
        %add3A_646 = arith.constant 0 : i32
        %add3A_647 = arith.addi %sub3A_645, %add3A_646 : i32
        %dma_wait3A_648 = arith.constant 0 : i32
        %dma_wait3A_649 = arith.constant 0 : i32
        %dma_wait3A_650 = arith.constant 0 : i32
        %dma_wait3A_651 = tpu.memref_slice %arg9[%dma_wait3A_648, %dma_wait3A_649, %dma_wait3A_650] : memref<3x128x64xf32, #tpu.memory_space<vmem>> -> memref<1x128x64xf32, #tpu.memory_space<vmem>>
        %dma_wait3A_652 = tpu.memref_squeeze %dma_wait3A_651 : memref<1x128x64xf32, #tpu.memory_space<vmem>> -> memref<128x64xf32, #tpu.memory_space<vmem>>
        %dma_wait3A_653 = arith.constant 0 : i32
        %dma_wait3A_654 = tpu.memref_slice %arg7[%add3A_647, %dma_wait3A_653] : memref<79x128xi32, #tpu.memory_space<vmem>> -> memref<1x128xi32, #tpu.memory_space<vmem>>
        %dma_wait3A_655 = tpu.memref_squeeze %dma_wait3A_654 : memref<1x128xi32, #tpu.memory_space<vmem>> -> memref<128xi32, #tpu.memory_space<vmem>>
        %dma_wait3A_656 = arith.constant 0 : i32
        %dma_wait3A_657 = arith.constant 0 : i32
        %dma_wait3A_658 = tpu.memref_slice %arg10[%dma_wait3A_656, %dma_wait3A_657] : memref<10240x64xf32, #tpu.memory_space<vmem_shared>> -> memref<10240x64xf32, #tpu.memory_space<vmem_shared>>
        tpu.wait_indirect_dma semaphore(%arg13 : memref<!tpu.dma_semaphore, #tpu.memory_space<semaphore_mem>>) src(%dma_wait3A_652 : memref<128x64xf32, #tpu.memory_space<vmem>>) dst(%dma_wait3A_658 : memref<10240x64xf32, #tpu.memory_space<vmem_shared>>)
        %add3A_659 = arith.constant 1 : i32
        %add3A_660 = arith.addi %sub3A_645, %add3A_659 : i32
        %dma_wait3A_661 = arith.constant 1 : i32
        %dma_wait3A_662 = arith.constant 0 : i32
        %dma_wait3A_663 = arith.constant 0 : i32
        %dma_wait3A_664 = tpu.memref_slice %arg9[%dma_wait3A_661, %dma_wait3A_662, %dma_wait3A_663] : memref<3x128x64xf32, #tpu.memory_space<vmem>> -> memref<1x128x64xf32, #tpu.memory_space<vmem>>
        %dma_wait3A_665 = tpu.memref_squeeze %dma_wait3A_664 : memref<1x128x64xf32, #tpu.memory_space<vmem>> -> memref<128x64xf32, #tpu.memory_space<vmem>>
        %dma_wait3A_666 = arith.constant 0 : i32
        %dma_wait3A_667 = tpu.memref_slice %arg7[%add3A_660, %dma_wait3A_666] : memref<79x128xi32, #tpu.memory_space<vmem>> -> memref<1x128xi32, #tpu.memory_space<vmem>>
        %dma_wait3A_668 = tpu.memref_squeeze %dma_wait3A_667 : memref<1x128xi32, #tpu.memory_space<vmem>> -> memref<128xi32, #tpu.memory_space<vmem>>
        %dma_wait3A_669 = arith.constant 0 : i32
        %dma_wait3A_670 = arith.constant 0 : i32
        %dma_wait3A_671 = tpu.memref_slice %arg10[%dma_wait3A_669, %dma_wait3A_670] : memref<10240x64xf32, #tpu.memory_space<vmem_shared>> -> memref<10240x64xf32, #tpu.memory_space<vmem_shared>>
        tpu.wait_indirect_dma semaphore(%arg13 : memref<!tpu.dma_semaphore, #tpu.memory_space<semaphore_mem>>) src(%dma_wait3A_665 : memref<128x64xf32, #tpu.memory_space<vmem>>) dst(%dma_wait3A_671 : memref<10240x64xf32, #tpu.memory_space<vmem_shared>>)
        %add3A_672 = arith.constant 2 : i32
        %add3A_673 = arith.addi %sub3A_645, %add3A_672 : i32
        %dma_wait3A_674 = arith.constant 2 : i32
        %dma_wait3A_675 = arith.constant 0 : i32
        %dma_wait3A_676 = arith.constant 0 : i32
        %dma_wait3A_677 = tpu.memref_slice %arg9[%dma_wait3A_674, %dma_wait3A_675, %dma_wait3A_676] : memref<3x128x64xf32, #tpu.memory_space<vmem>> -> memref<1x128x64xf32, #tpu.memory_space<vmem>>
        %dma_wait3A_678 = tpu.memref_squeeze %dma_wait3A_677 : memref<1x128x64xf32, #tpu.memory_space<vmem>> -> memref<128x64xf32, #tpu.memory_space<vmem>>
        %dma_wait3A_679 = arith.constant 0 : i32
        %dma_wait3A_680 = tpu.memref_slice %arg7[%add3A_673, %dma_wait3A_679] : memref<79x128xi32, #tpu.memory_space<vmem>> -> memref<1x128xi32, #tpu.memory_space<vmem>>
        %dma_wait3A_681 = tpu.memref_squeeze %dma_wait3A_680 : memref<1x128xi32, #tpu.memory_space<vmem>> -> memref<128xi32, #tpu.memory_space<vmem>>
        %dma_wait3A_682 = arith.constant 0 : i32
        %dma_wait3A_683 = arith.constant 0 : i32
        %dma_wait3A_684 = tpu.memref_slice %arg10[%dma_wait3A_682, %dma_wait3A_683] : memref<10240x64xf32, #tpu.memory_space<vmem_shared>> -> memref<10240x64xf32, #tpu.memory_space<vmem_shared>>
        tpu.wait_indirect_dma semaphore(%arg13 : memref<!tpu.dma_semaphore, #tpu.memory_space<semaphore_mem>>) src(%dma_wait3A_678 : memref<128x64xf32, #tpu.memory_space<vmem>>) dst(%dma_wait3A_684 : memref<10240x64xf32, #tpu.memory_space<vmem_shared>>)
      } else {
      }
      %add3A_447 = arith.constant 0 : i32
      %add3A_448 = arith.addi %add3A_364, %add3A_447 : i32
      %dma_start3A_449 = arith.constant 0 : i32
      %dma_start3A_450 = arith.constant 0 : i32
      %dma_start3A_451 = arith.constant 0 : i32
      %dma_start3A_452 = tpu.memref_slice %arg9[%dma_start3A_449, %dma_start3A_450, %dma_start3A_451] : memref<3x128x64xf32, #tpu.memory_space<vmem>> -> memref<1x128x64xf32, #tpu.memory_space<vmem>>
      %dma_start3A_453 = tpu.memref_squeeze %dma_start3A_452 : memref<1x128x64xf32, #tpu.memory_space<vmem>> -> memref<128x64xf32, #tpu.memory_space<vmem>>
      %dma_start3A_454 = arith.constant 0 : i32
      %dma_start3A_455 = tpu.memref_slice %arg6[%add3A_448, %dma_start3A_454] : memref<79x128xi32, #tpu.memory_space<vmem>> -> memref<1x128xi32, #tpu.memory_space<vmem>>
      %dma_start3A_456 = tpu.memref_squeeze %dma_start3A_455 : memref<1x128xi32, #tpu.memory_space<vmem>> -> memref<128xi32, #tpu.memory_space<vmem>>
      %dma_start3A_457 = arith.constant 0 : i32
      %dma_start3A_458 = arith.constant 0 : i32
      %dma_start3A_459 = tpu.memref_slice %arg2[%dma_start3A_457, %dma_start3A_458] : memref<10240x64xf32, #tpu.memory_space<hbm>> -> memref<10240x64xf32, #tpu.memory_space<hbm>>
      tpu.enqueue_indirect_dma source(%dma_start3A_459 : memref<10240x64xf32, #tpu.memory_space<hbm>>) target(%dma_start3A_453 : memref<128x64xf32, #tpu.memory_space<vmem>>) offsets(%dma_start3A_456 : memref<128xi32, #tpu.memory_space<vmem>>) semaphore(%arg11 : memref<!tpu.dma_semaphore, #tpu.memory_space<semaphore_mem>>)
      %add3A_460 = arith.constant 1 : i32
      %add3A_461 = arith.addi %add3A_364, %add3A_460 : i32
      %dma_start3A_462 = arith.constant 1 : i32
      %dma_start3A_463 = arith.constant 0 : i32
      %dma_start3A_464 = arith.constant 0 : i32
      %dma_start3A_465 = tpu.memref_slice %arg9[%dma_start3A_462, %dma_start3A_463, %dma_start3A_464] : memref<3x128x64xf32, #tpu.memory_space<vmem>> -> memref<1x128x64xf32, #tpu.memory_space<vmem>>
      %dma_start3A_466 = tpu.memref_squeeze %dma_start3A_465 : memref<1x128x64xf32, #tpu.memory_space<vmem>> -> memref<128x64xf32, #tpu.memory_space<vmem>>
      %dma_start3A_467 = arith.constant 0 : i32
      %dma_start3A_468 = tpu.memref_slice %arg6[%add3A_461, %dma_start3A_467] : memref<79x128xi32, #tpu.memory_space<vmem>> -> memref<1x128xi32, #tpu.memory_space<vmem>>
      %dma_start3A_469 = tpu.memref_squeeze %dma_start3A_468 : memref<1x128xi32, #tpu.memory_space<vmem>> -> memref<128xi32, #tpu.memory_space<vmem>>
      %dma_start3A_470 = arith.constant 0 : i32
      %dma_start3A_471 = arith.constant 0 : i32
      %dma_start3A_472 = tpu.memref_slice %arg2[%dma_start3A_470, %dma_start3A_471] : memref<10240x64xf32, #tpu.memory_space<hbm>> -> memref<10240x64xf32, #tpu.memory_space<hbm>>
      tpu.enqueue_indirect_dma source(%dma_start3A_472 : memref<10240x64xf32, #tpu.memory_space<hbm>>) target(%dma_start3A_466 : memref<128x64xf32, #tpu.memory_space<vmem>>) offsets(%dma_start3A_469 : memref<128xi32, #tpu.memory_space<vmem>>) semaphore(%arg11 : memref<!tpu.dma_semaphore, #tpu.memory_space<semaphore_mem>>)
      %add3A_473 = arith.constant 2 : i32
      %add3A_474 = arith.addi %add3A_364, %add3A_473 : i32
      %dma_start3A_475 = arith.constant 2 : i32
      %dma_start3A_476 = arith.constant 0 : i32
      %dma_start3A_477 = arith.constant 0 : i32
      %dma_start3A_478 = tpu.memref_slice %arg9[%dma_start3A_475, %dma_start3A_476, %dma_start3A_477] : memref<3x128x64xf32, #tpu.memory_space<vmem>> -> memref<1x128x64xf32, #tpu.memory_space<vmem>>
      %dma_start3A_479 = tpu.memref_squeeze %dma_start3A_478 : memref<1x128x64xf32, #tpu.memory_space<vmem>> -> memref<128x64xf32, #tpu.memory_space<vmem>>
      %dma_start3A_480 = arith.constant 0 : i32
      %dma_start3A_481 = tpu.memref_slice %arg6[%add3A_474, %dma_start3A_480] : memref<79x128xi32, #tpu.memory_space<vmem>> -> memref<1x128xi32, #tpu.memory_space<vmem>>
      %dma_start3A_482 = tpu.memref_squeeze %dma_start3A_481 : memref<1x128xi32, #tpu.memory_space<vmem>> -> memref<128xi32, #tpu.memory_space<vmem>>
      %dma_start3A_483 = arith.constant 0 : i32
      %dma_start3A_484 = arith.constant 0 : i32
      %dma_start3A_485 = tpu.memref_slice %arg2[%dma_start3A_483, %dma_start3A_484] : memref<10240x64xf32, #tpu.memory_space<hbm>> -> memref<10240x64xf32, #tpu.memory_space<hbm>>
      tpu.enqueue_indirect_dma source(%dma_start3A_485 : memref<10240x64xf32, #tpu.memory_space<hbm>>) target(%dma_start3A_479 : memref<128x64xf32, #tpu.memory_space<vmem>>) offsets(%dma_start3A_482 : memref<128xi32, #tpu.memory_space<vmem>>) semaphore(%arg11 : memref<!tpu.dma_semaphore, #tpu.memory_space<semaphore_mem>>)
      %add3A_486 = arith.constant 0 : i32
      %add3A_487 = arith.addi %add3A_364, %add3A_486 : i32
      %dma_wait3A_488 = arith.constant 0 : i32
      %dma_wait3A_489 = arith.constant 0 : i32
      %dma_wait3A_490 = arith.constant 0 : i32
      %dma_wait3A_491 = tpu.memref_slice %arg9[%dma_wait3A_488, %dma_wait3A_489, %dma_wait3A_490] : memref<3x128x64xf32, #tpu.memory_space<vmem>> -> memref<1x128x64xf32, #tpu.memory_space<vmem>>
      %dma_wait3A_492 = tpu.memref_squeeze %dma_wait3A_491 : memref<1x128x64xf32, #tpu.memory_space<vmem>> -> memref<128x64xf32, #tpu.memory_space<vmem>>
      %dma_wait3A_493 = arith.constant 0 : i32
      %dma_wait3A_494 = tpu.memref_slice %arg6[%add3A_487, %dma_wait3A_493] : memref<79x128xi32, #tpu.memory_space<vmem>> -> memref<1x128xi32, #tpu.memory_space<vmem>>
      %dma_wait3A_495 = tpu.memref_squeeze %dma_wait3A_494 : memref<1x128xi32, #tpu.memory_space<vmem>> -> memref<128xi32, #tpu.memory_space<vmem>>
      %dma_wait3A_496 = arith.constant 0 : i32
      %dma_wait3A_497 = arith.constant 0 : i32
      %dma_wait3A_498 = tpu.memref_slice %arg2[%dma_wait3A_496, %dma_wait3A_497] : memref<10240x64xf32, #tpu.memory_space<hbm>> -> memref<10240x64xf32, #tpu.memory_space<hbm>>
      tpu.wait_indirect_dma semaphore(%arg11 : memref<!tpu.dma_semaphore, #tpu.memory_space<semaphore_mem>>) src(%dma_wait3A_498 : memref<10240x64xf32, #tpu.memory_space<hbm>>) dst(%dma_wait3A_492 : memref<128x64xf32, #tpu.memory_space<vmem>>)
      %add3A_499 = arith.constant 1 : i32
      %add3A_500 = arith.addi %add3A_364, %add3A_499 : i32
      %dma_wait3A_501 = arith.constant 1 : i32
      %dma_wait3A_502 = arith.constant 0 : i32
      %dma_wait3A_503 = arith.constant 0 : i32
      %dma_wait3A_504 = tpu.memref_slice %arg9[%dma_wait3A_501, %dma_wait3A_502, %dma_wait3A_503] : memref<3x128x64xf32, #tpu.memory_space<vmem>> -> memref<1x128x64xf32, #tpu.memory_space<vmem>>
      %dma_wait3A_505 = tpu.memref_squeeze %dma_wait3A_504 : memref<1x128x64xf32, #tpu.memory_space<vmem>> -> memref<128x64xf32, #tpu.memory_space<vmem>>
      %dma_wait3A_506 = arith.constant 0 : i32
      %dma_wait3A_507 = tpu.memref_slice %arg6[%add3A_500, %dma_wait3A_506] : memref<79x128xi32, #tpu.memory_space<vmem>> -> memref<1x128xi32, #tpu.memory_space<vmem>>
      %dma_wait3A_508 = tpu.memref_squeeze %dma_wait3A_507 : memref<1x128xi32, #tpu.memory_space<vmem>> -> memref<128xi32, #tpu.memory_space<vmem>>
      %dma_wait3A_509 = arith.constant 0 : i32
      %dma_wait3A_510 = arith.constant 0 : i32
      %dma_wait3A_511 = tpu.memref_slice %arg2[%dma_wait3A_509, %dma_wait3A_510] : memref<10240x64xf32, #tpu.memory_space<hbm>> -> memref<10240x64xf32, #tpu.memory_space<hbm>>
      tpu.wait_indirect_dma semaphore(%arg11 : memref<!tpu.dma_semaphore, #tpu.memory_space<semaphore_mem>>) src(%dma_wait3A_511 : memref<10240x64xf32, #tpu.memory_space<hbm>>) dst(%dma_wait3A_505 : memref<128x64xf32, #tpu.memory_space<vmem>>)
      %add3A_512 = arith.constant 2 : i32
      %add3A_513 = arith.addi %add3A_364, %add3A_512 : i32
      %dma_wait3A_514 = arith.constant 2 : i32
      %dma_wait3A_515 = arith.constant 0 : i32
      %dma_wait3A_516 = arith.constant 0 : i32
      %dma_wait3A_517 = tpu.memref_slice %arg9[%dma_wait3A_514, %dma_wait3A_515, %dma_wait3A_516] : memref<3x128x64xf32, #tpu.memory_space<vmem>> -> memref<1x128x64xf32, #tpu.memory_space<vmem>>
      %dma_wait3A_518 = tpu.memref_squeeze %dma_wait3A_517 : memref<1x128x64xf32, #tpu.memory_space<vmem>> -> memref<128x64xf32, #tpu.memory_space<vmem>>
      %dma_wait3A_519 = arith.constant 0 : i32
      %dma_wait3A_520 = tpu.memref_slice %arg6[%add3A_513, %dma_wait3A_519] : memref<79x128xi32, #tpu.memory_space<vmem>> -> memref<1x128xi32, #tpu.memory_space<vmem>>
      %dma_wait3A_521 = tpu.memref_squeeze %dma_wait3A_520 : memref<1x128xi32, #tpu.memory_space<vmem>> -> memref<128xi32, #tpu.memory_space<vmem>>
      %dma_wait3A_522 = arith.constant 0 : i32
      %dma_wait3A_523 = arith.constant 0 : i32
      %dma_wait3A_524 = tpu.memref_slice %arg2[%dma_wait3A_522, %dma_wait3A_523] : memref<10240x64xf32, #tpu.memory_space<hbm>> -> memref<10240x64xf32, #tpu.memory_space<hbm>>
      tpu.wait_indirect_dma semaphore(%arg11 : memref<!tpu.dma_semaphore, #tpu.memory_space<semaphore_mem>>) src(%dma_wait3A_524 : memref<10240x64xf32, #tpu.memory_space<hbm>>) dst(%dma_wait3A_518 : memref<128x64xf32, #tpu.memory_space<vmem>>)
      %add3A_525 = arith.constant 0 : i32
      %add3A_526 = arith.addi %add3A_364, %add3A_525 : i32
      %dma_start3A_527 = arith.constant 0 : i32
      %dma_start3A_528 = arith.constant 0 : i32
      %dma_start3A_529 = arith.constant 0 : i32
      %dma_start3A_530 = tpu.memref_slice %arg9[%dma_start3A_527, %dma_start3A_528, %dma_start3A_529] : memref<3x128x64xf32, #tpu.memory_space<vmem>> -> memref<1x128x64xf32, #tpu.memory_space<vmem>>
      %dma_start3A_531 = tpu.memref_squeeze %dma_start3A_530 : memref<1x128x64xf32, #tpu.memory_space<vmem>> -> memref<128x64xf32, #tpu.memory_space<vmem>>
      %dma_start3A_532 = arith.constant 0 : i32
      %dma_start3A_533 = tpu.memref_slice %arg7[%add3A_526, %dma_start3A_532] : memref<79x128xi32, #tpu.memory_space<vmem>> -> memref<1x128xi32, #tpu.memory_space<vmem>>
      %dma_start3A_534 = tpu.memref_squeeze %dma_start3A_533 : memref<1x128xi32, #tpu.memory_space<vmem>> -> memref<128xi32, #tpu.memory_space<vmem>>
      %dma_start3A_535 = arith.constant 0 : i32
      %dma_start3A_536 = arith.constant 0 : i32
      %dma_start3A_537 = tpu.memref_slice %arg10[%dma_start3A_535, %dma_start3A_536] : memref<10240x64xf32, #tpu.memory_space<vmem_shared>> -> memref<10240x64xf32, #tpu.memory_space<vmem_shared>>
      tpu.enqueue_indirect_dma source(%dma_start3A_531 : memref<128x64xf32, #tpu.memory_space<vmem>>) target(%dma_start3A_537 : memref<10240x64xf32, #tpu.memory_space<vmem_shared>>) offsets(%dma_start3A_534 : memref<128xi32, #tpu.memory_space<vmem>>) semaphore(%arg13 : memref<!tpu.dma_semaphore, #tpu.memory_space<semaphore_mem>>) {add = true}
      %add3A_538 = arith.constant 1 : i32
      %add3A_539 = arith.addi %add3A_364, %add3A_538 : i32
      %dma_start3A_540 = arith.constant 1 : i32
      %dma_start3A_541 = arith.constant 0 : i32
      %dma_start3A_542 = arith.constant 0 : i32
      %dma_start3A_543 = tpu.memref_slice %arg9[%dma_start3A_540, %dma_start3A_541, %dma_start3A_542] : memref<3x128x64xf32, #tpu.memory_space<vmem>> -> memref<1x128x64xf32, #tpu.memory_space<vmem>>
      %dma_start3A_544 = tpu.memref_squeeze %dma_start3A_543 : memref<1x128x64xf32, #tpu.memory_space<vmem>> -> memref<128x64xf32, #tpu.memory_space<vmem>>
      %dma_start3A_545 = arith.constant 0 : i32
      %dma_start3A_546 = tpu.memref_slice %arg7[%add3A_539, %dma_start3A_545] : memref<79x128xi32, #tpu.memory_space<vmem>> -> memref<1x128xi32, #tpu.memory_space<vmem>>
      %dma_start3A_547 = tpu.memref_squeeze %dma_start3A_546 : memref<1x128xi32, #tpu.memory_space<vmem>> -> memref<128xi32, #tpu.memory_space<vmem>>
      %dma_start3A_548 = arith.constant 0 : i32
      %dma_start3A_549 = arith.constant 0 : i32
      %dma_start3A_550 = tpu.memref_slice %arg10[%dma_start3A_548, %dma_start3A_549] : memref<10240x64xf32, #tpu.memory_space<vmem_shared>> -> memref<10240x64xf32, #tpu.memory_space<vmem_shared>>
      tpu.enqueue_indirect_dma source(%dma_start3A_544 : memref<128x64xf32, #tpu.memory_space<vmem>>) target(%dma_start3A_550 : memref<10240x64xf32, #tpu.memory_space<vmem_shared>>) offsets(%dma_start3A_547 : memref<128xi32, #tpu.memory_space<vmem>>) semaphore(%arg13 : memref<!tpu.dma_semaphore, #tpu.memory_space<semaphore_mem>>) {add = true}
      %add3A_551 = arith.constant 2 : i32
      %add3A_552 = arith.addi %add3A_364, %add3A_551 : i32
      %dma_start3A_553 = arith.constant 2 : i32
      %dma_start3A_554 = arith.constant 0 : i32
      %dma_start3A_555 = arith.constant 0 : i32
      %dma_start3A_556 = tpu.memref_slice %arg9[%dma_start3A_553, %dma_start3A_554, %dma_start3A_555] : memref<3x128x64xf32, #tpu.memory_space<vmem>> -> memref<1x128x64xf32, #tpu.memory_space<vmem>>
      %dma_start3A_557 = tpu.memref_squeeze %dma_start3A_556 : memref<1x128x64xf32, #tpu.memory_space<vmem>> -> memref<128x64xf32, #tpu.memory_space<vmem>>
      %dma_start3A_558 = arith.constant 0 : i32
      %dma_start3A_559 = tpu.memref_slice %arg7[%add3A_552, %dma_start3A_558] : memref<79x128xi32, #tpu.memory_space<vmem>> -> memref<1x128xi32, #tpu.memory_space<vmem>>
      %dma_start3A_560 = tpu.memref_squeeze %dma_start3A_559 : memref<1x128xi32, #tpu.memory_space<vmem>> -> memref<128xi32, #tpu.memory_space<vmem>>
      %dma_start3A_561 = arith.constant 0 : i32
      %dma_start3A_562 = arith.constant 0 : i32
      %dma_start3A_563 = tpu.memref_slice %arg10[%dma_start3A_561, %dma_start3A_562] : memref<10240x64xf32, #tpu.memory_space<vmem_shared>> -> memref<10240x64xf32, #tpu.memory_space<vmem_shared>>
      tpu.enqueue_indirect_dma source(%dma_start3A_557 : memref<128x64xf32, #tpu.memory_space<vmem>>) target(%dma_start3A_563 : memref<10240x64xf32, #tpu.memory_space<vmem_shared>>) offsets(%dma_start3A_560 : memref<128xi32, #tpu.memory_space<vmem>>) semaphore(%arg13 : memref<!tpu.dma_semaphore, #tpu.memory_space<semaphore_mem>>) {add = true}
      %add3A_564 = arith.constant 0 : i32
      %add3A_565 = arith.addi %mul3A_362, %add3A_564 : i32
      %dma_wait3A_566 = arith.constant 0 : i32
      %dma_wait3A_567 = arith.constant 0 : i32
      %dma_wait3A_568 = arith.constant 0 : i32
      %dma_wait3A_569 = tpu.memref_slice %arg8[%dma_wait3A_566, %dma_wait3A_567, %dma_wait3A_568] : memref<3x128x64xf32, #tpu.memory_space<vmem>> -> memref<1x128x64xf32, #tpu.memory_space<vmem>>
      %dma_wait3A_570 = tpu.memref_squeeze %dma_wait3A_569 : memref<1x128x64xf32, #tpu.memory_space<vmem>> -> memref<128x64xf32, #tpu.memory_space<vmem>>
      %dma_wait3A_571 = arith.constant 0 : i32
      %dma_wait3A_572 = tpu.memref_slice %arg7[%add3A_565, %dma_wait3A_571] : memref<79x128xi32, #tpu.memory_space<vmem>> -> memref<1x128xi32, #tpu.memory_space<vmem>>
      %dma_wait3A_573 = tpu.memref_squeeze %dma_wait3A_572 : memref<1x128xi32, #tpu.memory_space<vmem>> -> memref<128xi32, #tpu.memory_space<vmem>>
      %dma_wait3A_574 = arith.constant 0 : i32
      %dma_wait3A_575 = arith.constant 0 : i32
      %dma_wait3A_576 = tpu.memref_slice %arg10[%dma_wait3A_574, %dma_wait3A_575] : memref<10240x64xf32, #tpu.memory_space<vmem_shared>> -> memref<10240x64xf32, #tpu.memory_space<vmem_shared>>
      tpu.wait_indirect_dma semaphore(%arg12 : memref<!tpu.dma_semaphore, #tpu.memory_space<semaphore_mem>>) src(%dma_wait3A_570 : memref<128x64xf32, #tpu.memory_space<vmem>>) dst(%dma_wait3A_576 : memref<10240x64xf32, #tpu.memory_space<vmem_shared>>)
      %add3A_577 = arith.constant 1 : i32
      %add3A_578 = arith.addi %mul3A_362, %add3A_577 : i32
      %dma_wait3A_579 = arith.constant 1 : i32
      %dma_wait3A_580 = arith.constant 0 : i32
      %dma_wait3A_581 = arith.constant 0 : i32
      %dma_wait3A_582 = tpu.memref_slice %arg8[%dma_wait3A_579, %dma_wait3A_580, %dma_wait3A_581] : memref<3x128x64xf32, #tpu.memory_space<vmem>> -> memref<1x128x64xf32, #tpu.memory_space<vmem>>
      %dma_wait3A_583 = tpu.memref_squeeze %dma_wait3A_582 : memref<1x128x64xf32, #tpu.memory_space<vmem>> -> memref<128x64xf32, #tpu.memory_space<vmem>>
      %dma_wait3A_584 = arith.constant 0 : i32
      %dma_wait3A_585 = tpu.memref_slice %arg7[%add3A_578, %dma_wait3A_584] : memref<79x128xi32, #tpu.memory_space<vmem>> -> memref<1x128xi32, #tpu.memory_space<vmem>>
      %dma_wait3A_586 = tpu.memref_squeeze %dma_wait3A_585 : memref<1x128xi32, #tpu.memory_space<vmem>> -> memref<128xi32, #tpu.memory_space<vmem>>
      %dma_wait3A_587 = arith.constant 0 : i32
      %dma_wait3A_588 = arith.constant 0 : i32
      %dma_wait3A_589 = tpu.memref_slice %arg10[%dma_wait3A_587, %dma_wait3A_588] : memref<10240x64xf32, #tpu.memory_space<vmem_shared>> -> memref<10240x64xf32, #tpu.memory_space<vmem_shared>>
      tpu.wait_indirect_dma semaphore(%arg12 : memref<!tpu.dma_semaphore, #tpu.memory_space<semaphore_mem>>) src(%dma_wait3A_583 : memref<128x64xf32, #tpu.memory_space<vmem>>) dst(%dma_wait3A_589 : memref<10240x64xf32, #tpu.memory_space<vmem_shared>>)
      %add3A_590 = arith.constant 2 : i32
      %add3A_591 = arith.addi %mul3A_362, %add3A_590 : i32
      %dma_wait3A_592 = arith.constant 2 : i32
      %dma_wait3A_593 = arith.constant 0 : i32
      %dma_wait3A_594 = arith.constant 0 : i32
      %dma_wait3A_595 = tpu.memref_slice %arg8[%dma_wait3A_592, %dma_wait3A_593, %dma_wait3A_594] : memref<3x128x64xf32, #tpu.memory_space<vmem>> -> memref<1x128x64xf32, #tpu.memory_space<vmem>>
      %dma_wait3A_596 = tpu.memref_squeeze %dma_wait3A_595 : memref<1x128x64xf32, #tpu.memory_space<vmem>> -> memref<128x64xf32, #tpu.memory_space<vmem>>
      %dma_wait3A_597 = arith.constant 0 : i32
      %dma_wait3A_598 = tpu.memref_slice %arg7[%add3A_591, %dma_wait3A_597] : memref<79x128xi32, #tpu.memory_space<vmem>> -> memref<1x128xi32, #tpu.memory_space<vmem>>
      %dma_wait3A_599 = tpu.memref_squeeze %dma_wait3A_598 : memref<1x128xi32, #tpu.memory_space<vmem>> -> memref<128xi32, #tpu.memory_space<vmem>>
      %dma_wait3A_600 = arith.constant 0 : i32
      %dma_wait3A_601 = arith.constant 0 : i32
      %dma_wait3A_602 = tpu.memref_slice %arg10[%dma_wait3A_600, %dma_wait3A_601] : memref<10240x64xf32, #tpu.memory_space<vmem_shared>> -> memref<10240x64xf32, #tpu.memory_space<vmem_shared>>
      tpu.wait_indirect_dma semaphore(%arg12 : memref<!tpu.dma_semaphore, #tpu.memory_space<semaphore_mem>>) src(%dma_wait3A_596 : memref<128x64xf32, #tpu.memory_space<vmem>>) dst(%dma_wait3A_602 : memref<10240x64xf32, #tpu.memory_space<vmem_shared>>)
      %add3A_603 = arith.constant 3 : i32
      %add3A_604 = arith.addi %add3A_364, %add3A_603 : i32
      %add3A_605 = arith.constant 0 : i32
      %add3A_606 = arith.addi %add3A_604, %add3A_605 : i32
      %dma_start3A_607 = arith.constant 0 : i32
      %dma_start3A_608 = arith.constant 0 : i32
      %dma_start3A_609 = arith.constant 0 : i32
      %dma_start3A_610 = tpu.memref_slice %arg8[%dma_start3A_607, %dma_start3A_608, %dma_start3A_609] : memref<3x128x64xf32, #tpu.memory_space<vmem>> -> memref<1x128x64xf32, #tpu.memory_space<vmem>>
      %dma_start3A_611 = tpu.memref_squeeze %dma_start3A_610 : memref<1x128x64xf32, #tpu.memory_space<vmem>> -> memref<128x64xf32, #tpu.memory_space<vmem>>
      %dma_start3A_612 = arith.constant 0 : i32
      %dma_start3A_613 = tpu.memref_slice %arg6[%add3A_606, %dma_start3A_612] : memref<79x128xi32, #tpu.memory_space<vmem>> -> memref<1x128xi32, #tpu.memory_space<vmem>>
      %dma_start3A_614 = tpu.memref_squeeze %dma_start3A_613 : memref<1x128xi32, #tpu.memory_space<vmem>> -> memref<128xi32, #tpu.memory_space<vmem>>
      %dma_start3A_615 = arith.constant 0 : i32
      %dma_start3A_616 = arith.constant 0 : i32
      %dma_start3A_617 = tpu.memref_slice %arg2[%dma_start3A_615, %dma_start3A_616] : memref<10240x64xf32, #tpu.memory_space<hbm>> -> memref<10240x64xf32, #tpu.memory_space<hbm>>
      tpu.enqueue_indirect_dma source(%dma_start3A_617 : memref<10240x64xf32, #tpu.memory_space<hbm>>) target(%dma_start3A_611 : memref<128x64xf32, #tpu.memory_space<vmem>>) offsets(%dma_start3A_614 : memref<128xi32, #tpu.memory_space<vmem>>) semaphore(%arg11 : memref<!tpu.dma_semaphore, #tpu.memory_space<semaphore_mem>>)
      %add3A_618 = arith.constant 1 : i32
      %add3A_619 = arith.addi %add3A_604, %add3A_618 : i32
      %dma_start3A_620 = arith.constant 1 : i32
      %dma_start3A_621 = arith.constant 0 : i32
      %dma_start3A_622 = arith.constant 0 : i32
      %dma_start3A_623 = tpu.memref_slice %arg8[%dma_start3A_620, %dma_start3A_621, %dma_start3A_622] : memref<3x128x64xf32, #tpu.memory_space<vmem>> -> memref<1x128x64xf32, #tpu.memory_space<vmem>>
      %dma_start3A_624 = tpu.memref_squeeze %dma_start3A_623 : memref<1x128x64xf32, #tpu.memory_space<vmem>> -> memref<128x64xf32, #tpu.memory_space<vmem>>
      %dma_start3A_625 = arith.constant 0 : i32
      %dma_start3A_626 = tpu.memref_slice %arg6[%add3A_619, %dma_start3A_625] : memref<79x128xi32, #tpu.memory_space<vmem>> -> memref<1x128xi32, #tpu.memory_space<vmem>>
      %dma_start3A_627 = tpu.memref_squeeze %dma_start3A_626 : memref<1x128xi32, #tpu.memory_space<vmem>> -> memref<128xi32, #tpu.memory_space<vmem>>
      %dma_start3A_628 = arith.constant 0 : i32
      %dma_start3A_629 = arith.constant 0 : i32
      %dma_start3A_630 = tpu.memref_slice %arg2[%dma_start3A_628, %dma_start3A_629] : memref<10240x64xf32, #tpu.memory_space<hbm>> -> memref<10240x64xf32, #tpu.memory_space<hbm>>
      tpu.enqueue_indirect_dma source(%dma_start3A_630 : memref<10240x64xf32, #tpu.memory_space<hbm>>) target(%dma_start3A_624 : memref<128x64xf32, #tpu.memory_space<vmem>>) offsets(%dma_start3A_627 : memref<128xi32, #tpu.memory_space<vmem>>) semaphore(%arg11 : memref<!tpu.dma_semaphore, #tpu.memory_space<semaphore_mem>>)
      %add3A_631 = arith.constant 2 : i32
      %add3A_632 = arith.addi %add3A_604, %add3A_631 : i32
      %dma_start3A_633 = arith.constant 2 : i32
      %dma_start3A_634 = arith.constant 0 : i32
      %dma_start3A_635 = arith.constant 0 : i32
      %dma_start3A_636 = tpu.memref_slice %arg8[%dma_start3A_633, %dma_start3A_634, %dma_start3A_635] : memref<3x128x64xf32, #tpu.memory_space<vmem>> -> memref<1x128x64xf32, #tpu.memory_space<vmem>>
      %dma_start3A_637 = tpu.memref_squeeze %dma_start3A_636 : memref<1x128x64xf32, #tpu.memory_space<vmem>> -> memref<128x64xf32, #tpu.memory_space<vmem>>
      %dma_start3A_638 = arith.constant 0 : i32
      %dma_start3A_639 = tpu.memref_slice %arg6[%add3A_632, %dma_start3A_638] : memref<79x128xi32, #tpu.memory_space<vmem>> -> memref<1x128xi32, #tpu.memory_space<vmem>>
      %dma_start3A_640 = tpu.memref_squeeze %dma_start3A_639 : memref<1x128xi32, #tpu.memory_space<vmem>> -> memref<128xi32, #tpu.memory_space<vmem>>
      %dma_start3A_641 = arith.constant 0 : i32
      %dma_start3A_642 = arith.constant 0 : i32
      %dma_start3A_643 = tpu.memref_slice %arg2[%dma_start3A_641, %dma_start3A_642] : memref<10240x64xf32, #tpu.memory_space<hbm>> -> memref<10240x64xf32, #tpu.memory_space<hbm>>
      tpu.enqueue_indirect_dma source(%dma_start3A_643 : memref<10240x64xf32, #tpu.memory_space<hbm>>) target(%dma_start3A_637 : memref<128x64xf32, #tpu.memory_space<vmem>>) offsets(%dma_start3A_640 : memref<128xi32, #tpu.memory_space<vmem>>) semaphore(%arg11 : memref<!tpu.dma_semaphore, #tpu.memory_space<semaphore_mem>>)
      %scan3A_644 = arith.constant 0 : i32
      scf.yield %scan3A_644 : i32
    }
    %scan3A_61 = arith.constant 12 : i32
    %dma_wait3A = arith.constant 72 : i32
    %dma_wait3A_62 = arith.constant 0 : i32
    %dma_wait3A_63 = arith.constant 0 : i32
    %dma_wait3A_64 = arith.constant 0 : i32
    %dma_wait3A_65 = tpu.memref_slice %arg8[%dma_wait3A_62, %dma_wait3A_63, %dma_wait3A_64] : memref<3x128x64xf32, #tpu.memory_space<vmem>> -> memref<1x128x64xf32, #tpu.memory_space<vmem>>
    %dma_wait3A_66 = tpu.memref_squeeze %dma_wait3A_65 : memref<1x128x64xf32, #tpu.memory_space<vmem>> -> memref<128x64xf32, #tpu.memory_space<vmem>>
    %dma_wait3A_67 = arith.constant 0 : i32
    %dma_wait3A_68 = tpu.memref_slice %arg6[%dma_wait3A, %dma_wait3A_67] : memref<79x128xi32, #tpu.memory_space<vmem>> -> memref<1x128xi32, #tpu.memory_space<vmem>>
    %dma_wait3A_69 = tpu.memref_squeeze %dma_wait3A_68 : memref<1x128xi32, #tpu.memory_space<vmem>> -> memref<128xi32, #tpu.memory_space<vmem>>
    %dma_wait3A_70 = arith.constant 0 : i32
    %dma_wait3A_71 = arith.constant 0 : i32
    %dma_wait3A_72 = tpu.memref_slice %arg2[%dma_wait3A_70, %dma_wait3A_71] : memref<10240x64xf32, #tpu.memory_space<hbm>> -> memref<10240x64xf32, #tpu.memory_space<hbm>>
    tpu.wait_indirect_dma semaphore(%arg11 : memref<!tpu.dma_semaphore, #tpu.memory_space<semaphore_mem>>) src(%dma_wait3A_72 : memref<10240x64xf32, #tpu.memory_space<hbm>>) dst(%dma_wait3A_66 : memref<128x64xf32, #tpu.memory_space<vmem>>)
    %dma_wait3A_73 = arith.constant 73 : i32
    %dma_wait3A_74 = arith.constant 1 : i32
    %dma_wait3A_75 = arith.constant 0 : i32
    %dma_wait3A_76 = arith.constant 0 : i32
    %dma_wait3A_77 = tpu.memref_slice %arg8[%dma_wait3A_74, %dma_wait3A_75, %dma_wait3A_76] : memref<3x128x64xf32, #tpu.memory_space<vmem>> -> memref<1x128x64xf32, #tpu.memory_space<vmem>>
    %dma_wait3A_78 = tpu.memref_squeeze %dma_wait3A_77 : memref<1x128x64xf32, #tpu.memory_space<vmem>> -> memref<128x64xf32, #tpu.memory_space<vmem>>
    %dma_wait3A_79 = arith.constant 0 : i32
    %dma_wait3A_80 = tpu.memref_slice %arg6[%dma_wait3A_73, %dma_wait3A_79] : memref<79x128xi32, #tpu.memory_space<vmem>> -> memref<1x128xi32, #tpu.memory_space<vmem>>
    %dma_wait3A_81 = tpu.memref_squeeze %dma_wait3A_80 : memref<1x128xi32, #tpu.memory_space<vmem>> -> memref<128xi32, #tpu.memory_space<vmem>>
    %dma_wait3A_82 = arith.constant 0 : i32
    %dma_wait3A_83 = arith.constant 0 : i32
    %dma_wait3A_84 = tpu.memref_slice %arg2[%dma_wait3A_82, %dma_wait3A_83] : memref<10240x64xf32, #tpu.memory_space<hbm>> -> memref<10240x64xf32, #tpu.memory_space<hbm>>
    tpu.wait_indirect_dma semaphore(%arg11 : memref<!tpu.dma_semaphore, #tpu.memory_space<semaphore_mem>>) src(%dma_wait3A_84 : memref<10240x64xf32, #tpu.memory_space<hbm>>) dst(%dma_wait3A_78 : memref<128x64xf32, #tpu.memory_space<vmem>>)
    %dma_wait3A_85 = arith.constant 74 : i32
    %dma_wait3A_86 = arith.constant 2 : i32
    %dma_wait3A_87 = arith.constant 0 : i32
    %dma_wait3A_88 = arith.constant 0 : i32
    %dma_wait3A_89 = tpu.memref_slice %arg8[%dma_wait3A_86, %dma_wait3A_87, %dma_wait3A_88] : memref<3x128x64xf32, #tpu.memory_space<vmem>> -> memref<1x128x64xf32, #tpu.memory_space<vmem>>
    %dma_wait3A_90 = tpu.memref_squeeze %dma_wait3A_89 : memref<1x128x64xf32, #tpu.memory_space<vmem>> -> memref<128x64xf32, #tpu.memory_space<vmem>>
    %dma_wait3A_91 = arith.constant 0 : i32
    %dma_wait3A_92 = tpu.memref_slice %arg6[%dma_wait3A_85, %dma_wait3A_91] : memref<79x128xi32, #tpu.memory_space<vmem>> -> memref<1x128xi32, #tpu.memory_space<vmem>>
    %dma_wait3A_93 = tpu.memref_squeeze %dma_wait3A_92 : memref<1x128xi32, #tpu.memory_space<vmem>> -> memref<128xi32, #tpu.memory_space<vmem>>
    %dma_wait3A_94 = arith.constant 0 : i32
    %dma_wait3A_95 = arith.constant 0 : i32
    %dma_wait3A_96 = tpu.memref_slice %arg2[%dma_wait3A_94, %dma_wait3A_95] : memref<10240x64xf32, #tpu.memory_space<hbm>> -> memref<10240x64xf32, #tpu.memory_space<hbm>>
    tpu.wait_indirect_dma semaphore(%arg11 : memref<!tpu.dma_semaphore, #tpu.memory_space<semaphore_mem>>) src(%dma_wait3A_96 : memref<10240x64xf32, #tpu.memory_space<hbm>>) dst(%dma_wait3A_90 : memref<128x64xf32, #tpu.memory_space<vmem>>)
    %dma_start3A_97 = arith.constant 0 : i32
    %dma_start3A_98 = arith.constant 72 : i32
    %dma_start3A_99 = arith.constant 0 : i32
    %dma_start3A_100 = arith.constant 0 : i32
    %dma_start3A_101 = tpu.memref_slice %arg8[%dma_start3A_97, %dma_start3A_99, %dma_start3A_100] : memref<3x128x64xf32, #tpu.memory_space<vmem>> -> memref<1x128x64xf32, #tpu.memory_space<vmem>>
    %dma_start3A_102 = tpu.memref_squeeze %dma_start3A_101 : memref<1x128x64xf32, #tpu.memory_space<vmem>> -> memref<128x64xf32, #tpu.memory_space<vmem>>
    %dma_start3A_103 = arith.constant 0 : i32
    %dma_start3A_104 = tpu.memref_slice %arg7[%dma_start3A_98, %dma_start3A_103] : memref<79x128xi32, #tpu.memory_space<vmem>> -> memref<1x128xi32, #tpu.memory_space<vmem>>
    %dma_start3A_105 = tpu.memref_squeeze %dma_start3A_104 : memref<1x128xi32, #tpu.memory_space<vmem>> -> memref<128xi32, #tpu.memory_space<vmem>>
    %dma_start3A_106 = arith.constant 0 : i32
    %dma_start3A_107 = arith.constant 0 : i32
    %dma_start3A_108 = tpu.memref_slice %arg10[%dma_start3A_106, %dma_start3A_107] : memref<10240x64xf32, #tpu.memory_space<vmem_shared>> -> memref<10240x64xf32, #tpu.memory_space<vmem_shared>>
    tpu.enqueue_indirect_dma source(%dma_start3A_102 : memref<128x64xf32, #tpu.memory_space<vmem>>) target(%dma_start3A_108 : memref<10240x64xf32, #tpu.memory_space<vmem_shared>>) offsets(%dma_start3A_105 : memref<128xi32, #tpu.memory_space<vmem>>) semaphore(%arg12 : memref<!tpu.dma_semaphore, #tpu.memory_space<semaphore_mem>>) {add = true}
    %dma_start3A_109 = arith.constant 1 : i32
    %dma_start3A_110 = arith.constant 73 : i32
    %dma_start3A_111 = arith.constant 0 : i32
    %dma_start3A_112 = arith.constant 0 : i32
    %dma_start3A_113 = tpu.memref_slice %arg8[%dma_start3A_109, %dma_start3A_111, %dma_start3A_112] : memref<3x128x64xf32, #tpu.memory_space<vmem>> -> memref<1x128x64xf32, #tpu.memory_space<vmem>>
    %dma_start3A_114 = tpu.memref_squeeze %dma_start3A_113 : memref<1x128x64xf32, #tpu.memory_space<vmem>> -> memref<128x64xf32, #tpu.memory_space<vmem>>
    %dma_start3A_115 = arith.constant 0 : i32
    %dma_start3A_116 = tpu.memref_slice %arg7[%dma_start3A_110, %dma_start3A_115] : memref<79x128xi32, #tpu.memory_space<vmem>> -> memref<1x128xi32, #tpu.memory_space<vmem>>
    %dma_start3A_117 = tpu.memref_squeeze %dma_start3A_116 : memref<1x128xi32, #tpu.memory_space<vmem>> -> memref<128xi32, #tpu.memory_space<vmem>>
    %dma_start3A_118 = arith.constant 0 : i32
    %dma_start3A_119 = arith.constant 0 : i32
    %dma_start3A_120 = tpu.memref_slice %arg10[%dma_start3A_118, %dma_start3A_119] : memref<10240x64xf32, #tpu.memory_space<vmem_shared>> -> memref<10240x64xf32, #tpu.memory_space<vmem_shared>>
    tpu.enqueue_indirect_dma source(%dma_start3A_114 : memref<128x64xf32, #tpu.memory_space<vmem>>) target(%dma_start3A_120 : memref<10240x64xf32, #tpu.memory_space<vmem_shared>>) offsets(%dma_start3A_117 : memref<128xi32, #tpu.memory_space<vmem>>) semaphore(%arg12 : memref<!tpu.dma_semaphore, #tpu.memory_space<semaphore_mem>>) {add = true}
    %dma_start3A_121 = arith.constant 2 : i32
    %dma_start3A_122 = arith.constant 74 : i32
    %dma_start3A_123 = arith.constant 0 : i32
    %dma_start3A_124 = arith.constant 0 : i32
    %dma_start3A_125 = tpu.memref_slice %arg8[%dma_start3A_121, %dma_start3A_123, %dma_start3A_124] : memref<3x128x64xf32, #tpu.memory_space<vmem>> -> memref<1x128x64xf32, #tpu.memory_space<vmem>>
    %dma_start3A_126 = tpu.memref_squeeze %dma_start3A_125 : memref<1x128x64xf32, #tpu.memory_space<vmem>> -> memref<128x64xf32, #tpu.memory_space<vmem>>
    %dma_start3A_127 = arith.constant 0 : i32
    %dma_start3A_128 = tpu.memref_slice %arg7[%dma_start3A_122, %dma_start3A_127] : memref<79x128xi32, #tpu.memory_space<vmem>> -> memref<1x128xi32, #tpu.memory_space<vmem>>
    %dma_start3A_129 = tpu.memref_squeeze %dma_start3A_128 : memref<1x128xi32, #tpu.memory_space<vmem>> -> memref<128xi32, #tpu.memory_space<vmem>>
    %dma_start3A_130 = arith.constant 0 : i32
    %dma_start3A_131 = arith.constant 0 : i32
    %dma_start3A_132 = tpu.memref_slice %arg10[%dma_start3A_130, %dma_start3A_131] : memref<10240x64xf32, #tpu.memory_space<vmem_shared>> -> memref<10240x64xf32, #tpu.memory_space<vmem_shared>>
    tpu.enqueue_indirect_dma source(%dma_start3A_126 : memref<128x64xf32, #tpu.memory_space<vmem>>) target(%dma_start3A_132 : memref<10240x64xf32, #tpu.memory_space<vmem_shared>>) offsets(%dma_start3A_129 : memref<128xi32, #tpu.memory_space<vmem>>) semaphore(%arg12 : memref<!tpu.dma_semaphore, #tpu.memory_space<semaphore_mem>>) {add = true}
    %dma_wait3A_133 = arith.constant 0 : i32
    %dma_wait3A_134 = arith.constant 69 : i32
    %dma_wait3A_135 = arith.constant 0 : i32
    %dma_wait3A_136 = arith.constant 0 : i32
    %dma_wait3A_137 = tpu.memref_slice %arg9[%dma_wait3A_133, %dma_wait3A_135, %dma_wait3A_136] : memref<3x128x64xf32, #tpu.memory_space<vmem>> -> memref<1x128x64xf32, #tpu.memory_space<vmem>>
    %dma_wait3A_138 = tpu.memref_squeeze %dma_wait3A_137 : memref<1x128x64xf32, #tpu.memory_space<vmem>> -> memref<128x64xf32, #tpu.memory_space<vmem>>
    %dma_wait3A_139 = arith.constant 0 : i32
    %dma_wait3A_140 = tpu.memref_slice %arg7[%dma_wait3A_134, %dma_wait3A_139] : memref<79x128xi32, #tpu.memory_space<vmem>> -> memref<1x128xi32, #tpu.memory_space<vmem>>
    %dma_wait3A_141 = tpu.memref_squeeze %dma_wait3A_140 : memref<1x128xi32, #tpu.memory_space<vmem>> -> memref<128xi32, #tpu.memory_space<vmem>>
    %dma_wait3A_142 = arith.constant 0 : i32
    %dma_wait3A_143 = arith.constant 0 : i32
    %dma_wait3A_144 = tpu.memref_slice %arg10[%dma_wait3A_142, %dma_wait3A_143] : memref<10240x64xf32, #tpu.memory_space<vmem_shared>> -> memref<10240x64xf32, #tpu.memory_space<vmem_shared>>
    tpu.wait_indirect_dma semaphore(%arg13 : memref<!tpu.dma_semaphore, #tpu.memory_space<semaphore_mem>>) src(%dma_wait3A_138 : memref<128x64xf32, #tpu.memory_space<vmem>>) dst(%dma_wait3A_144 : memref<10240x64xf32, #tpu.memory_space<vmem_shared>>)
    %dma_wait3A_145 = arith.constant 1 : i32
    %dma_wait3A_146 = arith.constant 70 : i32
    %dma_wait3A_147 = arith.constant 0 : i32
    %dma_wait3A_148 = arith.constant 0 : i32
    %dma_wait3A_149 = tpu.memref_slice %arg9[%dma_wait3A_145, %dma_wait3A_147, %dma_wait3A_148] : memref<3x128x64xf32, #tpu.memory_space<vmem>> -> memref<1x128x64xf32, #tpu.memory_space<vmem>>
    %dma_wait3A_150 = tpu.memref_squeeze %dma_wait3A_149 : memref<1x128x64xf32, #tpu.memory_space<vmem>> -> memref<128x64xf32, #tpu.memory_space<vmem>>
    %dma_wait3A_151 = arith.constant 0 : i32
    %dma_wait3A_152 = tpu.memref_slice %arg7[%dma_wait3A_146, %dma_wait3A_151] : memref<79x128xi32, #tpu.memory_space<vmem>> -> memref<1x128xi32, #tpu.memory_space<vmem>>
    %dma_wait3A_153 = tpu.memref_squeeze %dma_wait3A_152 : memref<1x128xi32, #tpu.memory_space<vmem>> -> memref<128xi32, #tpu.memory_space<vmem>>
    %dma_wait3A_154 = arith.constant 0 : i32
    %dma_wait3A_155 = arith.constant 0 : i32
    %dma_wait3A_156 = tpu.memref_slice %arg10[%dma_wait3A_154, %dma_wait3A_155] : memref<10240x64xf32, #tpu.memory_space<vmem_shared>> -> memref<10240x64xf32, #tpu.memory_space<vmem_shared>>
    tpu.wait_indirect_dma semaphore(%arg13 : memref<!tpu.dma_semaphore, #tpu.memory_space<semaphore_mem>>) src(%dma_wait3A_150 : memref<128x64xf32, #tpu.memory_space<vmem>>) dst(%dma_wait3A_156 : memref<10240x64xf32, #tpu.memory_space<vmem_shared>>)
    %dma_wait3A_157 = arith.constant 2 : i32
    %dma_wait3A_158 = arith.constant 71 : i32
    %dma_wait3A_159 = arith.constant 0 : i32
    %dma_wait3A_160 = arith.constant 0 : i32
    %dma_wait3A_161 = tpu.memref_slice %arg9[%dma_wait3A_157, %dma_wait3A_159, %dma_wait3A_160] : memref<3x128x64xf32, #tpu.memory_space<vmem>> -> memref<1x128x64xf32, #tpu.memory_space<vmem>>
    %dma_wait3A_162 = tpu.memref_squeeze %dma_wait3A_161 : memref<1x128x64xf32, #tpu.memory_space<vmem>> -> memref<128x64xf32, #tpu.memory_space<vmem>>
    %dma_wait3A_163 = arith.constant 0 : i32
    %dma_wait3A_164 = tpu.memref_slice %arg7[%dma_wait3A_158, %dma_wait3A_163] : memref<79x128xi32, #tpu.memory_space<vmem>> -> memref<1x128xi32, #tpu.memory_space<vmem>>
    %dma_wait3A_165 = tpu.memref_squeeze %dma_wait3A_164 : memref<1x128xi32, #tpu.memory_space<vmem>> -> memref<128xi32, #tpu.memory_space<vmem>>
    %dma_wait3A_166 = arith.constant 0 : i32
    %dma_wait3A_167 = arith.constant 0 : i32
    %dma_wait3A_168 = tpu.memref_slice %arg10[%dma_wait3A_166, %dma_wait3A_167] : memref<10240x64xf32, #tpu.memory_space<vmem_shared>> -> memref<10240x64xf32, #tpu.memory_space<vmem_shared>>
    tpu.wait_indirect_dma semaphore(%arg13 : memref<!tpu.dma_semaphore, #tpu.memory_space<semaphore_mem>>) src(%dma_wait3A_162 : memref<128x64xf32, #tpu.memory_space<vmem>>) dst(%dma_wait3A_168 : memref<10240x64xf32, #tpu.memory_space<vmem_shared>>)
    %dma_start3A_169 = arith.constant 75 : i32
    %dma_start3A_170 = arith.constant 0 : i32
    %dma_start3A_171 = arith.constant 0 : i32
    %dma_start3A_172 = arith.constant 0 : i32
    %dma_start3A_173 = tpu.memref_slice %arg9[%dma_start3A_170, %dma_start3A_171, %dma_start3A_172] : memref<3x128x64xf32, #tpu.memory_space<vmem>> -> memref<1x128x64xf32, #tpu.memory_space<vmem>>
    %dma_start3A_174 = tpu.memref_squeeze %dma_start3A_173 : memref<1x128x64xf32, #tpu.memory_space<vmem>> -> memref<128x64xf32, #tpu.memory_space<vmem>>
    %dma_start3A_175 = arith.constant 0 : i32
    %dma_start3A_176 = tpu.memref_slice %arg6[%dma_start3A_169, %dma_start3A_175] : memref<79x128xi32, #tpu.memory_space<vmem>> -> memref<1x128xi32, #tpu.memory_space<vmem>>
    %dma_start3A_177 = tpu.memref_squeeze %dma_start3A_176 : memref<1x128xi32, #tpu.memory_space<vmem>> -> memref<128xi32, #tpu.memory_space<vmem>>
    %dma_start3A_178 = arith.constant 0 : i32
    %dma_start3A_179 = arith.constant 0 : i32
    %dma_start3A_180 = tpu.memref_slice %arg2[%dma_start3A_178, %dma_start3A_179] : memref<10240x64xf32, #tpu.memory_space<hbm>> -> memref<10240x64xf32, #tpu.memory_space<hbm>>
    tpu.enqueue_indirect_dma source(%dma_start3A_180 : memref<10240x64xf32, #tpu.memory_space<hbm>>) target(%dma_start3A_174 : memref<128x64xf32, #tpu.memory_space<vmem>>) offsets(%dma_start3A_177 : memref<128xi32, #tpu.memory_space<vmem>>) semaphore(%arg11 : memref<!tpu.dma_semaphore, #tpu.memory_space<semaphore_mem>>)
    %dma_start3A_181 = arith.constant 76 : i32
    %dma_start3A_182 = arith.constant 1 : i32
    %dma_start3A_183 = arith.constant 0 : i32
    %dma_start3A_184 = arith.constant 0 : i32
    %dma_start3A_185 = tpu.memref_slice %arg9[%dma_start3A_182, %dma_start3A_183, %dma_start3A_184] : memref<3x128x64xf32, #tpu.memory_space<vmem>> -> memref<1x128x64xf32, #tpu.memory_space<vmem>>
    %dma_start3A_186 = tpu.memref_squeeze %dma_start3A_185 : memref<1x128x64xf32, #tpu.memory_space<vmem>> -> memref<128x64xf32, #tpu.memory_space<vmem>>
    %dma_start3A_187 = arith.constant 0 : i32
    %dma_start3A_188 = tpu.memref_slice %arg6[%dma_start3A_181, %dma_start3A_187] : memref<79x128xi32, #tpu.memory_space<vmem>> -> memref<1x128xi32, #tpu.memory_space<vmem>>
    %dma_start3A_189 = tpu.memref_squeeze %dma_start3A_188 : memref<1x128xi32, #tpu.memory_space<vmem>> -> memref<128xi32, #tpu.memory_space<vmem>>
    %dma_start3A_190 = arith.constant 0 : i32
    %dma_start3A_191 = arith.constant 0 : i32
    %dma_start3A_192 = tpu.memref_slice %arg2[%dma_start3A_190, %dma_start3A_191] : memref<10240x64xf32, #tpu.memory_space<hbm>> -> memref<10240x64xf32, #tpu.memory_space<hbm>>
    tpu.enqueue_indirect_dma source(%dma_start3A_192 : memref<10240x64xf32, #tpu.memory_space<hbm>>) target(%dma_start3A_186 : memref<128x64xf32, #tpu.memory_space<vmem>>) offsets(%dma_start3A_189 : memref<128xi32, #tpu.memory_space<vmem>>) semaphore(%arg11 : memref<!tpu.dma_semaphore, #tpu.memory_space<semaphore_mem>>)
    %dma_start3A_193 = arith.constant 77 : i32
    %dma_start3A_194 = arith.constant 2 : i32
    %dma_start3A_195 = arith.constant 0 : i32
    %dma_start3A_196 = arith.constant 0 : i32
    %dma_start3A_197 = tpu.memref_slice %arg9[%dma_start3A_194, %dma_start3A_195, %dma_start3A_196] : memref<3x128x64xf32, #tpu.memory_space<vmem>> -> memref<1x128x64xf32, #tpu.memory_space<vmem>>
    %dma_start3A_198 = tpu.memref_squeeze %dma_start3A_197 : memref<1x128x64xf32, #tpu.memory_space<vmem>> -> memref<128x64xf32, #tpu.memory_space<vmem>>
    %dma_start3A_199 = arith.constant 0 : i32
    %dma_start3A_200 = tpu.memref_slice %arg6[%dma_start3A_193, %dma_start3A_199] : memref<79x128xi32, #tpu.memory_space<vmem>> -> memref<1x128xi32, #tpu.memory_space<vmem>>
    %dma_start3A_201 = tpu.memref_squeeze %dma_start3A_200 : memref<1x128xi32, #tpu.memory_space<vmem>> -> memref<128xi32, #tpu.memory_space<vmem>>
    %dma_start3A_202 = arith.constant 0 : i32
    %dma_start3A_203 = arith.constant 0 : i32
    %dma_start3A_204 = tpu.memref_slice %arg2[%dma_start3A_202, %dma_start3A_203] : memref<10240x64xf32, #tpu.memory_space<hbm>> -> memref<10240x64xf32, #tpu.memory_space<hbm>>
    tpu.enqueue_indirect_dma source(%dma_start3A_204 : memref<10240x64xf32, #tpu.memory_space<hbm>>) target(%dma_start3A_198 : memref<128x64xf32, #tpu.memory_space<vmem>>) offsets(%dma_start3A_201 : memref<128xi32, #tpu.memory_space<vmem>>) semaphore(%arg11 : memref<!tpu.dma_semaphore, #tpu.memory_space<semaphore_mem>>)
    %dma_wait3A_205 = arith.constant 75 : i32
    %dma_wait3A_206 = arith.constant 0 : i32
    %dma_wait3A_207 = arith.constant 0 : i32
    %dma_wait3A_208 = arith.constant 0 : i32
    %dma_wait3A_209 = tpu.memref_slice %arg9[%dma_wait3A_206, %dma_wait3A_207, %dma_wait3A_208] : memref<3x128x64xf32, #tpu.memory_space<vmem>> -> memref<1x128x64xf32, #tpu.memory_space<vmem>>
    %dma_wait3A_210 = tpu.memref_squeeze %dma_wait3A_209 : memref<1x128x64xf32, #tpu.memory_space<vmem>> -> memref<128x64xf32, #tpu.memory_space<vmem>>
    %dma_wait3A_211 = arith.constant 0 : i32
    %dma_wait3A_212 = tpu.memref_slice %arg6[%dma_wait3A_205, %dma_wait3A_211] : memref<79x128xi32, #tpu.memory_space<vmem>> -> memref<1x128xi32, #tpu.memory_space<vmem>>
    %dma_wait3A_213 = tpu.memref_squeeze %dma_wait3A_212 : memref<1x128xi32, #tpu.memory_space<vmem>> -> memref<128xi32, #tpu.memory_space<vmem>>
    %dma_wait3A_214 = arith.constant 0 : i32
    %dma_wait3A_215 = arith.constant 0 : i32
    %dma_wait3A_216 = tpu.memref_slice %arg2[%dma_wait3A_214, %dma_wait3A_215] : memref<10240x64xf32, #tpu.memory_space<hbm>> -> memref<10240x64xf32, #tpu.memory_space<hbm>>
    tpu.wait_indirect_dma semaphore(%arg11 : memref<!tpu.dma_semaphore, #tpu.memory_space<semaphore_mem>>) src(%dma_wait3A_216 : memref<10240x64xf32, #tpu.memory_space<hbm>>) dst(%dma_wait3A_210 : memref<128x64xf32, #tpu.memory_space<vmem>>)
    %dma_wait3A_217 = arith.constant 76 : i32
    %dma_wait3A_218 = arith.constant 1 : i32
    %dma_wait3A_219 = arith.constant 0 : i32
    %dma_wait3A_220 = arith.constant 0 : i32
    %dma_wait3A_221 = tpu.memref_slice %arg9[%dma_wait3A_218, %dma_wait3A_219, %dma_wait3A_220] : memref<3x128x64xf32, #tpu.memory_space<vmem>> -> memref<1x128x64xf32, #tpu.memory_space<vmem>>
    %dma_wait3A_222 = tpu.memref_squeeze %dma_wait3A_221 : memref<1x128x64xf32, #tpu.memory_space<vmem>> -> memref<128x64xf32, #tpu.memory_space<vmem>>
    %dma_wait3A_223 = arith.constant 0 : i32
    %dma_wait3A_224 = tpu.memref_slice %arg6[%dma_wait3A_217, %dma_wait3A_223] : memref<79x128xi32, #tpu.memory_space<vmem>> -> memref<1x128xi32, #tpu.memory_space<vmem>>
    %dma_wait3A_225 = tpu.memref_squeeze %dma_wait3A_224 : memref<1x128xi32, #tpu.memory_space<vmem>> -> memref<128xi32, #tpu.memory_space<vmem>>
    %dma_wait3A_226 = arith.constant 0 : i32
    %dma_wait3A_227 = arith.constant 0 : i32
    %dma_wait3A_228 = tpu.memref_slice %arg2[%dma_wait3A_226, %dma_wait3A_227] : memref<10240x64xf32, #tpu.memory_space<hbm>> -> memref<10240x64xf32, #tpu.memory_space<hbm>>
    tpu.wait_indirect_dma semaphore(%arg11 : memref<!tpu.dma_semaphore, #tpu.memory_space<semaphore_mem>>) src(%dma_wait3A_228 : memref<10240x64xf32, #tpu.memory_space<hbm>>) dst(%dma_wait3A_222 : memref<128x64xf32, #tpu.memory_space<vmem>>)
    %dma_wait3A_229 = arith.constant 77 : i32
    %dma_wait3A_230 = arith.constant 2 : i32
    %dma_wait3A_231 = arith.constant 0 : i32
    %dma_wait3A_232 = arith.constant 0 : i32
    %dma_wait3A_233 = tpu.memref_slice %arg9[%dma_wait3A_230, %dma_wait3A_231, %dma_wait3A_232] : memref<3x128x64xf32, #tpu.memory_space<vmem>> -> memref<1x128x64xf32, #tpu.memory_space<vmem>>
    %dma_wait3A_234 = tpu.memref_squeeze %dma_wait3A_233 : memref<1x128x64xf32, #tpu.memory_space<vmem>> -> memref<128x64xf32, #tpu.memory_space<vmem>>
    %dma_wait3A_235 = arith.constant 0 : i32
    %dma_wait3A_236 = tpu.memref_slice %arg6[%dma_wait3A_229, %dma_wait3A_235] : memref<79x128xi32, #tpu.memory_space<vmem>> -> memref<1x128xi32, #tpu.memory_space<vmem>>
    %dma_wait3A_237 = tpu.memref_squeeze %dma_wait3A_236 : memref<1x128xi32, #tpu.memory_space<vmem>> -> memref<128xi32, #tpu.memory_space<vmem>>
    %dma_wait3A_238 = arith.constant 0 : i32
    %dma_wait3A_239 = arith.constant 0 : i32
    %dma_wait3A_240 = tpu.memref_slice %arg2[%dma_wait3A_238, %dma_wait3A_239] : memref<10240x64xf32, #tpu.memory_space<hbm>> -> memref<10240x64xf32, #tpu.memory_space<hbm>>
    tpu.wait_indirect_dma semaphore(%arg11 : memref<!tpu.dma_semaphore, #tpu.memory_space<semaphore_mem>>) src(%dma_wait3A_240 : memref<10240x64xf32, #tpu.memory_space<hbm>>) dst(%dma_wait3A_234 : memref<128x64xf32, #tpu.memory_space<vmem>>)
    %dma_start3A_241 = arith.constant 0 : i32
    %dma_start3A_242 = arith.constant 75 : i32
    %dma_start3A_243 = arith.constant 0 : i32
    %dma_start3A_244 = arith.constant 0 : i32
    %dma_start3A_245 = tpu.memref_slice %arg9[%dma_start3A_241, %dma_start3A_243, %dma_start3A_244] : memref<3x128x64xf32, #tpu.memory_space<vmem>> -> memref<1x128x64xf32, #tpu.memory_space<vmem>>
    %dma_start3A_246 = tpu.memref_squeeze %dma_start3A_245 : memref<1x128x64xf32, #tpu.memory_space<vmem>> -> memref<128x64xf32, #tpu.memory_space<vmem>>
    %dma_start3A_247 = arith.constant 0 : i32
    %dma_start3A_248 = tpu.memref_slice %arg7[%dma_start3A_242, %dma_start3A_247] : memref<79x128xi32, #tpu.memory_space<vmem>> -> memref<1x128xi32, #tpu.memory_space<vmem>>
    %dma_start3A_249 = tpu.memref_squeeze %dma_start3A_248 : memref<1x128xi32, #tpu.memory_space<vmem>> -> memref<128xi32, #tpu.memory_space<vmem>>
    %dma_start3A_250 = arith.constant 0 : i32
    %dma_start3A_251 = arith.constant 0 : i32
    %dma_start3A_252 = tpu.memref_slice %arg10[%dma_start3A_250, %dma_start3A_251] : memref<10240x64xf32, #tpu.memory_space<vmem_shared>> -> memref<10240x64xf32, #tpu.memory_space<vmem_shared>>
    tpu.enqueue_indirect_dma source(%dma_start3A_246 : memref<128x64xf32, #tpu.memory_space<vmem>>) target(%dma_start3A_252 : memref<10240x64xf32, #tpu.memory_space<vmem_shared>>) offsets(%dma_start3A_249 : memref<128xi32, #tpu.memory_space<vmem>>) semaphore(%arg13 : memref<!tpu.dma_semaphore, #tpu.memory_space<semaphore_mem>>) {add = true}
    %dma_start3A_253 = arith.constant 1 : i32
    %dma_start3A_254 = arith.constant 76 : i32
    %dma_start3A_255 = arith.constant 0 : i32
    %dma_start3A_256 = arith.constant 0 : i32
    %dma_start3A_257 = tpu.memref_slice %arg9[%dma_start3A_253, %dma_start3A_255, %dma_start3A_256] : memref<3x128x64xf32, #tpu.memory_space<vmem>> -> memref<1x128x64xf32, #tpu.memory_space<vmem>>
    %dma_start3A_258 = tpu.memref_squeeze %dma_start3A_257 : memref<1x128x64xf32, #tpu.memory_space<vmem>> -> memref<128x64xf32, #tpu.memory_space<vmem>>
    %dma_start3A_259 = arith.constant 0 : i32
    %dma_start3A_260 = tpu.memref_slice %arg7[%dma_start3A_254, %dma_start3A_259] : memref<79x128xi32, #tpu.memory_space<vmem>> -> memref<1x128xi32, #tpu.memory_space<vmem>>
    %dma_start3A_261 = tpu.memref_squeeze %dma_start3A_260 : memref<1x128xi32, #tpu.memory_space<vmem>> -> memref<128xi32, #tpu.memory_space<vmem>>
    %dma_start3A_262 = arith.constant 0 : i32
    %dma_start3A_263 = arith.constant 0 : i32
    %dma_start3A_264 = tpu.memref_slice %arg10[%dma_start3A_262, %dma_start3A_263] : memref<10240x64xf32, #tpu.memory_space<vmem_shared>> -> memref<10240x64xf32, #tpu.memory_space<vmem_shared>>
    tpu.enqueue_indirect_dma source(%dma_start3A_258 : memref<128x64xf32, #tpu.memory_space<vmem>>) target(%dma_start3A_264 : memref<10240x64xf32, #tpu.memory_space<vmem_shared>>) offsets(%dma_start3A_261 : memref<128xi32, #tpu.memory_space<vmem>>) semaphore(%arg13 : memref<!tpu.dma_semaphore, #tpu.memory_space<semaphore_mem>>) {add = true}
    %dma_start3A_265 = arith.constant 2 : i32
    %dma_start3A_266 = arith.constant 77 : i32
    %dma_start3A_267 = arith.constant 0 : i32
    %dma_start3A_268 = arith.constant 0 : i32
    %dma_start3A_269 = tpu.memref_slice %arg9[%dma_start3A_265, %dma_start3A_267, %dma_start3A_268] : memref<3x128x64xf32, #tpu.memory_space<vmem>> -> memref<1x128x64xf32, #tpu.memory_space<vmem>>
    %dma_start3A_270 = tpu.memref_squeeze %dma_start3A_269 : memref<1x128x64xf32, #tpu.memory_space<vmem>> -> memref<128x64xf32, #tpu.memory_space<vmem>>
    %dma_start3A_271 = arith.constant 0 : i32
    %dma_start3A_272 = tpu.memref_slice %arg7[%dma_start3A_266, %dma_start3A_271] : memref<79x128xi32, #tpu.memory_space<vmem>> -> memref<1x128xi32, #tpu.memory_space<vmem>>
    %dma_start3A_273 = tpu.memref_squeeze %dma_start3A_272 : memref<1x128xi32, #tpu.memory_space<vmem>> -> memref<128xi32, #tpu.memory_space<vmem>>
    %dma_start3A_274 = arith.constant 0 : i32
    %dma_start3A_275 = arith.constant 0 : i32
    %dma_start3A_276 = tpu.memref_slice %arg10[%dma_start3A_274, %dma_start3A_275] : memref<10240x64xf32, #tpu.memory_space<vmem_shared>> -> memref<10240x64xf32, #tpu.memory_space<vmem_shared>>
    tpu.enqueue_indirect_dma source(%dma_start3A_270 : memref<128x64xf32, #tpu.memory_space<vmem>>) target(%dma_start3A_276 : memref<10240x64xf32, #tpu.memory_space<vmem_shared>>) offsets(%dma_start3A_273 : memref<128xi32, #tpu.memory_space<vmem>>) semaphore(%arg13 : memref<!tpu.dma_semaphore, #tpu.memory_space<semaphore_mem>>) {add = true}
    %dma_wait3A_277 = arith.constant 0 : i32
    %dma_wait3A_278 = arith.constant 72 : i32
    %dma_wait3A_279 = arith.constant 0 : i32
    %dma_wait3A_280 = arith.constant 0 : i32
    %dma_wait3A_281 = tpu.memref_slice %arg8[%dma_wait3A_277, %dma_wait3A_279, %dma_wait3A_280] : memref<3x128x64xf32, #tpu.memory_space<vmem>> -> memref<1x128x64xf32, #tpu.memory_space<vmem>>
    %dma_wait3A_282 = tpu.memref_squeeze %dma_wait3A_281 : memref<1x128x64xf32, #tpu.memory_space<vmem>> -> memref<128x64xf32, #tpu.memory_space<vmem>>
    %dma_wait3A_283 = arith.constant 0 : i32
    %dma_wait3A_284 = tpu.memref_slice %arg7[%dma_wait3A_278, %dma_wait3A_283] : memref<79x128xi32, #tpu.memory_space<vmem>> -> memref<1x128xi32, #tpu.memory_space<vmem>>
    %dma_wait3A_285 = tpu.memref_squeeze %dma_wait3A_284 : memref<1x128xi32, #tpu.memory_space<vmem>> -> memref<128xi32, #tpu.memory_space<vmem>>
    %dma_wait3A_286 = arith.constant 0 : i32
    %dma_wait3A_287 = arith.constant 0 : i32
    %dma_wait3A_288 = tpu.memref_slice %arg10[%dma_wait3A_286, %dma_wait3A_287] : memref<10240x64xf32, #tpu.memory_space<vmem_shared>> -> memref<10240x64xf32, #tpu.memory_space<vmem_shared>>
    tpu.wait_indirect_dma semaphore(%arg12 : memref<!tpu.dma_semaphore, #tpu.memory_space<semaphore_mem>>) src(%dma_wait3A_282 : memref<128x64xf32, #tpu.memory_space<vmem>>) dst(%dma_wait3A_288 : memref<10240x64xf32, #tpu.memory_space<vmem_shared>>)
    %dma_wait3A_289 = arith.constant 1 : i32
    %dma_wait3A_290 = arith.constant 73 : i32
    %dma_wait3A_291 = arith.constant 0 : i32
    %dma_wait3A_292 = arith.constant 0 : i32
    %dma_wait3A_293 = tpu.memref_slice %arg8[%dma_wait3A_289, %dma_wait3A_291, %dma_wait3A_292] : memref<3x128x64xf32, #tpu.memory_space<vmem>> -> memref<1x128x64xf32, #tpu.memory_space<vmem>>
    %dma_wait3A_294 = tpu.memref_squeeze %dma_wait3A_293 : memref<1x128x64xf32, #tpu.memory_space<vmem>> -> memref<128x64xf32, #tpu.memory_space<vmem>>
    %dma_wait3A_295 = arith.constant 0 : i32
    %dma_wait3A_296 = tpu.memref_slice %arg7[%dma_wait3A_290, %dma_wait3A_295] : memref<79x128xi32, #tpu.memory_space<vmem>> -> memref<1x128xi32, #tpu.memory_space<vmem>>
    %dma_wait3A_297 = tpu.memref_squeeze %dma_wait3A_296 : memref<1x128xi32, #tpu.memory_space<vmem>> -> memref<128xi32, #tpu.memory_space<vmem>>
    %dma_wait3A_298 = arith.constant 0 : i32
    %dma_wait3A_299 = arith.constant 0 : i32
    %dma_wait3A_300 = tpu.memref_slice %arg10[%dma_wait3A_298, %dma_wait3A_299] : memref<10240x64xf32, #tpu.memory_space<vmem_shared>> -> memref<10240x64xf32, #tpu.memory_space<vmem_shared>>
    tpu.wait_indirect_dma semaphore(%arg12 : memref<!tpu.dma_semaphore, #tpu.memory_space<semaphore_mem>>) src(%dma_wait3A_294 : memref<128x64xf32, #tpu.memory_space<vmem>>) dst(%dma_wait3A_300 : memref<10240x64xf32, #tpu.memory_space<vmem_shared>>)
    %dma_wait3A_301 = arith.constant 2 : i32
    %dma_wait3A_302 = arith.constant 74 : i32
    %dma_wait3A_303 = arith.constant 0 : i32
    %dma_wait3A_304 = arith.constant 0 : i32
    %dma_wait3A_305 = tpu.memref_slice %arg8[%dma_wait3A_301, %dma_wait3A_303, %dma_wait3A_304] : memref<3x128x64xf32, #tpu.memory_space<vmem>> -> memref<1x128x64xf32, #tpu.memory_space<vmem>>
    %dma_wait3A_306 = tpu.memref_squeeze %dma_wait3A_305 : memref<1x128x64xf32, #tpu.memory_space<vmem>> -> memref<128x64xf32, #tpu.memory_space<vmem>>
    %dma_wait3A_307 = arith.constant 0 : i32
    %dma_wait3A_308 = tpu.memref_slice %arg7[%dma_wait3A_302, %dma_wait3A_307] : memref<79x128xi32, #tpu.memory_space<vmem>> -> memref<1x128xi32, #tpu.memory_space<vmem>>
    %dma_wait3A_309 = tpu.memref_squeeze %dma_wait3A_308 : memref<1x128xi32, #tpu.memory_space<vmem>> -> memref<128xi32, #tpu.memory_space<vmem>>
    %dma_wait3A_310 = arith.constant 0 : i32
    %dma_wait3A_311 = arith.constant 0 : i32
    %dma_wait3A_312 = tpu.memref_slice %arg10[%dma_wait3A_310, %dma_wait3A_311] : memref<10240x64xf32, #tpu.memory_space<vmem_shared>> -> memref<10240x64xf32, #tpu.memory_space<vmem_shared>>
    tpu.wait_indirect_dma semaphore(%arg12 : memref<!tpu.dma_semaphore, #tpu.memory_space<semaphore_mem>>) src(%dma_wait3A_306 : memref<128x64xf32, #tpu.memory_space<vmem>>) dst(%dma_wait3A_312 : memref<10240x64xf32, #tpu.memory_space<vmem_shared>>)
    %convert_element_type3A_313 = arith.extui %lt3A_5 : i1 to i32
    %cond3A_314 = arith.constant 0 : i32
    %cond3A_315 = arith.cmpi ne, %convert_element_type3A_313, %cond3A_314 : i32
    scf.if %cond3A_315 {
      %dma_start3A_357 = arith.constant 78 : i32
      %dma_start3A_358 = arith.constant 0 : i32
      %dma_start3A_359 = arith.constant 0 : i32
      %dma_start3A_360 = arith.constant 0 : i32
      %dma_start3A_361 = tpu.memref_slice %arg8[%dma_start3A_358, %dma_start3A_359, %dma_start3A_360] : memref<3x128x64xf32, #tpu.memory_space<vmem>> -> memref<1x128x64xf32, #tpu.memory_space<vmem>>
      %dma_start3A_362 = tpu.memref_squeeze %dma_start3A_361 : memref<1x128x64xf32, #tpu.memory_space<vmem>> -> memref<128x64xf32, #tpu.memory_space<vmem>>
      %dma_start3A_363 = arith.constant 0 : i32
      %dma_start3A_364 = tpu.memref_slice %arg6[%dma_start3A_357, %dma_start3A_363] : memref<79x128xi32, #tpu.memory_space<vmem>> -> memref<1x128xi32, #tpu.memory_space<vmem>>
      %dma_start3A_365 = tpu.memref_squeeze %dma_start3A_364 : memref<1x128xi32, #tpu.memory_space<vmem>> -> memref<128xi32, #tpu.memory_space<vmem>>
      %dma_start3A_366 = arith.constant 0 : i32
      %dma_start3A_367 = arith.constant 0 : i32
      %dma_start3A_368 = tpu.memref_slice %arg2[%dma_start3A_366, %dma_start3A_367] : memref<10240x64xf32, #tpu.memory_space<hbm>> -> memref<10240x64xf32, #tpu.memory_space<hbm>>
      tpu.enqueue_indirect_dma source(%dma_start3A_368 : memref<10240x64xf32, #tpu.memory_space<hbm>>) target(%dma_start3A_362 : memref<128x64xf32, #tpu.memory_space<vmem>>) offsets(%dma_start3A_365 : memref<128xi32, #tpu.memory_space<vmem>>) semaphore(%arg11 : memref<!tpu.dma_semaphore, #tpu.memory_space<semaphore_mem>>)
      %dma_wait3A_369 = arith.constant 78 : i32
      %dma_wait3A_370 = arith.constant 0 : i32
      %dma_wait3A_371 = arith.constant 0 : i32
      %dma_wait3A_372 = arith.constant 0 : i32
      %dma_wait3A_373 = tpu.memref_slice %arg8[%dma_wait3A_370, %dma_wait3A_371, %dma_wait3A_372] : memref<3x128x64xf32, #tpu.memory_space<vmem>> -> memref<1x128x64xf32, #tpu.memory_space<vmem>>
      %dma_wait3A_374 = tpu.memref_squeeze %dma_wait3A_373 : memref<1x128x64xf32, #tpu.memory_space<vmem>> -> memref<128x64xf32, #tpu.memory_space<vmem>>
      %dma_wait3A_375 = arith.constant 0 : i32
      %dma_wait3A_376 = tpu.memref_slice %arg6[%dma_wait3A_369, %dma_wait3A_375] : memref<79x128xi32, #tpu.memory_space<vmem>> -> memref<1x128xi32, #tpu.memory_space<vmem>>
      %dma_wait3A_377 = tpu.memref_squeeze %dma_wait3A_376 : memref<1x128xi32, #tpu.memory_space<vmem>> -> memref<128xi32, #tpu.memory_space<vmem>>
      %dma_wait3A_378 = arith.constant 0 : i32
      %dma_wait3A_379 = arith.constant 0 : i32
      %dma_wait3A_380 = tpu.memref_slice %arg2[%dma_wait3A_378, %dma_wait3A_379] : memref<10240x64xf32, #tpu.memory_space<hbm>> -> memref<10240x64xf32, #tpu.memory_space<hbm>>
      tpu.wait_indirect_dma semaphore(%arg11 : memref<!tpu.dma_semaphore, #tpu.memory_space<semaphore_mem>>) src(%dma_wait3A_380 : memref<10240x64xf32, #tpu.memory_space<hbm>>) dst(%dma_wait3A_374 : memref<128x64xf32, #tpu.memory_space<vmem>>)
      %run_scoped3A = arith.constant 0 : i32
      %run_scoped3A_381 = arith.constant 78 : i32
      "tpu.region"() ({
        %run_scoped3A_382 = tpu.sem_alloc : memref<!tpu.dma_semaphore, #tpu.memory_space<semaphore_mem>>
        %dma_start3A_383 = arith.constant 0 : i32
        %dma_start3A_384 = arith.constant 0 : i32
        %dma_start3A_385 = tpu.memref_slice %arg8[%run_scoped3A, %dma_start3A_383, %dma_start3A_384] : memref<3x128x64xf32, #tpu.memory_space<vmem>> -> memref<1x128x64xf32, #tpu.memory_space<vmem>>
        %dma_start3A_386 = tpu.memref_squeeze %dma_start3A_385 : memref<1x128x64xf32, #tpu.memory_space<vmem>> -> memref<128x64xf32, #tpu.memory_space<vmem>>
        %dma_start3A_387 = arith.constant 0 : i32
        %dma_start3A_388 = tpu.memref_slice %arg7[%run_scoped3A_381, %dma_start3A_387] : memref<79x128xi32, #tpu.memory_space<vmem>> -> memref<1x128xi32, #tpu.memory_space<vmem>>
        %dma_start3A_389 = tpu.memref_squeeze %dma_start3A_388 : memref<1x128xi32, #tpu.memory_space<vmem>> -> memref<128xi32, #tpu.memory_space<vmem>>
        %dma_start3A_390 = arith.constant 0 : i32
        %dma_start3A_391 = arith.constant 0 : i32
        %dma_start3A_392 = tpu.memref_slice %arg10[%dma_start3A_390, %dma_start3A_391] : memref<10240x64xf32, #tpu.memory_space<vmem_shared>> -> memref<10240x64xf32, #tpu.memory_space<vmem_shared>>
        tpu.enqueue_indirect_dma source(%dma_start3A_386 : memref<128x64xf32, #tpu.memory_space<vmem>>) target(%dma_start3A_392 : memref<10240x64xf32, #tpu.memory_space<vmem_shared>>) offsets(%dma_start3A_389 : memref<128xi32, #tpu.memory_space<vmem>>) semaphore(%run_scoped3A_382 : memref<!tpu.dma_semaphore, #tpu.memory_space<semaphore_mem>>) {add = true}
        %dma_wait3A_393 = arith.constant 0 : i32
        %dma_wait3A_394 = arith.constant 0 : i32
        %dma_wait3A_395 = tpu.memref_slice %arg8[%run_scoped3A, %dma_wait3A_393, %dma_wait3A_394] : memref<3x128x64xf32, #tpu.memory_space<vmem>> -> memref<1x128x64xf32, #tpu.memory_space<vmem>>
        %dma_wait3A_396 = tpu.memref_squeeze %dma_wait3A_395 : memref<1x128x64xf32, #tpu.memory_space<vmem>> -> memref<128x64xf32, #tpu.memory_space<vmem>>
        %dma_wait3A_397 = arith.constant 0 : i32
        %dma_wait3A_398 = tpu.memref_slice %arg7[%run_scoped3A_381, %dma_wait3A_397] : memref<79x128xi32, #tpu.memory_space<vmem>> -> memref<1x128xi32, #tpu.memory_space<vmem>>
        %dma_wait3A_399 = tpu.memref_squeeze %dma_wait3A_398 : memref<1x128xi32, #tpu.memory_space<vmem>> -> memref<128xi32, #tpu.memory_space<vmem>>
        %dma_wait3A_400 = arith.constant 0 : i32
        %dma_wait3A_401 = arith.constant 0 : i32
        %dma_wait3A_402 = tpu.memref_slice %arg10[%dma_wait3A_400, %dma_wait3A_401] : memref<10240x64xf32, #tpu.memory_space<vmem_shared>> -> memref<10240x64xf32, #tpu.memory_space<vmem_shared>>
        tpu.wait_indirect_dma semaphore(%run_scoped3A_382 : memref<!tpu.dma_semaphore, #tpu.memory_space<semaphore_mem>>) src(%dma_wait3A_396 : memref<128x64xf32, #tpu.memory_space<vmem>>) dst(%dma_wait3A_402 : memref<10240x64xf32, #tpu.memory_space<vmem_shared>>)
        tpu.yield
      }) : () -> ()
    } else {
    }
    %dma_wait3A_316 = arith.constant 0 : i32
    %dma_wait3A_317 = arith.constant 75 : i32
    %dma_wait3A_318 = arith.constant 0 : i32
    %dma_wait3A_319 = arith.constant 0 : i32
    %dma_wait3A_320 = tpu.memref_slice %arg9[%dma_wait3A_316, %dma_wait3A_318, %dma_wait3A_319] : memref<3x128x64xf32, #tpu.memory_space<vmem>> -> memref<1x128x64xf32, #tpu.memory_space<vmem>>
    %dma_wait3A_321 = tpu.memref_squeeze %dma_wait3A_320 : memref<1x128x64xf32, #tpu.memory_space<vmem>> -> memref<128x64xf32, #tpu.memory_space<vmem>>
    %dma_wait3A_322 = arith.constant 0 : i32
    %dma_wait3A_323 = tpu.memref_slice %arg7[%dma_wait3A_317, %dma_wait3A_322] : memref<79x128xi32, #tpu.memory_space<vmem>> -> memref<1x128xi32, #tpu.memory_space<vmem>>
    %dma_wait3A_324 = tpu.memref_squeeze %dma_wait3A_323 : memref<1x128xi32, #tpu.memory_space<vmem>> -> memref<128xi32, #tpu.memory_space<vmem>>
    %dma_wait3A_325 = arith.constant 0 : i32
    %dma_wait3A_326 = arith.constant 0 : i32
    %dma_wait3A_327 = tpu.memref_slice %arg10[%dma_wait3A_325, %dma_wait3A_326] : memref<10240x64xf32, #tpu.memory_space<vmem_shared>> -> memref<10240x64xf32, #tpu.memory_space<vmem_shared>>
    tpu.wait_indirect_dma semaphore(%arg13 : memref<!tpu.dma_semaphore, #tpu.memory_space<semaphore_mem>>) src(%dma_wait3A_321 : memref<128x64xf32, #tpu.memory_space<vmem>>) dst(%dma_wait3A_327 : memref<10240x64xf32, #tpu.memory_space<vmem_shared>>)
    %dma_wait3A_328 = arith.constant 1 : i32
    %dma_wait3A_329 = arith.constant 76 : i32
    %dma_wait3A_330 = arith.constant 0 : i32
    %dma_wait3A_331 = arith.constant 0 : i32
    %dma_wait3A_332 = tpu.memref_slice %arg9[%dma_wait3A_328, %dma_wait3A_330, %dma_wait3A_331] : memref<3x128x64xf32, #tpu.memory_space<vmem>> -> memref<1x128x64xf32, #tpu.memory_space<vmem>>
    %dma_wait3A_333 = tpu.memref_squeeze %dma_wait3A_332 : memref<1x128x64xf32, #tpu.memory_space<vmem>> -> memref<128x64xf32, #tpu.memory_space<vmem>>
    %dma_wait3A_334 = arith.constant 0 : i32
    %dma_wait3A_335 = tpu.memref_slice %arg7[%dma_wait3A_329, %dma_wait3A_334] : memref<79x128xi32, #tpu.memory_space<vmem>> -> memref<1x128xi32, #tpu.memory_space<vmem>>
    %dma_wait3A_336 = tpu.memref_squeeze %dma_wait3A_335 : memref<1x128xi32, #tpu.memory_space<vmem>> -> memref<128xi32, #tpu.memory_space<vmem>>
    %dma_wait3A_337 = arith.constant 0 : i32
    %dma_wait3A_338 = arith.constant 0 : i32
    %dma_wait3A_339 = tpu.memref_slice %arg10[%dma_wait3A_337, %dma_wait3A_338] : memref<10240x64xf32, #tpu.memory_space<vmem_shared>> -> memref<10240x64xf32, #tpu.memory_space<vmem_shared>>
    tpu.wait_indirect_dma semaphore(%arg13 : memref<!tpu.dma_semaphore, #tpu.memory_space<semaphore_mem>>) src(%dma_wait3A_333 : memref<128x64xf32, #tpu.memory_space<vmem>>) dst(%dma_wait3A_339 : memref<10240x64xf32, #tpu.memory_space<vmem_shared>>)
    %dma_wait3A_340 = arith.constant 2 : i32
    %dma_wait3A_341 = arith.constant 77 : i32
    %dma_wait3A_342 = arith.constant 0 : i32
    %dma_wait3A_343 = arith.constant 0 : i32
    %dma_wait3A_344 = tpu.memref_slice %arg9[%dma_wait3A_340, %dma_wait3A_342, %dma_wait3A_343] : memref<3x128x64xf32, #tpu.memory_space<vmem>> -> memref<1x128x64xf32, #tpu.memory_space<vmem>>
    %dma_wait3A_345 = tpu.memref_squeeze %dma_wait3A_344 : memref<1x128x64xf32, #tpu.memory_space<vmem>> -> memref<128x64xf32, #tpu.memory_space<vmem>>
    %dma_wait3A_346 = arith.constant 0 : i32
    %dma_wait3A_347 = tpu.memref_slice %arg7[%dma_wait3A_341, %dma_wait3A_346] : memref<79x128xi32, #tpu.memory_space<vmem>> -> memref<1x128xi32, #tpu.memory_space<vmem>>
    %dma_wait3A_348 = tpu.memref_squeeze %dma_wait3A_347 : memref<1x128xi32, #tpu.memory_space<vmem>> -> memref<128xi32, #tpu.memory_space<vmem>>
    %dma_wait3A_349 = arith.constant 0 : i32
    %dma_wait3A_350 = arith.constant 0 : i32
    %dma_wait3A_351 = tpu.memref_slice %arg10[%dma_wait3A_349, %dma_wait3A_350] : memref<10240x64xf32, #tpu.memory_space<vmem_shared>> -> memref<10240x64xf32, #tpu.memory_space<vmem_shared>>
    tpu.wait_indirect_dma semaphore(%arg13 : memref<!tpu.dma_semaphore, #tpu.memory_space<semaphore_mem>>) src(%dma_wait3A_345 : memref<128x64xf32, #tpu.memory_space<vmem>>) dst(%dma_wait3A_351 : memref<10240x64xf32, #tpu.memory_space<vmem_shared>>)
    %barrier3A_352 = arith.constant 0 : index
    tpu.barrier barrier_id(%barrier3A_352)
    %mul3A_353 = arith.constant 640 : i32
    %mul3A_354 = arith.muli %arg1, %mul3A_353 : i32
    %mul3A_355 = arith.constant 640 : i32
    %mul3A_356 = arith.muli %arg1, %mul3A_355 : i32
    "tpu.region"() ({
      %run_scoped3A = tpu.sem_alloc : memref<!tpu.dma_semaphore, #tpu.memory_space<semaphore_mem>>
      %dma_start3A_357 = arith.constant 0 : i32
      %dma_start3A_358 = tpu.memref_slice %arg5[%arg0, %mul3A_356, %dma_start3A_357] : memref<2x10240x64xf32, #tpu.memory_space<hbm>> -> memref<1x640x64xf32, #tpu.memory_space<hbm>>
      %dma_start3A_359 = tpu.memref_squeeze %dma_start3A_358 : memref<1x640x64xf32, #tpu.memory_space<hbm>> -> memref<640x64xf32, #tpu.memory_space<hbm>>
      %dma_start3A_360 = arith.constant 0 : i32
      %dma_start3A_361 = tpu.memref_slice %arg10[%mul3A_354, %dma_start3A_360] : memref<10240x64xf32, #tpu.memory_space<vmem_shared>> -> memref<640x64xf32, #tpu.memory_space<vmem_shared>>
      tpu.enqueue_dma source(%dma_start3A_361 : memref<640x64xf32, #tpu.memory_space<vmem_shared>>) target(%dma_start3A_359 : memref<640x64xf32, #tpu.memory_space<hbm>>) target_semaphore(%run_scoped3A : memref<!tpu.dma_semaphore, #tpu.memory_space<semaphore_mem>>)
      %dma_wait3A_362 = arith.constant 0 : i32
      %dma_wait3A_363 = tpu.memref_slice %arg5[%arg0, %mul3A_356, %dma_wait3A_362] : memref<2x10240x64xf32, #tpu.memory_space<hbm>> -> memref<1x640x64xf32, #tpu.memory_space<hbm>>
      %dma_wait3A_364 = tpu.memref_squeeze %dma_wait3A_363 : memref<1x640x64xf32, #tpu.memory_space<hbm>> -> memref<640x64xf32, #tpu.memory_space<hbm>>
      %dma_wait3A_365 = arith.constant 0 : i32
      %dma_wait3A_366 = tpu.memref_slice %arg10[%mul3A_354, %dma_wait3A_365] : memref<10240x64xf32, #tpu.memory_space<vmem_shared>> -> memref<640x64xf32, #tpu.memory_space<vmem_shared>>
      tpu.wait_dma2 semaphore(%run_scoped3A : memref<!tpu.dma_semaphore, #tpu.memory_space<semaphore_mem>>) src(%dma_wait3A_366 : memref<640x64xf32, #tpu.memory_space<vmem_shared>>) dst(%dma_wait3A_364 : memref<640x64xf32, #tpu.memory_space<hbm>>)
      tpu.yield
    }) : () -> ()
    return
  }
}

module attributes {stable_mosaic.version = 14 : i64} {
  func.func @_mm1_body(%arg0: i32, %arg1: memref<2x1024xf32, #tpu.memory_space<vmem>>, %arg2: memref<512x256xf32, #tpu.memory_space<vmem>>, %arg3: memref<256x128xf32, #tpu.memory_space<vmem>>, %arg4: memref<512x128xf32, #tpu.memory_space<vmem>>) attributes {dimension_semantics = [#tpu.dimension_semantics<arbitrary>], iteration_bounds = array<i64: 10>, scalar_prefetch = 0 : i64, scratch_operands = 0 : i64, tpu.core_type = #tpu.core_type<tc>, window_params = [{transform_indices = @transform_0, window_bounds = array<i64: 2, 1024>}, {transform_indices = @transform_1, window_bounds = array<i64: 512, 256>}, {pipeline_mode = #tpu.pipeline_mode<synchronous>, transform_indices = @transform_2, window_bounds = array<i64: 256, 128>}, {transform_indices = @transform_3, window_bounds = array<i64: 512, 128>}]} {
    %get3A = arith.constant 0 : index
    %get3A_0 = arith.constant 0 : index
    %get3A_1 = vector.load %arg1[%get3A, %get3A_0] : memref<2x1024xf32, #tpu.memory_space<vmem>>, vector<2x1024xf32>
    %slice3A = vector.extract_strided_slice %get3A_1 {offsets = [0, 0], sizes = [1, 1024], strides = [1, 1]} : vector<2x1024xf32> to vector<1x1024xf32>
    %squeeze3A = vector.shape_cast %slice3A : vector<1x1024xf32> to vector<1024xf32>
    %slice3A_2 = vector.extract_strided_slice %get3A_1 {offsets = [1, 0], sizes = [1, 1024], strides = [1, 1]} : vector<2x1024xf32> to vector<1x1024xf32>
    %squeeze3A_3 = vector.shape_cast %slice3A_2 : vector<1x1024xf32> to vector<1024xf32>
    %add3A = arith.addf %squeeze3A, %squeeze3A_3 : vector<1024xf32>
    %add3A_4 = arith.constant 1.000000e+00 : f32
    %add3A_5 = vector.broadcast %add3A_4 : f32 to vector<1024xf32>
    %add3A_6 = arith.addf %add3A, %add3A_5 : vector<1024xf32>
    %rsqrt3A = math.rsqrt %add3A_6 : vector<1024xf32>
    %reshape3A = vector.shape_cast %rsqrt3A : vector<1024xf32> to vector<1x1024xf32>
    %transpose3A = tpu.transpose %reshape3A, [1, 0] : vector<1x1024xf32> -> vector<1024x1xf32>
    %reshape3A_7 = vector.shape_cast %transpose3A : vector<1024x1xf32> to vector<512x2xf32>
    %iota3A = tpu.iota {dimensions = array<i32: 1>} : vector<2x128xi32>
    %iota3A_8 = tpu.iota {dimensions = array<i32: 0>} : vector<2x128xi32>
    %ge3A = arith.constant 64 : i32
    %ge3A_9 = vector.broadcast %ge3A : i32 to vector<2x128xi32>
    %ge3A_10 = arith.cmpi sge, %iota3A, %ge3A_9 : vector<2x128xi32>
    %convert_element_type3A = arith.extui %ge3A_10 : vector<2x128xi1> to vector<2x128xi32>
    %eq3A = arith.cmpi eq, %convert_element_type3A, %iota3A_8 : vector<2x128xi32>
    %convert_element_type3A_11 = arith.extui %eq3A : vector<2x128xi1> to vector<2x128xi32>
    %convert_element_type3A_12 = arith.sitofp %convert_element_type3A_11 : vector<2x128xi32> to vector<2x128xf32>
    %dot_general3A = arith.constant dense<0.000000e+00> : vector<512x128xf32>
    %dot_general3A_13 = tpu.matmul %reshape3A_7, %convert_element_type3A_12, %dot_general3A {dimension_numbers = #tpu.dot_dimension_numbers<[1], [0], [0], [1], [0, 0, 1, 1], [], []>, transpose_lhs_hint = false} : vector<512x2xf32>, vector<2x128xf32>, vector<512x128xf32> -> vector<512x128xf32>
    %get3A_14 = arith.constant 0 : index
    %get3A_15 = arith.constant 0 : index
    %get3A_16 = vector.load %arg2[%get3A_14, %get3A_15] : memref<512x256xf32, #tpu.memory_space<vmem>>, vector<512x256xf32>
    %get3A_17 = arith.constant 0 : index
    %get3A_18 = arith.constant 0 : index
    %get3A_19 = vector.load %arg3[%get3A_17, %get3A_18] : memref<256x128xf32, #tpu.memory_space<vmem>>, vector<256x128xf32>
    %dot_general3A_20 = arith.constant dense<0.000000e+00> : vector<512x128xf32>
    %dot_general3A_21 = tpu.matmul %get3A_16, %get3A_19, %dot_general3A_20 {dimension_numbers = #tpu.dot_dimension_numbers<[1], [0], [0], [1], [0, 0, 1, 1], [], []>, transpose_lhs_hint = false} : vector<512x256xf32>, vector<256x128xf32>, vector<512x128xf32> -> vector<512x128xf32>
    %mul3A = arith.mulf %dot_general3A_21, %dot_general3A_13 : vector<512x128xf32>
    %swap3A = arith.constant 0 : index
    %swap3A_22 = arith.constant 0 : index
    %swap3A_23 = vector.load %arg4[%swap3A, %swap3A_22] : memref<512x128xf32, #tpu.memory_space<vmem>>, vector<512x128xf32>
    tpu.vector_store %arg4[%swap3A, %swap3A_22], %mul3A {strides = array<i32>} : memref<512x128xf32, #tpu.memory_space<vmem>>, vector<512x128xf32>,
    return
  }
  func.func @transform_0(%arg0: i32) -> (i32, i32) {
    %c0_i32 = arith.constant 0 : i32
    %c0_i32_0 = arith.constant 0 : i32
    return %c0_i32, %arg0 : i32, i32
  }
  func.func @transform_1(%arg0: i32) -> (i32, i32) {
    %c0_i32 = arith.constant 0 : i32
    %c0_i32_0 = arith.constant 0 : i32
    return %arg0, %c0_i32 : i32, i32
  }
  func.func @transform_2(%arg0: i32) -> (i32, i32) {
    %c0_i32 = arith.constant 0 : i32
    %c0_i32_0 = arith.constant 0 : i32
    %c0_i32_1 = arith.constant 0 : i32
    return %c0_i32, %c0_i32_0 : i32, i32
  }
  func.func @transform_3(%arg0: i32) -> (i32, i32) {
    %c0_i32 = arith.constant 0 : i32
    %c0_i32_0 = arith.constant 0 : i32
    return %arg0, %c0_i32 : i32, i32
  }
}

module attributes {stable_mosaic.version = 14 : i64} {
  func.func @_dense2_body(%arg0: i32, %arg1: memref<2x512x128xf32, #tpu.memory_space<vmem>>, %arg2: memref<512x128xf32, #tpu.memory_space<vmem>>, %arg3: memref<2x1024xf32, #tpu.memory_space<vmem>>, %arg4: memref<1x128xf32, #tpu.memory_space<vmem>>, %arg5: memref<1x128xf32, #tpu.memory_space<vmem>>, %arg6: memref<1x128xf32, #tpu.memory_space<vmem>>, %arg7: memref<128x128xf32, #tpu.memory_space<vmem>>, %arg8: memref<512x128xf32, #tpu.memory_space<vmem>>) attributes {dimension_semantics = [#tpu.dimension_semantics<arbitrary>], iteration_bounds = array<i64: 10>, scalar_prefetch = 0 : i64, scratch_operands = 0 : i64, tpu.core_type = #tpu.core_type<tc>, window_params = [{transform_indices = @transform_0, window_bounds = array<i64: 2, 512, 128>}, {transform_indices = @transform_1, window_bounds = array<i64: 512, 128>}, {transform_indices = @transform_2, window_bounds = array<i64: 2, 1024>}, {pipeline_mode = #tpu.pipeline_mode<synchronous>, transform_indices = @transform_3, window_bounds = array<i64: 1, 128>}, {pipeline_mode = #tpu.pipeline_mode<synchronous>, transform_indices = @transform_4, window_bounds = array<i64: 1, 128>}, {pipeline_mode = #tpu.pipeline_mode<synchronous>, transform_indices = @transform_5, window_bounds = array<i64: 1, 128>}, {pipeline_mode = #tpu.pipeline_mode<synchronous>, transform_indices = @transform_6, window_bounds = array<i64: 128, 128>}, {transform_indices = @transform_7, window_bounds = array<i64: 512, 128>}]} {
    %get3A = arith.constant 0 : index
    %get3A_0 = arith.constant 0 : index
    %get3A_1 = arith.constant 0 : index
    %get3A_2 = vector.load %arg1[%get3A, %get3A_0, %get3A_1] : memref<2x512x128xf32, #tpu.memory_space<vmem>>, vector<2x512x128xf32>
    %slice3A = vector.extract_strided_slice %get3A_2 {offsets = [0, 0, 0], sizes = [1, 512, 128], strides = [1, 1, 1]} : vector<2x512x128xf32> to vector<1x512x128xf32>
    %squeeze3A = vector.shape_cast %slice3A : vector<1x512x128xf32> to vector<512x128xf32>
    %slice3A_3 = vector.extract_strided_slice %get3A_2 {offsets = [1, 0, 0], sizes = [1, 512, 128], strides = [1, 1, 1]} : vector<2x512x128xf32> to vector<1x512x128xf32>
    %squeeze3A_4 = vector.shape_cast %slice3A_3 : vector<1x512x128xf32> to vector<512x128xf32>
    %add3A = arith.addf %squeeze3A, %squeeze3A_4 : vector<512x128xf32>
    %get3A_5 = arith.constant 0 : index
    %get3A_6 = arith.constant 0 : index
    %get3A_7 = vector.load %arg3[%get3A_5, %get3A_6] : memref<2x1024xf32, #tpu.memory_space<vmem>>, vector<2x1024xf32>
    %slice3A_8 = vector.extract_strided_slice %get3A_7 {offsets = [0, 0], sizes = [1, 1024], strides = [1, 1]} : vector<2x1024xf32> to vector<1x1024xf32>
    %squeeze3A_9 = vector.shape_cast %slice3A_8 : vector<1x1024xf32> to vector<1024xf32>
    %slice3A_10 = vector.extract_strided_slice %get3A_7 {offsets = [1, 0], sizes = [1, 1024], strides = [1, 1]} : vector<2x1024xf32> to vector<1x1024xf32>
    %squeeze3A_11 = vector.shape_cast %slice3A_10 : vector<1x1024xf32> to vector<1024xf32>
    %add3A_12 = arith.addf %squeeze3A_9, %squeeze3A_11 : vector<1024xf32>
    %add3A_13 = arith.constant 1.000000e+00 : f32
    %add3A_14 = vector.broadcast %add3A_13 : f32 to vector<1024xf32>
    %add3A_15 = arith.addf %add3A_12, %add3A_14 : vector<1024xf32>
    %rsqrt3A = math.rsqrt %add3A_15 : vector<1024xf32>
    %reshape3A = vector.shape_cast %rsqrt3A : vector<1024xf32> to vector<1x1024xf32>
    %transpose3A = tpu.transpose %reshape3A, [1, 0] : vector<1x1024xf32> -> vector<1024x1xf32>
    %reshape3A_16 = vector.shape_cast %transpose3A : vector<1024x1xf32> to vector<512x2xf32>
    %iota3A = tpu.iota {dimensions = array<i32: 1>} : vector<2x128xi32>
    %iota3A_17 = tpu.iota {dimensions = array<i32: 0>} : vector<2x128xi32>
    %ge3A = arith.constant 64 : i32
    %ge3A_18 = vector.broadcast %ge3A : i32 to vector<2x128xi32>
    %ge3A_19 = arith.cmpi sge, %iota3A, %ge3A_18 : vector<2x128xi32>
    %convert_element_type3A = arith.extui %ge3A_19 : vector<2x128xi1> to vector<2x128xi32>
    %eq3A = arith.cmpi eq, %convert_element_type3A, %iota3A_17 : vector<2x128xi32>
    %convert_element_type3A_20 = arith.extui %eq3A : vector<2x128xi1> to vector<2x128xi32>
    %convert_element_type3A_21 = arith.sitofp %convert_element_type3A_20 : vector<2x128xi32> to vector<2x128xf32>
    %dot_general3A = arith.constant dense<0.000000e+00> : vector<512x128xf32>
    %dot_general3A_22 = tpu.matmul %reshape3A_16, %convert_element_type3A_21, %dot_general3A {dimension_numbers = #tpu.dot_dimension_numbers<[1], [0], [0], [1], [0, 0, 1, 1], [], []>, transpose_lhs_hint = false} : vector<512x2xf32>, vector<2x128xf32>, vector<512x128xf32> -> vector<512x128xf32>
    %get3A_23 = arith.constant 0 : index
    %get3A_24 = arith.constant 0 : index
    %get3A_25 = vector.load %arg2[%get3A_23, %get3A_24] : memref<512x128xf32, #tpu.memory_space<vmem>>, vector<512x128xf32>
    %add3A_26 = arith.addf %add3A, %get3A_25 : vector<512x128xf32>
    %mul3A = arith.mulf %dot_general3A_22, %add3A_26 : vector<512x128xf32>
    %get3A_27 = arith.constant 0 : index
    %get3A_28 = arith.constant 0 : index
    %get3A_29 = vector.load %arg4[%get3A_27, %get3A_28] : memref<1x128xf32, #tpu.memory_space<vmem>>, vector<1x128xf32>
    %add3A_30 = vector.broadcast %get3A_29 : vector<1x128xf32> to vector<512x128xf32>
    %add3A_31 = arith.addf %mul3A, %add3A_30 : vector<512x128xf32>
    %get3A_32 = arith.constant 0 : index
    %get3A_33 = arith.constant 0 : index
    %get3A_34 = vector.load %arg5[%get3A_32, %get3A_33] : memref<1x128xf32, #tpu.memory_space<vmem>>, vector<1x128xf32>
    %sqrt3A = arith.constant 1.000010e+00 : f32
    %sqrt3A_35 = math.sqrt %sqrt3A : f32
    %div3A = vector.broadcast %sqrt3A_35 : f32 to vector<1x128xf32>
    %div3A_36 = arith.divf %get3A_34, %div3A : vector<1x128xf32>
    %mul3A_37 = vector.broadcast %div3A_36 : vector<1x128xf32> to vector<512x128xf32>
    %mul3A_38 = arith.mulf %add3A_31, %mul3A_37 : vector<512x128xf32>
    %get3A_39 = arith.constant 0 : index
    %get3A_40 = arith.constant 0 : index
    %get3A_41 = vector.load %arg6[%get3A_39, %get3A_40] : memref<1x128xf32, #tpu.memory_space<vmem>>, vector<1x128xf32>
    %add3A_42 = vector.broadcast %get3A_41 : vector<1x128xf32> to vector<512x128xf32>
    %add3A_43 = arith.addf %mul3A_38, %add3A_42 : vector<512x128xf32>
    %max3A = arith.constant 0.000000e+00 : f32
    %max3A_44 = vector.broadcast %max3A : f32 to vector<512x128xf32>
    %max3A_45 = arith.maximumf %add3A_43, %max3A_44 : vector<512x128xf32>
    %get3A_46 = arith.constant 0 : index
    %get3A_47 = arith.constant 0 : index
    %get3A_48 = vector.load %arg7[%get3A_46, %get3A_47] : memref<128x128xf32, #tpu.memory_space<vmem>>, vector<128x128xf32>
    %dot_general3A_49 = arith.constant dense<0.000000e+00> : vector<512x128xf32>
    %dot_general3A_50 = tpu.matmul %max3A_45, %get3A_48, %dot_general3A_49 {dimension_numbers = #tpu.dot_dimension_numbers<[1], [0], [0], [1], [0, 0, 1, 1], [], []>, transpose_lhs_hint = false} : vector<512x128xf32>, vector<128x128xf32>, vector<512x128xf32> -> vector<512x128xf32>
    %mul3A_51 = arith.mulf %dot_general3A_50, %dot_general3A_22 : vector<512x128xf32>
    %swap3A = arith.constant 0 : index
    %swap3A_52 = arith.constant 0 : index
    %swap3A_53 = vector.load %arg8[%swap3A, %swap3A_52] : memref<512x128xf32, #tpu.memory_space<vmem>>, vector<512x128xf32>
    tpu.vector_store %arg8[%swap3A, %swap3A_52], %mul3A_51 {strides = array<i32>} : memref<512x128xf32, #tpu.memory_space<vmem>>, vector<512x128xf32>,
    return
  }
  func.func @transform_0(%arg0: i32) -> (i32, i32, i32) {
    %c0_i32 = arith.constant 0 : i32
    %c0_i32_0 = arith.constant 0 : i32
    %c0_i32_1 = arith.constant 0 : i32
    return %c0_i32, %arg0, %c0_i32_0 : i32, i32, i32
  }
  func.func @transform_1(%arg0: i32) -> (i32, i32) {
    %c0_i32 = arith.constant 0 : i32
    %c0_i32_0 = arith.constant 0 : i32
    return %arg0, %c0_i32 : i32, i32
  }
  func.func @transform_2(%arg0: i32) -> (i32, i32) {
    %c0_i32 = arith.constant 0 : i32
    %c0_i32_0 = arith.constant 0 : i32
    return %c0_i32, %arg0 : i32, i32
  }
  func.func @transform_3(%arg0: i32) -> (i32, i32) {
    %c0_i32 = arith.constant 0 : i32
    %c0_i32_0 = arith.constant 0 : i32
    %c0_i32_1 = arith.constant 0 : i32
    return %c0_i32, %c0_i32_0 : i32, i32
  }
  func.func @transform_4(%arg0: i32) -> (i32, i32) {
    %c0_i32 = arith.constant 0 : i32
    %c0_i32_0 = arith.constant 0 : i32
    %c0_i32_1 = arith.constant 0 : i32
    return %c0_i32, %c0_i32_0 : i32, i32
  }
  func.func @transform_5(%arg0: i32) -> (i32, i32) {
    %c0_i32 = arith.constant 0 : i32
    %c0_i32_0 = arith.constant 0 : i32
    %c0_i32_1 = arith.constant 0 : i32
    return %c0_i32, %c0_i32_0 : i32, i32
  }
  func.func @transform_6(%arg0: i32) -> (i32, i32) {
    %c0_i32 = arith.constant 0 : i32
    %c0_i32_0 = arith.constant 0 : i32
    %c0_i32_1 = arith.constant 0 : i32
    return %c0_i32, %c0_i32_0 : i32, i32
  }
  func.func @transform_7(%arg0: i32) -> (i32, i32) {
    %c0_i32 = arith.constant 0 : i32
    %c0_i32_0 = arith.constant 0 : i32
    return %arg0, %c0_i32 : i32, i32
  }
}

module attributes {stable_mosaic.version = 14 : i64} {
  func.func @_pool_body(%arg0: i32, %arg1: memref<2x512x128xf32, #tpu.memory_space<vmem>>, %arg2: memref<512x128xf32, #tpu.memory_space<vmem>>, %arg3: memref<2x1024xf32, #tpu.memory_space<vmem>>, %arg4: memref<1x128xf32, #tpu.memory_space<vmem>>, %arg5: memref<1x128xf32, #tpu.memory_space<vmem>>, %arg6: memref<1x128xf32, #tpu.memory_space<vmem>>, %arg7: memref<1024xi32, #tpu.memory_space<vmem>>, %arg8: memref<64x64xf32, #tpu.memory_space<vmem>>, %arg9: memref<64x128xf32, #tpu.memory_space<vmem>>, %arg10: memref<64x1xf32, #tpu.memory_space<vmem>>) attributes {dimension_semantics = [#tpu.dimension_semantics<arbitrary>], iteration_bounds = array<i64: 10>, scalar_prefetch = 0 : i64, scratch_operands = 2 : i64, tpu.core_type = #tpu.core_type<tc>, window_params = [{transform_indices = @transform_0, window_bounds = array<i64: 2, 512, 128>}, {transform_indices = @transform_1, window_bounds = array<i64: 512, 128>}, {transform_indices = @transform_2, window_bounds = array<i64: 2, 1024>}, {pipeline_mode = #tpu.pipeline_mode<synchronous>, transform_indices = @transform_3, window_bounds = array<i64: 1, 128>}, {pipeline_mode = #tpu.pipeline_mode<synchronous>, transform_indices = @transform_4, window_bounds = array<i64: 1, 128>}, {pipeline_mode = #tpu.pipeline_mode<synchronous>, transform_indices = @transform_5, window_bounds = array<i64: 1, 128>}, {transform_indices = @transform_6, window_bounds = array<i64: 1024>}, {pipeline_mode = #tpu.pipeline_mode<synchronous>, transform_indices = @transform_7, window_bounds = array<i64: 64, 64>}]} {
    %eq3A = arith.constant 0 : i32
    %eq3A_0 = arith.cmpi eq, %arg0, %eq3A : i32
    %convert_element_type3A = arith.extui %eq3A_0 : i1 to i32
    %cond3A = arith.constant 0 : i32
    %cond3A_1 = arith.cmpi ne, %convert_element_type3A, %cond3A : i32
    scf.if %cond3A_1 {
      %broadcast_in_dim3A_138 = arith.constant 0.000000e+00 : f32
      %broadcast_in_dim3A_139 = vector.broadcast %broadcast_in_dim3A_138 : f32 to vector<64x128xf32>
      %swap3A_140 = arith.constant 0 : index
      %swap3A_141 = arith.constant 0 : index
      %swap3A_142 = vector.load %arg9[%swap3A_140, %swap3A_141] : memref<64x128xf32, #tpu.memory_space<vmem>>, vector<64x128xf32>
      tpu.vector_store %arg9[%swap3A_140, %swap3A_141], %broadcast_in_dim3A_139 {strides = array<i32>} : memref<64x128xf32, #tpu.memory_space<vmem>>, vector<64x128xf32>,
      %broadcast_in_dim3A_143 = arith.constant 0.000000e+00 : f32
      %broadcast_in_dim3A_144 = vector.broadcast %broadcast_in_dim3A_143 : f32 to vector<64x1xf32>
      %swap3A_145 = arith.constant 0 : index
      %swap3A_146 = arith.constant 0 : index
      %swap3A_147 = vector.load %arg10[%swap3A_145, %swap3A_146] : memref<64x1xf32, #tpu.memory_space<vmem>>, vector<64x1xf32>
      tpu.vector_store %arg10[%swap3A_145, %swap3A_146], %broadcast_in_dim3A_144 {strides = array<i32>} : memref<64x1xf32, #tpu.memory_space<vmem>>, vector<64x1xf32>,
    } else {
    }
    %get3A = arith.constant 0 : index
    %get3A_2 = arith.constant 0 : index
    %get3A_3 = arith.constant 0 : index
    %get3A_4 = vector.load %arg1[%get3A, %get3A_2, %get3A_3] : memref<2x512x128xf32, #tpu.memory_space<vmem>>, vector<2x512x128xf32>
    %slice3A = vector.extract_strided_slice %get3A_4 {offsets = [0, 0, 0], sizes = [1, 512, 128], strides = [1, 1, 1]} : vector<2x512x128xf32> to vector<1x512x128xf32>
    %squeeze3A = vector.shape_cast %slice3A : vector<1x512x128xf32> to vector<512x128xf32>
    %slice3A_5 = vector.extract_strided_slice %get3A_4 {offsets = [1, 0, 0], sizes = [1, 512, 128], strides = [1, 1, 1]} : vector<2x512x128xf32> to vector<1x512x128xf32>
    %squeeze3A_6 = vector.shape_cast %slice3A_5 : vector<1x512x128xf32> to vector<512x128xf32>
    %add3A = arith.addf %squeeze3A, %squeeze3A_6 : vector<512x128xf32>
    %get3A_7 = arith.constant 0 : index
    %get3A_8 = arith.constant 0 : index
    %get3A_9 = vector.load %arg3[%get3A_7, %get3A_8] : memref<2x1024xf32, #tpu.memory_space<vmem>>, vector<2x1024xf32>
    %slice3A_10 = vector.extract_strided_slice %get3A_9 {offsets = [0, 0], sizes = [1, 1024], strides = [1, 1]} : vector<2x1024xf32> to vector<1x1024xf32>
    %squeeze3A_11 = vector.shape_cast %slice3A_10 : vector<1x1024xf32> to vector<1024xf32>
    %slice3A_12 = vector.extract_strided_slice %get3A_9 {offsets = [1, 0], sizes = [1, 1024], strides = [1, 1]} : vector<2x1024xf32> to vector<1x1024xf32>
    %squeeze3A_13 = vector.shape_cast %slice3A_12 : vector<1x1024xf32> to vector<1024xf32>
    %add3A_14 = arith.addf %squeeze3A_11, %squeeze3A_13 : vector<1024xf32>
    %add3A_15 = arith.constant 1.000000e+00 : f32
    %add3A_16 = vector.broadcast %add3A_15 : f32 to vector<1024xf32>
    %add3A_17 = arith.addf %add3A_14, %add3A_16 : vector<1024xf32>
    %rsqrt3A = math.rsqrt %add3A_17 : vector<1024xf32>
    %reshape3A = vector.shape_cast %rsqrt3A : vector<1024xf32> to vector<1x1024xf32>
    %transpose3A = tpu.transpose %reshape3A, [1, 0] : vector<1x1024xf32> -> vector<1024x1xf32>
    %reshape3A_18 = vector.shape_cast %transpose3A : vector<1024x1xf32> to vector<512x2xf32>
    %iota3A = tpu.iota {dimensions = array<i32: 1>} : vector<2x128xi32>
    %iota3A_19 = tpu.iota {dimensions = array<i32: 0>} : vector<2x128xi32>
    %ge3A = arith.constant 64 : i32
    %ge3A_20 = vector.broadcast %ge3A : i32 to vector<2x128xi32>
    %ge3A_21 = arith.cmpi sge, %iota3A, %ge3A_20 : vector<2x128xi32>
    %convert_element_type3A_22 = arith.extui %ge3A_21 : vector<2x128xi1> to vector<2x128xi32>
    %eq3A_23 = arith.cmpi eq, %convert_element_type3A_22, %iota3A_19 : vector<2x128xi32>
    %convert_element_type3A_24 = arith.extui %eq3A_23 : vector<2x128xi1> to vector<2x128xi32>
    %convert_element_type3A_25 = arith.sitofp %convert_element_type3A_24 : vector<2x128xi32> to vector<2x128xf32>
    %dot_general3A = arith.constant dense<0.000000e+00> : vector<512x128xf32>
    %dot_general3A_26 = tpu.matmul %reshape3A_18, %convert_element_type3A_25, %dot_general3A {dimension_numbers = #tpu.dot_dimension_numbers<[1], [0], [0], [1], [0, 0, 1, 1], [], []>, transpose_lhs_hint = false} : vector<512x2xf32>, vector<2x128xf32>, vector<512x128xf32> -> vector<512x128xf32>
    %get3A_27 = arith.constant 0 : index
    %get3A_28 = arith.constant 0 : index
    %get3A_29 = vector.load %arg2[%get3A_27, %get3A_28] : memref<512x128xf32, #tpu.memory_space<vmem>>, vector<512x128xf32>
    %add3A_30 = arith.addf %add3A, %get3A_29 : vector<512x128xf32>
    %mul3A = arith.mulf %dot_general3A_26, %add3A_30 : vector<512x128xf32>
    %get3A_31 = arith.constant 0 : index
    %get3A_32 = arith.constant 0 : index
    %get3A_33 = vector.load %arg4[%get3A_31, %get3A_32] : memref<1x128xf32, #tpu.memory_space<vmem>>, vector<1x128xf32>
    %add3A_34 = vector.broadcast %get3A_33 : vector<1x128xf32> to vector<512x128xf32>
    %add3A_35 = arith.addf %mul3A, %add3A_34 : vector<512x128xf32>
    %get3A_36 = arith.constant 0 : index
    %get3A_37 = arith.constant 0 : index
    %get3A_38 = vector.load %arg5[%get3A_36, %get3A_37] : memref<1x128xf32, #tpu.memory_space<vmem>>, vector<1x128xf32>
    %sqrt3A = arith.constant 1.000010e+00 : f32
    %sqrt3A_39 = math.sqrt %sqrt3A : f32
    %div3A = vector.broadcast %sqrt3A_39 : f32 to vector<1x128xf32>
    %div3A_40 = arith.divf %get3A_38, %div3A : vector<1x128xf32>
    %mul3A_41 = vector.broadcast %div3A_40 : vector<1x128xf32> to vector<512x128xf32>
    %mul3A_42 = arith.mulf %add3A_35, %mul3A_41 : vector<512x128xf32>
    %get3A_43 = arith.constant 0 : index
    %get3A_44 = arith.constant 0 : index
    %get3A_45 = vector.load %arg6[%get3A_43, %get3A_44] : memref<1x128xf32, #tpu.memory_space<vmem>>, vector<1x128xf32>
    %add3A_46 = vector.broadcast %get3A_45 : vector<1x128xf32> to vector<512x128xf32>
    %add3A_47 = arith.addf %mul3A_42, %add3A_46 : vector<512x128xf32>
    %max3A = arith.constant 0.000000e+00 : f32
    %max3A_48 = vector.broadcast %max3A : f32 to vector<512x128xf32>
    %max3A_49 = arith.maximumf %add3A_47, %max3A_48 : vector<512x128xf32>
    %get3A_50 = arith.constant 0 : index
    %get3A_51 = vector.load %arg7[%get3A_50] : memref<1024xi32, #tpu.memory_space<vmem>>, vector<1024xi32>
    %convert_element_type3A_52 = arith.sitofp %get3A_51 : vector<1024xi32> to vector<1024xf32>
    %reshape3A_53 = vector.shape_cast %convert_element_type3A_52 : vector<1024xf32> to vector<1x1024xf32>
    %transpose3A_54 = tpu.transpose %reshape3A_53, [1, 0] : vector<1x1024xf32> -> vector<1024x1xf32>
    %reshape3A_55 = vector.shape_cast %transpose3A_54 : vector<1024x1xf32> to vector<512x2xf32>
    %iota3A_56 = tpu.iota {dimensions = array<i32: 1>} : vector<2x128xi32>
    %iota3A_57 = tpu.iota {dimensions = array<i32: 0>} : vector<2x128xi32>
    %ge3A_58 = arith.constant 64 : i32
    %ge3A_59 = vector.broadcast %ge3A_58 : i32 to vector<2x128xi32>
    %ge3A_60 = arith.cmpi sge, %iota3A_56, %ge3A_59 : vector<2x128xi32>
    %convert_element_type3A_61 = arith.extui %ge3A_60 : vector<2x128xi1> to vector<2x128xi32>
    %eq3A_62 = arith.cmpi eq, %convert_element_type3A_61, %iota3A_57 : vector<2x128xi32>
    %convert_element_type3A_63 = arith.extui %eq3A_62 : vector<2x128xi1> to vector<2x128xi32>
    %convert_element_type3A_64 = arith.sitofp %convert_element_type3A_63 : vector<2x128xi32> to vector<2x128xf32>
    %dot_general3A_65 = arith.constant dense<0.000000e+00> : vector<512x128xf32>
    %dot_general3A_66 = tpu.matmul %reshape3A_55, %convert_element_type3A_64, %dot_general3A_65 {dimension_numbers = #tpu.dot_dimension_numbers<[1], [0], [0], [1], [0, 0, 1, 1], [], []>, transpose_lhs_hint = false} : vector<512x2xf32>, vector<2x128xf32>, vector<512x128xf32> -> vector<512x128xf32>
    %lt3A = arith.constant 6.400000e+01 : f32
    %lt3A_67 = vector.broadcast %lt3A : f32 to vector<512x128xf32>
    %lt3A_68 = arith.cmpf olt, %dot_general3A_66, %lt3A_67 : vector<512x128xf32>
    %jit3A = arith.constant 0.000000e+00 : f32
    %broadcast_in_dim3A = vector.broadcast %jit3A : f32 to vector<512x128xf32>
    %select_n3A = arith.select %lt3A_68, %max3A_49, %broadcast_in_dim3A : vector<512x128xi1>, vector<512x128xf32>
    %transpose3A_69 = tpu.transpose %reshape3A_55, [1, 0] : vector<512x2xf32> -> vector<2x512xf32>
    %iota3A_70 = tpu.iota {dimensions = array<i32: 0>} : vector<64x1xi32>
    %convert_element_type3A_71 = arith.sitofp %iota3A_70 : vector<64x1xi32> to vector<64x1xf32>
    %slice3A_72 = vector.extract_strided_slice %transpose3A_69 {offsets = [0, 0], sizes = [1, 512], strides = [1, 1]} : vector<2x512xf32> to vector<1x512xf32>
    %eq3A_73 = vector.broadcast %slice3A_72 : vector<1x512xf32> to vector<64x512xf32>
    %eq3A_74 = vector.broadcast %convert_element_type3A_71 : vector<64x1xf32> to vector<64x512xf32>
    %eq3A_75 = arith.cmpf oeq, %eq3A_73, %eq3A_74 : vector<64x512xf32>
    %convert_element_type3A_76 = arith.extui %eq3A_75 : vector<64x512xi1> to vector<64x512xi32>
    %convert_element_type3A_77 = arith.sitofp %convert_element_type3A_76 : vector<64x512xi32> to vector<64x512xf32>
    %slice3A_78 = vector.extract_strided_slice %transpose3A_69 {offsets = [1, 0], sizes = [1, 512], strides = [1, 1]} : vector<2x512xf32> to vector<1x512xf32>
    %eq3A_79 = vector.broadcast %slice3A_78 : vector<1x512xf32> to vector<64x512xf32>
    %eq3A_80 = vector.broadcast %convert_element_type3A_71 : vector<64x1xf32> to vector<64x512xf32>
    %eq3A_81 = arith.cmpf oeq, %eq3A_79, %eq3A_80 : vector<64x512xf32>
    %convert_element_type3A_82 = arith.extui %eq3A_81 : vector<64x512xi1> to vector<64x512xi32>
    %convert_element_type3A_83 = arith.sitofp %convert_element_type3A_82 : vector<64x512xi32> to vector<64x512xf32>
    %iota3A_84 = tpu.iota {dimensions = array<i32: 1>} : vector<1x128xi32>
    %lt3A_85 = arith.constant 64 : i32
    %lt3A_86 = vector.broadcast %lt3A_85 : i32 to vector<1x128xi32>
    %lt3A_87 = arith.cmpi slt, %iota3A_84, %lt3A_86 : vector<1x128xi32>
    %convert_element_type3A_88 = arith.extui %lt3A_87 : vector<1x128xi1> to vector<1x128xi32>
    %convert_element_type3A_89 = arith.sitofp %convert_element_type3A_88 : vector<1x128xi32> to vector<1x128xf32>
    %dot_general3A_90 = arith.constant dense<0.000000e+00> : vector<64x128xf32>
    %dot_general3A_91 = tpu.matmul %convert_element_type3A_77, %select_n3A, %dot_general3A_90 {dimension_numbers = #tpu.dot_dimension_numbers<[1], [0], [0], [1], [0, 0, 1, 1], [], []>, transpose_lhs_hint = false} : vector<64x512xf32>, vector<512x128xf32>, vector<64x128xf32> -> vector<64x128xf32>
    %dot_general3A_92 = arith.constant dense<0.000000e+00> : vector<64x128xf32>
    %dot_general3A_93 = tpu.matmul %convert_element_type3A_83, %select_n3A, %dot_general3A_92 {dimension_numbers = #tpu.dot_dimension_numbers<[1], [0], [0], [1], [0, 0, 1, 1], [], []>, transpose_lhs_hint = false} : vector<64x512xf32>, vector<512x128xf32>, vector<64x128xf32> -> vector<64x128xf32>
    %get3A_94 = arith.constant 0 : index
    %get3A_95 = arith.constant 0 : index
    %get3A_96 = vector.load %arg9[%get3A_94, %get3A_95] : memref<64x128xf32, #tpu.memory_space<vmem>>, vector<64x128xf32>
    %mul3A_97 = vector.broadcast %convert_element_type3A_89 : vector<1x128xf32> to vector<64x128xf32>
    %mul3A_98 = arith.mulf %dot_general3A_91, %mul3A_97 : vector<64x128xf32>
    %sub3A = arith.constant 1.000000e+00 : f32
    %sub3A_99 = vector.broadcast %sub3A : f32 to vector<1x128xf32>
    %sub3A_100 = arith.subf %sub3A_99, %convert_element_type3A_89 : vector<1x128xf32>
    %mul3A_101 = vector.broadcast %sub3A_100 : vector<1x128xf32> to vector<64x128xf32>
    %mul3A_102 = arith.mulf %dot_general3A_93, %mul3A_101 : vector<64x128xf32>
    %add3A_103 = arith.addf %mul3A_98, %mul3A_102 : vector<64x128xf32>
    %add3A_104 = arith.addf %get3A_96, %add3A_103 : vector<64x128xf32>
    %swap3A = arith.constant 0 : index
    %swap3A_105 = arith.constant 0 : index
    %swap3A_106 = vector.load %arg9[%swap3A, %swap3A_105] : memref<64x128xf32, #tpu.memory_space<vmem>>, vector<64x128xf32>
    tpu.vector_store %arg9[%swap3A, %swap3A_105], %add3A_104 {strides = array<i32>} : memref<64x128xf32, #tpu.memory_space<vmem>>, vector<64x128xf32>,
    %broadcast_in_dim3A_107 = arith.constant 1.000000e+00 : f32
    %broadcast_in_dim3A_108 = vector.broadcast %broadcast_in_dim3A_107 : f32 to vector<512x1xf32>
    %get3A_109 = arith.constant 0 : index
    %get3A_110 = arith.constant 0 : index
    %get3A_111 = vector.load %arg10[%get3A_109, %get3A_110] : memref<64x1xf32, #tpu.memory_space<vmem>>, vector<64x1xf32>
    %dot_general3A_112 = arith.constant dense<0.000000e+00> : vector<64x1xf32>
    %dot_general3A_113 = tpu.matmul %convert_element_type3A_77, %broadcast_in_dim3A_108, %dot_general3A_112 {dimension_numbers = #tpu.dot_dimension_numbers<[1], [0], [0], [1], [0, 0, 1, 1], [], []>, transpose_lhs_hint = false} : vector<64x512xf32>, vector<512x1xf32>, vector<64x1xf32> -> vector<64x1xf32>
    %dot_general3A_114 = arith.constant dense<0.000000e+00> : vector<64x1xf32>
    %dot_general3A_115 = tpu.matmul %convert_element_type3A_83, %broadcast_in_dim3A_108, %dot_general3A_114 {dimension_numbers = #tpu.dot_dimension_numbers<[1], [0], [0], [1], [0, 0, 1, 1], [], []>, transpose_lhs_hint = false} : vector<64x512xf32>, vector<512x1xf32>, vector<64x1xf32> -> vector<64x1xf32>
    %add3A_116 = arith.addf %dot_general3A_113, %dot_general3A_115 : vector<64x1xf32>
    %add3A_117 = arith.addf %get3A_111, %add3A_116 : vector<64x1xf32>
    %swap3A_118 = arith.constant 0 : index
    %swap3A_119 = arith.constant 0 : index
    %swap3A_120 = vector.load %arg10[%swap3A_118, %swap3A_119] : memref<64x1xf32, #tpu.memory_space<vmem>>, vector<64x1xf32>
    tpu.vector_store %arg10[%swap3A_118, %swap3A_119], %add3A_117 {strides = array<i32>} : memref<64x1xf32, #tpu.memory_space<vmem>>, vector<64x1xf32>,
    %get3A_121 = arith.constant 0 : index
    %get3A_122 = arith.constant 0 : index
    %get3A_123 = vector.load %arg9[%get3A_121, %get3A_122] : memref<64x128xf32, #tpu.memory_space<vmem>>, vector<64x128xf32>
    %slice3A_124 = vector.extract_strided_slice %get3A_123 {offsets = [0, 0], sizes = [64, 64], strides = [1, 1]} : vector<64x128xf32> to vector<64x64xf32>
    %slice3A_125 = vector.extract_strided_slice %get3A_123 {offsets = [0, 64], sizes = [64, 64], strides = [1, 1]} : vector<64x128xf32> to vector<64x64xf32>
    %add3A_126 = arith.addf %slice3A_124, %slice3A_125 : vector<64x64xf32>
    %get3A_127 = arith.constant 0 : index
    %get3A_128 = arith.constant 0 : index
    %get3A_129 = vector.load %arg10[%get3A_127, %get3A_128] : memref<64x1xf32, #tpu.memory_space<vmem>>, vector<64x1xf32>
    %max3A_130 = arith.constant 1.000000e+00 : f32
    %max3A_131 = vector.broadcast %max3A_130 : f32 to vector<64x1xf32>
    %max3A_132 = arith.maximumf %get3A_129, %max3A_131 : vector<64x1xf32>
    %div3A_133 = vector.broadcast %max3A_132 : vector<64x1xf32> to vector<64x64xf32>
    %div3A_134 = arith.divf %add3A_126, %div3A_133 : vector<64x64xf32>
    %swap3A_135 = arith.constant 0 : index
    %swap3A_136 = arith.constant 0 : index
    %swap3A_137 = vector.load %arg8[%swap3A_135, %swap3A_136] : memref<64x64xf32, #tpu.memory_space<vmem>>, vector<64x64xf32>
    tpu.vector_store %arg8[%swap3A_135, %swap3A_136], %div3A_134 {strides = array<i32>} : memref<64x64xf32, #tpu.memory_space<vmem>>, vector<64x64xf32>,
    return
  }
  func.func @transform_0(%arg0: i32) -> (i32, i32, i32) {
    %c0_i32 = arith.constant 0 : i32
    %c0_i32_0 = arith.constant 0 : i32
    %c0_i32_1 = arith.constant 0 : i32
    return %c0_i32, %arg0, %c0_i32_0 : i32, i32, i32
  }
  func.func @transform_1(%arg0: i32) -> (i32, i32) {
    %c0_i32 = arith.constant 0 : i32
    %c0_i32_0 = arith.constant 0 : i32
    return %arg0, %c0_i32 : i32, i32
  }
  func.func @transform_2(%arg0: i32) -> (i32, i32) {
    %c0_i32 = arith.constant 0 : i32
    %c0_i32_0 = arith.constant 0 : i32
    return %c0_i32, %arg0 : i32, i32
  }
  func.func @transform_3(%arg0: i32) -> (i32, i32) {
    %c0_i32 = arith.constant 0 : i32
    %c0_i32_0 = arith.constant 0 : i32
    %c0_i32_1 = arith.constant 0 : i32
    return %c0_i32, %c0_i32_0 : i32, i32
  }
  func.func @transform_4(%arg0: i32) -> (i32, i32) {
    %c0_i32 = arith.constant 0 : i32
    %c0_i32_0 = arith.constant 0 : i32
    %c0_i32_1 = arith.constant 0 : i32
    return %c0_i32, %c0_i32_0 : i32, i32
  }
  func.func @transform_5(%arg0: i32) -> (i32, i32) {
    %c0_i32 = arith.constant 0 : i32
    %c0_i32_0 = arith.constant 0 : i32
    %c0_i32_1 = arith.constant 0 : i32
    return %c0_i32, %c0_i32_0 : i32, i32
  }
  func.func @transform_6(%arg0: i32) -> i32 {
    %c0_i32 = arith.constant 0 : i32
    return %arg0 : i32
  }
  func.func @transform_7(%arg0: i32) -> (i32, i32) {
    %c0_i32 = arith.constant 0 : i32
    %c0_i32_0 = arith.constant 0 : i32
    %c0_i32_1 = arith.constant 0 : i32
    return %c0_i32, %c0_i32_0 : i32, i32
  }
}

</mosaic_0001>

<sc_bundles>
// kernel: kernel.11.cloned.1.call-start
scs
__scs_entry_jumppad:
0x0: {  	(pc) =	sbr.rel $0x88, $3  }
0x1: {  	(tag) =	ssettag $0x0;
	lr =	simm.s32 $0x1  }
0x2: {  	[smem:$0x3F96] =	sst lr;
	_ =	strace $0xD0000000  }
0x3: {  	_ = 	snop  }
0x4: {  	_ = 	snop  }
0x5: {  	_ = 	snop  }
0x6: {  	_ = 	snop  }
0x7: {  	_ = 	snop  }
__scs_overlays_trampoline_lowered:
0x8: {  	[smem:$0x3FA5] =	sst s0  }
0x9: {  	[smem:$0x3FA6] =	sst s1  }
0xa: {  	[smem:$0x3FA7] =	sst s2  }
0xb: {  	[smem:$0x3FA8] =	sst s3  }
0xc: {  	[smem:$0x3FA9] =	sst s4  }
0xd: {  	[smem:$0x3FAA] =	sst s5  }
0xe: {  	[smem:$0x3FAB] =	sst s6  }
0xf: {  	[smem:$0x3FAC] =	sst s7  }
0x10: {  	[smem:$0x3FAD] =	sst s8  }
0x11: {  	[smem:$0x3FAE] =	sst s9;
	s0 =	simm.s32 @!p0 $0x0  }
0x12: {  	s1 =	sld [smem:$0x3F94];
	s0 =	simm.s32 @p0 $0x1  }
0x13: {  	[smem:$0x3FAF] =	sst s0;
	s0 =	simm.s32 @!p1 $0x0  }
0x14: {  	s2 =	sld [smem:$0x3F93];
	s0 =	simm.s32 @p1 $0x1  }
0x15: {  	[smem:$0x3FB0] =	sst s0;
	s0 =	simm.s32 @!p2 $0x0  }
0x16: {  	s3 =	sld [smem:$0x3FDB];
	s0 =	simm.s32 @p2 $0x1  }
0x17: {  	s4 =	simm.s32 $0x1BF5;
	[smem:$0x3FB2] =	sst s0  }
0x18: {  	s0 =	sld [smem:$0x3F95];
	_ =	swait.ge [sflag:s4], $0x0  }
0x19: {  	s7 =	sld [smem:$0x3F96]  }
0x1a: {  	s8 =	sadd.s32 $0xFFFFE003, lr  }
0x1b: {  	s9 =	sadd.s32 $0xFFFFFEF7, lr;
	s5 =	simm.s32 $0xFFFFFFFF;
	p2 =	slt.u32 s8, $0xFFFFF086  }
0x1c: {  	p1 =	slt.u32 s9, $0xF7A;
	s5 =	simm.s32 @!p2 $0x0  }
0x1d: {  	s5 =	simm.s32 @p1 $0x1;
	p0 =	seq.s32 s7, s2  }
0x1e: {  	s7 =	smul.u32 @!p0 $0xF7A, s2;
	p2 =	seq.s32 @!p0 s5, $0x0  }
0x1f: {  	s9 =	smul.u32 $0xF7A, s1;
	s8 =	simm.s32 @!p0 $0x1BF5;
	p2 =	por !p2, p0  }
0x20: {  	[sflag:s8] =	ssyncset.s32 @!p0 $0xFFFFF086;
	s6 =	sadd.s32 @!p0 s3, s7;
	s7 =	simm.s32 @!p0 $0x108  }
0x21: {  	s3 =	sadd.s32 s3, s9;
	s6 =	sadd.s32 @!p0 $0x88, s6;
	s7 =	simm.s32 @p2 $0x1082  }
0x22: {  	[simem:s7], [sflag:s8] =	dma.local @!p0 [hbm:s6], $0xF7A  }
0x23: {  	s9 =	sor.u32 $0xD0000000, s2;
	s6 =	simm.s32 $0x108;
	_ =	swait.ge @!p0 [sflag:s8], $0x0  }
0x24: {  	s3 =	sadd.s32 $0x88, s3;
	s6 =	simm.s32 @!p1 $0x1082;
	[sflag:s4] =	ssyncset.s32 $0xFFFFF086  }
0x25: {  	[simem:s6], [sflag:s4] =	dma.local [hbm:s3], $0xF7A  }
0x26: {  	[smem:$0x3F96] =	sst s1;
	(tag) =	ssettag s2;
	_ =	strace s9  }
0x27: {  	s1 =	sld [smem:$0x3FA6]  }
0x28: {  	s2 =	sld [smem:$0x3FA7]  }
0x29: {  	s4 =	sld [smem:$0x3FA9]  }
0x2a: {  	p0 =	seq.s32 s5, $0x0;
	s5 =	sld [smem:$0x3FAA]  }
0x2b: {  	s6 =	sld [smem:$0x3FAB]  }
0x2c: {  	s7 =	sld [smem:$0x3FAC]  }
0x2d: {  	s3 =	simm.s32 $0x108;
	s8 =	sld [smem:$0x3FAD]  }
0x2e: {  	s3 =	simm.s32 @!p0 $0x1082;
	s9 =	sld [smem:$0x3FAE]  }
0x2f: {  	lr =	sadd.s32 s0, s3;
	s0 =	sld [smem:$0x3FA5]  }
0x30: {  	s3 =	sld [smem:$0x3FA8]  }
0x31: {  	[smem:$0x3FB1] =	sst s10  }
0x32: {  	s10 =	sld [smem:$0x3FAF];
	_ =	sdelay $0x3  }
0x33: {  	p0 =	seq.s32 s10, $0x1;
	s10 =	sld [smem:$0x3FB1];
	_ =	sdelay $0x3  }
0x34: {  	[smem:$0x3FB1] =	sst s10  }
0x35: {  	s10 =	sld [smem:$0x3FB0];
	_ =	sdelay $0x3  }
0x36: {  	p1 =	seq.s32 s10, $0x1;
	s10 =	sld [smem:$0x3FB1];
	_ =	sdelay $0x3  }
0x37: {  	[smem:$0x3FB1] =	sst s10  }
0x38: {  	s10 =	sld [smem:$0x3FB2]  }
0x39: {  	_ = 	snop;
	(pc) =	sbr.ind lr, $3  }
0x3a: {  	_ = 	snop  }
0x3b: {  	_ = 	snop  }
0x3c: {  	p2 =	seq.s32 s10, $0x1;
	s10 =	sld [smem:$0x3FB1]  }
0x3d: {  	_ =	shalt  }
0x3e: {  	_ =	shalt  }
0x3f: {  	_ =	shalt  }
0x40: {  	_ =	shalt  }
0x41: {  	_ =	shalt  }
0x42: {  	_ =	shalt  }
0x43: {  	_ =	shalt  }
0x44: {  	_ =	shalt  }
0x45: {  	_ =	shalt  }
0x46: {  	_ =	shalt  }
0x47: {  	_ =	shalt  }
0x48: {  	_ =	shalt  }
0x49: {  	_ =	shalt  }
0x4a: {  	_ =	shalt  }
0x4b: {  	_ =	shalt  }
0x4c: {  	_ =	shalt  }
0x4d: {  	_ =	shalt  }
0x4e: {  	_ =	shalt  }
0x4f: {  	_ =	shalt  }
0x50: {  	_ =	shalt  }
0x51: {  	_ =	shalt  }
0x52: {  	_ =	shalt  }
0x53: {  	_ =	shalt  }
0x54: {  	_ =	shalt  }
0x55: {  	_ =	shalt  }
0x56: {  	_ =	shalt  }
0x57: {  	_ =	shalt  }
0x58: {  	_ =	shalt  }
0x59: {  	_ =	shalt  }
0x5a: {  	_ =	shalt  }
0x5b: {  	_ =	shalt  }
0x5c: {  	_ =	shalt  }
0x5d: {  	_ =	shalt  }
0x5e: {  	_ =	shalt  }
0x5f: {  	_ =	shalt  }
0x60: {  	_ =	shalt  }
0x61: {  	_ =	shalt  }
0x62: {  	_ =	shalt  }
0x63: {  	_ =	shalt  }
0x64: {  	_ =	shalt  }
0x65: {  	_ =	shalt  }
0x66: {  	_ =	shalt  }
0x67: {  	_ =	shalt  }
0x68: {  	_ =	shalt  }
0x69: {  	_ =	shalt  }
0x6a: {  	_ =	shalt  }
0x6b: {  	_ =	shalt  }
0x6c: {  	_ =	shalt  }
0x6d: {  	_ =	shalt  }
0x6e: {  	_ =	shalt  }
0x6f: {  	_ =	shalt  }
0x70: {  	_ =	shalt  }
0x71: {  	_ =	shalt  }
0x72: {  	_ =	shalt  }
0x73: {  	_ =	shalt  }
0x74: {  	_ =	shalt  }
0x75: {  	_ =	shalt  }
0x76: {  	_ =	shalt  }
0x77: {  	_ =	shalt  }
0x78: {  	_ =	shalt  }
0x79: {  	_ =	shalt  }
0x7a: {  	_ =	shalt  }
0x7b: {  	_ =	shalt  }
0x7c: {  	_ =	shalt  }
0x7d: {  	_ =	shalt  }
0x7e: {  	_ =	shalt  }
0x7f: {  	_ =	shalt  }
0x80: {  	_ =	shalt  }
0x81: {  	_ =	shalt  }
0x82: {  	_ =	shalt  }
0x83: {  	_ =	shalt  }
0x84: {  	_ =	shalt  }
0x85: {  	_ =	shalt  }
0x86: {  	_ =	shalt  }
0x87: {  	_ =	shalt  }
.Lfunc_end0:
.L_simem_size_0:
called_computation.1_lowered:
.L_overlay_start_0:
0x88: {  	s2 =	sld [smem:$0x3FD9]  }
0x89: {  	s3 =	sld [smem:$0x3FFE];
	_ =	sdelay $0x1  }
0x8a: {  	s1 =	srdreg.scid  }
0x8b: {  	s0 =	sand.u32 $0x1, s1  }
0x8c: {  	s16 =	sshll.u32 s0, $0xA;
	s2 =	sadd.s32 s3, s2  }
0x8d: {  	s2 =	sadd.s32 s2, s16  }
0x8e: {  	[smem:$0x3FBD] =	sst s2  }
0x8f: {  	_ = 	snop  }
0x90: {  	(tm) =	ssettm $0x1  }
0x91: {  	s17 =	sld [smem:$0x3FFB];
	_ =	sdelay $0x3  }
0x92: {  	_ =	strace s17  }
0x93: {  	s2 =	sld [smem:$0x3FFC];
	_ =	sdelay $0x3  }
0x94: {  	_ =	strace s2  }
0x95: {  	s2 =	sld [smem:$0x3FFD];
	_ =	sdelay $0x3  }
0x96: {  	_ =	strace s2  }
0x97: {  	_ =	strace $0x8FFFFFFF  }
0x98: {  	s18 =	sld [smem:$0x3FDB];
	_ =	sdelay $0x1  }
0x99: {  	s19 =	simm.s32 $_scs_section_size  }
0x9a: {  	s4 =	simm.s32 $_size__tile_overlayer_lowered;
	s5 =	simm.s32 $_tile_overlayer_lowered  }
0x9b: {  	s22 =	simm.s32 $0x1BFF;
	s21 =	sshll.u32 s5, $0x1;
	s2 =	sadd.s32 s19, s18  }
0x9c: {  	s6 =	simm.s32 $0x0;
	s20 =	sshll.u32 s4, $0x1;
	s4 =	sadd.s32 s21, s2  }
0x9d: {  	[timem:s6], [sflag:s22] =	dma.local [hbm:s4], s20  }
0x9e: {  	_ =	swait.ge [sflag:s22], s20  }
0x9f: {  	s3 =	ssub.s32 $0x0, s20;
	[sflag:s22] =	ssyncset.done $0x0  }
0xa0: {  	[sflag:s22] =	ssyncadd.s32 s3;
	_ =	sdelay $0x1  }
0xa1: {  	s23 =	simm.s32 $0x1B8B  }
0xa2: {  	_ =	swait.ge [sflag:s23], $0x1  }
0xa3: {  	[sflag:s23] =	ssyncset.done $0x0  }
0xa4: {  	s25 =	simm.s32 $0x1B8E;
	s24 =	sld [smem:$0x3FFE];
	[sflag:s23] =	ssyncadd.s32 $0xFFFFFFFF  }
0xa5: {  	s26 =	simm.s32 $execute0_lowered;
	[smem:$0x3FD2] =	sst s25  }
0xa6: {  	s4 =	sshll.u32 s26, $0x1;
	_ =	strace $0x80000049;
	[dreg:$0x1] =	wrdreg $0xFFFFFFFF  }
0xa7: {  	s28 =	simm.s32 $_size_execute0_lowered;
	s2 =	sadd.s32 s2, s4;
	[dreg:$0x0] =	wrdreg $0x0  }
0xa8: {  	s4 =	sshll.u32 s28, $0x1;
	[dreg:$0x2] =	wrdreg s2  }
0xa9: {  	[dreg:$0x3] =	wrdreg s4  }
0xaa: {  	[dreg:$0x4] =	wrdreg $0xC0  }
0xab: {  	_ =	task [dreg:s6], $0x5FFFF  }
0xac: {  	[dreg:$0x1] =	wrdreg $0xFFFFFFFF  }
0xad: {  	[dreg:$0x0] =	wrdreg $0x60  }
0xae: {  	[dreg:$0x2] =	wrdreg s24  }
0xaf: {  	[dreg:$0x3] =	wrdreg $0x10F000  }
0xb0: {  	[dreg:$0x4] =	wrdreg $0x9  }
0xb1: {  	_ =	task.clear_ibuf [dreg:s6], $0x5FFFF;
	_ =	strace $0x90000049  }
0xb2: {  	s29 =	simm.s32 $0x9;
	_ =	strace $0x8000004B  }
0xb3: {  	_ =	swait.ge [sflag:s29], $0x1  }
0xb4: {  	[sflag:s29] =	ssyncadd.s32 $0xFFFFFFFF  }
0xb5: {  	_ =	strace $0x9000004B  }
0xb6: {  	_ =	sfence  }
0xb7: {  	s30 =	sld [smem:$0x0];
	_ =	sdelay $0x2  }
0xb8: {  	s31 =	sshll.u32 s1, $0xD;
	s1 =	sshrl.u32 s1, $0x2  }
0xb9: {  	s3 =	sand.u32 $0x4000, s31;
	s1 =	sadd.s32 s1, s30  }
0xba: {  	s0 =	sor.u32 s3, s0;
	s1 =	sshll.u32 s1, $0x11  }
0xbb: {  	s0 =	sor.u32 s1, s0  }
0xbc: {  	s0 =	sadd.s32 $0x8F2B, s0  }
0xbd: {  	[sflag:s0] =	ssyncadd.remote.s32 $0x1  }
0xbe: {  	_ =	sfence.sel $0xFFFF  }
0xbf: {  	[dreg:$0x0] =	wrdreg $0xFFFFFFFF;
	(pc) =	sbr.abs _section_cstart, $3  }
0xc0: {  	[dreg:$0x1] =	wrdreg $0xFFFFFFFF  }
0xc1: {  	_ =	task.clear_ibuf [dreg:s6], $0x2FFFF;
	_ =	strace $0x9FFFFFFF  }
0xc2: {  	(tm) =	ssettm $0x7FFFFFFF  }
0xc3: {  	_ =	shalt  }
tec
execute0_lowered:
.L_overlay_start_1:
0x0: {  	(tag) =	ssettag $0x1  }
0x1: {  	s0 =	rddreg [dreg:$0x0]  }
0x2: {  	s1 =	rddreg [dreg:$0x1]  }
0x3: {  	s2 =	srdreg.scid;
	s3 =	simm.s32 $0x0;
	s7 =	stileid.u32  }
0x4: {  	s17 =	simm.s32 $0x4;
	s18 =	simm.s32 $0x2780;
	s19 =	simm.s32 $0x80  }
0x5: {  	s20 =	simm.s32 $0x6F00;
	s22 =	simm.s32 $0x8F00;
	s23 =	simm.s32 $0x1  }
0x6: {  	s29 =	simm.s32 $0xAF00;
	s31 =	simm.s32 $0xCF00;
	s21 =	simm.s32 $0xEF00  }
0x7: {  	s30 =	simm.s32 $0x0;
	s2 =	sand.u32 $0x1, s2;
	[smem:$0x7FF] =	sst s3  }
0x8: {  	s11 =	smul.u32 $0xA000, s7;
	s4 =	sadd.s32 $0x16600, s0;
	s8 =	sadd.s32 $0x2A00, s0  }
0x9: {  	s9 =	sadd.s32 $0xC800, s0;
	s5 =	smul.u32 $0xA0000, s2;
	s6 =	sshll.u32 s2, $0x4  }
0xa: {  	_ =	strace $0x8000004A;
	s2 =	ssub.s32 $0x2, s2;
	s16 =	sor.u32 s7, s6  }
0xb: {  	s7 =	smul.u32 $0x28000, s7;
	s10 =	sshrl.u32 s2, $0x1;
	s28 =	sadd.s32 s11, s1  }
0xc: {  	s5 =	sadd.s32 s11, s5;
	s6 =	smul.u32 $0x4E, s16;
	s24 =	smin.u32 s16, $0x4  }
0xd: {  	s2 =	ssub.s32 s2, s10;
	p0 =	sgt.u32 s16, $0x3;
	s16 =	simm.s32 $0x4F00  }
0xe: {  	s5 =	sshrl.u32 s5, $0x3;
	s25 =	sshrl.u32 s7, $0x2;
	s11 =	smax.u32 s2, $0x1  }
0xf: {  	s2 =	simm.s32 $0x2;
	s0 =	sadd.s32 s5, s0;
	s6 =	sadd.s32 s24, s6  }
0x10: {  	s5 =	sadd.s32 s25, s1;
	s25 =	sshrl.u32 s28, $0x3;
	s26 =	sshll.u32 s6, $0x4  }
0x11: {  	s12 =	sadd.s32 $0x2000, s5;
	s13 =	sadd.s32 $0x4000, s5;
	s14 =	sadd.s32 $0x6000, s5  }
0x12: {  	s15 =	sadd.s32 $0x8000, s5;
	s6 =	sadd.s32 s8, s26;
	s7 =	sadd.s32 s9, s26  }
0x13: {  	s10 =	sadd.s32 $0x4E0, s26;
	s26 =	simm.s32 $0x3;
	[dreg:$0x3] =	wrdreg s6  }
0x14: {  	v0 =	vimm.f32 $0.0e+00;
	s8 =	sadd.s32 s8, s10;
	s9 =	sadd.s32 s9, s10;
	s10 =	sadd.s32 $0x2A600, s0  }
.LBB2_1:
0x15: {  	s0 =	sand.u32 $0x7F00, s3  }
0x16: {  	s24 =	sand.u32 $0x30, s3;
	s28 =	sshrl.u32 s0, $0x2  }
0x17: {  	s0 =	simm.s32 $0x40;
	s28 =	sor.u32 s24, s28;
	s24 =	simm.s32 $0x0  }
.LBB2_2:
0x18: {  	p1 =	sne.s32 s0, $0x7FC0  }
0x19: {  	[tilespmem:s28+$0x4F00] =	vst v0;
	s24 =	sadd.s32 $0x10, s24;
	s28 =	smov.u32 s0;
	s0 =	sadd.s32 $0x40, s0  }
.Ltmp0:
0x1a: {  	(pc) =	sbr.rel @p1 .LBB2_2-.Ltmp0, $4  }
0x1b: {  	_ = 	snop  }
0x1c: {  	s28 =	sand.u32 $0x7F00, s28  }
0x1d: {  	s6 =	sand.u32 $0x30, s24;
	s28 =	sshrl.u32 s28, $0x2  }
0x1e: {  	s28 =	sor.u32 s6, s28  }
0x1f: {  	[tilespmem:s28+$0x4F00] =	vst v0  }
0x20: {  	[spmem:s5] =	stream.linear.scatter [tilespmem:s16], [sflag:$0x4], $0x2000, $0x38;
	[tilespmem:$0x1AF00] =	vst v63  }
0x21: {  	_ =	swait.ge [sflag:s17], $0x2000  }
0x22: {  	[sflag:s17] =	ssyncset.done $0x0  }
0x23: {  	[sflag:s17] =	ssyncadd.s32 $0xFFFFE000  }
0x24: {  	[spmem:s12] =	stream.linear.scatter [tilespmem:s16], [sflag:$0x4], $0x2000, $0x38;
	[tilespmem:$0x1AF00] =	vst v63  }
0x25: {  	_ =	swait.ge [sflag:s17], $0x2000  }
0x26: {  	[sflag:s17] =	ssyncset.done $0x0  }
0x27: {  	[sflag:s17] =	ssyncadd.s32 $0xFFFFE000  }
0x28: {  	[spmem:s13] =	stream.linear.scatter [tilespmem:s16], [sflag:$0x4], $0x2000, $0x38;
	[tilespmem:$0x1AF00] =	vst v63  }
0x29: {  	_ =	swait.ge [sflag:s17], $0x2000  }
0x2a: {  	[sflag:s17] =	ssyncset.done $0x0  }
0x2b: {  	[sflag:s17] =	ssyncadd.s32 $0xFFFFE000  }
0x2c: {  	[spmem:s14] =	stream.linear.scatter [tilespmem:s16], [sflag:$0x4], $0x2000, $0x38;
	[tilespmem:$0x1AF00] =	vst v63  }
0x2d: {  	_ =	swait.ge [sflag:s17], $0x2000  }
0x2e: {  	[sflag:s17] =	ssyncset.done $0x0  }
0x2f: {  	[sflag:s17] =	ssyncadd.s32 $0xFFFFE000  }
0x30: {  	[spmem:s15] =	stream.linear.scatter [tilespmem:s16], [sflag:$0x4], $0x2000, $0x38;
	[tilespmem:$0x1AF00] =	vst v63  }
0x31: {  	_ =	swait.ge [sflag:s17], $0x2000  }
0x32: {  	[sflag:s17] =	ssyncset.done $0x0  }
0x33: {  	s0 =	rddreg [dreg:$0x3];
	[sflag:s17] =	ssyncadd.s32 $0xFFFFE000  }
0x34: {  	[tilespmem:s3], [sflag:$0x4] =	stream.linear.gather [hbm4b:s0+s3], $0x2700, $0x38;
	[tilespmem:$0x1AF00] =	vst v63  }
0x35: {  	_ =	swait.ge [sflag:s17], $0x2700  }
0x36: {  	[sflag:s17] =	ssyncset.done $0x0  }
0x37: {  	[sflag:s17] =	ssyncadd.s32 $0xFFFFD900  }
0x38: {  	[tilespmem:s18], [sflag:$0x4] =	stream.linear.gather [hbm4b:s7+s3], $0x2700, $0x38;
	[tilespmem:$0x1AF00] =	vst v63  }
0x39: {  	_ =	swait.ge [sflag:s17], $0x2700  }
0x3a: {  	[sflag:s17] =	ssyncset.done $0x0  }
0x3b: {  	s6 =	simm.s32 @!p0 $0x2700;
	s0 =	simm.s32 @!p0 $0x0;
	[sflag:s17] =	ssyncadd.s32 $0xFFFFD900  }
0x3c: {  	[tilespmem:s6], [sflag:$0x4] =	stream.linear.gather @!p0 [hbm4b:s8+s0], $0x80, $0x38;
	[tilespmem:$0x1AF00] =	vst v63  }
0x3d: {  	s6 =	simm.s32 @!p0 $0x4  }
0x3e: {  	_ =	swait.ge @!p0 [sflag:s6], $0x80  }
0x3f: {  	[sflag:s6] =	ssyncset.done @!p0 $0x0  }
0x40: {  	s24 =	simm.s32 @!p0 $0x4E80;
	[sflag:s6] =	ssyncadd.s32 @!p0 $0xFFFFFF80  }
0x41: {  	[tilespmem:s24], [sflag:$0x4] =	stream.linear.gather @!p0 [hbm4b:s9+s0], $0x80, $0x38;
	[tilespmem:$0x1AF00] =	vst v63  }
0x42: {  	_ =	swait.ge @!p0 [sflag:s6], $0x80  }
0x43: {  	[sflag:s6] =	ssyncset.done @!p0 $0x0  }
0x44: {  	[sflag:s6] =	ssyncadd.s32 @!p0 $0xFFFFFF80  }
0x45: {  	s6 =	simm.s32 $0x0;
	[bflag:$0x0] =	sbarrier.arrive $0xFFFF  }
0x46: {  	[tilespmem:s16], [sflag:$0x1] =	stream.indirect.gather [hbm4b:s4+s19], $0x40, s6, s19, $0xb8;
	[tilespmem:$0x1AF00] =	vst v63  }
0x47: {  	_ = 	snop  }
0x48: {  	[tilespmem:s20], [sflag:$0x1] =	stream.indirect.gather [hbm4b:s4+s19], $0x40, s19, s19, $0xb8;
	[tilespmem:$0x1AF00] =	vst v63  }
0x49: {  	s24 =	simm.s32 $0x100  }
0x4a: {  	[tilespmem:s22], [sflag:$0x1] =	stream.indirect.gather [hbm4b:s4+s19], $0x40, s24, s19, $0xb8;
	[tilespmem:$0x1AF00] =	vst v63  }
0x4b: {  	_ =	swait.ge [sflag:s23], $0x2000  }
0x4c: {  	[sflag:s23] =	ssyncset.done $0x0  }
0x4d: {  	[sflag:s23] =	ssyncadd.s32 $0xFFFFE000  }
0x4e: {  	_ =	swait.ge [sflag:s23], $0x2000  }
0x4f: {  	[sflag:s23] =	ssyncset.done $0x0  }
0x50: {  	[sflag:s23] =	ssyncadd.s32 $0xFFFFE000  }
0x51: {  	_ =	swait.ge [sflag:s23], $0x2000  }
0x52: {  	[sflag:s23] =	ssyncset.done $0x0  }
0x53: {  	[sflag:s23] =	ssyncadd.s32 $0xFFFFE000  }
0x54: {  	[spmem:s1] =	stream.indirect.scatter.add.f32 [tilespmem:s16], [sflag:$0x2], $0x40, s18, s19, $0xb8;
	[tilespmem:$0x1AF00] =	vst v63  }
0x55: {  	s28 =	simm.s32 $0x2800  }
0x56: {  	[spmem:s1] =	stream.indirect.scatter.add.f32 [tilespmem:s20], [sflag:$0x2], $0x40, s28, s19, $0xb8;
	[tilespmem:$0x1AF00] =	vst v63  }
0x57: {  	s6 =	simm.s32 $0x2880  }
0x58: {  	[spmem:s1] =	stream.indirect.scatter.add.f32 [tilespmem:s22], [sflag:$0x2], $0x40, s6, s19, $0xb8;
	[tilespmem:$0x1AF00] =	vst v63  }
0x59: {  	s24 =	simm.s32 $0x180  }
0x5a: {  	[tilespmem:s29], [sflag:$0x1] =	stream.indirect.gather [hbm4b:s4+s19], $0x40, s24, s19, $0xb8;
	[tilespmem:$0x1AF00] =	vst v63  }
0x5b: {  	s28 =	simm.s32 $0x200  }
0x5c: {  	[tilespmem:s31], [sflag:$0x1] =	stream.indirect.gather [hbm4b:s4+s19], $0x40, s28, s19, $0xb8;
	[tilespmem:$0x1AF00] =	vst v63  }
0x5d: {  	s6 =	simm.s32 $0x280  }
0x5e: {  	[tilespmem:s21], [sflag:$0x1] =	stream.indirect.gather [hbm4b:s4+s19], $0x40, s6, s19, $0xb8;
	[tilespmem:$0x1AF00] =	vst v63  }
0x5f: {  	_ =	swait.ge [sflag:s23], $0x2000  }
0x60: {  	[sflag:s23] =	ssyncset.done $0x0  }
0x61: {  	[sflag:s23] =	ssyncadd.s32 $0xFFFFE000  }
0x62: {  	_ =	swait.ge [sflag:s23], $0x2000  }
0x63: {  	[sflag:s23] =	ssyncset.done $0x0  }
0x64: {  	[sflag:s23] =	ssyncadd.s32 $0xFFFFE000  }
0x65: {  	_ =	swait.ge [sflag:s23], $0x2000  }
0x66: {  	[sflag:s23] =	ssyncset.done $0x0  }
0x67: {  	s24 =	simm.s32 $0x2900;
	[sflag:s23] =	ssyncadd.s32 $0xFFFFE000  }
0x68: {  	[spmem:s1] =	stream.indirect.scatter.add.f32 [tilespmem:s29], [sflag:$0x3], $0x40, s24, s19, $0xb8;
	[tilespmem:$0x1AF00] =	vst v63  }
0x69: {  	s28 =	simm.s32 $0x2980  }
0x6a: {  	[spmem:s1] =	stream.indirect.scatter.add.f32 [tilespmem:s31], [sflag:$0x3], $0x40, s28, s19, $0xb8;
	[tilespmem:$0x1AF00] =	vst v63  }
0x6b: {  	s6 =	simm.s32 $0x2A00  }
0x6c: {  	[spmem:s1] =	stream.indirect.scatter.add.f32 [tilespmem:s21], [sflag:$0x3], $0x40, s6, s19, $0xb8;
	[tilespmem:$0x1AF00] =	vst v63  }
0x6d: {  	_ =	swait.ge [sflag:s2], $0x2000  }
0x6e: {  	[sflag:s2] =	ssyncset.done $0x0  }
0x6f: {  	[sflag:s2] =	ssyncadd.s32 $0xFFFFE000  }
0x70: {  	_ =	swait.ge [sflag:s2], $0x2000  }
0x71: {  	[sflag:s2] =	ssyncset.done $0x0  }
0x72: {  	[sflag:s2] =	ssyncadd.s32 $0xFFFFE000  }
0x73: {  	_ =	swait.ge [sflag:s2], $0x2000  }
0x74: {  	[sflag:s2] =	ssyncset.done $0x0  }
0x75: {  	s24 =	simm.s32 $0x300;
	[sflag:s2] =	ssyncadd.s32 $0xFFFFE000  }
0x76: {  	[tilespmem:s16], [sflag:$0x1] =	stream.indirect.gather [hbm4b:s4+s19], $0x40, s24, s19, $0xb8;
	[tilespmem:$0x1AF00] =	vst v63  }
0x77: {  	s28 =	simm.s32 $0x380  }
0x78: {  	[tilespmem:s20], [sflag:$0x1] =	stream.indirect.gather [hbm4b:s4+s19], $0x40, s28, s19, $0xb8;
	[tilespmem:$0x1AF00] =	vst v63  }
0x79: {  	s6 =	simm.s32 $0x400  }
0x7a: {  	[tilespmem:s22], [sflag:$0x1] =	stream.indirect.gather [hbm4b:s4+s19], $0x40, s6, s19, $0xb8;
	[tilespmem:$0x1AF00] =	vst v63  }
0x7b: {  	_ =	swait.ge [sflag:s23], $0x2000  }
0x7c: {  	[sflag:s23] =	ssyncset.done $0x0  }
0x7d: {  	[sflag:s23] =	ssyncadd.s32 $0xFFFFE000  }
0x7e: {  	_ =	swait.ge [sflag:s23], $0x2000  }
0x7f: {  	[sflag:s23] =	ssyncset.done $0x0  }
0x80: {  	[sflag:s23] =	ssyncadd.s32 $0xFFFFE000  }
0x81: {  	_ =	swait.ge [sflag:s23], $0x2000  }
0x82: {  	[sflag:s23] =	ssyncset.done $0x0  }
0x83: {  	s24 =	simm.s32 $0x2A80;
	[sflag:s23] =	ssyncadd.s32 $0xFFFFE000  }
0x84: {  	[spmem:s1] =	stream.indirect.scatter.add.f32 [tilespmem:s16], [sflag:$0x2], $0x40, s24, s19, $0xb8;
	[tilespmem:$0x1AF00] =	vst v63  }
0x85: {  	s28 =	simm.s32 $0x2B00  }
0x86: {  	[spmem:s1] =	stream.indirect.scatter.add.f32 [tilespmem:s20], [sflag:$0x2], $0x40, s28, s19, $0xb8;
	[tilespmem:$0x1AF00] =	vst v63  }
0x87: {  	s6 =	simm.s32 $0x2B80  }
0x88: {  	[spmem:s1] =	stream.indirect.scatter.add.f32 [tilespmem:s22], [sflag:$0x2], $0x40, s6, s19, $0xb8;
	[tilespmem:$0x1AF00] =	vst v63  }
0x89: {  	_ =	swait.ge [sflag:s26], $0x2000  }
0x8a: {  	[sflag:s26] =	ssyncset.done $0x0  }
0x8b: {  	[sflag:s26] =	ssyncadd.s32 $0xFFFFE000  }
0x8c: {  	_ =	swait.ge [sflag:s26], $0x2000  }
0x8d: {  	[sflag:s26] =	ssyncset.done $0x0  }
0x8e: {  	[sflag:s26] =	ssyncadd.s32 $0xFFFFE000  }
0x8f: {  	_ =	swait.ge [sflag:s26], $0x2000  }
0x90: {  	[sflag:s26] =	ssyncset.done $0x0  }
0x91: {  	s24 =	simm.s32 $0x480;
	[sflag:s26] =	ssyncadd.s32 $0xFFFFE000  }
0x92: {  	[tilespmem:s29], [sflag:$0x1] =	stream.indirect.gather [hbm4b:s4+s19], $0x40, s24, s19, $0xb8;
	[tilespmem:$0x1AF00] =	vst v63  }
0x93: {  	s28 =	simm.s32 $0x500  }
0x94: {  	[tilespmem:s31], [sflag:$0x1] =	stream.indirect.gather [hbm4b:s4+s19], $0x40, s28, s19, $0xb8;
	[tilespmem:$0x1AF00] =	vst v63  }
0x95: {  	s6 =	simm.s32 $0x580  }
0x96: {  	[tilespmem:s21], [sflag:$0x1] =	stream.indirect.gather [hbm4b:s4+s19], $0x40, s6, s19, $0xb8;
	[tilespmem:$0x1AF00] =	vst v63  }
0x97: {  	_ =	swait.ge [sflag:s23], $0x2000  }
0x98: {  	[sflag:s23] =	ssyncset.done $0x0  }
0x99: {  	[sflag:s23] =	ssyncadd.s32 $0xFFFFE000  }
0x9a: {  	_ =	swait.ge [sflag:s23], $0x2000  }
0x9b: {  	[sflag:s23] =	ssyncset.done $0x0  }
0x9c: {  	[sflag:s23] =	ssyncadd.s32 $0xFFFFE000  }
0x9d: {  	_ =	swait.ge [sflag:s23], $0x2000  }
0x9e: {  	[sflag:s23] =	ssyncset.done $0x0  }
0x9f: {  	s24 =	simm.s32 $0x2C00;
	[sflag:s23] =	ssyncadd.s32 $0xFFFFE000  }
0xa0: {  	[spmem:s1] =	stream.indirect.scatter.add.f32 [tilespmem:s29], [sflag:$0x3], $0x40, s24, s19, $0xb8;
	[tilespmem:$0x1AF00] =	vst v63  }
0xa1: {  	s28 =	simm.s32 $0x2C80  }
0xa2: {  	[spmem:s1] =	stream.indirect.scatter.add.f32 [tilespmem:s31], [sflag:$0x3], $0x40, s28, s19, $0xb8;
	[tilespmem:$0x1AF00] =	vst v63  }
0xa3: {  	s6 =	simm.s32 $0x2D00  }
0xa4: {  	[spmem:s1] =	stream.indirect.scatter.add.f32 [tilespmem:s21], [sflag:$0x3], $0x40, s6, s19, $0xb8;
	[tilespmem:$0x1AF00] =	vst v63  }
0xa5: {  	_ =	swait.ge [sflag:s2], $0x2000  }
0xa6: {  	[sflag:s2] =	ssyncset.done $0x0  }
0xa7: {  	[sflag:s2] =	ssyncadd.s32 $0xFFFFE000  }
0xa8: {  	_ =	swait.ge [sflag:s2], $0x2000  }
0xa9: {  	[sflag:s2] =	ssyncset.done $0x0  }
0xaa: {  	[sflag:s2] =	ssyncadd.s32 $0xFFFFE000  }
0xab: {  	_ =	swait.ge [sflag:s2], $0x2000  }
0xac: {  	[sflag:s2] =	ssyncset.done $0x0  }
0xad: {  	s24 =	simm.s32 $0x600;
	[sflag:s2] =	ssyncadd.s32 $0xFFFFE000  }
0xae: {  	[tilespmem:s16], [sflag:$0x1] =	stream.indirect.gather [hbm4b:s4+s19], $0x40, s24, s19, $0xb8;
	[tilespmem:$0x1AF00] =	vst v63  }
0xaf: {  	s0 =	simm.s32 $0xC00;
	s28 =	simm.s32 $0x680;
	s24 =	simm.s32 $0x700  }
0xb0: {  	[tilespmem:s20], [sflag:$0x1] =	stream.indirect.gather [hbm4b:s4+s19], $0x40, s28, s19, $0xb8;
	[tilespmem:$0x1AF00] =	vst v63  }
.LBB2_4:
0xb1: {  	[tilespmem:s22], [sflag:$0x1] =	stream.indirect.gather [hbm4b:s4+s19], $0x40, s24, s19, $0xb8;
	[tilespmem:$0x1AF00] =	vst v63  }
0xb2: {  	s6 =	smov.u32 s0  }
0xb3: {  	p1 =	sne.s32 s0, $0x7800;
	s0 =	sadd.s32 $0xC00, s0;
	_ =	swait.ge [sflag:s23], $0x2000  }
0xb4: {  	[sflag:s23] =	ssyncset.done $0x0  }
0xb5: {  	[sflag:s23] =	ssyncadd.s32 $0xFFFFE000  }
0xb6: {  	_ =	swait.ge [sflag:s23], $0x2000  }
0xb7: {  	[sflag:s23] =	ssyncset.done $0x0  }
0xb8: {  	[sflag:s23] =	ssyncadd.s32 $0xFFFFE000  }
0xb9: {  	_ =	swait.ge [sflag:s23], $0x2000  }
0xba: {  	s24 =	sshra.s32 s6, $0x2;
	[sflag:s23] =	ssyncset.done $0x0  }
0xbb: {  	s6 =	sadd.s32 $0x2A80, s24;
	[sflag:s23] =	ssyncadd.s32 $0xFFFFE000  }
0xbc: {  	[spmem:s1] =	stream.indirect.scatter.add.f32 [tilespmem:s16], [sflag:$0x2], $0x40, s6, s19, $0xb8;
	[tilespmem:$0x1AF00] =	vst v63  }
0xbd: {  	s6 =	sadd.s32 $0x2B00, s24  }
0xbe: {  	[spmem:s1] =	stream.indirect.scatter.add.f32 [tilespmem:s20], [sflag:$0x2], $0x40, s6, s19, $0xb8;
	[tilespmem:$0x1AF00] =	vst v63  }
0xbf: {  	s6 =	sadd.s32 $0x2B80, s24  }
0xc0: {  	[spmem:s1] =	stream.indirect.scatter.add.f32 [tilespmem:s22], [sflag:$0x2], $0x40, s6, s19, $0xb8;
	[tilespmem:$0x1AF00] =	vst v63  }
0xc1: {  	_ =	swait.ge [sflag:s26], $0x2000  }
0xc2: {  	[sflag:s26] =	ssyncset.done $0x0  }
0xc3: {  	[sflag:s26] =	ssyncadd.s32 $0xFFFFE000  }
0xc4: {  	_ =	swait.ge [sflag:s26], $0x2000  }
0xc5: {  	[sflag:s26] =	ssyncset.done $0x0  }
0xc6: {  	[sflag:s26] =	ssyncadd.s32 $0xFFFFE000  }
0xc7: {  	_ =	swait.ge [sflag:s26], $0x2000  }
0xc8: {  	[sflag:s26] =	ssyncset.done $0x0  }
0xc9: {  	s6 =	sadd.s32 $0x480, s24;
	[sflag:s26] =	ssyncadd.s32 $0xFFFFE000  }
0xca: {  	[tilespmem:s29], [sflag:$0x1] =	stream.indirect.gather [hbm4b:s4+s19], $0x40, s6, s19, $0xb8;
	[tilespmem:$0x1AF00] =	vst v63  }
0xcb: {  	s6 =	sadd.s32 $0x500, s24  }
0xcc: {  	[tilespmem:s31], [sflag:$0x1] =	stream.indirect.gather [hbm4b:s4+s19], $0x40, s6, s19, $0xb8;
	[tilespmem:$0x1AF00] =	vst v63  }
0xcd: {  	s6 =	sadd.s32 $0x580, s24  }
0xce: {  	[tilespmem:s21], [sflag:$0x1] =	stream.indirect.gather [hbm4b:s4+s19], $0x40, s6, s19, $0xb8;
	[tilespmem:$0x1AF00] =	vst v63  }
0xcf: {  	_ =	swait.ge [sflag:s23], $0x2000  }
0xd0: {  	[sflag:s23] =	ssyncset.done $0x0  }
0xd1: {  	[sflag:s23] =	ssyncadd.s32 $0xFFFFE000  }
0xd2: {  	_ =	swait.ge [sflag:s23], $0x2000  }
0xd3: {  	[sflag:s23] =	ssyncset.done $0x0  }
0xd4: {  	[sflag:s23] =	ssyncadd.s32 $0xFFFFE000  }
0xd5: {  	_ =	swait.ge [sflag:s23], $0x2000  }
0xd6: {  	[sflag:s23] =	ssyncset.done $0x0  }
0xd7: {  	s6 =	sadd.s32 $0x2C00, s24;
	[sflag:s23] =	ssyncadd.s32 $0xFFFFE000  }
0xd8: {  	[spmem:s1] =	stream.indirect.scatter.add.f32 [tilespmem:s29], [sflag:$0x3], $0x40, s6, s19, $0xb8;
	[tilespmem:$0x1AF00] =	vst v63  }
0xd9: {  	s6 =	sadd.s32 $0x2C80, s24  }
0xda: {  	[spmem:s1] =	stream.indirect.scatter.add.f32 [tilespmem:s31], [sflag:$0x3], $0x40, s6, s19, $0xb8;
	[tilespmem:$0x1AF00] =	vst v63  }
0xdb: {  	s6 =	sadd.s32 $0x2D00, s24  }
0xdc: {  	[spmem:s1] =	stream.indirect.scatter.add.f32 [tilespmem:s21], [sflag:$0x3], $0x40, s6, s19, $0xb8;
	[tilespmem:$0x1AF00] =	vst v63  }
0xdd: {  	_ =	swait.ge [sflag:s2], $0x2000  }
0xde: {  	[sflag:s2] =	ssyncset.done $0x0  }
0xdf: {  	[sflag:s2] =	ssyncadd.s32 $0xFFFFE000  }
0xe0: {  	_ =	swait.ge [sflag:s2], $0x2000  }
0xe1: {  	[sflag:s2] =	ssyncset.done $0x0  }
0xe2: {  	[sflag:s2] =	ssyncadd.s32 $0xFFFFE000  }
0xe3: {  	_ =	swait.ge [sflag:s2], $0x2000  }
0xe4: {  	[sflag:s2] =	ssyncset.done $0x0  }
.Ltmp1:
0xe5: {  	s6 =	sadd.s32 $0x600, s24;
	[sflag:s2] =	ssyncadd.s32 $0xFFFFE000;
	(pc) =	sbr.rel @p1 .LBB2_4-.Ltmp1, $4  }
0xe6: {  	[tilespmem:s16], [sflag:$0x1] =	stream.indirect.gather [hbm4b:s4+s19], $0x40, s6, s19, $0xb8;
	[tilespmem:$0x1AF00] =	vst v63  }
0xe7: {  	s6 =	sadd.s32 $0x680, s24  }
0xe8: {  	[tilespmem:s20], [sflag:$0x1] =	stream.indirect.gather [hbm4b:s4+s19], $0x40, s6, s19, $0xb8;
	[tilespmem:$0x1AF00] =	vst v63  }
0xe9: {  	s24 =	sadd.s32 $0x700, s24  }
0xea: {  	[tilespmem:s22], [sflag:$0x1] =	stream.indirect.gather [hbm4b:s4+s19], $0x40, s24, s19, $0xb8;
	[tilespmem:$0x1AF00] =	vst v63  }
0xeb: {  	_ =	swait.ge [sflag:s23], $0x2000  }
0xec: {  	[sflag:s23] =	ssyncset.done $0x0  }
0xed: {  	[sflag:s23] =	ssyncadd.s32 $0xFFFFE000  }
0xee: {  	_ =	swait.ge [sflag:s23], $0x2000  }
0xef: {  	[sflag:s23] =	ssyncset.done $0x0  }
0xf0: {  	[sflag:s23] =	ssyncadd.s32 $0xFFFFE000  }
0xf1: {  	_ =	swait.ge [sflag:s23], $0x2000  }
0xf2: {  	[sflag:s23] =	ssyncset.done $0x0  }
0xf3: {  	s0 =	simm.s32 $0x4B80;
	[sflag:s23] =	ssyncadd.s32 $0xFFFFE000  }
0xf4: {  	[spmem:s1] =	stream.indirect.scatter.add.f32 [tilespmem:s16], [sflag:$0x2], $0x40, s0, s19, $0xb8;
	[tilespmem:$0x1AF00] =	vst v63  }
0xf5: {  	s6 =	simm.s32 $0x4C00  }
0xf6: {  	[spmem:s1] =	stream.indirect.scatter.add.f32 [tilespmem:s20], [sflag:$0x2], $0x40, s6, s19, $0xb8;
	[tilespmem:$0x1AF00] =	vst v63  }
0xf7: {  	s24 =	simm.s32 $0x4C80  }
0xf8: {  	[spmem:s1] =	stream.indirect.scatter.add.f32 [tilespmem:s22], [sflag:$0x2], $0x40, s24, s19, $0xb8;
	[tilespmem:$0x1AF00] =	vst v63  }
0xf9: {  	_ =	swait.ge [sflag:s26], $0x2000  }
0xfa: {  	[sflag:s26] =	ssyncset.done $0x0  }
0xfb: {  	[sflag:s26] =	ssyncadd.s32 $0xFFFFE000  }
0xfc: {  	_ =	swait.ge [sflag:s26], $0x2000  }
0xfd: {  	[sflag:s26] =	ssyncset.done $0x0  }
0xfe: {  	[sflag:s26] =	ssyncadd.s32 $0xFFFFE000  }
0xff: {  	_ =	swait.ge [sflag:s26], $0x2000  }
0x100: {  	[sflag:s26] =	ssyncset.done $0x0  }
0x101: {  	s28 =	simm.s32 $0x2580;
	[sflag:s26] =	ssyncadd.s32 $0xFFFFE000  }
0x102: {  	[tilespmem:s29], [sflag:$0x1] =	stream.indirect.gather [hbm4b:s4+s19], $0x40, s28, s19, $0xb8;
	[tilespmem:$0x1AF00] =	vst v63  }
0x103: {  	s6 =	simm.s32 $0x2600  }
0x104: {  	[tilespmem:s31], [sflag:$0x1] =	stream.indirect.gather [hbm4b:s4+s19], $0x40, s6, s19, $0xb8;
	[tilespmem:$0x1AF00] =	vst v63  }
0x105: {  	s24 =	simm.s32 $0x2680  }
0x106: {  	[tilespmem:s21], [sflag:$0x1] =	stream.indirect.gather [hbm4b:s4+s19], $0x40, s24, s19, $0xb8;
	[tilespmem:$0x1AF00] =	vst v63  }
0x107: {  	_ =	swait.ge [sflag:s23], $0x2000  }
0x108: {  	[sflag:s23] =	ssyncset.done $0x0  }
0x109: {  	[sflag:s23] =	ssyncadd.s32 $0xFFFFE000  }
0x10a: {  	_ =	swait.ge [sflag:s23], $0x2000  }
0x10b: {  	[sflag:s23] =	ssyncset.done $0x0  }
0x10c: {  	[sflag:s23] =	ssyncadd.s32 $0xFFFFE000  }
0x10d: {  	_ =	swait.ge [sflag:s23], $0x2000  }
0x10e: {  	[sflag:s23] =	ssyncset.done $0x0  }
0x10f: {  	s28 =	simm.s32 $0x4D00;
	[sflag:s23] =	ssyncadd.s32 $0xFFFFE000  }
0x110: {  	[spmem:s1] =	stream.indirect.scatter.add.f32 [tilespmem:s29], [sflag:$0x3], $0x40, s28, s19, $0xb8;
	[tilespmem:$0x1AF00] =	vst v63  }
0x111: {  	s6 =	simm.s32 $0x4D80  }
0x112: {  	[spmem:s1] =	stream.indirect.scatter.add.f32 [tilespmem:s31], [sflag:$0x3], $0x40, s6, s19, $0xb8;
	[tilespmem:$0x1AF00] =	vst v63  }
0x113: {  	s24 =	simm.s32 $0x4E00  }
0x114: {  	[spmem:s1] =	stream.indirect.scatter.add.f32 [tilespmem:s21], [sflag:$0x3], $0x40, s24, s19, $0xb8;
	[tilespmem:$0x1AF00] =	vst v63  }
0x115: {  	_ =	swait.ge [sflag:s2], $0x2000  }
0x116: {  	[sflag:s2] =	ssyncset.done $0x0  }
0x117: {  	[sflag:s2] =	ssyncadd.s32 $0xFFFFE000  }
0x118: {  	_ =	swait.ge [sflag:s2], $0x2000  }
0x119: {  	[sflag:s2] =	ssyncset.done $0x0  }
0x11a: {  	[sflag:s2] =	ssyncadd.s32 $0xFFFFE000  }
0x11b: {  	_ =	swait.ge [sflag:s2], $0x2000  }
0x11c: {  	s0 =	simm.s32 @!p0 $0x80;
	[sflag:s2] =	ssyncset.done $0x0  }
0x11d: {  	s6 =	simm.s32 @!p0 $0x2700;
	s24 =	simm.s32 @!p0 $0x4F00;
	[sflag:s2] =	ssyncadd.s32 $0xFFFFE000  }
0x11e: {  	[tilespmem:s24], [sflag:$0x1] =	stream.indirect.gather @!p0 [hbm4b:s4+s0], $0x40, s6, s0, $0xb8;
	[tilespmem:$0x1AF00] =	vst v63  }
0x11f: {  	s6 =	simm.s32 @!p0 $0x1  }
0x120: {  	_ =	swait.ge @!p0 [sflag:s6], $0x2000  }
0x121: {  	[sflag:s6] =	ssyncset.done @!p0 $0x0  }
0x122: {  	[sflag:s6] =	ssyncadd.s32 @!p0 $0xFFFFE000;
	s6 =	simm.s32 @!p0 $0x4E80  }
0x123: {  	[spmem:s1] =	stream.indirect.scatter.add.f32 @!p0 [tilespmem:s24], [sflag:$0x4], $0x40, s6, s0, $0xb8;
	[tilespmem:$0x1AF00] =	vst v63  }
0x124: {  	s0 =	simm.s32 @!p0 $0x4  }
0x125: {  	_ =	swait.ge @!p0 [sflag:s0], $0x2000  }
0x126: {  	[sflag:s0] =	ssyncset.done @!p0 $0x0  }
0x127: {  	[sflag:s0] =	ssyncadd.s32 @!p0 $0xFFFFE000  }
0x128: {  	_ =	swait.ge [sflag:s26], $0x2000  }
0x129: {  	[sflag:s26] =	ssyncset.done $0x0  }
0x12a: {  	[sflag:s26] =	ssyncadd.s32 $0xFFFFE000  }
0x12b: {  	_ =	swait.ge [sflag:s26], $0x2000  }
0x12c: {  	[sflag:s26] =	ssyncset.done $0x0  }
0x12d: {  	[sflag:s26] =	ssyncadd.s32 $0xFFFFE000  }
0x12e: {  	_ =	swait.ge [sflag:s26], $0x2000  }
0x12f: {  	s30 =	sadd.s32 $0x1, s30;
	s28 =	stileid.u32;
	[sflag:s26] =	ssyncset.done $0x0  }
0x130: {  	p1 =	sne.s32 s30, s11;
	s0 =	sshll.u32 s28, $0x6;
	[sflag:s26] =	ssyncadd.s32 $0xFFFFE000  }
.Ltmp2:
0x131: {  	s0 =	sor.u32 $0x1C04, s0;
	[bflag:$0x0] =	sbarrier.arrive $0xFFFF;
	(pc) =	sbr.rel @p1 .LBB2_1-.Ltmp2, $4  }
0x132: {  	[hbm:s10], [sflag:s0] =	dma.local [spmem:s25], $0x1400  }
0x133: {  	_ =	swait.ge [sflag:s17], $0x1400  }
0x134: {  	[sflag:s17] =	ssyncset.done $0x0  }
0x135: {  	[sflag:s17] =	ssyncadd.s32 $0xFFFFEC00  }
0x136: {  	_ =	sfence.sel $0x180000  }
0x137: {  	[bflag:$0x0] =	sbarrier.arrive $0xFFFF  }
0x138: {  	_ =	strace $0x9000004A  }
0x139: {  	s0 =	stileid.u32;
	[bflag:$0x2] =	sbarrier.arrive $0xFFFF  }
0x13a: {  	p0 =	sne.s32 s0, $0x0;
	s0 =	rddreg [dreg:$0x2]  }
0x13b: {  	s0 =	sadd.s32 @!p0 $0x100000, s0  }
0x13c: {  	[sflag:s0] =	ssyncadd.tile.s32 @!p0 $0x1;
	_ =	shalt  }
.Lfunc_end2:
_tile_overlayer_lowered:
.L_overlay_start_2:
0x13d: {  	(tag) =	ssettag $0x2  }
0x13e: {  	s0 =	rddreg [dreg:$0x0];
	s2 =	stileid.u32  }
0x13f: {  	s1 =	rddreg [dreg:$0x1];
	p0 =	sne.s32 s2, $0x0  }
0x140: {  	s3 =	rddreg [dreg:$0x2];
	[bflag:$0x3] =	sbarrier.arrive $0xFFFF;
	s2 =	simm.s32 @!p0 $0x1C04  }
0x141: {  	[timem:s3], [sflag:s2] =	dma.local @!p0 [hbm:s0], s1  }
0x142: {  	s0 =	simm.s32 @!p0 $0x4  }
0x143: {  	_ =	swait.ge @!p0 [sflag:s0], s1  }
0x144: {  	s1 =	ssub.s32 @!p0 $0x0, s1;
	[sflag:s0] =	ssyncset.done @!p0 $0x0  }
0x145: {  	[sflag:s0] =	ssyncadd.s32 @!p0 s1  }
0x146: {  	[bflag:$0x3] =	sbarrier.arrive $0xFFFF  }
0x147: {  	_ =	shalt  }

// kernel: kernel.14.cloned.1.call-start
scs
__scs_entry_jumppad:
0x0: {  	(pc) =	sbr.rel $0x88, $3  }
0x1: {  	(tag) =	ssettag $0x0;
	lr =	simm.s32 $0x1  }
0x2: {  	[smem:$0x3F96] =	sst lr;
	_ =	strace $0xD0000000  }
0x3: {  	_ = 	snop  }
0x4: {  	_ = 	snop  }
0x5: {  	_ = 	snop  }
0x6: {  	_ = 	snop  }
0x7: {  	_ = 	snop  }
__scs_overlays_trampoline_lowered:
0x8: {  	[smem:$0x3FA5] =	sst s0  }
0x9: {  	[smem:$0x3FA6] =	sst s1  }
0xa: {  	[smem:$0x3FA7] =	sst s2  }
0xb: {  	[smem:$0x3FA8] =	sst s3  }
0xc: {  	[smem:$0x3FA9] =	sst s4  }
0xd: {  	[smem:$0x3FAA] =	sst s5  }
0xe: {  	[smem:$0x3FAB] =	sst s6  }
0xf: {  	[smem:$0x3FAC] =	sst s7  }
0x10: {  	[smem:$0x3FAD] =	sst s8  }
0x11: {  	[smem:$0x3FAE] =	sst s9;
	s0 =	simm.s32 @!p0 $0x0  }
0x12: {  	s1 =	sld [smem:$0x3F94];
	s0 =	simm.s32 @p0 $0x1  }
0x13: {  	[smem:$0x3FAF] =	sst s0;
	s0 =	simm.s32 @!p1 $0x0  }
0x14: {  	s2 =	sld [smem:$0x3F93];
	s0 =	simm.s32 @p1 $0x1  }
0x15: {  	[smem:$0x3FB0] =	sst s0;
	s0 =	simm.s32 @!p2 $0x0  }
0x16: {  	s3 =	sld [smem:$0x3FDB];
	s0 =	simm.s32 @p2 $0x1  }
0x17: {  	s4 =	simm.s32 $0x1BF5;
	[smem:$0x3FB2] =	sst s0  }
0x18: {  	s0 =	sld [smem:$0x3F95];
	_ =	swait.ge [sflag:s4], $0x0  }
0x19: {  	s7 =	sld [smem:$0x3F96]  }
0x1a: {  	s8 =	sadd.s32 $0xFFFFE003, lr  }
0x1b: {  	s9 =	sadd.s32 $0xFFFFFEF7, lr;
	s5 =	simm.s32 $0xFFFFFFFF;
	p2 =	slt.u32 s8, $0xFFFFF086  }
0x1c: {  	p1 =	slt.u32 s9, $0xF7A;
	s5 =	simm.s32 @!p2 $0x0  }
0x1d: {  	s5 =	simm.s32 @p1 $0x1;
	p0 =	seq.s32 s7, s2  }
0x1e: {  	s7 =	smul.u32 @!p0 $0xF7A, s2;
	p2 =	seq.s32 @!p0 s5, $0x0  }
0x1f: {  	s9 =	smul.u32 $0xF7A, s1;
	s8 =	simm.s32 @!p0 $0x1BF5;
	p2 =	por !p2, p0  }
0x20: {  	[sflag:s8] =	ssyncset.s32 @!p0 $0xFFFFF086;
	s6 =	sadd.s32 @!p0 s3, s7;
	s7 =	simm.s32 @!p0 $0x108  }
0x21: {  	s3 =	sadd.s32 s3, s9;
	s6 =	sadd.s32 @!p0 $0x88, s6;
	s7 =	simm.s32 @p2 $0x1082  }
0x22: {  	[simem:s7], [sflag:s8] =	dma.local @!p0 [hbm:s6], $0xF7A  }
0x23: {  	s9 =	sor.u32 $0xD0000000, s2;
	s6 =	simm.s32 $0x108;
	_ =	swait.ge @!p0 [sflag:s8], $0x0  }
0x24: {  	s3 =	sadd.s32 $0x88, s3;
	s6 =	simm.s32 @!p1 $0x1082;
	[sflag:s4] =	ssyncset.s32 $0xFFFFF086  }
0x25: {  	[simem:s6], [sflag:s4] =	dma.local [hbm:s3], $0xF7A  }
0x26: {  	[smem:$0x3F96] =	sst s1;
	(tag) =	ssettag s2;
	_ =	strace s9  }
0x27: {  	s1 =	sld [smem:$0x3FA6]  }
0x28: {  	s2 =	sld [smem:$0x3FA7]  }
0x29: {  	s4 =	sld [smem:$0x3FA9]  }
0x2a: {  	p0 =	seq.s32 s5, $0x0;
	s5 =	sld [smem:$0x3FAA]  }
0x2b: {  	s6 =	sld [smem:$0x3FAB]  }
0x2c: {  	s7 =	sld [smem:$0x3FAC]  }
0x2d: {  	s3 =	simm.s32 $0x108;
	s8 =	sld [smem:$0x3FAD]  }
0x2e: {  	s3 =	simm.s32 @!p0 $0x1082;
	s9 =	sld [smem:$0x3FAE]  }
0x2f: {  	lr =	sadd.s32 s0, s3;
	s0 =	sld [smem:$0x3FA5]  }
0x30: {  	s3 =	sld [smem:$0x3FA8]  }
0x31: {  	[smem:$0x3FB1] =	sst s10  }
0x32: {  	s10 =	sld [smem:$0x3FAF];
	_ =	sdelay $0x3  }
0x33: {  	p0 =	seq.s32 s10, $0x1;
	s10 =	sld [smem:$0x3FB1];
	_ =	sdelay $0x3  }
0x34: {  	[smem:$0x3FB1] =	sst s10  }
0x35: {  	s10 =	sld [smem:$0x3FB0];
	_ =	sdelay $0x3  }
0x36: {  	p1 =	seq.s32 s10, $0x1;
	s10 =	sld [smem:$0x3FB1];
	_ =	sdelay $0x3  }
0x37: {  	[smem:$0x3FB1] =	sst s10  }
0x38: {  	s10 =	sld [smem:$0x3FB2]  }
0x39: {  	_ = 	snop;
	(pc) =	sbr.ind lr, $3  }
0x3a: {  	_ = 	snop  }
0x3b: {  	_ = 	snop  }
0x3c: {  	p2 =	seq.s32 s10, $0x1;
	s10 =	sld [smem:$0x3FB1]  }
0x3d: {  	_ =	shalt  }
0x3e: {  	_ =	shalt  }
0x3f: {  	_ =	shalt  }
0x40: {  	_ =	shalt  }
0x41: {  	_ =	shalt  }
0x42: {  	_ =	shalt  }
0x43: {  	_ =	shalt  }
0x44: {  	_ =	shalt  }
0x45: {  	_ =	shalt  }
0x46: {  	_ =	shalt  }
0x47: {  	_ =	shalt  }
0x48: {  	_ =	shalt  }
0x49: {  	_ =	shalt  }
0x4a: {  	_ =	shalt  }
0x4b: {  	_ =	shalt  }
0x4c: {  	_ =	shalt  }
0x4d: {  	_ =	shalt  }
0x4e: {  	_ =	shalt  }
0x4f: {  	_ =	shalt  }
0x50: {  	_ =	shalt  }
0x51: {  	_ =	shalt  }
0x52: {  	_ =	shalt  }
0x53: {  	_ =	shalt  }
0x54: {  	_ =	shalt  }
0x55: {  	_ =	shalt  }
0x56: {  	_ =	shalt  }
0x57: {  	_ =	shalt  }
0x58: {  	_ =	shalt  }
0x59: {  	_ =	shalt  }
0x5a: {  	_ =	shalt  }
0x5b: {  	_ =	shalt  }
0x5c: {  	_ =	shalt  }
0x5d: {  	_ =	shalt  }
0x5e: {  	_ =	shalt  }
0x5f: {  	_ =	shalt  }
0x60: {  	_ =	shalt  }
0x61: {  	_ =	shalt  }
0x62: {  	_ =	shalt  }
0x63: {  	_ =	shalt  }
0x64: {  	_ =	shalt  }
0x65: {  	_ =	shalt  }
0x66: {  	_ =	shalt  }
0x67: {  	_ =	shalt  }
0x68: {  	_ =	shalt  }
0x69: {  	_ =	shalt  }
0x6a: {  	_ =	shalt  }
0x6b: {  	_ =	shalt  }
0x6c: {  	_ =	shalt  }
0x6d: {  	_ =	shalt  }
0x6e: {  	_ =	shalt  }
0x6f: {  	_ =	shalt  }
0x70: {  	_ =	shalt  }
0x71: {  	_ =	shalt  }
0x72: {  	_ =	shalt  }
0x73: {  	_ =	shalt  }
0x74: {  	_ =	shalt  }
0x75: {  	_ =	shalt  }
0x76: {  	_ =	shalt  }
0x77: {  	_ =	shalt  }
0x78: {  	_ =	shalt  }
0x79: {  	_ =	shalt  }
0x7a: {  	_ =	shalt  }
0x7b: {  	_ =	shalt  }
0x7c: {  	_ =	shalt  }
0x7d: {  	_ =	shalt  }
0x7e: {  	_ =	shalt  }
0x7f: {  	_ =	shalt  }
0x80: {  	_ =	shalt  }
0x81: {  	_ =	shalt  }
0x82: {  	_ =	shalt  }
0x83: {  	_ =	shalt  }
0x84: {  	_ =	shalt  }
0x85: {  	_ =	shalt  }
0x86: {  	_ =	shalt  }
0x87: {  	_ =	shalt  }
.Lfunc_end0:
.L_simem_size_0:
called_computation.2_lowered:
.L_overlay_start_0:
0x88: {  	s2 =	sld [smem:$0x3FD9]  }
0x89: {  	s3 =	sld [smem:$0x3FFE];
	_ =	sdelay $0x1  }
0x8a: {  	s1 =	srdreg.scid  }
0x8b: {  	s0 =	sand.u32 $0x1, s1  }
0x8c: {  	s16 =	sshll.u32 s0, $0xA;
	s2 =	sadd.s32 s3, s2  }
0x8d: {  	s2 =	sadd.s32 s2, s16  }
0x8e: {  	[smem:$0x3FBD] =	sst s2  }
0x8f: {  	_ = 	snop  }
0x90: {  	(tm) =	ssettm $0x1  }
0x91: {  	s17 =	sld [smem:$0x3FFB];
	_ =	sdelay $0x3  }
0x92: {  	_ =	strace s17  }
0x93: {  	s2 =	sld [smem:$0x3FFC];
	_ =	sdelay $0x3  }
0x94: {  	_ =	strace s2  }
0x95: {  	s2 =	sld [smem:$0x3FFD];
	_ =	sdelay $0x3  }
0x96: {  	_ =	strace s2  }
0x97: {  	_ =	strace $0x8FFFFFFF  }
0x98: {  	s18 =	sld [smem:$0x3FDB];
	_ =	sdelay $0x1  }
0x99: {  	s19 =	simm.s32 $_scs_section_size  }
0x9a: {  	s4 =	simm.s32 $_size__tile_overlayer_lowered;
	s5 =	simm.s32 $_tile_overlayer_lowered  }
0x9b: {  	s22 =	simm.s32 $0x1BFF;
	s21 =	sshll.u32 s5, $0x1;
	s2 =	sadd.s32 s19, s18  }
0x9c: {  	s6 =	simm.s32 $0x0;
	s20 =	sshll.u32 s4, $0x1;
	s4 =	sadd.s32 s21, s2  }
0x9d: {  	[timem:s6], [sflag:s22] =	dma.local [hbm:s4], s20  }
0x9e: {  	_ =	swait.ge [sflag:s22], s20  }
0x9f: {  	s3 =	ssub.s32 $0x0, s20;
	[sflag:s22] =	ssyncset.done $0x0  }
0xa0: {  	[sflag:s22] =	ssyncadd.s32 s3;
	_ =	sdelay $0x1  }
0xa1: {  	s23 =	simm.s32 $0x1B8B  }
0xa2: {  	_ =	swait.ge [sflag:s23], $0x1  }
0xa3: {  	[sflag:s23] =	ssyncset.done $0x0  }
0xa4: {  	s25 =	simm.s32 $0x1B8E;
	s24 =	sld [smem:$0x3FFE];
	[sflag:s23] =	ssyncadd.s32 $0xFFFFFFFF  }
0xa5: {  	s26 =	simm.s32 $execute0_lowered;
	[smem:$0x3FD2] =	sst s25  }
0xa6: {  	s4 =	sshll.u32 s26, $0x1;
	_ =	strace $0x8000004C;
	[dreg:$0x1] =	wrdreg $0xFFFFFFFF  }
0xa7: {  	s28 =	simm.s32 $_size_execute0_lowered;
	s2 =	sadd.s32 s2, s4;
	[dreg:$0x0] =	wrdreg $0x0  }
0xa8: {  	s4 =	sshll.u32 s28, $0x1;
	[dreg:$0x2] =	wrdreg s2  }
0xa9: {  	[dreg:$0x3] =	wrdreg s4  }
0xaa: {  	[dreg:$0x4] =	wrdreg $0xC0  }
0xab: {  	_ =	task [dreg:s6], $0x5FFFF  }
0xac: {  	[dreg:$0x1] =	wrdreg $0xFFFFFFFF  }
0xad: {  	[dreg:$0x0] =	wrdreg $0x60  }
0xae: {  	[dreg:$0x2] =	wrdreg s24  }
0xaf: {  	[dreg:$0x3] =	wrdreg $0x10F000  }
0xb0: {  	[dreg:$0x4] =	wrdreg $0x9  }
0xb1: {  	_ =	task.clear_ibuf [dreg:s6], $0x5FFFF;
	_ =	strace $0x9000004C  }
0xb2: {  	s29 =	simm.s32 $0x9;
	_ =	strace $0x8000004E  }
0xb3: {  	_ =	swait.ge [sflag:s29], $0x1  }
0xb4: {  	[sflag:s29] =	ssyncadd.s32 $0xFFFFFFFF  }
0xb5: {  	_ =	strace $0x9000004E  }
0xb6: {  	_ =	sfence  }
0xb7: {  	s30 =	sld [smem:$0x0];
	_ =	sdelay $0x2  }
0xb8: {  	s31 =	sshll.u32 s1, $0xD;
	s1 =	sshrl.u32 s1, $0x2  }
0xb9: {  	s3 =	sand.u32 $0x4000, s31;
	s1 =	sadd.s32 s1, s30  }
0xba: {  	s0 =	sor.u32 s3, s0;
	s1 =	sshll.u32 s1, $0x11  }
0xbb: {  	s0 =	sor.u32 s1, s0  }
0xbc: {  	s0 =	sadd.s32 $0x8F2B, s0  }
0xbd: {  	[sflag:s0] =	ssyncadd.remote.s32 $0x1  }
0xbe: {  	_ =	sfence.sel $0xFFFF  }
0xbf: {  	[dreg:$0x0] =	wrdreg $0xFFFFFFFF;
	(pc) =	sbr.abs _section_cstart, $3  }
0xc0: {  	[dreg:$0x1] =	wrdreg $0xFFFFFFFF  }
0xc1: {  	_ =	task.clear_ibuf [dreg:s6], $0x2FFFF;
	_ =	strace $0x9FFFFFFF  }
0xc2: {  	(tm) =	ssettm $0x7FFFFFFF  }
0xc3: {  	_ =	shalt  }
tec
execute0_lowered:
.L_overlay_start_1:
0x0: {  	(tag) =	ssettag $0x1  }
0x1: {  	s0 =	rddreg [dreg:$0x0]  }
0x2: {  	s1 =	rddreg [dreg:$0x1]  }
0x3: {  	s2 =	srdreg.scid;
	s3 =	simm.s32 $0x0;
	s7 =	stileid.u32  }
0x4: {  	s17 =	simm.s32 $0x4;
	s18 =	simm.s32 $0x2780;
	s19 =	simm.s32 $0x80  }
0x5: {  	s20 =	simm.s32 $0x6F00;
	s22 =	simm.s32 $0x8F00;
	s23 =	simm.s32 $0x1  }
0x6: {  	s29 =	simm.s32 $0xAF00;
	s31 =	simm.s32 $0xCF00;
	s21 =	simm.s32 $0xEF00  }
0x7: {  	s30 =	simm.s32 $0x0;
	s2 =	sand.u32 $0x1, s2;
	[smem:$0x7FF] =	sst s3  }
0x8: {  	s11 =	smul.u32 $0xA000, s7;
	s4 =	sadd.s32 $0x16600, s0;
	s8 =	sadd.s32 $0x2A00, s0  }
0x9: {  	s9 =	sadd.s32 $0xC800, s0;
	s5 =	smul.u32 $0xA0000, s2;
	s6 =	sshll.u32 s2, $0x4  }
0xa: {  	_ =	strace $0x8000004D;
	s2 =	ssub.s32 $0x2, s2;
	s16 =	sor.u32 s7, s6  }
0xb: {  	s7 =	smul.u32 $0x28000, s7;
	s10 =	sshrl.u32 s2, $0x1;
	s28 =	sadd.s32 s11, s1  }
0xc: {  	s5 =	sadd.s32 s11, s5;
	s6 =	smul.u32 $0x4E, s16;
	s24 =	smin.u32 s16, $0x4  }
0xd: {  	s2 =	ssub.s32 s2, s10;
	p0 =	sgt.u32 s16, $0x3;
	s16 =	simm.s32 $0x4F00  }
0xe: {  	s5 =	sshrl.u32 s5, $0x3;
	s25 =	sshrl.u32 s7, $0x2;
	s11 =	smax.u32 s2, $0x1  }
0xf: {  	s2 =	simm.s32 $0x2;
	s0 =	sadd.s32 s5, s0;
	s6 =	sadd.s32 s24, s6  }
0x10: {  	s5 =	sadd.s32 s25, s1;
	s25 =	sshrl.u32 s28, $0x3;
	s26 =	sshll.u32 s6, $0x4  }
0x11: {  	s12 =	sadd.s32 $0x2000, s5;
	s13 =	sadd.s32 $0x4000, s5;
	s14 =	sadd.s32 $0x6000, s5  }
0x12: {  	s15 =	sadd.s32 $0x8000, s5;
	s6 =	sadd.s32 s8, s26;
	s7 =	sadd.s32 s9, s26  }
0x13: {  	s10 =	sadd.s32 $0x4E0, s26;
	s26 =	simm.s32 $0x3;
	[dreg:$0x3] =	wrdreg s6  }
0x14: {  	v0 =	vimm.f32 $0.0e+00;
	s8 =	sadd.s32 s8, s10;
	s9 =	sadd.s32 s9, s10;
	s10 =	sadd.s32 $0x2A600, s0  }
.LBB2_1:
0x15: {  	s0 =	sand.u32 $0x7F00, s3  }
0x16: {  	s24 =	sand.u32 $0x30, s3;
	s28 =	sshrl.u32 s0, $0x2  }
0x17: {  	s0 =	simm.s32 $0x40;
	s28 =	sor.u32 s24, s28;
	s24 =	simm.s32 $0x0  }
.LBB2_2:
0x18: {  	p1 =	sne.s32 s0, $0x7FC0  }
0x19: {  	[tilespmem:s28+$0x4F00] =	vst v0;
	s24 =	sadd.s32 $0x10, s24;
	s28 =	smov.u32 s0;
	s0 =	sadd.s32 $0x40, s0  }
.Ltmp0:
0x1a: {  	(pc) =	sbr.rel @p1 .LBB2_2-.Ltmp0, $4  }
0x1b: {  	_ = 	snop  }
0x1c: {  	s28 =	sand.u32 $0x7F00, s28  }
0x1d: {  	s6 =	sand.u32 $0x30, s24;
	s28 =	sshrl.u32 s28, $0x2  }
0x1e: {  	s28 =	sor.u32 s6, s28  }
0x1f: {  	[tilespmem:s28+$0x4F00] =	vst v0  }
0x20: {  	[spmem:s5] =	stream.linear.scatter [tilespmem:s16], [sflag:$0x4], $0x2000, $0x38;
	[tilespmem:$0x1AF00] =	vst v63  }
0x21: {  	_ =	swait.ge [sflag:s17], $0x2000  }
0x22: {  	[sflag:s17] =	ssyncset.done $0x0  }
0x23: {  	[sflag:s17] =	ssyncadd.s32 $0xFFFFE000  }
0x24: {  	[spmem:s12] =	stream.linear.scatter [tilespmem:s16], [sflag:$0x4], $0x2000, $0x38;
	[tilespmem:$0x1AF00] =	vst v63  }
0x25: {  	_ =	swait.ge [sflag:s17], $0x2000  }
0x26: {  	[sflag:s17] =	ssyncset.done $0x0  }
0x27: {  	[sflag:s17] =	ssyncadd.s32 $0xFFFFE000  }
0x28: {  	[spmem:s13] =	stream.linear.scatter [tilespmem:s16], [sflag:$0x4], $0x2000, $0x38;
	[tilespmem:$0x1AF00] =	vst v63  }
0x29: {  	_ =	swait.ge [sflag:s17], $0x2000  }
0x2a: {  	[sflag:s17] =	ssyncset.done $0x0  }
0x2b: {  	[sflag:s17] =	ssyncadd.s32 $0xFFFFE000  }
0x2c: {  	[spmem:s14] =	stream.linear.scatter [tilespmem:s16], [sflag:$0x4], $0x2000, $0x38;
	[tilespmem:$0x1AF00] =	vst v63  }
0x2d: {  	_ =	swait.ge [sflag:s17], $0x2000  }
0x2e: {  	[sflag:s17] =	ssyncset.done $0x0  }
0x2f: {  	[sflag:s17] =	ssyncadd.s32 $0xFFFFE000  }
0x30: {  	[spmem:s15] =	stream.linear.scatter [tilespmem:s16], [sflag:$0x4], $0x2000, $0x38;
	[tilespmem:$0x1AF00] =	vst v63  }
0x31: {  	_ =	swait.ge [sflag:s17], $0x2000  }
0x32: {  	[sflag:s17] =	ssyncset.done $0x0  }
0x33: {  	s0 =	rddreg [dreg:$0x3];
	[sflag:s17] =	ssyncadd.s32 $0xFFFFE000  }
0x34: {  	[tilespmem:s3], [sflag:$0x4] =	stream.linear.gather [hbm4b:s0+s3], $0x2700, $0x38;
	[tilespmem:$0x1AF00] =	vst v63  }
0x35: {  	_ =	swait.ge [sflag:s17], $0x2700  }
0x36: {  	[sflag:s17] =	ssyncset.done $0x0  }
0x37: {  	[sflag:s17] =	ssyncadd.s32 $0xFFFFD900  }
0x38: {  	[tilespmem:s18], [sflag:$0x4] =	stream.linear.gather [hbm4b:s7+s3], $0x2700, $0x38;
	[tilespmem:$0x1AF00] =	vst v63  }
0x39: {  	_ =	swait.ge [sflag:s17], $0x2700  }
0x3a: {  	[sflag:s17] =	ssyncset.done $0x0  }
0x3b: {  	s6 =	simm.s32 @!p0 $0x2700;
	s0 =	simm.s32 @!p0 $0x0;
	[sflag:s17] =	ssyncadd.s32 $0xFFFFD900  }
0x3c: {  	[tilespmem:s6], [sflag:$0x4] =	stream.linear.gather @!p0 [hbm4b:s8+s0], $0x80, $0x38;
	[tilespmem:$0x1AF00] =	vst v63  }
0x3d: {  	s6 =	simm.s32 @!p0 $0x4  }
0x3e: {  	_ =	swait.ge @!p0 [sflag:s6], $0x80  }
0x3f: {  	[sflag:s6] =	ssyncset.done @!p0 $0x0  }
0x40: {  	s24 =	simm.s32 @!p0 $0x4E80;
	[sflag:s6] =	ssyncadd.s32 @!p0 $0xFFFFFF80  }
0x41: {  	[tilespmem:s24], [sflag:$0x4] =	stream.linear.gather @!p0 [hbm4b:s9+s0], $0x80, $0x38;
	[tilespmem:$0x1AF00] =	vst v63  }
0x42: {  	_ =	swait.ge @!p0 [sflag:s6], $0x80  }
0x43: {  	[sflag:s6] =	ssyncset.done @!p0 $0x0  }
0x44: {  	[sflag:s6] =	ssyncadd.s32 @!p0 $0xFFFFFF80  }
0x45: {  	s6 =	simm.s32 $0x0;
	[bflag:$0x0] =	sbarrier.arrive $0xFFFF  }
0x46: {  	[tilespmem:s16], [sflag:$0x1] =	stream.indirect.gather [hbm4b:s4+s19], $0x40, s6, s19, $0xb8;
	[tilespmem:$0x1AF00] =	vst v63  }
0x47: {  	_ = 	snop  }
0x48: {  	[tilespmem:s20], [sflag:$0x1] =	stream.indirect.gather [hbm4b:s4+s19], $0x40, s19, s19, $0xb8;
	[tilespmem:$0x1AF00] =	vst v63  }
0x49: {  	s24 =	simm.s32 $0x100  }
0x4a: {  	[tilespmem:s22], [sflag:$0x1] =	stream.indirect.gather [hbm4b:s4+s19], $0x40, s24, s19, $0xb8;
	[tilespmem:$0x1AF00] =	vst v63  }
0x4b: {  	_ =	swait.ge [sflag:s23], $0x2000  }
0x4c: {  	[sflag:s23] =	ssyncset.done $0x0  }
0x4d: {  	[sflag:s23] =	ssyncadd.s32 $0xFFFFE000  }
0x4e: {  	_ =	swait.ge [sflag:s23], $0x2000  }
0x4f: {  	[sflag:s23] =	ssyncset.done $0x0  }
0x50: {  	[sflag:s23] =	ssyncadd.s32 $0xFFFFE000  }
0x51: {  	_ =	swait.ge [sflag:s23], $0x2000  }
0x52: {  	[sflag:s23] =	ssyncset.done $0x0  }
0x53: {  	[sflag:s23] =	ssyncadd.s32 $0xFFFFE000  }
0x54: {  	[spmem:s1] =	stream.indirect.scatter.add.f32 [tilespmem:s16], [sflag:$0x2], $0x40, s18, s19, $0xb8;
	[tilespmem:$0x1AF00] =	vst v63  }
0x55: {  	s28 =	simm.s32 $0x2800  }
0x56: {  	[spmem:s1] =	stream.indirect.scatter.add.f32 [tilespmem:s20], [sflag:$0x2], $0x40, s28, s19, $0xb8;
	[tilespmem:$0x1AF00] =	vst v63  }
0x57: {  	s6 =	simm.s32 $0x2880  }
0x58: {  	[spmem:s1] =	stream.indirect.scatter.add.f32 [tilespmem:s22], [sflag:$0x2], $0x40, s6, s19, $0xb8;
	[tilespmem:$0x1AF00] =	vst v63  }
0x59: {  	s24 =	simm.s32 $0x180  }
0x5a: {  	[tilespmem:s29], [sflag:$0x1] =	stream.indirect.gather [hbm4b:s4+s19], $0x40, s24, s19, $0xb8;
	[tilespmem:$0x1AF00] =	vst v63  }
0x5b: {  	s28 =	simm.s32 $0x200  }
0x5c: {  	[tilespmem:s31], [sflag:$0x1] =	stream.indirect.gather [hbm4b:s4+s19], $0x40, s28, s19, $0xb8;
	[tilespmem:$0x1AF00] =	vst v63  }
0x5d: {  	s6 =	simm.s32 $0x280  }
0x5e: {  	[tilespmem:s21], [sflag:$0x1] =	stream.indirect.gather [hbm4b:s4+s19], $0x40, s6, s19, $0xb8;
	[tilespmem:$0x1AF00] =	vst v63  }
0x5f: {  	_ =	swait.ge [sflag:s23], $0x2000  }
0x60: {  	[sflag:s23] =	ssyncset.done $0x0  }
0x61: {  	[sflag:s23] =	ssyncadd.s32 $0xFFFFE000  }
0x62: {  	_ =	swait.ge [sflag:s23], $0x2000  }
0x63: {  	[sflag:s23] =	ssyncset.done $0x0  }
0x64: {  	[sflag:s23] =	ssyncadd.s32 $0xFFFFE000  }
0x65: {  	_ =	swait.ge [sflag:s23], $0x2000  }
0x66: {  	[sflag:s23] =	ssyncset.done $0x0  }
0x67: {  	s24 =	simm.s32 $0x2900;
	[sflag:s23] =	ssyncadd.s32 $0xFFFFE000  }
0x68: {  	[spmem:s1] =	stream.indirect.scatter.add.f32 [tilespmem:s29], [sflag:$0x3], $0x40, s24, s19, $0xb8;
	[tilespmem:$0x1AF00] =	vst v63  }
0x69: {  	s28 =	simm.s32 $0x2980  }
0x6a: {  	[spmem:s1] =	stream.indirect.scatter.add.f32 [tilespmem:s31], [sflag:$0x3], $0x40, s28, s19, $0xb8;
	[tilespmem:$0x1AF00] =	vst v63  }
0x6b: {  	s6 =	simm.s32 $0x2A00  }
0x6c: {  	[spmem:s1] =	stream.indirect.scatter.add.f32 [tilespmem:s21], [sflag:$0x3], $0x40, s6, s19, $0xb8;
	[tilespmem:$0x1AF00] =	vst v63  }
0x6d: {  	_ =	swait.ge [sflag:s2], $0x2000  }
0x6e: {  	[sflag:s2] =	ssyncset.done $0x0  }
0x6f: {  	[sflag:s2] =	ssyncadd.s32 $0xFFFFE000  }
0x70: {  	_ =	swait.ge [sflag:s2], $0x2000  }
0x71: {  	[sflag:s2] =	ssyncset.done $0x0  }
0x72: {  	[sflag:s2] =	ssyncadd.s32 $0xFFFFE000  }
0x73: {  	_ =	swait.ge [sflag:s2], $0x2000  }
0x74: {  	[sflag:s2] =	ssyncset.done $0x0  }
0x75: {  	s24 =	simm.s32 $0x300;
	[sflag:s2] =	ssyncadd.s32 $0xFFFFE000  }
0x76: {  	[tilespmem:s16], [sflag:$0x1] =	stream.indirect.gather [hbm4b:s4+s19], $0x40, s24, s19, $0xb8;
	[tilespmem:$0x1AF00] =	vst v63  }
0x77: {  	s28 =	simm.s32 $0x380  }
0x78: {  	[tilespmem:s20], [sflag:$0x1] =	stream.indirect.gather [hbm4b:s4+s19], $0x40, s28, s19, $0xb8;
	[tilespmem:$0x1AF00] =	vst v63  }
0x79: {  	s6 =	simm.s32 $0x400  }
0x7a: {  	[tilespmem:s22], [sflag:$0x1] =	stream.indirect.gather [hbm4b:s4+s19], $0x40, s6, s19, $0xb8;
	[tilespmem:$0x1AF00] =	vst v63  }
0x7b: {  	_ =	swait.ge [sflag:s23], $0x2000  }
0x7c: {  	[sflag:s23] =	ssyncset.done $0x0  }
0x7d: {  	[sflag:s23] =	ssyncadd.s32 $0xFFFFE000  }
0x7e: {  	_ =	swait.ge [sflag:s23], $0x2000  }
0x7f: {  	[sflag:s23] =	ssyncset.done $0x0  }
0x80: {  	[sflag:s23] =	ssyncadd.s32 $0xFFFFE000  }
0x81: {  	_ =	swait.ge [sflag:s23], $0x2000  }
0x82: {  	[sflag:s23] =	ssyncset.done $0x0  }
0x83: {  	s24 =	simm.s32 $0x2A80;
	[sflag:s23] =	ssyncadd.s32 $0xFFFFE000  }
0x84: {  	[spmem:s1] =	stream.indirect.scatter.add.f32 [tilespmem:s16], [sflag:$0x2], $0x40, s24, s19, $0xb8;
	[tilespmem:$0x1AF00] =	vst v63  }
0x85: {  	s28 =	simm.s32 $0x2B00  }
0x86: {  	[spmem:s1] =	stream.indirect.scatter.add.f32 [tilespmem:s20], [sflag:$0x2], $0x40, s28, s19, $0xb8;
	[tilespmem:$0x1AF00] =	vst v63  }
0x87: {  	s6 =	simm.s32 $0x2B80  }
0x88: {  	[spmem:s1] =	stream.indirect.scatter.add.f32 [tilespmem:s22], [sflag:$0x2], $0x40, s6, s19, $0xb8;
	[tilespmem:$0x1AF00] =	vst v63  }
0x89: {  	_ =	swait.ge [sflag:s26], $0x2000  }
0x8a: {  	[sflag:s26] =	ssyncset.done $0x0  }
0x8b: {  	[sflag:s26] =	ssyncadd.s32 $0xFFFFE000  }
0x8c: {  	_ =	swait.ge [sflag:s26], $0x2000  }
0x8d: {  	[sflag:s26] =	ssyncset.done $0x0  }
0x8e: {  	[sflag:s26] =	ssyncadd.s32 $0xFFFFE000  }
0x8f: {  	_ =	swait.ge [sflag:s26], $0x2000  }
0x90: {  	[sflag:s26] =	ssyncset.done $0x0  }
0x91: {  	s24 =	simm.s32 $0x480;
	[sflag:s26] =	ssyncadd.s32 $0xFFFFE000  }
0x92: {  	[tilespmem:s29], [sflag:$0x1] =	stream.indirect.gather [hbm4b:s4+s19], $0x40, s24, s19, $0xb8;
	[tilespmem:$0x1AF00] =	vst v63  }
0x93: {  	s28 =	simm.s32 $0x500  }
0x94: {  	[tilespmem:s31], [sflag:$0x1] =	stream.indirect.gather [hbm4b:s4+s19], $0x40, s28, s19, $0xb8;
	[tilespmem:$0x1AF00] =	vst v63  }
0x95: {  	s6 =	simm.s32 $0x580  }
0x96: {  	[tilespmem:s21], [sflag:$0x1] =	stream.indirect.gather [hbm4b:s4+s19], $0x40, s6, s19, $0xb8;
	[tilespmem:$0x1AF00] =	vst v63  }
0x97: {  	_ =	swait.ge [sflag:s23], $0x2000  }
0x98: {  	[sflag:s23] =	ssyncset.done $0x0  }
0x99: {  	[sflag:s23] =	ssyncadd.s32 $0xFFFFE000  }
0x9a: {  	_ =	swait.ge [sflag:s23], $0x2000  }
0x9b: {  	[sflag:s23] =	ssyncset.done $0x0  }
0x9c: {  	[sflag:s23] =	ssyncadd.s32 $0xFFFFE000  }
0x9d: {  	_ =	swait.ge [sflag:s23], $0x2000  }
0x9e: {  	[sflag:s23] =	ssyncset.done $0x0  }
0x9f: {  	s24 =	simm.s32 $0x2C00;
	[sflag:s23] =	ssyncadd.s32 $0xFFFFE000  }
0xa0: {  	[spmem:s1] =	stream.indirect.scatter.add.f32 [tilespmem:s29], [sflag:$0x3], $0x40, s24, s19, $0xb8;
	[tilespmem:$0x1AF00] =	vst v63  }
0xa1: {  	s28 =	simm.s32 $0x2C80  }
0xa2: {  	[spmem:s1] =	stream.indirect.scatter.add.f32 [tilespmem:s31], [sflag:$0x3], $0x40, s28, s19, $0xb8;
	[tilespmem:$0x1AF00] =	vst v63  }
0xa3: {  	s6 =	simm.s32 $0x2D00  }
0xa4: {  	[spmem:s1] =	stream.indirect.scatter.add.f32 [tilespmem:s21], [sflag:$0x3], $0x40, s6, s19, $0xb8;
	[tilespmem:$0x1AF00] =	vst v63  }
0xa5: {  	_ =	swait.ge [sflag:s2], $0x2000  }
0xa6: {  	[sflag:s2] =	ssyncset.done $0x0  }
0xa7: {  	[sflag:s2] =	ssyncadd.s32 $0xFFFFE000  }
0xa8: {  	_ =	swait.ge [sflag:s2], $0x2000  }
0xa9: {  	[sflag:s2] =	ssyncset.done $0x0  }
0xaa: {  	[sflag:s2] =	ssyncadd.s32 $0xFFFFE000  }
0xab: {  	_ =	swait.ge [sflag:s2], $0x2000  }
0xac: {  	[sflag:s2] =	ssyncset.done $0x0  }
0xad: {  	s24 =	simm.s32 $0x600;
	[sflag:s2] =	ssyncadd.s32 $0xFFFFE000  }
0xae: {  	[tilespmem:s16], [sflag:$0x1] =	stream.indirect.gather [hbm4b:s4+s19], $0x40, s24, s19, $0xb8;
	[tilespmem:$0x1AF00] =	vst v63  }
0xaf: {  	s0 =	simm.s32 $0xC00;
	s28 =	simm.s32 $0x680;
	s24 =	simm.s32 $0x700  }
0xb0: {  	[tilespmem:s20], [sflag:$0x1] =	stream.indirect.gather [hbm4b:s4+s19], $0x40, s28, s19, $0xb8;
	[tilespmem:$0x1AF00] =	vst v63  }
.LBB2_4:
0xb1: {  	[tilespmem:s22], [sflag:$0x1] =	stream.indirect.gather [hbm4b:s4+s19], $0x40, s24, s19, $0xb8;
	[tilespmem:$0x1AF00] =	vst v63  }
0xb2: {  	s6 =	smov.u32 s0  }
0xb3: {  	p1 =	sne.s32 s0, $0x7800;
	s0 =	sadd.s32 $0xC00, s0;
	_ =	swait.ge [sflag:s23], $0x2000  }
0xb4: {  	[sflag:s23] =	ssyncset.done $0x0  }
0xb5: {  	[sflag:s23] =	ssyncadd.s32 $0xFFFFE000  }
0xb6: {  	_ =	swait.ge [sflag:s23], $0x2000  }
0xb7: {  	[sflag:s23] =	ssyncset.done $0x0  }
0xb8: {  	[sflag:s23] =	ssyncadd.s32 $0xFFFFE000  }
0xb9: {  	_ =	swait.ge [sflag:s23], $0x2000  }
0xba: {  	s24 =	sshra.s32 s6, $0x2;
	[sflag:s23] =	ssyncset.done $0x0  }
0xbb: {  	s6 =	sadd.s32 $0x2A80, s24;
	[sflag:s23] =	ssyncadd.s32 $0xFFFFE000  }
0xbc: {  	[spmem:s1] =	stream.indirect.scatter.add.f32 [tilespmem:s16], [sflag:$0x2], $0x40, s6, s19, $0xb8;
	[tilespmem:$0x1AF00] =	vst v63  }
0xbd: {  	s6 =	sadd.s32 $0x2B00, s24  }
0xbe: {  	[spmem:s1] =	stream.indirect.scatter.add.f32 [tilespmem:s20], [sflag:$0x2], $0x40, s6, s19, $0xb8;
	[tilespmem:$0x1AF00] =	vst v63  }
0xbf: {  	s6 =	sadd.s32 $0x2B80, s24  }
0xc0: {  	[spmem:s1] =	stream.indirect.scatter.add.f32 [tilespmem:s22], [sflag:$0x2], $0x40, s6, s19, $0xb8;
	[tilespmem:$0x1AF00] =	vst v63  }
0xc1: {  	_ =	swait.ge [sflag:s26], $0x2000  }
0xc2: {  	[sflag:s26] =	ssyncset.done $0x0  }
0xc3: {  	[sflag:s26] =	ssyncadd.s32 $0xFFFFE000  }
0xc4: {  	_ =	swait.ge [sflag:s26], $0x2000  }
0xc5: {  	[sflag:s26] =	ssyncset.done $0x0  }
0xc6: {  	[sflag:s26] =	ssyncadd.s32 $0xFFFFE000  }
0xc7: {  	_ =	swait.ge [sflag:s26], $0x2000  }
0xc8: {  	[sflag:s26] =	ssyncset.done $0x0  }
0xc9: {  	s6 =	sadd.s32 $0x480, s24;
	[sflag:s26] =	ssyncadd.s32 $0xFFFFE000  }
0xca: {  	[tilespmem:s29], [sflag:$0x1] =	stream.indirect.gather [hbm4b:s4+s19], $0x40, s6, s19, $0xb8;
	[tilespmem:$0x1AF00] =	vst v63  }
0xcb: {  	s6 =	sadd.s32 $0x500, s24  }
0xcc: {  	[tilespmem:s31], [sflag:$0x1] =	stream.indirect.gather [hbm4b:s4+s19], $0x40, s6, s19, $0xb8;
	[tilespmem:$0x1AF00] =	vst v63  }
0xcd: {  	s6 =	sadd.s32 $0x580, s24  }
0xce: {  	[tilespmem:s21], [sflag:$0x1] =	stream.indirect.gather [hbm4b:s4+s19], $0x40, s6, s19, $0xb8;
	[tilespmem:$0x1AF00] =	vst v63  }
0xcf: {  	_ =	swait.ge [sflag:s23], $0x2000  }
0xd0: {  	[sflag:s23] =	ssyncset.done $0x0  }
0xd1: {  	[sflag:s23] =	ssyncadd.s32 $0xFFFFE000  }
0xd2: {  	_ =	swait.ge [sflag:s23], $0x2000  }
0xd3: {  	[sflag:s23] =	ssyncset.done $0x0  }
0xd4: {  	[sflag:s23] =	ssyncadd.s32 $0xFFFFE000  }
0xd5: {  	_ =	swait.ge [sflag:s23], $0x2000  }
0xd6: {  	[sflag:s23] =	ssyncset.done $0x0  }
0xd7: {  	s6 =	sadd.s32 $0x2C00, s24;
	[sflag:s23] =	ssyncadd.s32 $0xFFFFE000  }
0xd8: {  	[spmem:s1] =	stream.indirect.scatter.add.f32 [tilespmem:s29], [sflag:$0x3], $0x40, s6, s19, $0xb8;
	[tilespmem:$0x1AF00] =	vst v63  }
0xd9: {  	s6 =	sadd.s32 $0x2C80, s24  }
0xda: {  	[spmem:s1] =	stream.indirect.scatter.add.f32 [tilespmem:s31], [sflag:$0x3], $0x40, s6, s19, $0xb8;
	[tilespmem:$0x1AF00] =	vst v63  }
0xdb: {  	s6 =	sadd.s32 $0x2D00, s24  }
0xdc: {  	[spmem:s1] =	stream.indirect.scatter.add.f32 [tilespmem:s21], [sflag:$0x3], $0x40, s6, s19, $0xb8;
	[tilespmem:$0x1AF00] =	vst v63  }
0xdd: {  	_ =	swait.ge [sflag:s2], $0x2000  }
0xde: {  	[sflag:s2] =	ssyncset.done $0x0  }
0xdf: {  	[sflag:s2] =	ssyncadd.s32 $0xFFFFE000  }
0xe0: {  	_ =	swait.ge [sflag:s2], $0x2000  }
0xe1: {  	[sflag:s2] =	ssyncset.done $0x0  }
0xe2: {  	[sflag:s2] =	ssyncadd.s32 $0xFFFFE000  }
0xe3: {  	_ =	swait.ge [sflag:s2], $0x2000  }
0xe4: {  	[sflag:s2] =	ssyncset.done $0x0  }
.Ltmp1:
0xe5: {  	s6 =	sadd.s32 $0x600, s24;
	[sflag:s2] =	ssyncadd.s32 $0xFFFFE000;
	(pc) =	sbr.rel @p1 .LBB2_4-.Ltmp1, $4  }
0xe6: {  	[tilespmem:s16], [sflag:$0x1] =	stream.indirect.gather [hbm4b:s4+s19], $0x40, s6, s19, $0xb8;
	[tilespmem:$0x1AF00] =	vst v63  }
0xe7: {  	s6 =	sadd.s32 $0x680, s24  }
0xe8: {  	[tilespmem:s20], [sflag:$0x1] =	stream.indirect.gather [hbm4b:s4+s19], $0x40, s6, s19, $0xb8;
	[tilespmem:$0x1AF00] =	vst v63  }
0xe9: {  	s24 =	sadd.s32 $0x700, s24  }
0xea: {  	[tilespmem:s22], [sflag:$0x1] =	stream.indirect.gather [hbm4b:s4+s19], $0x40, s24, s19, $0xb8;
	[tilespmem:$0x1AF00] =	vst v63  }
0xeb: {  	_ =	swait.ge [sflag:s23], $0x2000  }
0xec: {  	[sflag:s23] =	ssyncset.done $0x0  }
0xed: {  	[sflag:s23] =	ssyncadd.s32 $0xFFFFE000  }
0xee: {  	_ =	swait.ge [sflag:s23], $0x2000  }
0xef: {  	[sflag:s23] =	ssyncset.done $0x0  }
0xf0: {  	[sflag:s23] =	ssyncadd.s32 $0xFFFFE000  }
0xf1: {  	_ =	swait.ge [sflag:s23], $0x2000  }
0xf2: {  	[sflag:s23] =	ssyncset.done $0x0  }
0xf3: {  	s0 =	simm.s32 $0x4B80;
	[sflag:s23] =	ssyncadd.s32 $0xFFFFE000  }
0xf4: {  	[spmem:s1] =	stream.indirect.scatter.add.f32 [tilespmem:s16], [sflag:$0x2], $0x40, s0, s19, $0xb8;
	[tilespmem:$0x1AF00] =	vst v63  }
0xf5: {  	s6 =	simm.s32 $0x4C00  }
0xf6: {  	[spmem:s1] =	stream.indirect.scatter.add.f32 [tilespmem:s20], [sflag:$0x2], $0x40, s6, s19, $0xb8;
	[tilespmem:$0x1AF00] =	vst v63  }
0xf7: {  	s24 =	simm.s32 $0x4C80  }
0xf8: {  	[spmem:s1] =	stream.indirect.scatter.add.f32 [tilespmem:s22], [sflag:$0x2], $0x40, s24, s19, $0xb8;
	[tilespmem:$0x1AF00] =	vst v63  }
0xf9: {  	_ =	swait.ge [sflag:s26], $0x2000  }
0xfa: {  	[sflag:s26] =	ssyncset.done $0x0  }
0xfb: {  	[sflag:s26] =	ssyncadd.s32 $0xFFFFE000  }
0xfc: {  	_ =	swait.ge [sflag:s26], $0x2000  }
0xfd: {  	[sflag:s26] =	ssyncset.done $0x0  }
0xfe: {  	[sflag:s26] =	ssyncadd.s32 $0xFFFFE000  }
0xff: {  	_ =	swait.ge [sflag:s26], $0x2000  }
0x100: {  	[sflag:s26] =	ssyncset.done $0x0  }
0x101: {  	s28 =	simm.s32 $0x2580;
	[sflag:s26] =	ssyncadd.s32 $0xFFFFE000  }
0x102: {  	[tilespmem:s29], [sflag:$0x1] =	stream.indirect.gather [hbm4b:s4+s19], $0x40, s28, s19, $0xb8;
	[tilespmem:$0x1AF00] =	vst v63  }
0x103: {  	s6 =	simm.s32 $0x2600  }
0x104: {  	[tilespmem:s31], [sflag:$0x1] =	stream.indirect.gather [hbm4b:s4+s19], $0x40, s6, s19, $0xb8;
	[tilespmem:$0x1AF00] =	vst v63  }
0x105: {  	s24 =	simm.s32 $0x2680  }
0x106: {  	[tilespmem:s21], [sflag:$0x1] =	stream.indirect.gather [hbm4b:s4+s19], $0x40, s24, s19, $0xb8;
	[tilespmem:$0x1AF00] =	vst v63  }
0x107: {  	_ =	swait.ge [sflag:s23], $0x2000  }
0x108: {  	[sflag:s23] =	ssyncset.done $0x0  }
0x109: {  	[sflag:s23] =	ssyncadd.s32 $0xFFFFE000  }
0x10a: {  	_ =	swait.ge [sflag:s23], $0x2000  }
0x10b: {  	[sflag:s23] =	ssyncset.done $0x0  }
0x10c: {  	[sflag:s23] =	ssyncadd.s32 $0xFFFFE000  }
0x10d: {  	_ =	swait.ge [sflag:s23], $0x2000  }
0x10e: {  	[sflag:s23] =	ssyncset.done $0x0  }
0x10f: {  	s28 =	simm.s32 $0x4D00;
	[sflag:s23] =	ssyncadd.s32 $0xFFFFE000  }
0x110: {  	[spmem:s1] =	stream.indirect.scatter.add.f32 [tilespmem:s29], [sflag:$0x3], $0x40, s28, s19, $0xb8;
	[tilespmem:$0x1AF00] =	vst v63  }
0x111: {  	s6 =	simm.s32 $0x4D80  }
0x112: {  	[spmem:s1] =	stream.indirect.scatter.add.f32 [tilespmem:s31], [sflag:$0x3], $0x40, s6, s19, $0xb8;
	[tilespmem:$0x1AF00] =	vst v63  }
0x113: {  	s24 =	simm.s32 $0x4E00  }
0x114: {  	[spmem:s1] =	stream.indirect.scatter.add.f32 [tilespmem:s21], [sflag:$0x3], $0x40, s24, s19, $0xb8;
	[tilespmem:$0x1AF00] =	vst v63  }
0x115: {  	_ =	swait.ge [sflag:s2], $0x2000  }
0x116: {  	[sflag:s2] =	ssyncset.done $0x0  }
0x117: {  	[sflag:s2] =	ssyncadd.s32 $0xFFFFE000  }
0x118: {  	_ =	swait.ge [sflag:s2], $0x2000  }
0x119: {  	[sflag:s2] =	ssyncset.done $0x0  }
0x11a: {  	[sflag:s2] =	ssyncadd.s32 $0xFFFFE000  }
0x11b: {  	_ =	swait.ge [sflag:s2], $0x2000  }
0x11c: {  	s0 =	simm.s32 @!p0 $0x80;
	[sflag:s2] =	ssyncset.done $0x0  }
0x11d: {  	s6 =	simm.s32 @!p0 $0x2700;
	s24 =	simm.s32 @!p0 $0x4F00;
	[sflag:s2] =	ssyncadd.s32 $0xFFFFE000  }
0x11e: {  	[tilespmem:s24], [sflag:$0x1] =	stream.indirect.gather @!p0 [hbm4b:s4+s0], $0x40, s6, s0, $0xb8;
	[tilespmem:$0x1AF00] =	vst v63  }
0x11f: {  	s6 =	simm.s32 @!p0 $0x1  }
0x120: {  	_ =	swait.ge @!p0 [sflag:s6], $0x2000  }
0x121: {  	[sflag:s6] =	ssyncset.done @!p0 $0x0  }
0x122: {  	[sflag:s6] =	ssyncadd.s32 @!p0 $0xFFFFE000;
	s6 =	simm.s32 @!p0 $0x4E80  }
0x123: {  	[spmem:s1] =	stream.indirect.scatter.add.f32 @!p0 [tilespmem:s24], [sflag:$0x4], $0x40, s6, s0, $0xb8;
	[tilespmem:$0x1AF00] =	vst v63  }
0x124: {  	s0 =	simm.s32 @!p0 $0x4  }
0x125: {  	_ =	swait.ge @!p0 [sflag:s0], $0x2000  }
0x126: {  	[sflag:s0] =	ssyncset.done @!p0 $0x0  }
0x127: {  	[sflag:s0] =	ssyncadd.s32 @!p0 $0xFFFFE000  }
0x128: {  	_ =	swait.ge [sflag:s26], $0x2000  }
0x129: {  	[sflag:s26] =	ssyncset.done $0x0  }
0x12a: {  	[sflag:s26] =	ssyncadd.s32 $0xFFFFE000  }
0x12b: {  	_ =	swait.ge [sflag:s26], $0x2000  }
0x12c: {  	[sflag:s26] =	ssyncset.done $0x0  }
0x12d: {  	[sflag:s26] =	ssyncadd.s32 $0xFFFFE000  }
0x12e: {  	_ =	swait.ge [sflag:s26], $0x2000  }
0x12f: {  	s30 =	sadd.s32 $0x1, s30;
	s28 =	stileid.u32;
	[sflag:s26] =	ssyncset.done $0x0  }
0x130: {  	p1 =	sne.s32 s30, s11;
	s0 =	sshll.u32 s28, $0x6;
	[sflag:s26] =	ssyncadd.s32 $0xFFFFE000  }
.Ltmp2:
0x131: {  	s0 =	sor.u32 $0x1C04, s0;
	[bflag:$0x0] =	sbarrier.arrive $0xFFFF;
	(pc) =	sbr.rel @p1 .LBB2_1-.Ltmp2, $4  }
0x132: {  	[hbm:s10], [sflag:s0] =	dma.local [spmem:s25], $0x1400  }
0x133: {  	_ =	swait.ge [sflag:s17], $0x1400  }
0x134: {  	[sflag:s17] =	ssyncset.done $0x0  }
0x135: {  	[sflag:s17] =	ssyncadd.s32 $0xFFFFEC00  }
0x136: {  	_ =	sfence.sel $0x180000  }
0x137: {  	[bflag:$0x0] =	sbarrier.arrive $0xFFFF  }
0x138: {  	_ =	strace $0x9000004D  }
0x139: {  	s0 =	stileid.u32;
	[bflag:$0x2] =	sbarrier.arrive $0xFFFF  }
0x13a: {  	p0 =	sne.s32 s0, $0x0;
	s0 =	rddreg [dreg:$0x2]  }
0x13b: {  	s0 =	sadd.s32 @!p0 $0x100000, s0  }
0x13c: {  	[sflag:s0] =	ssyncadd.tile.s32 @!p0 $0x1;
	_ =	shalt  }
.Lfunc_end2:
_tile_overlayer_lowered:
.L_overlay_start_2:
0x13d: {  	(tag) =	ssettag $0x2  }
0x13e: {  	s0 =	rddreg [dreg:$0x0];
	s2 =	stileid.u32  }
0x13f: {  	s1 =	rddreg [dreg:$0x1];
	p0 =	sne.s32 s2, $0x0  }
0x140: {  	s3 =	rddreg [dreg:$0x2];
	[bflag:$0x3] =	sbarrier.arrive $0xFFFF;
	s2 =	simm.s32 @!p0 $0x1C04  }
0x141: {  	[timem:s3], [sflag:s2] =	dma.local @!p0 [hbm:s0], s1  }
0x142: {  	s0 =	simm.s32 @!p0 $0x4  }
0x143: {  	_ =	swait.ge @!p0 [sflag:s0], s1  }
0x144: {  	s1 =	ssub.s32 @!p0 $0x0, s1;
	[sflag:s0] =	ssyncset.done @!p0 $0x0  }
0x145: {  	[sflag:s0] =	ssyncadd.s32 @!p0 s1  }
0x146: {  	[bflag:$0x3] =	sbarrier.arrive $0xFFFF  }
0x147: {  	_ =	shalt  }

// kernel: kernel.8.cloned.1.call-start
scs
__scs_entry_jumppad:
0x0: {  	(pc) =	sbr.rel $0x88, $3  }
0x1: {  	(tag) =	ssettag $0x0;
	lr =	simm.s32 $0x1  }
0x2: {  	[smem:$0x3F96] =	sst lr;
	_ =	strace $0xD0000000  }
0x3: {  	_ = 	snop  }
0x4: {  	_ = 	snop  }
0x5: {  	_ = 	snop  }
0x6: {  	_ = 	snop  }
0x7: {  	_ = 	snop  }
__scs_overlays_trampoline_lowered:
0x8: {  	[smem:$0x3FA5] =	sst s0  }
0x9: {  	[smem:$0x3FA6] =	sst s1  }
0xa: {  	[smem:$0x3FA7] =	sst s2  }
0xb: {  	[smem:$0x3FA8] =	sst s3  }
0xc: {  	[smem:$0x3FA9] =	sst s4  }
0xd: {  	[smem:$0x3FAA] =	sst s5  }
0xe: {  	[smem:$0x3FAB] =	sst s6  }
0xf: {  	[smem:$0x3FAC] =	sst s7  }
0x10: {  	[smem:$0x3FAD] =	sst s8  }
0x11: {  	[smem:$0x3FAE] =	sst s9;
	s0 =	simm.s32 @!p0 $0x0  }
0x12: {  	s1 =	sld [smem:$0x3F94];
	s0 =	simm.s32 @p0 $0x1  }
0x13: {  	[smem:$0x3FAF] =	sst s0;
	s0 =	simm.s32 @!p1 $0x0  }
0x14: {  	s2 =	sld [smem:$0x3F93];
	s0 =	simm.s32 @p1 $0x1  }
0x15: {  	[smem:$0x3FB0] =	sst s0;
	s0 =	simm.s32 @!p2 $0x0  }
0x16: {  	s3 =	sld [smem:$0x3FDB];
	s0 =	simm.s32 @p2 $0x1  }
0x17: {  	s4 =	simm.s32 $0x1BF5;
	[smem:$0x3FB2] =	sst s0  }
0x18: {  	s0 =	sld [smem:$0x3F95];
	_ =	swait.ge [sflag:s4], $0x0  }
0x19: {  	s7 =	sld [smem:$0x3F96]  }
0x1a: {  	s8 =	sadd.s32 $0xFFFFE003, lr  }
0x1b: {  	s9 =	sadd.s32 $0xFFFFFEF7, lr;
	s5 =	simm.s32 $0xFFFFFFFF;
	p2 =	slt.u32 s8, $0xFFFFF086  }
0x1c: {  	p1 =	slt.u32 s9, $0xF7A;
	s5 =	simm.s32 @!p2 $0x0  }
0x1d: {  	s5 =	simm.s32 @p1 $0x1;
	p0 =	seq.s32 s7, s2  }
0x1e: {  	s7 =	smul.u32 @!p0 $0xF7A, s2;
	p2 =	seq.s32 @!p0 s5, $0x0  }
0x1f: {  	s9 =	smul.u32 $0xF7A, s1;
	s8 =	simm.s32 @!p0 $0x1BF5;
	p2 =	por !p2, p0  }
0x20: {  	[sflag:s8] =	ssyncset.s32 @!p0 $0xFFFFF086;
	s6 =	sadd.s32 @!p0 s3, s7;
	s7 =	simm.s32 @!p0 $0x108  }
0x21: {  	s3 =	sadd.s32 s3, s9;
	s6 =	sadd.s32 @!p0 $0x88, s6;
	s7 =	simm.s32 @p2 $0x1082  }
0x22: {  	[simem:s7], [sflag:s8] =	dma.local @!p0 [hbm:s6], $0xF7A  }
0x23: {  	s9 =	sor.u32 $0xD0000000, s2;
	s6 =	simm.s32 $0x108;
	_ =	swait.ge @!p0 [sflag:s8], $0x0  }
0x24: {  	s3 =	sadd.s32 $0x88, s3;
	s6 =	simm.s32 @!p1 $0x1082;
	[sflag:s4] =	ssyncset.s32 $0xFFFFF086  }
0x25: {  	[simem:s6], [sflag:s4] =	dma.local [hbm:s3], $0xF7A  }
0x26: {  	[smem:$0x3F96] =	sst s1;
	(tag) =	ssettag s2;
	_ =	strace s9  }
0x27: {  	s1 =	sld [smem:$0x3FA6]  }
0x28: {  	s2 =	sld [smem:$0x3FA7]  }
0x29: {  	s4 =	sld [smem:$0x3FA9]  }
0x2a: {  	p0 =	seq.s32 s5, $0x0;
	s5 =	sld [smem:$0x3FAA]  }
0x2b: {  	s6 =	sld [smem:$0x3FAB]  }
0x2c: {  	s7 =	sld [smem:$0x3FAC]  }
0x2d: {  	s3 =	simm.s32 $0x108;
	s8 =	sld [smem:$0x3FAD]  }
0x2e: {  	s3 =	simm.s32 @!p0 $0x1082;
	s9 =	sld [smem:$0x3FAE]  }
0x2f: {  	lr =	sadd.s32 s0, s3;
	s0 =	sld [smem:$0x3FA5]  }
0x30: {  	s3 =	sld [smem:$0x3FA8]  }
0x31: {  	[smem:$0x3FB1] =	sst s10  }
0x32: {  	s10 =	sld [smem:$0x3FAF];
	_ =	sdelay $0x3  }
0x33: {  	p0 =	seq.s32 s10, $0x1;
	s10 =	sld [smem:$0x3FB1];
	_ =	sdelay $0x3  }
0x34: {  	[smem:$0x3FB1] =	sst s10  }
0x35: {  	s10 =	sld [smem:$0x3FB0];
	_ =	sdelay $0x3  }
0x36: {  	p1 =	seq.s32 s10, $0x1;
	s10 =	sld [smem:$0x3FB1];
	_ =	sdelay $0x3  }
0x37: {  	[smem:$0x3FB1] =	sst s10  }
0x38: {  	s10 =	sld [smem:$0x3FB2]  }
0x39: {  	_ = 	snop;
	(pc) =	sbr.ind lr, $3  }
0x3a: {  	_ = 	snop  }
0x3b: {  	_ = 	snop  }
0x3c: {  	p2 =	seq.s32 s10, $0x1;
	s10 =	sld [smem:$0x3FB1]  }
0x3d: {  	_ =	shalt  }
0x3e: {  	_ =	shalt  }
0x3f: {  	_ =	shalt  }
0x40: {  	_ =	shalt  }
0x41: {  	_ =	shalt  }
0x42: {  	_ =	shalt  }
0x43: {  	_ =	shalt  }
0x44: {  	_ =	shalt  }
0x45: {  	_ =	shalt  }
0x46: {  	_ =	shalt  }
0x47: {  	_ =	shalt  }
0x48: {  	_ =	shalt  }
0x49: {  	_ =	shalt  }
0x4a: {  	_ =	shalt  }
0x4b: {  	_ =	shalt  }
0x4c: {  	_ =	shalt  }
0x4d: {  	_ =	shalt  }
0x4e: {  	_ =	shalt  }
0x4f: {  	_ =	shalt  }
0x50: {  	_ =	shalt  }
0x51: {  	_ =	shalt  }
0x52: {  	_ =	shalt  }
0x53: {  	_ =	shalt  }
0x54: {  	_ =	shalt  }
0x55: {  	_ =	shalt  }
0x56: {  	_ =	shalt  }
0x57: {  	_ =	shalt  }
0x58: {  	_ =	shalt  }
0x59: {  	_ =	shalt  }
0x5a: {  	_ =	shalt  }
0x5b: {  	_ =	shalt  }
0x5c: {  	_ =	shalt  }
0x5d: {  	_ =	shalt  }
0x5e: {  	_ =	shalt  }
0x5f: {  	_ =	shalt  }
0x60: {  	_ =	shalt  }
0x61: {  	_ =	shalt  }
0x62: {  	_ =	shalt  }
0x63: {  	_ =	shalt  }
0x64: {  	_ =	shalt  }
0x65: {  	_ =	shalt  }
0x66: {  	_ =	shalt  }
0x67: {  	_ =	shalt  }
0x68: {  	_ =	shalt  }
0x69: {  	_ =	shalt  }
0x6a: {  	_ =	shalt  }
0x6b: {  	_ =	shalt  }
0x6c: {  	_ =	shalt  }
0x6d: {  	_ =	shalt  }
0x6e: {  	_ =	shalt  }
0x6f: {  	_ =	shalt  }
0x70: {  	_ =	shalt  }
0x71: {  	_ =	shalt  }
0x72: {  	_ =	shalt  }
0x73: {  	_ =	shalt  }
0x74: {  	_ =	shalt  }
0x75: {  	_ =	shalt  }
0x76: {  	_ =	shalt  }
0x77: {  	_ =	shalt  }
0x78: {  	_ =	shalt  }
0x79: {  	_ =	shalt  }
0x7a: {  	_ =	shalt  }
0x7b: {  	_ =	shalt  }
0x7c: {  	_ =	shalt  }
0x7d: {  	_ =	shalt  }
0x7e: {  	_ =	shalt  }
0x7f: {  	_ =	shalt  }
0x80: {  	_ =	shalt  }
0x81: {  	_ =	shalt  }
0x82: {  	_ =	shalt  }
0x83: {  	_ =	shalt  }
0x84: {  	_ =	shalt  }
0x85: {  	_ =	shalt  }
0x86: {  	_ =	shalt  }
0x87: {  	_ =	shalt  }
.Lfunc_end0:
.L_simem_size_0:
called_computation_lowered:
.L_overlay_start_0:
0x88: {  	s2 =	sld [smem:$0x3FD9]  }
0x89: {  	s3 =	sld [smem:$0x3FFE];
	_ =	sdelay $0x1  }
0x8a: {  	s1 =	srdreg.scid  }
0x8b: {  	s0 =	sand.u32 $0x1, s1  }
0x8c: {  	s16 =	sshll.u32 s0, $0xA;
	s2 =	sadd.s32 s3, s2  }
0x8d: {  	s2 =	sadd.s32 s2, s16  }
0x8e: {  	[smem:$0x3FBD] =	sst s2  }
0x8f: {  	_ = 	snop  }
0x90: {  	(tm) =	ssettm $0x1  }
0x91: {  	s17 =	sld [smem:$0x3FFB];
	_ =	sdelay $0x3  }
0x92: {  	_ =	strace s17  }
0x93: {  	s2 =	sld [smem:$0x3FFC];
	_ =	sdelay $0x3  }
0x94: {  	_ =	strace s2  }
0x95: {  	s2 =	sld [smem:$0x3FFD];
	_ =	sdelay $0x3  }
0x96: {  	_ =	strace s2  }
0x97: {  	_ =	strace $0x8FFFFFFF  }
0x98: {  	s18 =	sld [smem:$0x3FDB];
	_ =	sdelay $0x1  }
0x99: {  	s19 =	simm.s32 $_scs_section_size  }
0x9a: {  	s4 =	simm.s32 $_size__tile_overlayer_lowered;
	s5 =	simm.s32 $_tile_overlayer_lowered  }
0x9b: {  	s22 =	simm.s32 $0x1BFF;
	s21 =	sshll.u32 s5, $0x1;
	s2 =	sadd.s32 s19, s18  }
0x9c: {  	s6 =	simm.s32 $0x0;
	s20 =	sshll.u32 s4, $0x1;
	s4 =	sadd.s32 s21, s2  }
0x9d: {  	[timem:s6], [sflag:s22] =	dma.local [hbm:s4], s20  }
0x9e: {  	_ =	swait.ge [sflag:s22], s20  }
0x9f: {  	s3 =	ssub.s32 $0x0, s20;
	[sflag:s22] =	ssyncset.done $0x0  }
0xa0: {  	[sflag:s22] =	ssyncadd.s32 s3;
	_ =	sdelay $0x1  }
0xa1: {  	s23 =	simm.s32 $0x1B8B  }
0xa2: {  	_ =	swait.ge [sflag:s23], $0x1  }
0xa3: {  	[sflag:s23] =	ssyncset.done $0x0  }
0xa4: {  	s25 =	simm.s32 $0x1B8E;
	s24 =	sld [smem:$0x3FFE];
	[sflag:s23] =	ssyncadd.s32 $0xFFFFFFFF  }
0xa5: {  	s26 =	simm.s32 $execute0_lowered;
	[smem:$0x3FD2] =	sst s25  }
0xa6: {  	s4 =	sshll.u32 s26, $0x1;
	_ =	strace $0x80000046;
	[dreg:$0x1] =	wrdreg $0xFFFFFFFF  }
0xa7: {  	s28 =	simm.s32 $_size_execute0_lowered;
	s2 =	sadd.s32 s2, s4;
	[dreg:$0x0] =	wrdreg $0x0  }
0xa8: {  	s4 =	sshll.u32 s28, $0x1;
	[dreg:$0x2] =	wrdreg s2  }
0xa9: {  	[dreg:$0x3] =	wrdreg s4  }
0xaa: {  	[dreg:$0x4] =	wrdreg $0xC0  }
0xab: {  	_ =	task [dreg:s6], $0x5FFFF  }
0xac: {  	[dreg:$0x1] =	wrdreg $0xFFFFFFFF  }
0xad: {  	[dreg:$0x0] =	wrdreg $0x60  }
0xae: {  	[dreg:$0x2] =	wrdreg s24  }
0xaf: {  	[dreg:$0x3] =	wrdreg $0x2A800  }
0xb0: {  	[dreg:$0x4] =	wrdreg $0x9  }
0xb1: {  	_ =	task.clear_ibuf [dreg:s6], $0x5FFFF;
	_ =	strace $0x90000046  }
0xb2: {  	s29 =	simm.s32 $0x9;
	_ =	strace $0x80000048  }
0xb3: {  	_ =	swait.ge [sflag:s29], $0x1  }
0xb4: {  	[sflag:s29] =	ssyncadd.s32 $0xFFFFFFFF  }
0xb5: {  	_ =	strace $0x90000048  }
0xb6: {  	_ =	sfence  }
0xb7: {  	s30 =	sld [smem:$0x0];
	_ =	sdelay $0x2  }
0xb8: {  	s31 =	sshll.u32 s1, $0xD;
	s1 =	sshrl.u32 s1, $0x2  }
0xb9: {  	s3 =	sand.u32 $0x4000, s31;
	s1 =	sadd.s32 s1, s30  }
0xba: {  	s0 =	sor.u32 s3, s0;
	s1 =	sshll.u32 s1, $0x11  }
0xbb: {  	s0 =	sor.u32 s1, s0  }
0xbc: {  	s0 =	sadd.s32 $0x8F2B, s0  }
0xbd: {  	[sflag:s0] =	ssyncadd.remote.s32 $0x1  }
0xbe: {  	_ =	sfence.sel $0xFFFF  }
0xbf: {  	[dreg:$0x0] =	wrdreg $0xFFFFFFFF;
	(pc) =	sbr.abs _section_cstart, $3  }
0xc0: {  	[dreg:$0x1] =	wrdreg $0xFFFFFFFF  }
0xc1: {  	_ =	task.clear_ibuf [dreg:s6], $0x2FFFF;
	_ =	strace $0x9FFFFFFF  }
0xc2: {  	(tm) =	ssettm $0x7FFFFFFF  }
0xc3: {  	_ =	shalt  }
tec
execute0_lowered:
.L_overlay_start_1:
0x0: {  	(tag) =	ssettag $0x1  }
0x1: {  	s0 =	srdreg.scid;
	s5 =	rddreg [dreg:$0x0]  }
0x2: {  	s2 =	rddreg [dreg:$0x1];
	s3 =	simm.s32 $0x0;
	s11 =	simm.s32 $0x80  }
0x3: {  	s12 =	simm.s32 $0x2780;
	s4 =	sand.u32 $0x1, s0;
	s0 =	stileid.u32  }
0x4: {  	s15 =	simm.s32 $0x0;
	[smem:$0x7FF] =	sst s3;
	s7 =	smul.u32 $0x280, s0  }
0x5: {  	s1 =	sshll.u32 s4, $0x4;
	s8 =	smul.u32 $0x2800, s4;
	s4 =	ssub.s32 $0x2, s4  }
0x6: {  	s13 =	sshll.u32 s0, $0x6;
	s9 =	sor.u32 s0, s1;
	s1 =	rddreg [dreg:$0x2]  }
0x7: {  	_ =	strace $0x80000047;
	s30 =	sshrl.u32 s4, $0x1;
	s6 =	smul.u32 $0x4E, s9  }
0x8: {  	s13 =	sor.u32 $0x1C01, s13;
	s10 =	smin.u32 s9, $0x4;
	s8 =	sadd.s32 s7, s8  }
0x9: {  	s31 =	ssub.s32 s4, s30;
	p0 =	sgt.u32 s9, $0x3;
	s6 =	sadd.s32 s10, s6  }
0xa: {  	s9 =	simm.s32 $0x1;
	s8 =	sshrl.u32 s8, $0x3;
	s6 =	sshll.u32 s6, $0x4  }
0xb: {  	s8 =	sadd.s32 s8, s5;
	s10 =	simm.s32 $0x2800;
	s6 =	sadd.s32 s6, s5  }
0xc: {  	s4 =	sadd.s32 $0xC800, s6;
	s5 =	sadd.s32 $0xCCE0, s6;
	s6 =	sadd.s32 s7, s2  }
0xd: {  	v0 =	vimm.f32 $0.0e+00;
	v1 =	vimm.f32 $1.000000000e+00;
	s7 =	sadd.s32 $0x16600, s8;
	s8 =	smax.u32 s31, $0x1;
	s14 =	sshrl.u32 s6, $0x3  }
.LBB2_1:
0xe: {  	[tilespmem:$0x2800] =	vst v0  }
0xf: {  	[tilespmem:$0x2810] =	vst v0  }
0x10: {  	[tilespmem:$0x2820] =	vst v0  }
0x11: {  	[tilespmem:$0x2830] =	vst v0  }
0x12: {  	[tilespmem:$0x2840] =	vst v0  }
0x13: {  	[tilespmem:$0x2850] =	vst v0  }
0x14: {  	[tilespmem:$0x2860] =	vst v0  }
0x15: {  	[tilespmem:$0x2870] =	vst v0  }
0x16: {  	[tilespmem:$0x2880] =	vst v0  }
0x17: {  	[tilespmem:$0x2890] =	vst v0  }
0x18: {  	[tilespmem:$0x28A0] =	vst v0  }
0x19: {  	[tilespmem:$0x28B0] =	vst v0  }
0x1a: {  	[tilespmem:$0x28C0] =	vst v0  }
0x1b: {  	[tilespmem:$0x28D0] =	vst v0  }
0x1c: {  	[tilespmem:$0x28E0] =	vst v0  }
0x1d: {  	[tilespmem:$0x28F0] =	vst v0  }
0x1e: {  	[tilespmem:$0x2900] =	vst v0  }
0x1f: {  	[tilespmem:$0x2910] =	vst v0  }
0x20: {  	[tilespmem:$0x2920] =	vst v0  }
0x21: {  	[tilespmem:$0x2930] =	vst v0  }
0x22: {  	[tilespmem:$0x2940] =	vst v0  }
0x23: {  	[tilespmem:$0x2950] =	vst v0  }
0x24: {  	[tilespmem:$0x2960] =	vst v0  }
0x25: {  	[tilespmem:$0x2970] =	vst v0  }
0x26: {  	[tilespmem:$0x2980] =	vst v0  }
0x27: {  	[tilespmem:$0x2990] =	vst v0  }
0x28: {  	[tilespmem:$0x29A0] =	vst v0  }
0x29: {  	[tilespmem:$0x29B0] =	vst v0  }
0x2a: {  	[tilespmem:$0x29C0] =	vst v0  }
0x2b: {  	[tilespmem:$0x29D0] =	vst v0  }
0x2c: {  	[tilespmem:$0x29E0] =	vst v0  }
0x2d: {  	[tilespmem:$0x29F0] =	vst v0  }
0x2e: {  	[tilespmem:$0x2A00] =	vst v0  }
0x2f: {  	[tilespmem:$0x2A10] =	vst v0  }
0x30: {  	[tilespmem:$0x2A20] =	vst v0  }
0x31: {  	[tilespmem:$0x2A30] =	vst v0  }
0x32: {  	[tilespmem:$0x2A40] =	vst v0  }
0x33: {  	[tilespmem:$0x2A50] =	vst v0  }
0x34: {  	[tilespmem:$0x2A60] =	vst v0  }
0x35: {  	[tilespmem:$0x2A70] =	vst v0  }
0x36: {  	[tilespmem:$0x2780] =	vst v1  }
0x37: {  	[tilespmem:$0x2790] =	vst v1  }
0x38: {  	[tilespmem:$0x27A0] =	vst v1  }
0x39: {  	[tilespmem:$0x27B0] =	vst v1  }
0x3a: {  	[tilespmem:$0x27C0] =	vst v1  }
0x3b: {  	[tilespmem:$0x27D0] =	vst v1  }
0x3c: {  	[tilespmem:$0x27E0] =	vst v1  }
0x3d: {  	[tilespmem:$0x27F0] =	vst v1  }
0x3e: {  	[tilespmem:s3], [sflag:$0x1] =	stream.linear.gather [hbm4b:s4+s3], $0x2700, $0x38;
	[tilespmem:$0x2D00] =	vst v63  }
0x3f: {  	_ =	swait.ge [sflag:s9], $0x2700  }
0x40: {  	[sflag:s9] =	ssyncset.done $0x0  }
0x41: {  	s16 =	simm.s32 @!p0 $0x0;
	s17 =	simm.s32 @!p0 $0x2700;
	[sflag:s9] =	ssyncadd.s32 $0xFFFFD900  }
0x42: {  	[tilespmem:s17], [sflag:$0x1] =	stream.linear.gather @!p0 [hbm4b:s5+s16], $0x80, $0x38;
	[tilespmem:$0x2D00] =	vst v63  }
0x43: {  	s16 =	simm.s32 @!p0 $0x1  }
0x44: {  	_ =	swait.ge @!p0 [sflag:s16], $0x80  }
0x45: {  	[sflag:s16] =	ssyncset.done @!p0 $0x0  }
0x46: {  	[sflag:s16] =	ssyncadd.s32 @!p0 $0xFFFFFF80;
	s16 =	simm.s32 @!p0 $0x4F  }
0x47: {  	[spmem:s6] =	stream.linear.scatter [tilespmem:s10], [sflag:$0x1], $0x280, $0x38;
	[tilespmem:$0x2D00] =	vst v63  }
0x48: {  	s16 =	simm.s32 @p0 $0x4E;
	_ =	swait.ge [sflag:s9], $0x280  }
0x49: {  	p1 =	sne.s32 s16, $0x1;
	[sflag:s9] =	ssyncset.done $0x0  }
.Ltmp0:
0x4a: {  	[sflag:s9] =	ssyncadd.s32 $0xFFFFFD80;
	(pc) =	sbr.rel @!p1 .LBB2_3-.Ltmp0, $4  }
0x4b: {  	[bflag:$0x0] =	sbarrier.arrive $0xFFFF  }
0x4c: {  	[spmem:s2] =	stream.indirect.scatter.add.f32 [tilespmem:s12], [sflag:$0x1], $0x1, s3, s11, $0xb8;
	[tilespmem:$0x2D00] =	vst v63  }
0x4d: {  	_ =	swait.ge [sflag:s9], $0x80  }
0x4e: {  	s17 =	simm.s32 $0x0;
	s16 =	sadd.s32 $0xFFFFFFFF, s16;
	[sflag:s9] =	ssyncset.done $0x0  }
.LBB2_2:
0x4f: {  	p1 =	sne.s32 s16, $0x1;
	[sflag:s9] =	ssyncadd.s32 $0xFFFFFF80;
	s17 =	sadd.s32 $0x80, s17  }
.Ltmp1:
0x50: {  	s16 =	sadd.s32 $0xFFFFFFFF, s16;
	(pc) =	sbr.rel @p1 .LBB2_2-.Ltmp1, $4  }
0x51: {  	_ = 	snop  }
0x52: {  	[spmem:s2] =	stream.indirect.scatter.add.f32 [tilespmem:s12], [sflag:$0x1], $0x1, s17, s11, $0xb8;
	[tilespmem:$0x2D00] =	vst v63  }
0x53: {  	_ =	swait.ge [sflag:s9], $0x80  }
0x54: {  	[sflag:s9] =	ssyncset.done $0x0  }
.LBB2_3:
0x55: {  	s15 =	sadd.s32 $0x1, s15  }
0x56: {  	[sflag:s9] =	ssyncadd.s32 $0xFFFFFF80;
	p1 =	sne.s32 s15, s8  }
.Ltmp2:
0x57: {  	[bflag:$0x0] =	sbarrier.arrive $0xFFFF;
	(pc) =	sbr.rel @p1 .LBB2_1-.Ltmp2, $4  }
0x58: {  	[hbm:s7], [sflag:s13] =	dma.local [spmem:s14], $0x50  }
0x59: {  	_ =	swait.ge [sflag:s9], $0x50  }
0x5a: {  	[sflag:s9] =	ssyncset.done $0x0  }
0x5b: {  	[sflag:s9] =	ssyncadd.s32 $0xFFFFFFB0  }
0x5c: {  	_ =	sfence.sel $0x180000  }
0x5d: {  	[bflag:$0x0] =	sbarrier.arrive $0xFFFF  }
0x5e: {  	p0 =	sne.s32 s0, $0x0;
	_ =	strace $0x90000047  }
0x5f: {  	s0 =	sadd.s32 @!p0 $0x100000, s1;
	[bflag:$0x2] =	sbarrier.arrive $0xFFFF  }
0x60: {  	[sflag:s0] =	ssyncadd.tile.s32 @!p0 $0x1;
	_ =	shalt  }
.Lfunc_end2:
_tile_overlayer_lowered:
.L_overlay_start_2:
0x61: {  	(tag) =	ssettag $0x2  }
0x62: {  	s0 =	rddreg [dreg:$0x0];
	s2 =	stileid.u32  }
0x63: {  	s1 =	rddreg [dreg:$0x1];
	p0 =	sne.s32 s2, $0x0  }
0x64: {  	s3 =	rddreg [dreg:$0x2];
	[bflag:$0x3] =	sbarrier.arrive $0xFFFF;
	s2 =	simm.s32 @!p0 $0x1C01  }
0x65: {  	[timem:s3], [sflag:s2] =	dma.local @!p0 [hbm:s0], s1  }
0x66: {  	s0 =	simm.s32 @!p0 $0x1  }
0x67: {  	_ =	swait.ge @!p0 [sflag:s0], s1  }
0x68: {  	s1 =	ssub.s32 @!p0 $0x0, s1;
	[sflag:s0] =	ssyncset.done @!p0 $0x0  }
0x69: {  	[sflag:s0] =	ssyncadd.s32 @!p0 s1  }
0x6a: {  	[bflag:$0x3] =	sbarrier.arrive $0xFFFF  }
0x6b: {  	_ =	shalt  }

</sc_bundles>
